<compile_context>
chip_gen: v7x
topology: tpu7x:2x2x1
jax: 0.10.2.dev20260603
libtpu: 0.0.44.dev20260713+nightly
codegen_flags: <defaults>
</compile_context>

<pallas_src>
import functools

import jax
import jax.numpy as jnp
from jax import lax
from jax.experimental import pallas as pl
from jax.experimental.pallas import tpu as pltpu
from jax.experimental.pallas import tpu_sc as plsc

B, N = 256, 128
D_INV, D_EDGE = 128, 16
N_ATOM, N_BOND, N_CHARGE, N_EXTRA = 100, 5, 13, 16

NC, NS = 2, 16
NW = NC * NS
J = 16
GROUPS = B * N // (NW * J)
MOL_PER_W = B // NW
GPM = N // J
NBUF = 2
PAIRS = GROUPS // NBUF
L = 16
NV = N // L
_GDN = lax.GatherDimensionNumbers(
    offset_dims=(), collapsed_slice_dims=(0,), start_index_map=(0,))


def _edge_body(adj_hbm, tabt_hbm, out_hbm, tab_v, idx_v, rows_v,
               si0, si1, ss0, ss1):
    sid = lax.axis_index("s")
    wid = sid * NC + lax.axis_index("c")
    sem_i = (si0, si1)
    sem_s = (ss0, ss1)

    pltpu.sync_copy(tabt_hbm, tab_v)
    tabs = [tab_v[k] for k in range(D_EDGE)]

    def adj_sl(g):
        return adj_hbm.at[MOL_PER_W * wid + g // GPM, pl.ds((g % GPM) * J, J)]

    def out_sl(g):
        return out_hbm.at[MOL_PER_W * wid + g // GPM, pl.ds((g % GPM) * J, J)]

    for s in range(NBUF):
        pltpu.async_copy(adj_sl(s), idx_v.at[s], sem_i[s])

    def pair(p, carry):
        for s in range(NBUF):
            g = p * NBUF + s
            pltpu.make_async_copy(adj_sl(g), idx_v.at[s], sem_i[s]).wait()

            @pl.when(p > 0)
            def _drain():
                pltpu.make_async_copy(rows_v.at[s], out_sl(g - NBUF),
                                      sem_s[s]).wait()

            def row_work(i, c):
                for v in range(NV):
                    a = idx_v[s, i, pl.ds(L * v, L)]
                    ai = a[:, None]
                    for k in range(D_EDGE):
                        vals = lax.gather(
                            tabs[k], ai, _GDN, slice_sizes=(1,),
                            mode=lax.GatherScatterMode.PROMISE_IN_BOUNDS)
                        rows_v[s, i, k, pl.ds(L * v, L)] = vals
                return c

            lax.fori_loop(0, J, row_work, 0)
            pltpu.async_copy(rows_v.at[s], out_sl(g), sem_s[s])

            @pl.when(p < PAIRS - 1)
            def _prefetch():
                pltpu.async_copy(adj_sl(g + NBUF), idx_v.at[s], sem_i[s])

        return carry

    lax.fori_loop(0, PAIRS, pair, 0)
    for s in range(NBUF):
        g_last = PAIRS * NBUF - NBUF + s
        pltpu.make_async_copy(rows_v.at[s], out_sl(g_last), sem_s[s]).wait()


@functools.cache
def _edge_gather():
    return pl.kernel(
        _edge_body,
        out_type=jax.ShapeDtypeStruct((B, N, D_EDGE, N), jnp.float32),
        mesh=plsc.VectorSubcoreMesh(core_axis_name="c", subcore_axis_name="s"),
        scratch_types=[
            pltpu.VMEM((D_EDGE, L), jnp.float32),
            pltpu.VMEM((NBUF, J, N), jnp.int32),
            pltpu.VMEM((NBUF, J, D_EDGE, N), jnp.float32),
            pltpu.SemaphoreType.DMA,
            pltpu.SemaphoreType.DMA,
            pltpu.SemaphoreType.DMA,
            pltpu.SemaphoreType.DMA,
        ],
        compiler_params=pltpu.CompilerParams(use_tc_tiling_on_sc=False),
    )


MB = 8
R = MB * N


def _inv_body(types_ref, charges_ref, extra_ref, ttab_ref, ctab_ref,
              w1_ref, w2_ref, b_ref, out_ref):
    tcol = types_ref[...].reshape(R, 1)
    ccol = charges_ref[...].reshape(R, 1)
    oh_t = (tcol == lax.broadcasted_iota(jnp.int32, (R, 128), 1)).astype(jnp.float32)
    oh_c = (ccol == lax.broadcasted_iota(jnp.int32, (R, 16), 1)).astype(jnp.float32)
    inv = (jnp.dot(oh_t, ttab_ref[...], preferred_element_type=jnp.float32)
           + jnp.dot(oh_c, ctab_ref[...], preferred_element_type=jnp.float32))
    extra = extra_ref[...].reshape(R, N_EXTRA)
    out = (jnp.dot(inv, w1_ref[...], preferred_element_type=jnp.float32)
           + jnp.dot(extra, w2_ref[...], preferred_element_type=jnp.float32)
           + b_ref[...])
    out_ref[...] = out.reshape(MB, N, D_INV)


def _x_inv(types3, charges3, extra, ttab_pad, ctab_pad, w1, w2, b2d):
    return pl.pallas_call(
        _inv_body,
        grid=(B // MB,),
        in_specs=[
            pl.BlockSpec((MB, N, 1), lambda i: (i, 0, 0)),
            pl.BlockSpec((MB, N, 1), lambda i: (i, 0, 0)),
            pl.BlockSpec((MB, N, N_EXTRA), lambda i: (i, 0, 0)),
            pl.BlockSpec((128, D_INV), lambda i: (0, 0)),
            pl.BlockSpec((16, D_INV), lambda i: (0, 0)),
            pl.BlockSpec((D_INV, D_INV), lambda i: (0, 0)),
            pl.BlockSpec((N_EXTRA, D_INV), lambda i: (0, 0)),
            pl.BlockSpec((1, D_INV), lambda i: (0, 0)),
        ],
        out_specs=pl.BlockSpec((MB, N, D_INV), lambda i: (i, 0, 0)),
        out_shape=jax.ShapeDtypeStruct((B, N, D_INV), jnp.float32),
    )(types3, charges3, extra, ttab_pad, ctab_pad, w1, w2, b2d)


def kernel(atom_types, atom_charges, adjacency, mask, extra_feats,
           atom_type_table, charge_table, bond_table, W, b):
    del mask
    tabt = jnp.zeros((D_EDGE, L), jnp.float32).at[:, :N_BOND].set(bond_table.T)
    x_edge_t = _edge_gather()(adjacency, tabt)
    x_edge = jnp.swapaxes(x_edge_t, 2, 3)

    ttab_pad = jnp.zeros((128, D_INV), jnp.float32).at[:N_ATOM].set(atom_type_table)
    ctab_pad = jnp.zeros((16, D_INV), jnp.float32).at[:N_CHARGE].set(charge_table)
    x_inv = _x_inv(atom_types[:, :, None], atom_charges[:, :, None], extra_feats,
                   ttab_pad, ctab_pad, W[:D_INV], W[D_INV:], b.reshape(1, D_INV))
    return (x_inv, x_edge)

# --- scband reference (transcript-rebuilt; emitter-appended) ---
"""Pipeline reference for scband-invariant-embedding-11931419148545 (READ-ONLY COPY).

The authoritative reference and input builder live on the scoring server;
editing this copy changes nothing except your own understanding.
"""

import jax, jax.numpy as jnp
import numpy as np

B, N = 256, 128
D_INV, D_EDGE = 128, 16
N_ATOM, N_BOND, N_CHARGE, N_EXTRA = 100, 5, 13, 16


def setup_inputs(seed: int = 0) -> dict:
    key = jax.random.key(seed)
    ks = jax.random.split(key, 8)
    atom_types = jax.random.randint(ks[0], (B, N), 0, N_ATOM)
    atom_charges = jax.random.randint(ks[1], (B, N), 0, N_CHARGE)
    adjacency = jax.random.randint(ks[2], (B, N, N), 0, N_BOND)
    mask = jnp.ones((B, N), dtype=bool)
    extra_feats = jax.random.normal(ks[3], (B, N, N_EXTRA), dtype=jnp.float32)
    atom_type_table = jax.random.normal(ks[4], (N_ATOM, D_INV), dtype=jnp.float32) * 0.02
    charge_table = jax.random.normal(ks[5], (N_CHARGE, D_INV), dtype=jnp.float32) * 0.02
    bond_table = jax.random.normal(ks[6], (N_BOND, D_EDGE), dtype=jnp.float32) * 0.02
    W = jax.random.normal(ks[7], (D_INV + N_EXTRA, D_INV), dtype=jnp.float32) * (1.0 / np.sqrt(D_INV + N_EXTRA))
    b = jnp.zeros((D_INV,), dtype=jnp.float32)
    return {
        "atom_types": atom_types,
        "atom_charges": atom_charges,
        "adjacency": adjacency,
        "mask": mask,
        "extra_feats": extra_feats,
        "atom_type_table": atom_type_table,
        "charge_table": charge_table,
        "bond_table": bond_table,
        "W": W,
        "b": b,
    }


def reference(atom_types, atom_charges, adjacency, mask, extra_feats,
              atom_type_table, charge_table, bond_table, W, b):
    # inv = atom_type_emb(atom_types) + atom_charge_emb(atom_charges)
    inv = jnp.take(atom_type_table, atom_types, axis=0) + jnp.take(charge_table, atom_charges, axis=0)
    # extra feats are concatenated then projected back to d_inv
    inv = jnp.concatenate([inv, extra_feats], axis=-1)
    x_inv = inv @ W + b
    # x_edge = bond_emb(adjacency)  -- dense NxN bond-type gather
    x_edge = jnp.take(bond_table, adjacency, axis=0)
    return (x_inv, x_edge)

if __name__ == "__main__":
    import jax
    _d = setup_inputs()
    print(jax.jit(kernel)(*tuple(_d.values())))

</pallas_src>

<mosaic_0001>
#map = affine_map<(d0, d1) -> (0, 0, 0)>
#map1 = affine_map<(d0, d1) -> (0, 0)>
#map2 = affine_map<(d0, d1) -> (0, 0, 0, 0)>
module attributes {stable_mosaic.version = 14 : i64} {
  func.func @_edge_body(%arg0: i32, %arg1: i32, %arg2: memref<256x128x128xi32, #tpu.memory_space<hbm>>, %arg3: memref<16x16xf32, #tpu.memory_space<hbm>>, %arg4: memref<256x128x16x128xf32, #tpu.memory_space<hbm>>, %arg5: memref<16x16xf32, #tpu.memory_space<vmem>>, %arg6: memref<2x16x128xi32, #tpu.memory_space<vmem>>, %arg7: memref<2x16x16x128xf32, #tpu.memory_space<vmem>>, %arg8: memref<!tpu.dma_semaphore, #tpu.memory_space<semaphore_mem>>, %arg9: memref<!tpu.dma_semaphore, #tpu.memory_space<semaphore_mem>>, %arg10: memref<!tpu.dma_semaphore, #tpu.memory_space<semaphore_mem>>, %arg11: memref<!tpu.dma_semaphore, #tpu.memory_space<semaphore_mem>>) attributes {dimension_semantics = [#tpu.dimension_semantics<core_parallel>, #tpu.dimension_semantics<subcore_parallel>], iteration_bounds = array<i64: 2, 16>, scalar_prefetch = 0 : i64, scratch_operands = 7 : i64, tpu.core_type = #tpu.core_type<sc_vector_subcore>, window_params = [{transform_indices = #map}, {transform_indices = #map1}, {transform_indices = #map2}]} {
    %mul3A = arith.constant 2 : i32
    %mul3A_0 = arith.muli %arg1, %mul3A : i32
    %add3A = arith.addi %mul3A_0, %arg0 : i32
    "tpu.region"() ({
      %run_scoped3A = tpu.sem_alloc : memref<!tpu.dma_semaphore, #tpu.memory_space<semaphore_mem>>
      tpu.enqueue_dma source(%arg3 : memref<16x16xf32, #tpu.memory_space<hbm>>) target(%arg5 : memref<16x16xf32, #tpu.memory_space<vmem>>) target_semaphore(%run_scoped3A : memref<!tpu.dma_semaphore, #tpu.memory_space<semaphore_mem>>)
      tpu.wait_dma2 semaphore(%run_scoped3A : memref<!tpu.dma_semaphore, #tpu.memory_space<semaphore_mem>>) src(%arg3 : memref<16x16xf32, #tpu.memory_space<hbm>>) dst(%arg5 : memref<16x16xf32, #tpu.memory_space<vmem>>)
      tpu.yield
    }) : () -> ()
    %get3A = arith.constant 0 : i32
    %get3A_1 = arith.index_cast %get3A : i32 to index
    %get3A_2 = arith.constant 0 : index
    %get3A_3 = tpu.vector_load %arg5[%get3A_1, %get3A_2] {strides = array<i32>} : memref<16x16xf32, #tpu.memory_space<vmem>>, vector<1x16xf32>,
    %get3A_4 = vector.shape_cast %get3A_3 : vector<1x16xf32> to vector<16xf32>
    %get3A_5 = arith.constant 1 : i32
    %get3A_6 = arith.index_cast %get3A_5 : i32 to index
    %get3A_7 = arith.constant 0 : index
    %get3A_8 = tpu.vector_load %arg5[%get3A_6, %get3A_7] {strides = array<i32>} : memref<16x16xf32, #tpu.memory_space<vmem>>, vector<1x16xf32>,
    %get3A_9 = vector.shape_cast %get3A_8 : vector<1x16xf32> to vector<16xf32>
    %get3A_10 = arith.constant 2 : i32
    %get3A_11 = arith.index_cast %get3A_10 : i32 to index
    %get3A_12 = arith.constant 0 : index
    %get3A_13 = tpu.vector_load %arg5[%get3A_11, %get3A_12] {strides = array<i32>} : memref<16x16xf32, #tpu.memory_space<vmem>>, vector<1x16xf32>,
    %get3A_14 = vector.shape_cast %get3A_13 : vector<1x16xf32> to vector<16xf32>
    %get3A_15 = arith.constant 3 : i32
    %get3A_16 = arith.index_cast %get3A_15 : i32 to index
    %get3A_17 = arith.constant 0 : index
    %get3A_18 = tpu.vector_load %arg5[%get3A_16, %get3A_17] {strides = array<i32>} : memref<16x16xf32, #tpu.memory_space<vmem>>, vector<1x16xf32>,
    %get3A_19 = vector.shape_cast %get3A_18 : vector<1x16xf32> to vector<16xf32>
    %get3A_20 = arith.constant 4 : i32
    %get3A_21 = arith.index_cast %get3A_20 : i32 to index
    %get3A_22 = arith.constant 0 : index
    %get3A_23 = tpu.vector_load %arg5[%get3A_21, %get3A_22] {strides = array<i32>} : memref<16x16xf32, #tpu.memory_space<vmem>>, vector<1x16xf32>,
    %get3A_24 = vector.shape_cast %get3A_23 : vector<1x16xf32> to vector<16xf32>
    %get3A_25 = arith.constant 5 : i32
    %get3A_26 = arith.index_cast %get3A_25 : i32 to index
    %get3A_27 = arith.constant 0 : index
    %get3A_28 = tpu.vector_load %arg5[%get3A_26, %get3A_27] {strides = array<i32>} : memref<16x16xf32, #tpu.memory_space<vmem>>, vector<1x16xf32>,
    %get3A_29 = vector.shape_cast %get3A_28 : vector<1x16xf32> to vector<16xf32>
    %get3A_30 = arith.constant 6 : i32
    %get3A_31 = arith.index_cast %get3A_30 : i32 to index
    %get3A_32 = arith.constant 0 : index
    %get3A_33 = tpu.vector_load %arg5[%get3A_31, %get3A_32] {strides = array<i32>} : memref<16x16xf32, #tpu.memory_space<vmem>>, vector<1x16xf32>,
    %get3A_34 = vector.shape_cast %get3A_33 : vector<1x16xf32> to vector<16xf32>
    %get3A_35 = arith.constant 7 : i32
    %get3A_36 = arith.index_cast %get3A_35 : i32 to index
    %get3A_37 = arith.constant 0 : index
    %get3A_38 = tpu.vector_load %arg5[%get3A_36, %get3A_37] {strides = array<i32>} : memref<16x16xf32, #tpu.memory_space<vmem>>, vector<1x16xf32>,
    %get3A_39 = vector.shape_cast %get3A_38 : vector<1x16xf32> to vector<16xf32>
    %get3A_40 = arith.constant 8 : i32
    %get3A_41 = arith.index_cast %get3A_40 : i32 to index
    %get3A_42 = arith.constant 0 : index
    %get3A_43 = tpu.vector_load %arg5[%get3A_41, %get3A_42] {strides = array<i32>} : memref<16x16xf32, #tpu.memory_space<vmem>>, vector<1x16xf32>,
    %get3A_44 = vector.shape_cast %get3A_43 : vector<1x16xf32> to vector<16xf32>
    %get3A_45 = arith.constant 9 : i32
    %get3A_46 = arith.index_cast %get3A_45 : i32 to index
    %get3A_47 = arith.constant 0 : index
    %get3A_48 = tpu.vector_load %arg5[%get3A_46, %get3A_47] {strides = array<i32>} : memref<16x16xf32, #tpu.memory_space<vmem>>, vector<1x16xf32>,
    %get3A_49 = vector.shape_cast %get3A_48 : vector<1x16xf32> to vector<16xf32>
    %get3A_50 = arith.constant 10 : i32
    %get3A_51 = arith.index_cast %get3A_50 : i32 to index
    %get3A_52 = arith.constant 0 : index
    %get3A_53 = tpu.vector_load %arg5[%get3A_51, %get3A_52] {strides = array<i32>} : memref<16x16xf32, #tpu.memory_space<vmem>>, vector<1x16xf32>,
    %get3A_54 = vector.shape_cast %get3A_53 : vector<1x16xf32> to vector<16xf32>
    %get3A_55 = arith.constant 11 : i32
    %get3A_56 = arith.index_cast %get3A_55 : i32 to index
    %get3A_57 = arith.constant 0 : index
    %get3A_58 = tpu.vector_load %arg5[%get3A_56, %get3A_57] {strides = array<i32>} : memref<16x16xf32, #tpu.memory_space<vmem>>, vector<1x16xf32>,
    %get3A_59 = vector.shape_cast %get3A_58 : vector<1x16xf32> to vector<16xf32>
    %get3A_60 = arith.constant 12 : i32
    %get3A_61 = arith.index_cast %get3A_60 : i32 to index
    %get3A_62 = arith.constant 0 : index
    %get3A_63 = tpu.vector_load %arg5[%get3A_61, %get3A_62] {strides = array<i32>} : memref<16x16xf32, #tpu.memory_space<vmem>>, vector<1x16xf32>,
    %get3A_64 = vector.shape_cast %get3A_63 : vector<1x16xf32> to vector<16xf32>
    %get3A_65 = arith.constant 13 : i32
    %get3A_66 = arith.index_cast %get3A_65 : i32 to index
    %get3A_67 = arith.constant 0 : index
    %get3A_68 = tpu.vector_load %arg5[%get3A_66, %get3A_67] {strides = array<i32>} : memref<16x16xf32, #tpu.memory_space<vmem>>, vector<1x16xf32>,
    %get3A_69 = vector.shape_cast %get3A_68 : vector<1x16xf32> to vector<16xf32>
    %get3A_70 = arith.constant 14 : i32
    %get3A_71 = arith.index_cast %get3A_70 : i32 to index
    %get3A_72 = arith.constant 0 : index
    %get3A_73 = tpu.vector_load %arg5[%get3A_71, %get3A_72] {strides = array<i32>} : memref<16x16xf32, #tpu.memory_space<vmem>>, vector<1x16xf32>,
    %get3A_74 = vector.shape_cast %get3A_73 : vector<1x16xf32> to vector<16xf32>
    %get3A_75 = arith.constant 15 : i32
    %get3A_76 = arith.index_cast %get3A_75 : i32 to index
    %get3A_77 = arith.constant 0 : index
    %get3A_78 = tpu.vector_load %arg5[%get3A_76, %get3A_77] {strides = array<i32>} : memref<16x16xf32, #tpu.memory_space<vmem>>, vector<1x16xf32>,
    %get3A_79 = vector.shape_cast %get3A_78 : vector<1x16xf32> to vector<16xf32>
    %mul3A_80 = arith.constant 8 : i32
    %mul3A_81 = arith.muli %mul3A_80, %add3A : i32
    %add3A_82 = arith.constant 0 : i32
    %add3A_83 = arith.addi %mul3A_81, %add3A_82 : i32
    %dma_start3A = arith.constant 0 : i32
    %dma_start3A_84 = arith.constant 0 : i32
    %dma_start3A_85 = arith.constant 0 : i32
    %dma_start3A_86 = tpu.memref_slice %arg6[%dma_start3A, %dma_start3A_84, %dma_start3A_85] : memref<2x16x128xi32, #tpu.memory_space<vmem>> -> memref<1x16x128xi32, #tpu.memory_space<vmem>>
    %dma_start3A_87 = tpu.memref_squeeze %dma_start3A_86 : memref<1x16x128xi32, #tpu.memory_space<vmem>> -> memref<16x128xi32, #tpu.memory_space<vmem>>
    %dma_start3A_88 = arith.constant 0 : i32
    %dma_start3A_89 = arith.constant 0 : i32
    %dma_start3A_90 = tpu.memref_slice %arg2[%add3A_83, %dma_start3A_88, %dma_start3A_89] : memref<256x128x128xi32, #tpu.memory_space<hbm>> -> memref<1x16x128xi32, #tpu.memory_space<hbm>>
    %dma_start3A_91 = tpu.memref_squeeze %dma_start3A_90 : memref<1x16x128xi32, #tpu.memory_space<hbm>> -> memref<16x128xi32, #tpu.memory_space<hbm>>
    %dma_start3A_92 = arith.constant 0 : i32
    %dma_start3A_93 = arith.constant 0 : i32
    %dma_start3A_94 = tpu.memref_slice %arg6[%dma_start3A, %dma_start3A_92, %dma_start3A_93] : memref<2x16x128xi32, #tpu.memory_space<vmem>> -> memref<1x16x128xi32, #tpu.memory_space<vmem>>
    %dma_start3A_95 = tpu.memref_squeeze %dma_start3A_94 : memref<1x16x128xi32, #tpu.memory_space<vmem>> -> memref<16x128xi32, #tpu.memory_space<vmem>>
    %dma_start3A_96 = arith.constant 0 : i32
    %dma_start3A_97 = arith.constant 0 : i32
    %dma_start3A_98 = tpu.memref_slice %arg2[%add3A_83, %dma_start3A_96, %dma_start3A_97] : memref<256x128x128xi32, #tpu.memory_space<hbm>> -> memref<1x16x128xi32, #tpu.memory_space<hbm>>
    %dma_start3A_99 = tpu.memref_squeeze %dma_start3A_98 : memref<1x16x128xi32, #tpu.memory_space<hbm>> -> memref<16x128xi32, #tpu.memory_space<hbm>>
    tpu.enqueue_dma source(%dma_start3A_99 : memref<16x128xi32, #tpu.memory_space<hbm>>) target(%dma_start3A_95 : memref<16x128xi32, #tpu.memory_space<vmem>>) target_semaphore(%arg8 : memref<!tpu.dma_semaphore, #tpu.memory_space<semaphore_mem>>)
    %mul3A_100 = arith.constant 8 : i32
    %mul3A_101 = arith.muli %mul3A_100, %add3A : i32
    %add3A_102 = arith.constant 0 : i32
    %add3A_103 = arith.addi %mul3A_101, %add3A_102 : i32
    %dma_start3A_104 = arith.constant 1 : i32
    %dma_start3A_105 = arith.constant 0 : i32
    %dma_start3A_106 = arith.constant 0 : i32
    %dma_start3A_107 = tpu.memref_slice %arg6[%dma_start3A_104, %dma_start3A_105, %dma_start3A_106] : memref<2x16x128xi32, #tpu.memory_space<vmem>> -> memref<1x16x128xi32, #tpu.memory_space<vmem>>
    %dma_start3A_108 = tpu.memref_squeeze %dma_start3A_107 : memref<1x16x128xi32, #tpu.memory_space<vmem>> -> memref<16x128xi32, #tpu.memory_space<vmem>>
    %dma_start3A_109 = arith.constant 16 : i32
    %dma_start3A_110 = arith.constant 0 : i32
    %dma_start3A_111 = tpu.memref_slice %arg2[%add3A_103, %dma_start3A_109, %dma_start3A_110] : memref<256x128x128xi32, #tpu.memory_space<hbm>> -> memref<1x16x128xi32, #tpu.memory_space<hbm>>
    %dma_start3A_112 = tpu.memref_squeeze %dma_start3A_111 : memref<1x16x128xi32, #tpu.memory_space<hbm>> -> memref<16x128xi32, #tpu.memory_space<hbm>>
    %dma_start3A_113 = arith.constant 0 : i32
    %dma_start3A_114 = arith.constant 0 : i32
    %dma_start3A_115 = tpu.memref_slice %arg6[%dma_start3A_104, %dma_start3A_113, %dma_start3A_114] : memref<2x16x128xi32, #tpu.memory_space<vmem>> -> memref<1x16x128xi32, #tpu.memory_space<vmem>>
    %dma_start3A_116 = tpu.memref_squeeze %dma_start3A_115 : memref<1x16x128xi32, #tpu.memory_space<vmem>> -> memref<16x128xi32, #tpu.memory_space<vmem>>
    %dma_start3A_117 = arith.constant 16 : i32
    %dma_start3A_118 = arith.constant 0 : i32
    %dma_start3A_119 = tpu.memref_slice %arg2[%add3A_103, %dma_start3A_117, %dma_start3A_118] : memref<256x128x128xi32, #tpu.memory_space<hbm>> -> memref<1x16x128xi32, #tpu.memory_space<hbm>>
    %dma_start3A_120 = tpu.memref_squeeze %dma_start3A_119 : memref<1x16x128xi32, #tpu.memory_space<hbm>> -> memref<16x128xi32, #tpu.memory_space<hbm>>
    tpu.enqueue_dma source(%dma_start3A_120 : memref<16x128xi32, #tpu.memory_space<hbm>>) target(%dma_start3A_116 : memref<16x128xi32, #tpu.memory_space<vmem>>) target_semaphore(%arg9 : memref<!tpu.dma_semaphore, #tpu.memory_space<semaphore_mem>>)
    %scan3A = arith.constant 0 : i32
    %scan3A_121 = arith.constant 0 : i32
    %scan3A_122 = arith.constant 32 : i32
    %scan3A_123 = arith.addi %scan3A_121, %scan3A_122 : i32
    %scan3A_124 = arith.constant 1 : i32
    scf.for %scan3A_175 = %scan3A_121 to %scan3A_123 step %scan3A_124  : i32 {
      %mul3A_176 = arith.constant 2 : i32
      %mul3A_177 = arith.muli %scan3A_175, %mul3A_176 : i32
      %add3A_178 = arith.constant 0 : i32
      %add3A_179 = arith.addi %mul3A_177, %add3A_178 : i32
      %mul3A_180 = arith.constant 8 : i32
      %mul3A_181 = arith.muli %mul3A_180, %add3A : i32
      %jit3A = arith.constant 8 : i32
      %div3A = arith.divsi %add3A_179, %jit3A : i32
      %sign3A = arith.constant 0 : i32
      %sign3A_182 = arith.cmpi sgt, %add3A_179, %sign3A : i32
      %sign3A_183 = arith.extui %sign3A_182 : i1 to i32
      %sign3A_184 = arith.constant 0 : i32
      %sign3A_185 = arith.cmpi slt, %add3A_179, %sign3A_184 : i32
      %sign3A_186 = arith.extui %sign3A_185 : i1 to i32
      %sign3A_187 = arith.subi %sign3A_183, %sign3A_186 : i32
      %sign3A_188 = arith.constant 0 : i32
      %sign3A_189 = arith.cmpi sgt, %jit3A, %sign3A_188 : i32
      %sign3A_190 = arith.extui %sign3A_189 : i1 to i32
      %sign3A_191 = arith.constant 0 : i32
      %sign3A_192 = arith.cmpi slt, %jit3A, %sign3A_191 : i32
      %sign3A_193 = arith.extui %sign3A_192 : i1 to i32
      %sign3A_194 = arith.subi %sign3A_190, %sign3A_193 : i32
      %ne3A = arith.cmpi ne, %sign3A_187, %sign3A_194 : i32
      %rem3A = arith.remsi %add3A_179, %jit3A : i32
      %ne3A_195 = arith.constant 0 : i32
      %ne3A_196 = arith.cmpi ne, %rem3A, %ne3A_195 : i32
      %and3A = arith.andi %ne3A, %ne3A_196 : i1
      %sub3A = arith.constant 1 : i32
      %sub3A_197 = arith.subi %div3A, %sub3A : i32
      %select_n3A = arith.select %and3A, %sub3A_197, %div3A : i32
      %add3A_198 = arith.addi %mul3A_181, %select_n3A : i32
      %jit3A_199 = arith.constant 8 : i32
      %eq3A = arith.constant 0 : i32
      %eq3A_200 = arith.cmpi eq, %jit3A_199, %eq3A : i32
      %jit3A_201 = arith.constant 1 : i32
      %select_n3A_202 = arith.select %eq3A_200, %jit3A_201, %jit3A_199 : i32
      %rem3A_203 = arith.remsi %add3A_179, %select_n3A_202 : i32
      %ne3A_204 = arith.constant 0 : i32
      %ne3A_205 = arith.cmpi ne, %rem3A_203, %ne3A_204 : i32
      %lt3A = arith.constant 0 : i32
      %lt3A_206 = arith.cmpi slt, %rem3A_203, %lt3A : i32
      %lt3A_207 = arith.constant 0 : i32
      %lt3A_208 = arith.cmpi slt, %select_n3A_202, %lt3A_207 : i32
      %ne3A_209 = arith.xori %lt3A_206, %lt3A_208 : i1
      %and3A_210 = arith.andi %ne3A_209, %ne3A_205 : i1
      %add3A_211 = arith.addi %rem3A_203, %select_n3A_202 : i32
      %select_n3A_212 = arith.select %and3A_210, %add3A_211, %rem3A_203 : i32
      %mul3A_213 = arith.constant 16 : i32
      %mul3A_214 = arith.muli %select_n3A_212, %mul3A_213 : i32
      %dma_wait3A_215 = arith.constant 0 : i32
      %dma_wait3A_216 = arith.constant 0 : i32
      %dma_wait3A_217 = arith.constant 0 : i32
      %dma_wait3A_218 = tpu.memref_slice %arg6[%dma_wait3A_215, %dma_wait3A_216, %dma_wait3A_217] : memref<2x16x128xi32, #tpu.memory_space<vmem>> -> memref<1x16x128xi32, #tpu.memory_space<vmem>>
      %dma_wait3A_219 = tpu.memref_squeeze %dma_wait3A_218 : memref<1x16x128xi32, #tpu.memory_space<vmem>> -> memref<16x128xi32, #tpu.memory_space<vmem>>
      %dma_wait3A_220 = arith.constant 0 : i32
      %dma_wait3A_221 = tpu.memref_slice %arg2[%add3A_198, %mul3A_214, %dma_wait3A_220] : memref<256x128x128xi32, #tpu.memory_space<hbm>> -> memref<1x16x128xi32, #tpu.memory_space<hbm>>
      %dma_wait3A_222 = tpu.memref_squeeze %dma_wait3A_221 : memref<1x16x128xi32, #tpu.memory_space<hbm>> -> memref<16x128xi32, #tpu.memory_space<hbm>>
      %dma_wait3A_223 = arith.constant 0 : i32
      %dma_wait3A_224 = arith.constant 0 : i32
      %dma_wait3A_225 = tpu.memref_slice %arg6[%dma_wait3A_215, %dma_wait3A_223, %dma_wait3A_224] : memref<2x16x128xi32, #tpu.memory_space<vmem>> -> memref<1x16x128xi32, #tpu.memory_space<vmem>>
      %dma_wait3A_226 = tpu.memref_squeeze %dma_wait3A_225 : memref<1x16x128xi32, #tpu.memory_space<vmem>> -> memref<16x128xi32, #tpu.memory_space<vmem>>
      %dma_wait3A_227 = arith.constant 0 : i32
      %dma_wait3A_228 = tpu.memref_slice %arg2[%add3A_198, %mul3A_214, %dma_wait3A_227] : memref<256x128x128xi32, #tpu.memory_space<hbm>> -> memref<1x16x128xi32, #tpu.memory_space<hbm>>
      %dma_wait3A_229 = tpu.memref_squeeze %dma_wait3A_228 : memref<1x16x128xi32, #tpu.memory_space<hbm>> -> memref<16x128xi32, #tpu.memory_space<hbm>>
      tpu.wait_dma2 semaphore(%arg8 : memref<!tpu.dma_semaphore, #tpu.memory_space<semaphore_mem>>) src(%dma_wait3A_229 : memref<16x128xi32, #tpu.memory_space<hbm>>) dst(%dma_wait3A_226 : memref<16x128xi32, #tpu.memory_space<vmem>>)
      %gt3A = arith.constant 0 : i32
      %gt3A_230 = arith.cmpi sgt, %scan3A_175, %gt3A : i32
      %convert_element_type3A = arith.extui %gt3A_230 : i1 to i32
      %cond3A = arith.constant 0 : i32
      %cond3A_231 = arith.cmpi ne, %convert_element_type3A, %cond3A : i32
      scf.if %cond3A_231 {
        %sub3A_451 = arith.constant 2 : i32
        %sub3A_452 = arith.subi %add3A_179, %sub3A_451 : i32
        %mul3A_453 = arith.constant 8 : i32
        %mul3A_454 = arith.muli %mul3A_453, %add3A : i32
        %jit3A_455 = arith.constant 8 : i32
        %div3A_456 = arith.divsi %sub3A_452, %jit3A_455 : i32
        %sign3A_457 = arith.constant 0 : i32
        %sign3A_458 = arith.cmpi sgt, %sub3A_452, %sign3A_457 : i32
        %sign3A_459 = arith.extui %sign3A_458 : i1 to i32
        %sign3A_460 = arith.constant 0 : i32
        %sign3A_461 = arith.cmpi slt, %sub3A_452, %sign3A_460 : i32
        %sign3A_462 = arith.extui %sign3A_461 : i1 to i32
        %sign3A_463 = arith.subi %sign3A_459, %sign3A_462 : i32
        %sign3A_464 = arith.constant 0 : i32
        %sign3A_465 = arith.cmpi sgt, %jit3A_455, %sign3A_464 : i32
        %sign3A_466 = arith.extui %sign3A_465 : i1 to i32
        %sign3A_467 = arith.constant 0 : i32
        %sign3A_468 = arith.cmpi slt, %jit3A_455, %sign3A_467 : i32
        %sign3A_469 = arith.extui %sign3A_468 : i1 to i32
        %sign3A_470 = arith.subi %sign3A_466, %sign3A_469 : i32
        %ne3A_471 = arith.cmpi ne, %sign3A_463, %sign3A_470 : i32
        %rem3A_472 = arith.remsi %sub3A_452, %jit3A_455 : i32
        %ne3A_473 = arith.constant 0 : i32
        %ne3A_474 = arith.cmpi ne, %rem3A_472, %ne3A_473 : i32
        %and3A_475 = arith.andi %ne3A_471, %ne3A_474 : i1
        %sub3A_476 = arith.constant 1 : i32
        %sub3A_477 = arith.subi %div3A_456, %sub3A_476 : i32
        %select_n3A_478 = arith.select %and3A_475, %sub3A_477, %div3A_456 : i32
        %add3A_479 = arith.addi %mul3A_454, %select_n3A_478 : i32
        %jit3A_480 = arith.constant 8 : i32
        %eq3A_481 = arith.constant 0 : i32
        %eq3A_482 = arith.cmpi eq, %jit3A_480, %eq3A_481 : i32
        %jit3A_483 = arith.constant 1 : i32
        %select_n3A_484 = arith.select %eq3A_482, %jit3A_483, %jit3A_480 : i32
        %rem3A_485 = arith.remsi %sub3A_452, %select_n3A_484 : i32
        %ne3A_486 = arith.constant 0 : i32
        %ne3A_487 = arith.cmpi ne, %rem3A_485, %ne3A_486 : i32
        %lt3A_488 = arith.constant 0 : i32
        %lt3A_489 = arith.cmpi slt, %rem3A_485, %lt3A_488 : i32
        %lt3A_490 = arith.constant 0 : i32
        %lt3A_491 = arith.cmpi slt, %select_n3A_484, %lt3A_490 : i32
        %ne3A_492 = arith.xori %lt3A_489, %lt3A_491 : i1
        %and3A_493 = arith.andi %ne3A_492, %ne3A_487 : i1
        %add3A_494 = arith.addi %rem3A_485, %select_n3A_484 : i32
        %select_n3A_495 = arith.select %and3A_493, %add3A_494, %rem3A_485 : i32
        %mul3A_496 = arith.constant 16 : i32
        %mul3A_497 = arith.muli %select_n3A_495, %mul3A_496 : i32
        %dma_wait3A_498 = arith.constant 0 : i32
        %dma_wait3A_499 = arith.constant 0 : i32
        %dma_wait3A_500 = arith.constant 0 : i32
        %dma_wait3A_501 = arith.constant 0 : i32
        %dma_wait3A_502 = tpu.memref_slice %arg7[%dma_wait3A_498, %dma_wait3A_499, %dma_wait3A_500, %dma_wait3A_501] : memref<2x16x16x128xf32, #tpu.memory_space<vmem>> -> memref<1x16x16x128xf32, #tpu.memory_space<vmem>>
        %dma_wait3A_503 = tpu.memref_squeeze %dma_wait3A_502 : memref<1x16x16x128xf32, #tpu.memory_space<vmem>> -> memref<16x16x128xf32, #tpu.memory_space<vmem>>
        %dma_wait3A_504 = arith.constant 0 : i32
        %dma_wait3A_505 = arith.constant 0 : i32
        %dma_wait3A_506 = tpu.memref_slice %arg4[%add3A_479, %mul3A_497, %dma_wait3A_504, %dma_wait3A_505] : memref<256x128x16x128xf32, #tpu.memory_space<hbm>> -> memref<1x16x16x128xf32, #tpu.memory_space<hbm>>
        %dma_wait3A_507 = tpu.memref_squeeze %dma_wait3A_506 : memref<1x16x16x128xf32, #tpu.memory_space<hbm>> -> memref<16x16x128xf32, #tpu.memory_space<hbm>>
        %dma_wait3A_508 = arith.constant 0 : i32
        %dma_wait3A_509 = arith.constant 0 : i32
        %dma_wait3A_510 = tpu.memref_slice %arg4[%add3A_479, %mul3A_497, %dma_wait3A_508, %dma_wait3A_509] : memref<256x128x16x128xf32, #tpu.memory_space<hbm>> -> memref<1x16x16x128xf32, #tpu.memory_space<hbm>>
        %dma_wait3A_511 = tpu.memref_squeeze %dma_wait3A_510 : memref<1x16x16x128xf32, #tpu.memory_space<hbm>> -> memref<16x16x128xf32, #tpu.memory_space<hbm>>
        %dma_wait3A_512 = arith.constant 0 : i32
        %dma_wait3A_513 = arith.constant 0 : i32
        %dma_wait3A_514 = arith.constant 0 : i32
        %dma_wait3A_515 = tpu.memref_slice %arg7[%dma_wait3A_498, %dma_wait3A_512, %dma_wait3A_513, %dma_wait3A_514] : memref<2x16x16x128xf32, #tpu.memory_space<vmem>> -> memref<1x16x16x128xf32, #tpu.memory_space<vmem>>
        %dma_wait3A_516 = tpu.memref_squeeze %dma_wait3A_515 : memref<1x16x16x128xf32, #tpu.memory_space<vmem>> -> memref<16x16x128xf32, #tpu.memory_space<vmem>>
        tpu.wait_dma2 semaphore(%arg10 : memref<!tpu.dma_semaphore, #tpu.memory_space<semaphore_mem>>) src(%dma_wait3A_516 : memref<16x16x128xf32, #tpu.memory_space<vmem>>) dst(%dma_wait3A_511 : memref<16x16x128xf32, #tpu.memory_space<hbm>>)
      } else {
      }
      %scan3A_232 = arith.constant 0 : i32
      %scan3A_233 = arith.constant 0 : i32
      %scan3A_234 = arith.constant 16 : i32
      %scan3A_235 = arith.addi %scan3A_233, %scan3A_234 : i32
      %scan3A_236 = arith.constant 1 : i32
      scf.for %scan3A_451 = %scan3A_233 to %scan3A_235 step %scan3A_236  : i32 {
        %get3A_452 = arith.constant 0 : i32
        %get3A_453 = arith.index_cast %get3A_452 : i32 to index
        %get3A_454 = arith.index_cast %scan3A_451 : i32 to index
        %get3A_455 = arith.constant 0 : index
        %get3A_456 = tpu.vector_load %arg6[%get3A_453, %get3A_454, %get3A_455] {strides = array<i32>} : memref<2x16x128xi32, #tpu.memory_space<vmem>>, vector<1x1x16xi32>,
        %get3A_457 = vector.shape_cast %get3A_456 : vector<1x1x16xi32> to vector<16xi32>
        %broadcast_in_dim3A = vector.shape_cast %get3A_457 : vector<16xi32> to vector<16x1xi32>
        %gather3A = vector.shape_cast %broadcast_in_dim3A : vector<16x1xi32> to vector<16xi32>
        %gather3A_458 = tpu.dynamic_gather %get3A_4[%gather3A] in [0] : vector<16xf32>, vector<16xi32> -> vector<16xf32>
        %swap3A = arith.constant 0 : i32
        %swap3A_459 = arith.constant 0 : i32
        %swap3A_460 = arith.index_cast %swap3A : i32 to index
        %swap3A_461 = arith.index_cast %scan3A_451 : i32 to index
        %swap3A_462 = arith.index_cast %swap3A_459 : i32 to index
        %swap3A_463 = arith.constant 0 : index
        %swap3A_464 = tpu.vector_load %arg7[%swap3A_460, %swap3A_461, %swap3A_462, %swap3A_463] {strides = array<i32>} : memref<2x16x16x128xf32, #tpu.memory_space<vmem>>, vector<1x1x1x16xf32>,
        %swap3A_465 = vector.shape_cast %swap3A_464 : vector<1x1x1x16xf32> to vector<16xf32>
        %swap3A_466 = vector.shape_cast %gather3A_458 : vector<16xf32> to vector<1x1x1x16xf32>
        tpu.vector_store %arg7[%swap3A_460, %swap3A_461, %swap3A_462, %swap3A_463], %swap3A_466 {strides = array<i32>} : memref<2x16x16x128xf32, #tpu.memory_space<vmem>>, vector<1x1x1x16xf32>,
        %gather3A_467 = vector.shape_cast %broadcast_in_dim3A : vector<16x1xi32> to vector<16xi32>
        %gather3A_468 = tpu.dynamic_gather %get3A_9[%gather3A_467] in [0] : vector<16xf32>, vector<16xi32> -> vector<16xf32>
        %swap3A_469 = arith.constant 0 : i32
        %swap3A_470 = arith.constant 1 : i32
        %swap3A_471 = arith.index_cast %swap3A_469 : i32 to index
        %swap3A_472 = arith.index_cast %scan3A_451 : i32 to index
        %swap3A_473 = arith.index_cast %swap3A_470 : i32 to index
        %swap3A_474 = arith.constant 0 : index
        %swap3A_475 = tpu.vector_load %arg7[%swap3A_471, %swap3A_472, %swap3A_473, %swap3A_474] {strides = array<i32>} : memref<2x16x16x128xf32, #tpu.memory_space<vmem>>, vector<1x1x1x16xf32>,
        %swap3A_476 = vector.shape_cast %swap3A_475 : vector<1x1x1x16xf32> to vector<16xf32>
        %swap3A_477 = vector.shape_cast %gather3A_468 : vector<16xf32> to vector<1x1x1x16xf32>
        tpu.vector_store %arg7[%swap3A_471, %swap3A_472, %swap3A_473, %swap3A_474], %swap3A_477 {strides = array<i32>} : memref<2x16x16x128xf32, #tpu.memory_space<vmem>>, vector<1x1x1x16xf32>,
        %gather3A_478 = vector.shape_cast %broadcast_in_dim3A : vector<16x1xi32> to vector<16xi32>
        %gather3A_479 = tpu.dynamic_gather %get3A_14[%gather3A_478] in [0] : vector<16xf32>, vector<16xi32> -> vector<16xf32>
        %swap3A_480 = arith.constant 0 : i32
        %swap3A_481 = arith.constant 2 : i32
        %swap3A_482 = arith.index_cast %swap3A_480 : i32 to index
        %swap3A_483 = arith.index_cast %scan3A_451 : i32 to index
        %swap3A_484 = arith.index_cast %swap3A_481 : i32 to index
        %swap3A_485 = arith.constant 0 : index
        %swap3A_486 = tpu.vector_load %arg7[%swap3A_482, %swap3A_483, %swap3A_484, %swap3A_485] {strides = array<i32>} : memref<2x16x16x128xf32, #tpu.memory_space<vmem>>, vector<1x1x1x16xf32>,
        %swap3A_487 = vector.shape_cast %swap3A_486 : vector<1x1x1x16xf32> to vector<16xf32>
        %swap3A_488 = vector.shape_cast %gather3A_479 : vector<16xf32> to vector<1x1x1x16xf32>
        tpu.vector_store %arg7[%swap3A_482, %swap3A_483, %swap3A_484, %swap3A_485], %swap3A_488 {strides = array<i32>} : memref<2x16x16x128xf32, #tpu.memory_space<vmem>>, vector<1x1x1x16xf32>,
        %gather3A_489 = vector.shape_cast %broadcast_in_dim3A : vector<16x1xi32> to vector<16xi32>
        %gather3A_490 = tpu.dynamic_gather %get3A_19[%gather3A_489] in [0] : vector<16xf32>, vector<16xi32> -> vector<16xf32>
        %swap3A_491 = arith.constant 0 : i32
        %swap3A_492 = arith.constant 3 : i32
        %swap3A_493 = arith.index_cast %swap3A_491 : i32 to index
        %swap3A_494 = arith.index_cast %scan3A_451 : i32 to index
        %swap3A_495 = arith.index_cast %swap3A_492 : i32 to index
        %swap3A_496 = arith.constant 0 : index
        %swap3A_497 = tpu.vector_load %arg7[%swap3A_493, %swap3A_494, %swap3A_495, %swap3A_496] {strides = array<i32>} : memref<2x16x16x128xf32, #tpu.memory_space<vmem>>, vector<1x1x1x16xf32>,
        %swap3A_498 = vector.shape_cast %swap3A_497 : vector<1x1x1x16xf32> to vector<16xf32>
        %swap3A_499 = vector.shape_cast %gather3A_490 : vector<16xf32> to vector<1x1x1x16xf32>
        tpu.vector_store %arg7[%swap3A_493, %swap3A_494, %swap3A_495, %swap3A_496], %swap3A_499 {strides = array<i32>} : memref<2x16x16x128xf32, #tpu.memory_space<vmem>>, vector<1x1x1x16xf32>,
        %gather3A_500 = vector.shape_cast %broadcast_in_dim3A : vector<16x1xi32> to vector<16xi32>
        %gather3A_501 = tpu.dynamic_gather %get3A_24[%gather3A_500] in [0] : vector<16xf32>, vector<16xi32> -> vector<16xf32>
        %swap3A_502 = arith.constant 0 : i32
        %swap3A_503 = arith.constant 4 : i32
        %swap3A_504 = arith.index_cast %swap3A_502 : i32 to index
        %swap3A_505 = arith.index_cast %scan3A_451 : i32 to index
        %swap3A_506 = arith.index_cast %swap3A_503 : i32 to index
        %swap3A_507 = arith.constant 0 : index
        %swap3A_508 = tpu.vector_load %arg7[%swap3A_504, %swap3A_505, %swap3A_506, %swap3A_507] {strides = array<i32>} : memref<2x16x16x128xf32, #tpu.memory_space<vmem>>, vector<1x1x1x16xf32>,
        %swap3A_509 = vector.shape_cast %swap3A_508 : vector<1x1x1x16xf32> to vector<16xf32>
        %swap3A_510 = vector.shape_cast %gather3A_501 : vector<16xf32> to vector<1x1x1x16xf32>
        tpu.vector_store %arg7[%swap3A_504, %swap3A_505, %swap3A_506, %swap3A_507], %swap3A_510 {strides = array<i32>} : memref<2x16x16x128xf32, #tpu.memory_space<vmem>>, vector<1x1x1x16xf32>,
        %gather3A_511 = vector.shape_cast %broadcast_in_dim3A : vector<16x1xi32> to vector<16xi32>
        %gather3A_512 = tpu.dynamic_gather %get3A_29[%gather3A_511] in [0] : vector<16xf32>, vector<16xi32> -> vector<16xf32>
        %swap3A_513 = arith.constant 0 : i32
        %swap3A_514 = arith.constant 5 : i32
        %swap3A_515 = arith.index_cast %swap3A_513 : i32 to index
        %swap3A_516 = arith.index_cast %scan3A_451 : i32 to index
        %swap3A_517 = arith.index_cast %swap3A_514 : i32 to index
        %swap3A_518 = arith.constant 0 : index
        %swap3A_519 = tpu.vector_load %arg7[%swap3A_515, %swap3A_516, %swap3A_517, %swap3A_518] {strides = array<i32>} : memref<2x16x16x128xf32, #tpu.memory_space<vmem>>, vector<1x1x1x16xf32>,
        %swap3A_520 = vector.shape_cast %swap3A_519 : vector<1x1x1x16xf32> to vector<16xf32>
        %swap3A_521 = vector.shape_cast %gather3A_512 : vector<16xf32> to vector<1x1x1x16xf32>
        tpu.vector_store %arg7[%swap3A_515, %swap3A_516, %swap3A_517, %swap3A_518], %swap3A_521 {strides = array<i32>} : memref<2x16x16x128xf32, #tpu.memory_space<vmem>>, vector<1x1x1x16xf32>,
        %gather3A_522 = vector.shape_cast %broadcast_in_dim3A : vector<16x1xi32> to vector<16xi32>
        %gather3A_523 = tpu.dynamic_gather %get3A_34[%gather3A_522] in [0] : vector<16xf32>, vector<16xi32> -> vector<16xf32>
        %swap3A_524 = arith.constant 0 : i32
        %swap3A_525 = arith.constant 6 : i32
        %swap3A_526 = arith.index_cast %swap3A_524 : i32 to index
        %swap3A_527 = arith.index_cast %scan3A_451 : i32 to index
        %swap3A_528 = arith.index_cast %swap3A_525 : i32 to index
        %swap3A_529 = arith.constant 0 : index
        %swap3A_530 = tpu.vector_load %arg7[%swap3A_526, %swap3A_527, %swap3A_528, %swap3A_529] {strides = array<i32>} : memref<2x16x16x128xf32, #tpu.memory_space<vmem>>, vector<1x1x1x16xf32>,
        %swap3A_531 = vector.shape_cast %swap3A_530 : vector<1x1x1x16xf32> to vector<16xf32>
        %swap3A_532 = vector.shape_cast %gather3A_523 : vector<16xf32> to vector<1x1x1x16xf32>
        tpu.vector_store %arg7[%swap3A_526, %swap3A_527, %swap3A_528, %swap3A_529], %swap3A_532 {strides = array<i32>} : memref<2x16x16x128xf32, #tpu.memory_space<vmem>>, vector<1x1x1x16xf32>,
        %gather3A_533 = vector.shape_cast %broadcast_in_dim3A : vector<16x1xi32> to vector<16xi32>
        %gather3A_534 = tpu.dynamic_gather %get3A_39[%gather3A_533] in [0] : vector<16xf32>, vector<16xi32> -> vector<16xf32>
        %swap3A_535 = arith.constant 0 : i32
        %swap3A_536 = arith.constant 7 : i32
        %swap3A_537 = arith.index_cast %swap3A_535 : i32 to index
        %swap3A_538 = arith.index_cast %scan3A_451 : i32 to index
        %swap3A_539 = arith.index_cast %swap3A_536 : i32 to index
        %swap3A_540 = arith.constant 0 : index
        %swap3A_541 = tpu.vector_load %arg7[%swap3A_537, %swap3A_538, %swap3A_539, %swap3A_540] {strides = array<i32>} : memref<2x16x16x128xf32, #tpu.memory_space<vmem>>, vector<1x1x1x16xf32>,
        %swap3A_542 = vector.shape_cast %swap3A_541 : vector<1x1x1x16xf32> to vector<16xf32>
        %swap3A_543 = vector.shape_cast %gather3A_534 : vector<16xf32> to vector<1x1x1x16xf32>
        tpu.vector_store %arg7[%swap3A_537, %swap3A_538, %swap3A_539, %swap3A_540], %swap3A_543 {strides = array<i32>} : memref<2x16x16x128xf32, #tpu.memory_space<vmem>>, vector<1x1x1x16xf32>,
        %gather3A_544 = vector.shape_cast %broadcast_in_dim3A : vector<16x1xi32> to vector<16xi32>
        %gather3A_545 = tpu.dynamic_gather %get3A_44[%gather3A_544] in [0] : vector<16xf32>, vector<16xi32> -> vector<16xf32>
        %swap3A_546 = arith.constant 0 : i32
        %swap3A_547 = arith.constant 8 : i32
        %swap3A_548 = arith.index_cast %swap3A_546 : i32 to index
        %swap3A_549 = arith.index_cast %scan3A_451 : i32 to index
        %swap3A_550 = arith.index_cast %swap3A_547 : i32 to index
        %swap3A_551 = arith.constant 0 : index
        %swap3A_552 = tpu.vector_load %arg7[%swap3A_548, %swap3A_549, %swap3A_550, %swap3A_551] {strides = array<i32>} : memref<2x16x16x128xf32, #tpu.memory_space<vmem>>, vector<1x1x1x16xf32>,
        %swap3A_553 = vector.shape_cast %swap3A_552 : vector<1x1x1x16xf32> to vector<16xf32>
        %swap3A_554 = vector.shape_cast %gather3A_545 : vector<16xf32> to vector<1x1x1x16xf32>
        tpu.vector_store %arg7[%swap3A_548, %swap3A_549, %swap3A_550, %swap3A_551], %swap3A_554 {strides = array<i32>} : memref<2x16x16x128xf32, #tpu.memory_space<vmem>>, vector<1x1x1x16xf32>,
        %gather3A_555 = vector.shape_cast %broadcast_in_dim3A : vector<16x1xi32> to vector<16xi32>
        %gather3A_556 = tpu.dynamic_gather %get3A_49[%gather3A_555] in [0] : vector<16xf32>, vector<16xi32> -> vector<16xf32>
        %swap3A_557 = arith.constant 0 : i32
        %swap3A_558 = arith.constant 9 : i32
        %swap3A_559 = arith.index_cast %swap3A_557 : i32 to index
        %swap3A_560 = arith.index_cast %scan3A_451 : i32 to index
        %swap3A_561 = arith.index_cast %swap3A_558 : i32 to index
        %swap3A_562 = arith.constant 0 : index
        %swap3A_563 = tpu.vector_load %arg7[%swap3A_559, %swap3A_560, %swap3A_561, %swap3A_562] {strides = array<i32>} : memref<2x16x16x128xf32, #tpu.memory_space<vmem>>, vector<1x1x1x16xf32>,
        %swap3A_564 = vector.shape_cast %swap3A_563 : vector<1x1x1x16xf32> to vector<16xf32>
        %swap3A_565 = vector.shape_cast %gather3A_556 : vector<16xf32> to vector<1x1x1x16xf32>
        tpu.vector_store %arg7[%swap3A_559, %swap3A_560, %swap3A_561, %swap3A_562], %swap3A_565 {strides = array<i32>} : memref<2x16x16x128xf32, #tpu.memory_space<vmem>>, vector<1x1x1x16xf32>,
        %gather3A_566 = vector.shape_cast %broadcast_in_dim3A : vector<16x1xi32> to vector<16xi32>
        %gather3A_567 = tpu.dynamic_gather %get3A_54[%gather3A_566] in [0] : vector<16xf32>, vector<16xi32> -> vector<16xf32>
        %swap3A_568 = arith.constant 0 : i32
        %swap3A_569 = arith.constant 10 : i32
        %swap3A_570 = arith.index_cast %swap3A_568 : i32 to index
        %swap3A_571 = arith.index_cast %scan3A_451 : i32 to index
        %swap3A_572 = arith.index_cast %swap3A_569 : i32 to index
        %swap3A_573 = arith.constant 0 : index
        %swap3A_574 = tpu.vector_load %arg7[%swap3A_570, %swap3A_571, %swap3A_572, %swap3A_573] {strides = array<i32>} : memref<2x16x16x128xf32, #tpu.memory_space<vmem>>, vector<1x1x1x16xf32>,
        %swap3A_575 = vector.shape_cast %swap3A_574 : vector<1x1x1x16xf32> to vector<16xf32>
        %swap3A_576 = vector.shape_cast %gather3A_567 : vector<16xf32> to vector<1x1x1x16xf32>
        tpu.vector_store %arg7[%swap3A_570, %swap3A_571, %swap3A_572, %swap3A_573], %swap3A_576 {strides = array<i32>} : memref<2x16x16x128xf32, #tpu.memory_space<vmem>>, vector<1x1x1x16xf32>,
        %gather3A_577 = vector.shape_cast %broadcast_in_dim3A : vector<16x1xi32> to vector<16xi32>
        %gather3A_578 = tpu.dynamic_gather %get3A_59[%gather3A_577] in [0] : vector<16xf32>, vector<16xi32> -> vector<16xf32>
        %swap3A_579 = arith.constant 0 : i32
        %swap3A_580 = arith.constant 11 : i32
        %swap3A_581 = arith.index_cast %swap3A_579 : i32 to index
        %swap3A_582 = arith.index_cast %scan3A_451 : i32 to index
        %swap3A_583 = arith.index_cast %swap3A_580 : i32 to index
        %swap3A_584 = arith.constant 0 : index
        %swap3A_585 = tpu.vector_load %arg7[%swap3A_581, %swap3A_582, %swap3A_583, %swap3A_584] {strides = array<i32>} : memref<2x16x16x128xf32, #tpu.memory_space<vmem>>, vector<1x1x1x16xf32>,
        %swap3A_586 = vector.shape_cast %swap3A_585 : vector<1x1x1x16xf32> to vector<16xf32>
        %swap3A_587 = vector.shape_cast %gather3A_578 : vector<16xf32> to vector<1x1x1x16xf32>
        tpu.vector_store %arg7[%swap3A_581, %swap3A_582, %swap3A_583, %swap3A_584], %swap3A_587 {strides = array<i32>} : memref<2x16x16x128xf32, #tpu.memory_space<vmem>>, vector<1x1x1x16xf32>,
        %gather3A_588 = vector.shape_cast %broadcast_in_dim3A : vector<16x1xi32> to vector<16xi32>
        %gather3A_589 = tpu.dynamic_gather %get3A_64[%gather3A_588] in [0] : vector<16xf32>, vector<16xi32> -> vector<16xf32>
        %swap3A_590 = arith.constant 0 : i32
        %swap3A_591 = arith.constant 12 : i32
        %swap3A_592 = arith.index_cast %swap3A_590 : i32 to index
        %swap3A_593 = arith.index_cast %scan3A_451 : i32 to index
        %swap3A_594 = arith.index_cast %swap3A_591 : i32 to index
        %swap3A_595 = arith.constant 0 : index
        %swap3A_596 = tpu.vector_load %arg7[%swap3A_592, %swap3A_593, %swap3A_594, %swap3A_595] {strides = array<i32>} : memref<2x16x16x128xf32, #tpu.memory_space<vmem>>, vector<1x1x1x16xf32>,
        %swap3A_597 = vector.shape_cast %swap3A_596 : vector<1x1x1x16xf32> to vector<16xf32>
        %swap3A_598 = vector.shape_cast %gather3A_589 : vector<16xf32> to vector<1x1x1x16xf32>
        tpu.vector_store %arg7[%swap3A_592, %swap3A_593, %swap3A_594, %swap3A_595], %swap3A_598 {strides = array<i32>} : memref<2x16x16x128xf32, #tpu.memory_space<vmem>>, vector<1x1x1x16xf32>,
        %gather3A_599 = vector.shape_cast %broadcast_in_dim3A : vector<16x1xi32> to vector<16xi32>
        %gather3A_600 = tpu.dynamic_gather %get3A_69[%gather3A_599] in [0] : vector<16xf32>, vector<16xi32> -> vector<16xf32>
        %swap3A_601 = arith.constant 0 : i32
        %swap3A_602 = arith.constant 13 : i32
        %swap3A_603 = arith.index_cast %swap3A_601 : i32 to index
        %swap3A_604 = arith.index_cast %scan3A_451 : i32 to index
        %swap3A_605 = arith.index_cast %swap3A_602 : i32 to index
        %swap3A_606 = arith.constant 0 : index
        %swap3A_607 = tpu.vector_load %arg7[%swap3A_603, %swap3A_604, %swap3A_605, %swap3A_606] {strides = array<i32>} : memref<2x16x16x128xf32, #tpu.memory_space<vmem>>, vector<1x1x1x16xf32>,
        %swap3A_608 = vector.shape_cast %swap3A_607 : vector<1x1x1x16xf32> to vector<16xf32>
        %swap3A_609 = vector.shape_cast %gather3A_600 : vector<16xf32> to vector<1x1x1x16xf32>
        tpu.vector_store %arg7[%swap3A_603, %swap3A_604, %swap3A_605, %swap3A_606], %swap3A_609 {strides = array<i32>} : memref<2x16x16x128xf32, #tpu.memory_space<vmem>>, vector<1x1x1x16xf32>,
        %gather3A_610 = vector.shape_cast %broadcast_in_dim3A : vector<16x1xi32> to vector<16xi32>
        %gather3A_611 = tpu.dynamic_gather %get3A_74[%gather3A_610] in [0] : vector<16xf32>, vector<16xi32> -> vector<16xf32>
        %swap3A_612 = arith.constant 0 : i32
        %swap3A_613 = arith.constant 14 : i32
        %swap3A_614 = arith.index_cast %swap3A_612 : i32 to index
        %swap3A_615 = arith.index_cast %scan3A_451 : i32 to index
        %swap3A_616 = arith.index_cast %swap3A_613 : i32 to index
        %swap3A_617 = arith.constant 0 : index
        %swap3A_618 = tpu.vector_load %arg7[%swap3A_614, %swap3A_615, %swap3A_616, %swap3A_617] {strides = array<i32>} : memref<2x16x16x128xf32, #tpu.memory_space<vmem>>, vector<1x1x1x16xf32>,
        %swap3A_619 = vector.shape_cast %swap3A_618 : vector<1x1x1x16xf32> to vector<16xf32>
        %swap3A_620 = vector.shape_cast %gather3A_611 : vector<16xf32> to vector<1x1x1x16xf32>
        tpu.vector_store %arg7[%swap3A_614, %swap3A_615, %swap3A_616, %swap3A_617], %swap3A_620 {strides = array<i32>} : memref<2x16x16x128xf32, #tpu.memory_space<vmem>>, vector<1x1x1x16xf32>,
        %gather3A_621 = vector.shape_cast %broadcast_in_dim3A : vector<16x1xi32> to vector<16xi32>
        %gather3A_622 = tpu.dynamic_gather %get3A_79[%gather3A_621] in [0] : vector<16xf32>, vector<16xi32> -> vector<16xf32>
        %swap3A_623 = arith.constant 0 : i32
        %swap3A_624 = arith.constant 15 : i32
        %swap3A_625 = arith.index_cast %swap3A_623 : i32 to index
        %swap3A_626 = arith.index_cast %scan3A_451 : i32 to index
        %swap3A_627 = arith.index_cast %swap3A_624 : i32 to index
        %swap3A_628 = arith.constant 0 : index
        %swap3A_629 = tpu.vector_load %arg7[%swap3A_625, %swap3A_626, %swap3A_627, %swap3A_628] {strides = array<i32>} : memref<2x16x16x128xf32, #tpu.memory_space<vmem>>, vector<1x1x1x16xf32>,
        %swap3A_630 = vector.shape_cast %swap3A_629 : vector<1x1x1x16xf32> to vector<16xf32>
        %swap3A_631 = vector.shape_cast %gather3A_622 : vector<16xf32> to vector<1x1x1x16xf32>
        tpu.vector_store %arg7[%swap3A_625, %swap3A_626, %swap3A_627, %swap3A_628], %swap3A_631 {strides = array<i32>} : memref<2x16x16x128xf32, #tpu.memory_space<vmem>>, vector<1x1x1x16xf32>,
        %get3A_632 = arith.constant 0 : i32
        %get3A_633 = arith.index_cast %get3A_632 : i32 to index
        %get3A_634 = arith.index_cast %scan3A_451 : i32 to index
        %get3A_635 = arith.constant 16 : index
        %get3A_636 = tpu.vector_load %arg6[%get3A_633, %get3A_634, %get3A_635] {strides = array<i32>} : memref<2x16x128xi32, #tpu.memory_space<vmem>>, vector<1x1x16xi32>,
        %get3A_637 = vector.shape_cast %get3A_636 : vector<1x1x16xi32> to vector<16xi32>
        %broadcast_in_dim3A_638 = vector.shape_cast %get3A_637 : vector<16xi32> to vector<16x1xi32>
        %gather3A_639 = vector.shape_cast %broadcast_in_dim3A_638 : vector<16x1xi32> to vector<16xi32>
        %gather3A_640 = tpu.dynamic_gather %get3A_4[%gather3A_639] in [0] : vector<16xf32>, vector<16xi32> -> vector<16xf32>
        %swap3A_641 = arith.constant 0 : i32
        %swap3A_642 = arith.constant 0 : i32
        %swap3A_643 = arith.index_cast %swap3A_641 : i32 to index
        %swap3A_644 = arith.index_cast %scan3A_451 : i32 to index
        %swap3A_645 = arith.index_cast %swap3A_642 : i32 to index
        %swap3A_646 = arith.constant 16 : index
        %swap3A_647 = tpu.vector_load %arg7[%swap3A_643, %swap3A_644, %swap3A_645, %swap3A_646] {strides = array<i32>} : memref<2x16x16x128xf32, #tpu.memory_space<vmem>>, vector<1x1x1x16xf32>,
        %swap3A_648 = vector.shape_cast %swap3A_647 : vector<1x1x1x16xf32> to vector<16xf32>
        %swap3A_649 = vector.shape_cast %gather3A_640 : vector<16xf32> to vector<1x1x1x16xf32>
        tpu.vector_store %arg7[%swap3A_643, %swap3A_644, %swap3A_645, %swap3A_646], %swap3A_649 {strides = array<i32>} : memref<2x16x16x128xf32, #tpu.memory_space<vmem>>, vector<1x1x1x16xf32>,
        %gather3A_650 = vector.shape_cast %broadcast_in_dim3A_638 : vector<16x1xi32> to vector<16xi32>
        %gather3A_651 = tpu.dynamic_gather %get3A_9[%gather3A_650] in [0] : vector<16xf32>, vector<16xi32> -> vector<16xf32>
        %swap3A_652 = arith.constant 0 : i32
        %swap3A_653 = arith.constant 1 : i32
        %swap3A_654 = arith.index_cast %swap3A_652 : i32 to index
        %swap3A_655 = arith.index_cast %scan3A_451 : i32 to index
        %swap3A_656 = arith.index_cast %swap3A_653 : i32 to index
        %swap3A_657 = arith.constant 16 : index
        %swap3A_658 = tpu.vector_load %arg7[%swap3A_654, %swap3A_655, %swap3A_656, %swap3A_657] {strides = array<i32>} : memref<2x16x16x128xf32, #tpu.memory_space<vmem>>, vector<1x1x1x16xf32>,
        %swap3A_659 = vector.shape_cast %swap3A_658 : vector<1x1x1x16xf32> to vector<16xf32>
        %swap3A_660 = vector.shape_cast %gather3A_651 : vector<16xf32> to vector<1x1x1x16xf32>
        tpu.vector_store %arg7[%swap3A_654, %swap3A_655, %swap3A_656, %swap3A_657], %swap3A_660 {strides = array<i32>} : memref<2x16x16x128xf32, #tpu.memory_space<vmem>>, vector<1x1x1x16xf32>,
        %gather3A_661 = vector.shape_cast %broadcast_in_dim3A_638 : vector<16x1xi32> to vector<16xi32>
        %gather3A_662 = tpu.dynamic_gather %get3A_14[%gather3A_661] in [0] : vector<16xf32>, vector<16xi32> -> vector<16xf32>
        %swap3A_663 = arith.constant 0 : i32
        %swap3A_664 = arith.constant 2 : i32
        %swap3A_665 = arith.index_cast %swap3A_663 : i32 to index
        %swap3A_666 = arith.index_cast %scan3A_451 : i32 to index
        %swap3A_667 = arith.index_cast %swap3A_664 : i32 to index
        %swap3A_668 = arith.constant 16 : index
        %swap3A_669 = tpu.vector_load %arg7[%swap3A_665, %swap3A_666, %swap3A_667, %swap3A_668] {strides = array<i32>} : memref<2x16x16x128xf32, #tpu.memory_space<vmem>>, vector<1x1x1x16xf32>,
        %swap3A_670 = vector.shape_cast %swap3A_669 : vector<1x1x1x16xf32> to vector<16xf32>
        %swap3A_671 = vector.shape_cast %gather3A_662 : vector<16xf32> to vector<1x1x1x16xf32>
        tpu.vector_store %arg7[%swap3A_665, %swap3A_666, %swap3A_667, %swap3A_668], %swap3A_671 {strides = array<i32>} : memref<2x16x16x128xf32, #tpu.memory_space<vmem>>, vector<1x1x1x16xf32>,
        %gather3A_672 = vector.shape_cast %broadcast_in_dim3A_638 : vector<16x1xi32> to vector<16xi32>
        %gather3A_673 = tpu.dynamic_gather %get3A_19[%gather3A_672] in [0] : vector<16xf32>, vector<16xi32> -> vector<16xf32>
        %swap3A_674 = arith.constant 0 : i32
        %swap3A_675 = arith.constant 3 : i32
        %swap3A_676 = arith.index_cast %swap3A_674 : i32 to index
        %swap3A_677 = arith.index_cast %scan3A_451 : i32 to index
        %swap3A_678 = arith.index_cast %swap3A_675 : i32 to index
        %swap3A_679 = arith.constant 16 : index
        %swap3A_680 = tpu.vector_load %arg7[%swap3A_676, %swap3A_677, %swap3A_678, %swap3A_679] {strides = array<i32>} : memref<2x16x16x128xf32, #tpu.memory_space<vmem>>, vector<1x1x1x16xf32>,
        %swap3A_681 = vector.shape_cast %swap3A_680 : vector<1x1x1x16xf32> to vector<16xf32>
        %swap3A_682 = vector.shape_cast %gather3A_673 : vector<16xf32> to vector<1x1x1x16xf32>
        tpu.vector_store %arg7[%swap3A_676, %swap3A_677, %swap3A_678, %swap3A_679], %swap3A_682 {strides = array<i32>} : memref<2x16x16x128xf32, #tpu.memory_space<vmem>>, vector<1x1x1x16xf32>,
        %gather3A_683 = vector.shape_cast %broadcast_in_dim3A_638 : vector<16x1xi32> to vector<16xi32>
        %gather3A_684 = tpu.dynamic_gather %get3A_24[%gather3A_683] in [0] : vector<16xf32>, vector<16xi32> -> vector<16xf32>
        %swap3A_685 = arith.constant 0 : i32
        %swap3A_686 = arith.constant 4 : i32
        %swap3A_687 = arith.index_cast %swap3A_685 : i32 to index
        %swap3A_688 = arith.index_cast %scan3A_451 : i32 to index
        %swap3A_689 = arith.index_cast %swap3A_686 : i32 to index
        %swap3A_690 = arith.constant 16 : index
        %swap3A_691 = tpu.vector_load %arg7[%swap3A_687, %swap3A_688, %swap3A_689, %swap3A_690] {strides = array<i32>} : memref<2x16x16x128xf32, #tpu.memory_space<vmem>>, vector<1x1x1x16xf32>,
        %swap3A_692 = vector.shape_cast %swap3A_691 : vector<1x1x1x16xf32> to vector<16xf32>
        %swap3A_693 = vector.shape_cast %gather3A_684 : vector<16xf32> to vector<1x1x1x16xf32>
        tpu.vector_store %arg7[%swap3A_687, %swap3A_688, %swap3A_689, %swap3A_690], %swap3A_693 {strides = array<i32>} : memref<2x16x16x128xf32, #tpu.memory_space<vmem>>, vector<1x1x1x16xf32>,
        %gather3A_694 = vector.shape_cast %broadcast_in_dim3A_638 : vector<16x1xi32> to vector<16xi32>
        %gather3A_695 = tpu.dynamic_gather %get3A_29[%gather3A_694] in [0] : vector<16xf32>, vector<16xi32> -> vector<16xf32>
        %swap3A_696 = arith.constant 0 : i32
        %swap3A_697 = arith.constant 5 : i32
        %swap3A_698 = arith.index_cast %swap3A_696 : i32 to index
        %swap3A_699 = arith.index_cast %scan3A_451 : i32 to index
        %swap3A_700 = arith.index_cast %swap3A_697 : i32 to index
        %swap3A_701 = arith.constant 16 : index
        %swap3A_702 = tpu.vector_load %arg7[%swap3A_698, %swap3A_699, %swap3A_700, %swap3A_701] {strides = array<i32>} : memref<2x16x16x128xf32, #tpu.memory_space<vmem>>, vector<1x1x1x16xf32>,
        %swap3A_703 = vector.shape_cast %swap3A_702 : vector<1x1x1x16xf32> to vector<16xf32>
        %swap3A_704 = vector.shape_cast %gather3A_695 : vector<16xf32> to vector<1x1x1x16xf32>
        tpu.vector_store %arg7[%swap3A_698, %swap3A_699, %swap3A_700, %swap3A_701], %swap3A_704 {strides = array<i32>} : memref<2x16x16x128xf32, #tpu.memory_space<vmem>>, vector<1x1x1x16xf32>,
        %gather3A_705 = vector.shape_cast %broadcast_in_dim3A_638 : vector<16x1xi32> to vector<16xi32>
        %gather3A_706 = tpu.dynamic_gather %get3A_34[%gather3A_705] in [0] : vector<16xf32>, vector<16xi32> -> vector<16xf32>
        %swap3A_707 = arith.constant 0 : i32
        %swap3A_708 = arith.constant 6 : i32
        %swap3A_709 = arith.index_cast %swap3A_707 : i32 to index
        %swap3A_710 = arith.index_cast %scan3A_451 : i32 to index
        %swap3A_711 = arith.index_cast %swap3A_708 : i32 to index
        %swap3A_712 = arith.constant 16 : index
        %swap3A_713 = tpu.vector_load %arg7[%swap3A_709, %swap3A_710, %swap3A_711, %swap3A_712] {strides = array<i32>} : memref<2x16x16x128xf32, #tpu.memory_space<vmem>>, vector<1x1x1x16xf32>,
        %swap3A_714 = vector.shape_cast %swap3A_713 : vector<1x1x1x16xf32> to vector<16xf32>
        %swap3A_715 = vector.shape_cast %gather3A_706 : vector<16xf32> to vector<1x1x1x16xf32>
        tpu.vector_store %arg7[%swap3A_709, %swap3A_710, %swap3A_711, %swap3A_712], %swap3A_715 {strides = array<i32>} : memref<2x16x16x128xf32, #tpu.memory_space<vmem>>, vector<1x1x1x16xf32>,
        %gather3A_716 = vector.shape_cast %broadcast_in_dim3A_638 : vector<16x1xi32> to vector<16xi32>
        %gather3A_717 = tpu.dynamic_gather %get3A_39[%gather3A_716] in [0] : vector<16xf32>, vector<16xi32> -> vector<16xf32>
        %swap3A_718 = arith.constant 0 : i32
        %swap3A_719 = arith.constant 7 : i32
        %swap3A_720 = arith.index_cast %swap3A_718 : i32 to index
        %swap3A_721 = arith.index_cast %scan3A_451 : i32 to index
        %swap3A_722 = arith.index_cast %swap3A_719 : i32 to index
        %swap3A_723 = arith.constant 16 : index
        %swap3A_724 = tpu.vector_load %arg7[%swap3A_720, %swap3A_721, %swap3A_722, %swap3A_723] {strides = array<i32>} : memref<2x16x16x128xf32, #tpu.memory_space<vmem>>, vector<1x1x1x16xf32>,
        %swap3A_725 = vector.shape_cast %swap3A_724 : vector<1x1x1x16xf32> to vector<16xf32>
        %swap3A_726 = vector.shape_cast %gather3A_717 : vector<16xf32> to vector<1x1x1x16xf32>
        tpu.vector_store %arg7[%swap3A_720, %swap3A_721, %swap3A_722, %swap3A_723], %swap3A_726 {strides = array<i32>} : memref<2x16x16x128xf32, #tpu.memory_space<vmem>>, vector<1x1x1x16xf32>,
        %gather3A_727 = vector.shape_cast %broadcast_in_dim3A_638 : vector<16x1xi32> to vector<16xi32>
        %gather3A_728 = tpu.dynamic_gather %get3A_44[%gather3A_727] in [0] : vector<16xf32>, vector<16xi32> -> vector<16xf32>
        %swap3A_729 = arith.constant 0 : i32
        %swap3A_730 = arith.constant 8 : i32
        %swap3A_731 = arith.index_cast %swap3A_729 : i32 to index
        %swap3A_732 = arith.index_cast %scan3A_451 : i32 to index
        %swap3A_733 = arith.index_cast %swap3A_730 : i32 to index
        %swap3A_734 = arith.constant 16 : index
        %swap3A_735 = tpu.vector_load %arg7[%swap3A_731, %swap3A_732, %swap3A_733, %swap3A_734] {strides = array<i32>} : memref<2x16x16x128xf32, #tpu.memory_space<vmem>>, vector<1x1x1x16xf32>,
        %swap3A_736 = vector.shape_cast %swap3A_735 : vector<1x1x1x16xf32> to vector<16xf32>
        %swap3A_737 = vector.shape_cast %gather3A_728 : vector<16xf32> to vector<1x1x1x16xf32>
        tpu.vector_store %arg7[%swap3A_731, %swap3A_732, %swap3A_733, %swap3A_734], %swap3A_737 {strides = array<i32>} : memref<2x16x16x128xf32, #tpu.memory_space<vmem>>, vector<1x1x1x16xf32>,
        %gather3A_738 = vector.shape_cast %broadcast_in_dim3A_638 : vector<16x1xi32> to vector<16xi32>
        %gather3A_739 = tpu.dynamic_gather %get3A_49[%gather3A_738] in [0] : vector<16xf32>, vector<16xi32> -> vector<16xf32>
        %swap3A_740 = arith.constant 0 : i32
        %swap3A_741 = arith.constant 9 : i32
        %swap3A_742 = arith.index_cast %swap3A_740 : i32 to index
        %swap3A_743 = arith.index_cast %scan3A_451 : i32 to index
        %swap3A_744 = arith.index_cast %swap3A_741 : i32 to index
        %swap3A_745 = arith.constant 16 : index
        %swap3A_746 = tpu.vector_load %arg7[%swap3A_742, %swap3A_743, %swap3A_744, %swap3A_745] {strides = array<i32>} : memref<2x16x16x128xf32, #tpu.memory_space<vmem>>, vector<1x1x1x16xf32>,
        %swap3A_747 = vector.shape_cast %swap3A_746 : vector<1x1x1x16xf32> to vector<16xf32>
        %swap3A_748 = vector.shape_cast %gather3A_739 : vector<16xf32> to vector<1x1x1x16xf32>
        tpu.vector_store %arg7[%swap3A_742, %swap3A_743, %swap3A_744, %swap3A_745], %swap3A_748 {strides = array<i32>} : memref<2x16x16x128xf32, #tpu.memory_space<vmem>>, vector<1x1x1x16xf32>,
        %gather3A_749 = vector.shape_cast %broadcast_in_dim3A_638 : vector<16x1xi32> to vector<16xi32>
        %gather3A_750 = tpu.dynamic_gather %get3A_54[%gather3A_749] in [0] : vector<16xf32>, vector<16xi32> -> vector<16xf32>
        %swap3A_751 = arith.constant 0 : i32
        %swap3A_752 = arith.constant 10 : i32
        %swap3A_753 = arith.index_cast %swap3A_751 : i32 to index
        %swap3A_754 = arith.index_cast %scan3A_451 : i32 to index
        %swap3A_755 = arith.index_cast %swap3A_752 : i32 to index
        %swap3A_756 = arith.constant 16 : index
        %swap3A_757 = tpu.vector_load %arg7[%swap3A_753, %swap3A_754, %swap3A_755, %swap3A_756] {strides = array<i32>} : memref<2x16x16x128xf32, #tpu.memory_space<vmem>>, vector<1x1x1x16xf32>,
        %swap3A_758 = vector.shape_cast %swap3A_757 : vector<1x1x1x16xf32> to vector<16xf32>
        %swap3A_759 = vector.shape_cast %gather3A_750 : vector<16xf32> to vector<1x1x1x16xf32>
        tpu.vector_store %arg7[%swap3A_753, %swap3A_754, %swap3A_755, %swap3A_756], %swap3A_759 {strides = array<i32>} : memref<2x16x16x128xf32, #tpu.memory_space<vmem>>, vector<1x1x1x16xf32>,
        %gather3A_760 = vector.shape_cast %broadcast_in_dim3A_638 : vector<16x1xi32> to vector<16xi32>
        %gather3A_761 = tpu.dynamic_gather %get3A_59[%gather3A_760] in [0] : vector<16xf32>, vector<16xi32> -> vector<16xf32>
        %swap3A_762 = arith.constant 0 : i32
        %swap3A_763 = arith.constant 11 : i32
        %swap3A_764 = arith.index_cast %swap3A_762 : i32 to index
        %swap3A_765 = arith.index_cast %scan3A_451 : i32 to index
        %swap3A_766 = arith.index_cast %swap3A_763 : i32 to index
        %swap3A_767 = arith.constant 16 : index
        %swap3A_768 = tpu.vector_load %arg7[%swap3A_764, %swap3A_765, %swap3A_766, %swap3A_767] {strides = array<i32>} : memref<2x16x16x128xf32, #tpu.memory_space<vmem>>, vector<1x1x1x16xf32>,
        %swap3A_769 = vector.shape_cast %swap3A_768 : vector<1x1x1x16xf32> to vector<16xf32>
        %swap3A_770 = vector.shape_cast %gather3A_761 : vector<16xf32> to vector<1x1x1x16xf32>
        tpu.vector_store %arg7[%swap3A_764, %swap3A_765, %swap3A_766, %swap3A_767], %swap3A_770 {strides = array<i32>} : memref<2x16x16x128xf32, #tpu.memory_space<vmem>>, vector<1x1x1x16xf32>,
        %gather3A_771 = vector.shape_cast %broadcast_in_dim3A_638 : vector<16x1xi32> to vector<16xi32>
        %gather3A_772 = tpu.dynamic_gather %get3A_64[%gather3A_771] in [0] : vector<16xf32>, vector<16xi32> -> vector<16xf32>
        %swap3A_773 = arith.constant 0 : i32
        %swap3A_774 = arith.constant 12 : i32
        %swap3A_775 = arith.index_cast %swap3A_773 : i32 to index
        %swap3A_776 = arith.index_cast %scan3A_451 : i32 to index
        %swap3A_777 = arith.index_cast %swap3A_774 : i32 to index
        %swap3A_778 = arith.constant 16 : index
        %swap3A_779 = tpu.vector_load %arg7[%swap3A_775, %swap3A_776, %swap3A_777, %swap3A_778] {strides = array<i32>} : memref<2x16x16x128xf32, #tpu.memory_space<vmem>>, vector<1x1x1x16xf32>,
        %swap3A_780 = vector.shape_cast %swap3A_779 : vector<1x1x1x16xf32> to vector<16xf32>
        %swap3A_781 = vector.shape_cast %gather3A_772 : vector<16xf32> to vector<1x1x1x16xf32>
        tpu.vector_store %arg7[%swap3A_775, %swap3A_776, %swap3A_777, %swap3A_778], %swap3A_781 {strides = array<i32>} : memref<2x16x16x128xf32, #tpu.memory_space<vmem>>, vector<1x1x1x16xf32>,
        %gather3A_782 = vector.shape_cast %broadcast_in_dim3A_638 : vector<16x1xi32> to vector<16xi32>
        %gather3A_783 = tpu.dynamic_gather %get3A_69[%gather3A_782] in [0] : vector<16xf32>, vector<16xi32> -> vector<16xf32>
        %swap3A_784 = arith.constant 0 : i32
        %swap3A_785 = arith.constant 13 : i32
        %swap3A_786 = arith.index_cast %swap3A_784 : i32 to index
        %swap3A_787 = arith.index_cast %scan3A_451 : i32 to index
        %swap3A_788 = arith.index_cast %swap3A_785 : i32 to index
        %swap3A_789 = arith.constant 16 : index
        %swap3A_790 = tpu.vector_load %arg7[%swap3A_786, %swap3A_787, %swap3A_788, %swap3A_789] {strides = array<i32>} : memref<2x16x16x128xf32, #tpu.memory_space<vmem>>, vector<1x1x1x16xf32>,
        %swap3A_791 = vector.shape_cast %swap3A_790 : vector<1x1x1x16xf32> to vector<16xf32>
        %swap3A_792 = vector.shape_cast %gather3A_783 : vector<16xf32> to vector<1x1x1x16xf32>
        tpu.vector_store %arg7[%swap3A_786, %swap3A_787, %swap3A_788, %swap3A_789], %swap3A_792 {strides = array<i32>} : memref<2x16x16x128xf32, #tpu.memory_space<vmem>>, vector<1x1x1x16xf32>,
        %gather3A_793 = vector.shape_cast %broadcast_in_dim3A_638 : vector<16x1xi32> to vector<16xi32>
        %gather3A_794 = tpu.dynamic_gather %get3A_74[%gather3A_793] in [0] : vector<16xf32>, vector<16xi32> -> vector<16xf32>
        %swap3A_795 = arith.constant 0 : i32
        %swap3A_796 = arith.constant 14 : i32
        %swap3A_797 = arith.index_cast %swap3A_795 : i32 to index
        %swap3A_798 = arith.index_cast %scan3A_451 : i32 to index
        %swap3A_799 = arith.index_cast %swap3A_796 : i32 to index
        %swap3A_800 = arith.constant 16 : index
        %swap3A_801 = tpu.vector_load %arg7[%swap3A_797, %swap3A_798, %swap3A_799, %swap3A_800] {strides = array<i32>} : memref<2x16x16x128xf32, #tpu.memory_space<vmem>>, vector<1x1x1x16xf32>,
        %swap3A_802 = vector.shape_cast %swap3A_801 : vector<1x1x1x16xf32> to vector<16xf32>
        %swap3A_803 = vector.shape_cast %gather3A_794 : vector<16xf32> to vector<1x1x1x16xf32>
        tpu.vector_store %arg7[%swap3A_797, %swap3A_798, %swap3A_799, %swap3A_800], %swap3A_803 {strides = array<i32>} : memref<2x16x16x128xf32, #tpu.memory_space<vmem>>, vector<1x1x1x16xf32>,
        %gather3A_804 = vector.shape_cast %broadcast_in_dim3A_638 : vector<16x1xi32> to vector<16xi32>
        %gather3A_805 = tpu.dynamic_gather %get3A_79[%gather3A_804] in [0] : vector<16xf32>, vector<16xi32> -> vector<16xf32>
        %swap3A_806 = arith.constant 0 : i32
        %swap3A_807 = arith.constant 15 : i32
        %swap3A_808 = arith.index_cast %swap3A_806 : i32 to index
        %swap3A_809 = arith.index_cast %scan3A_451 : i32 to index
        %swap3A_810 = arith.index_cast %swap3A_807 : i32 to index
        %swap3A_811 = arith.constant 16 : index
        %swap3A_812 = tpu.vector_load %arg7[%swap3A_808, %swap3A_809, %swap3A_810, %swap3A_811] {strides = array<i32>} : memref<2x16x16x128xf32, #tpu.memory_space<vmem>>, vector<1x1x1x16xf32>,
        %swap3A_813 = vector.shape_cast %swap3A_812 : vector<1x1x1x16xf32> to vector<16xf32>
        %swap3A_814 = vector.shape_cast %gather3A_805 : vector<16xf32> to vector<1x1x1x16xf32>
        tpu.vector_store %arg7[%swap3A_808, %swap3A_809, %swap3A_810, %swap3A_811], %swap3A_814 {strides = array<i32>} : memref<2x16x16x128xf32, #tpu.memory_space<vmem>>, vector<1x1x1x16xf32>,
        %get3A_815 = arith.constant 0 : i32
        %get3A_816 = arith.index_cast %get3A_815 : i32 to index
        %get3A_817 = arith.index_cast %scan3A_451 : i32 to index
        %get3A_818 = arith.constant 32 : index
        %get3A_819 = tpu.vector_load %arg6[%get3A_816, %get3A_817, %get3A_818] {strides = array<i32>} : memref<2x16x128xi32, #tpu.memory_space<vmem>>, vector<1x1x16xi32>,
        %get3A_820 = vector.shape_cast %get3A_819 : vector<1x1x16xi32> to vector<16xi32>
        %broadcast_in_dim3A_821 = vector.shape_cast %get3A_820 : vector<16xi32> to vector<16x1xi32>
        %gather3A_822 = vector.shape_cast %broadcast_in_dim3A_821 : vector<16x1xi32> to vector<16xi32>
        %gather3A_823 = tpu.dynamic_gather %get3A_4[%gather3A_822] in [0] : vector<16xf32>, vector<16xi32> -> vector<16xf32>
        %swap3A_824 = arith.constant 0 : i32
        %swap3A_825 = arith.constant 0 : i32
        %swap3A_826 = arith.index_cast %swap3A_824 : i32 to index
        %swap3A_827 = arith.index_cast %scan3A_451 : i32 to index
        %swap3A_828 = arith.index_cast %swap3A_825 : i32 to index
        %swap3A_829 = arith.constant 32 : index
        %swap3A_830 = tpu.vector_load %arg7[%swap3A_826, %swap3A_827, %swap3A_828, %swap3A_829] {strides = array<i32>} : memref<2x16x16x128xf32, #tpu.memory_space<vmem>>, vector<1x1x1x16xf32>,
        %swap3A_831 = vector.shape_cast %swap3A_830 : vector<1x1x1x16xf32> to vector<16xf32>
        %swap3A_832 = vector.shape_cast %gather3A_823 : vector<16xf32> to vector<1x1x1x16xf32>
        tpu.vector_store %arg7[%swap3A_826, %swap3A_827, %swap3A_828, %swap3A_829], %swap3A_832 {strides = array<i32>} : memref<2x16x16x128xf32, #tpu.memory_space<vmem>>, vector<1x1x1x16xf32>,
        %gather3A_833 = vector.shape_cast %broadcast_in_dim3A_821 : vector<16x1xi32> to vector<16xi32>
        %gather3A_834 = tpu.dynamic_gather %get3A_9[%gather3A_833] in [0] : vector<16xf32>, vector<16xi32> -> vector<16xf32>
        %swap3A_835 = arith.constant 0 : i32
        %swap3A_836 = arith.constant 1 : i32
        %swap3A_837 = arith.index_cast %swap3A_835 : i32 to index
        %swap3A_838 = arith.index_cast %scan3A_451 : i32 to index
        %swap3A_839 = arith.index_cast %swap3A_836 : i32 to index
        %swap3A_840 = arith.constant 32 : index
        %swap3A_841 = tpu.vector_load %arg7[%swap3A_837, %swap3A_838, %swap3A_839, %swap3A_840] {strides = array<i32>} : memref<2x16x16x128xf32, #tpu.memory_space<vmem>>, vector<1x1x1x16xf32>,
        %swap3A_842 = vector.shape_cast %swap3A_841 : vector<1x1x1x16xf32> to vector<16xf32>
        %swap3A_843 = vector.shape_cast %gather3A_834 : vector<16xf32> to vector<1x1x1x16xf32>
        tpu.vector_store %arg7[%swap3A_837, %swap3A_838, %swap3A_839, %swap3A_840], %swap3A_843 {strides = array<i32>} : memref<2x16x16x128xf32, #tpu.memory_space<vmem>>, vector<1x1x1x16xf32>,
        %gather3A_844 = vector.shape_cast %broadcast_in_dim3A_821 : vector<16x1xi32> to vector<16xi32>
        %gather3A_845 = tpu.dynamic_gather %get3A_14[%gather3A_844] in [0] : vector<16xf32>, vector<16xi32> -> vector<16xf32>
        %swap3A_846 = arith.constant 0 : i32
        %swap3A_847 = arith.constant 2 : i32
        %swap3A_848 = arith.index_cast %swap3A_846 : i32 to index
        %swap3A_849 = arith.index_cast %scan3A_451 : i32 to index
        %swap3A_850 = arith.index_cast %swap3A_847 : i32 to index
        %swap3A_851 = arith.constant 32 : index
        %swap3A_852 = tpu.vector_load %arg7[%swap3A_848, %swap3A_849, %swap3A_850, %swap3A_851] {strides = array<i32>} : memref<2x16x16x128xf32, #tpu.memory_space<vmem>>, vector<1x1x1x16xf32>,
        %swap3A_853 = vector.shape_cast %swap3A_852 : vector<1x1x1x16xf32> to vector<16xf32>
        %swap3A_854 = vector.shape_cast %gather3A_845 : vector<16xf32> to vector<1x1x1x16xf32>
        tpu.vector_store %arg7[%swap3A_848, %swap3A_849, %swap3A_850, %swap3A_851], %swap3A_854 {strides = array<i32>} : memref<2x16x16x128xf32, #tpu.memory_space<vmem>>, vector<1x1x1x16xf32>,
        %gather3A_855 = vector.shape_cast %broadcast_in_dim3A_821 : vector<16x1xi32> to vector<16xi32>
        %gather3A_856 = tpu.dynamic_gather %get3A_19[%gather3A_855] in [0] : vector<16xf32>, vector<16xi32> -> vector<16xf32>
        %swap3A_857 = arith.constant 0 : i32
        %swap3A_858 = arith.constant 3 : i32
        %swap3A_859 = arith.index_cast %swap3A_857 : i32 to index
        %swap3A_860 = arith.index_cast %scan3A_451 : i32 to index
        %swap3A_861 = arith.index_cast %swap3A_858 : i32 to index
        %swap3A_862 = arith.constant 32 : index
        %swap3A_863 = tpu.vector_load %arg7[%swap3A_859, %swap3A_860, %swap3A_861, %swap3A_862] {strides = array<i32>} : memref<2x16x16x128xf32, #tpu.memory_space<vmem>>, vector<1x1x1x16xf32>,
        %swap3A_864 = vector.shape_cast %swap3A_863 : vector<1x1x1x16xf32> to vector<16xf32>
        %swap3A_865 = vector.shape_cast %gather3A_856 : vector<16xf32> to vector<1x1x1x16xf32>
        tpu.vector_store %arg7[%swap3A_859, %swap3A_860, %swap3A_861, %swap3A_862], %swap3A_865 {strides = array<i32>} : memref<2x16x16x128xf32, #tpu.memory_space<vmem>>, vector<1x1x1x16xf32>,
        %gather3A_866 = vector.shape_cast %broadcast_in_dim3A_821 : vector<16x1xi32> to vector<16xi32>
        %gather3A_867 = tpu.dynamic_gather %get3A_24[%gather3A_866] in [0] : vector<16xf32>, vector<16xi32> -> vector<16xf32>
        %swap3A_868 = arith.constant 0 : i32
        %swap3A_869 = arith.constant 4 : i32
        %swap3A_870 = arith.index_cast %swap3A_868 : i32 to index
        %swap3A_871 = arith.index_cast %scan3A_451 : i32 to index
        %swap3A_872 = arith.index_cast %swap3A_869 : i32 to index
        %swap3A_873 = arith.constant 32 : index
        %swap3A_874 = tpu.vector_load %arg7[%swap3A_870, %swap3A_871, %swap3A_872, %swap3A_873] {strides = array<i32>} : memref<2x16x16x128xf32, #tpu.memory_space<vmem>>, vector<1x1x1x16xf32>,
        %swap3A_875 = vector.shape_cast %swap3A_874 : vector<1x1x1x16xf32> to vector<16xf32>
        %swap3A_876 = vector.shape_cast %gather3A_867 : vector<16xf32> to vector<1x1x1x16xf32>
        tpu.vector_store %arg7[%swap3A_870, %swap3A_871, %swap3A_872, %swap3A_873], %swap3A_876 {strides = array<i32>} : memref<2x16x16x128xf32, #tpu.memory_space<vmem>>, vector<1x1x1x16xf32>,
        %gather3A_877 = vector.shape_cast %broadcast_in_dim3A_821 : vector<16x1xi32> to vector<16xi32>
        %gather3A_878 = tpu.dynamic_gather %get3A_29[%gather3A_877] in [0] : vector<16xf32>, vector<16xi32> -> vector<16xf32>
        %swap3A_879 = arith.constant 0 : i32
        %swap3A_880 = arith.constant 5 : i32
        %swap3A_881 = arith.index_cast %swap3A_879 : i32 to index
        %swap3A_882 = arith.index_cast %scan3A_451 : i32 to index
        %swap3A_883 = arith.index_cast %swap3A_880 : i32 to index
        %swap3A_884 = arith.constant 32 : index
        %swap3A_885 = tpu.vector_load %arg7[%swap3A_881, %swap3A_882, %swap3A_883, %swap3A_884] {strides = array<i32>} : memref<2x16x16x128xf32, #tpu.memory_space<vmem>>, vector<1x1x1x16xf32>,
        %swap3A_886 = vector.shape_cast %swap3A_885 : vector<1x1x1x16xf32> to vector<16xf32>
        %swap3A_887 = vector.shape_cast %gather3A_878 : vector<16xf32> to vector<1x1x1x16xf32>
        tpu.vector_store %arg7[%swap3A_881, %swap3A_882, %swap3A_883, %swap3A_884], %swap3A_887 {strides = array<i32>} : memref<2x16x16x128xf32, #tpu.memory_space<vmem>>, vector<1x1x1x16xf32>,
        %gather3A_888 = vector.shape_cast %broadcast_in_dim3A_821 : vector<16x1xi32> to vector<16xi32>
        %gather3A_889 = tpu.dynamic_gather %get3A_34[%gather3A_888] in [0] : vector<16xf32>, vector<16xi32> -> vector<16xf32>
        %swap3A_890 = arith.constant 0 : i32
        %swap3A_891 = arith.constant 6 : i32
        %swap3A_892 = arith.index_cast %swap3A_890 : i32 to index
        %swap3A_893 = arith.index_cast %scan3A_451 : i32 to index
        %swap3A_894 = arith.index_cast %swap3A_891 : i32 to index
        %swap3A_895 = arith.constant 32 : index
        %swap3A_896 = tpu.vector_load %arg7[%swap3A_892, %swap3A_893, %swap3A_894, %swap3A_895] {strides = array<i32>} : memref<2x16x16x128xf32, #tpu.memory_space<vmem>>, vector<1x1x1x16xf32>,
        %swap3A_897 = vector.shape_cast %swap3A_896 : vector<1x1x1x16xf32> to vector<16xf32>
        %swap3A_898 = vector.shape_cast %gather3A_889 : vector<16xf32> to vector<1x1x1x16xf32>
        tpu.vector_store %arg7[%swap3A_892, %swap3A_893, %swap3A_894, %swap3A_895], %swap3A_898 {strides = array<i32>} : memref<2x16x16x128xf32, #tpu.memory_space<vmem>>, vector<1x1x1x16xf32>,
        %gather3A_899 = vector.shape_cast %broadcast_in_dim3A_821 : vector<16x1xi32> to vector<16xi32>
        %gather3A_900 = tpu.dynamic_gather %get3A_39[%gather3A_899] in [0] : vector<16xf32>, vector<16xi32> -> vector<16xf32>
        %swap3A_901 = arith.constant 0 : i32
        %swap3A_902 = arith.constant 7 : i32
        %swap3A_903 = arith.index_cast %swap3A_901 : i32 to index
        %swap3A_904 = arith.index_cast %scan3A_451 : i32 to index
        %swap3A_905 = arith.index_cast %swap3A_902 : i32 to index
        %swap3A_906 = arith.constant 32 : index
        %swap3A_907 = tpu.vector_load %arg7[%swap3A_903, %swap3A_904, %swap3A_905, %swap3A_906] {strides = array<i32>} : memref<2x16x16x128xf32, #tpu.memory_space<vmem>>, vector<1x1x1x16xf32>,
        %swap3A_908 = vector.shape_cast %swap3A_907 : vector<1x1x1x16xf32> to vector<16xf32>
        %swap3A_909 = vector.shape_cast %gather3A_900 : vector<16xf32> to vector<1x1x1x16xf32>
        tpu.vector_store %arg7[%swap3A_903, %swap3A_904, %swap3A_905, %swap3A_906], %swap3A_909 {strides = array<i32>} : memref<2x16x16x128xf32, #tpu.memory_space<vmem>>, vector<1x1x1x16xf32>,
        %gather3A_910 = vector.shape_cast %broadcast_in_dim3A_821 : vector<16x1xi32> to vector<16xi32>
        %gather3A_911 = tpu.dynamic_gather %get3A_44[%gather3A_910] in [0] : vector<16xf32>, vector<16xi32> -> vector<16xf32>
        %swap3A_912 = arith.constant 0 : i32
        %swap3A_913 = arith.constant 8 : i32
        %swap3A_914 = arith.index_cast %swap3A_912 : i32 to index
        %swap3A_915 = arith.index_cast %scan3A_451 : i32 to index
        %swap3A_916 = arith.index_cast %swap3A_913 : i32 to index
        %swap3A_917 = arith.constant 32 : index
        %swap3A_918 = tpu.vector_load %arg7[%swap3A_914, %swap3A_915, %swap3A_916, %swap3A_917] {strides = array<i32>} : memref<2x16x16x128xf32, #tpu.memory_space<vmem>>, vector<1x1x1x16xf32>,
        %swap3A_919 = vector.shape_cast %swap3A_918 : vector<1x1x1x16xf32> to vector<16xf32>
        %swap3A_920 = vector.shape_cast %gather3A_911 : vector<16xf32> to vector<1x1x1x16xf32>
        tpu.vector_store %arg7[%swap3A_914, %swap3A_915, %swap3A_916, %swap3A_917], %swap3A_920 {strides = array<i32>} : memref<2x16x16x128xf32, #tpu.memory_space<vmem>>, vector<1x1x1x16xf32>,
        %gather3A_921 = vector.shape_cast %broadcast_in_dim3A_821 : vector<16x1xi32> to vector<16xi32>
        %gather3A_922 = tpu.dynamic_gather %get3A_49[%gather3A_921] in [0] : vector<16xf32>, vector<16xi32> -> vector<16xf32>
        %swap3A_923 = arith.constant 0 : i32
        %swap3A_924 = arith.constant 9 : i32
        %swap3A_925 = arith.index_cast %swap3A_923 : i32 to index
        %swap3A_926 = arith.index_cast %scan3A_451 : i32 to index
        %swap3A_927 = arith.index_cast %swap3A_924 : i32 to index
        %swap3A_928 = arith.constant 32 : index
        %swap3A_929 = tpu.vector_load %arg7[%swap3A_925, %swap3A_926, %swap3A_927, %swap3A_928] {strides = array<i32>} : memref<2x16x16x128xf32, #tpu.memory_space<vmem>>, vector<1x1x1x16xf32>,
        %swap3A_930 = vector.shape_cast %swap3A_929 : vector<1x1x1x16xf32> to vector<16xf32>
        %swap3A_931 = vector.shape_cast %gather3A_922 : vector<16xf32> to vector<1x1x1x16xf32>
        tpu.vector_store %arg7[%swap3A_925, %swap3A_926, %swap3A_927, %swap3A_928], %swap3A_931 {strides = array<i32>} : memref<2x16x16x128xf32, #tpu.memory_space<vmem>>, vector<1x1x1x16xf32>,
        %gather3A_932 = vector.shape_cast %broadcast_in_dim3A_821 : vector<16x1xi32> to vector<16xi32>
        %gather3A_933 = tpu.dynamic_gather %get3A_54[%gather3A_932] in [0] : vector<16xf32>, vector<16xi32> -> vector<16xf32>
        %swap3A_934 = arith.constant 0 : i32
        %swap3A_935 = arith.constant 10 : i32
        %swap3A_936 = arith.index_cast %swap3A_934 : i32 to index
        %swap3A_937 = arith.index_cast %scan3A_451 : i32 to index
        %swap3A_938 = arith.index_cast %swap3A_935 : i32 to index
        %swap3A_939 = arith.constant 32 : index
        %swap3A_940 = tpu.vector_load %arg7[%swap3A_936, %swap3A_937, %swap3A_938, %swap3A_939] {strides = array<i32>} : memref<2x16x16x128xf32, #tpu.memory_space<vmem>>, vector<1x1x1x16xf32>,
        %swap3A_941 = vector.shape_cast %swap3A_940 : vector<1x1x1x16xf32> to vector<16xf32>
        %swap3A_942 = vector.shape_cast %gather3A_933 : vector<16xf32> to vector<1x1x1x16xf32>
        tpu.vector_store %arg7[%swap3A_936, %swap3A_937, %swap3A_938, %swap3A_939], %swap3A_942 {strides = array<i32>} : memref<2x16x16x128xf32, #tpu.memory_space<vmem>>, vector<1x1x1x16xf32>,
        %gather3A_943 = vector.shape_cast %broadcast_in_dim3A_821 : vector<16x1xi32> to vector<16xi32>
        %gather3A_944 = tpu.dynamic_gather %get3A_59[%gather3A_943] in [0] : vector<16xf32>, vector<16xi32> -> vector<16xf32>
        %swap3A_945 = arith.constant 0 : i32
        %swap3A_946 = arith.constant 11 : i32
        %swap3A_947 = arith.index_cast %swap3A_945 : i32 to index
        %swap3A_948 = arith.index_cast %scan3A_451 : i32 to index
        %swap3A_949 = arith.index_cast %swap3A_946 : i32 to index
        %swap3A_950 = arith.constant 32 : index
        %swap3A_951 = tpu.vector_load %arg7[%swap3A_947, %swap3A_948, %swap3A_949, %swap3A_950] {strides = array<i32>} : memref<2x16x16x128xf32, #tpu.memory_space<vmem>>, vector<1x1x1x16xf32>,
        %swap3A_952 = vector.shape_cast %swap3A_951 : vector<1x1x1x16xf32> to vector<16xf32>
        %swap3A_953 = vector.shape_cast %gather3A_944 : vector<16xf32> to vector<1x1x1x16xf32>
        tpu.vector_store %arg7[%swap3A_947, %swap3A_948, %swap3A_949, %swap3A_950], %swap3A_953 {strides = array<i32>} : memref<2x16x16x128xf32, #tpu.memory_space<vmem>>, vector<1x1x1x16xf32>,
        %gather3A_954 = vector.shape_cast %broadcast_in_dim3A_821 : vector<16x1xi32> to vector<16xi32>
        %gather3A_955 = tpu.dynamic_gather %get3A_64[%gather3A_954] in [0] : vector<16xf32>, vector<16xi32> -> vector<16xf32>
        %swap3A_956 = arith.constant 0 : i32
        %swap3A_957 = arith.constant 12 : i32
        %swap3A_958 = arith.index_cast %swap3A_956 : i32 to index
        %swap3A_959 = arith.index_cast %scan3A_451 : i32 to index
        %swap3A_960 = arith.index_cast %swap3A_957 : i32 to index
        %swap3A_961 = arith.constant 32 : index
        %swap3A_962 = tpu.vector_load %arg7[%swap3A_958, %swap3A_959, %swap3A_960, %swap3A_961] {strides = array<i32>} : memref<2x16x16x128xf32, #tpu.memory_space<vmem>>, vector<1x1x1x16xf32>,
        %swap3A_963 = vector.shape_cast %swap3A_962 : vector<1x1x1x16xf32> to vector<16xf32>
        %swap3A_964 = vector.shape_cast %gather3A_955 : vector<16xf32> to vector<1x1x1x16xf32>
        tpu.vector_store %arg7[%swap3A_958, %swap3A_959, %swap3A_960, %swap3A_961], %swap3A_964 {strides = array<i32>} : memref<2x16x16x128xf32, #tpu.memory_space<vmem>>, vector<1x1x1x16xf32>,
        %gather3A_965 = vector.shape_cast %broadcast_in_dim3A_821 : vector<16x1xi32> to vector<16xi32>
        %gather3A_966 = tpu.dynamic_gather %get3A_69[%gather3A_965] in [0] : vector<16xf32>, vector<16xi32> -> vector<16xf32>
        %swap3A_967 = arith.constant 0 : i32
        %swap3A_968 = arith.constant 13 : i32
        %swap3A_969 = arith.index_cast %swap3A_967 : i32 to index
        %swap3A_970 = arith.index_cast %scan3A_451 : i32 to index
        %swap3A_971 = arith.index_cast %swap3A_968 : i32 to index
        %swap3A_972 = arith.constant 32 : index
        %swap3A_973 = tpu.vector_load %arg7[%swap3A_969, %swap3A_970, %swap3A_971, %swap3A_972] {strides = array<i32>} : memref<2x16x16x128xf32, #tpu.memory_space<vmem>>, vector<1x1x1x16xf32>,
        %swap3A_974 = vector.shape_cast %swap3A_973 : vector<1x1x1x16xf32> to vector<16xf32>
        %swap3A_975 = vector.shape_cast %gather3A_966 : vector<16xf32> to vector<1x1x1x16xf32>
        tpu.vector_store %arg7[%swap3A_969, %swap3A_970, %swap3A_971, %swap3A_972], %swap3A_975 {strides = array<i32>} : memref<2x16x16x128xf32, #tpu.memory_space<vmem>>, vector<1x1x1x16xf32>,
        %gather3A_976 = vector.shape_cast %broadcast_in_dim3A_821 : vector<16x1xi32> to vector<16xi32>
        %gather3A_977 = tpu.dynamic_gather %get3A_74[%gather3A_976] in [0] : vector<16xf32>, vector<16xi32> -> vector<16xf32>
        %swap3A_978 = arith.constant 0 : i32
        %swap3A_979 = arith.constant 14 : i32
        %swap3A_980 = arith.index_cast %swap3A_978 : i32 to index
        %swap3A_981 = arith.index_cast %scan3A_451 : i32 to index
        %swap3A_982 = arith.index_cast %swap3A_979 : i32 to index
        %swap3A_983 = arith.constant 32 : index
        %swap3A_984 = tpu.vector_load %arg7[%swap3A_980, %swap3A_981, %swap3A_982, %swap3A_983] {strides = array<i32>} : memref<2x16x16x128xf32, #tpu.memory_space<vmem>>, vector<1x1x1x16xf32>,
        %swap3A_985 = vector.shape_cast %swap3A_984 : vector<1x1x1x16xf32> to vector<16xf32>
        %swap3A_986 = vector.shape_cast %gather3A_977 : vector<16xf32> to vector<1x1x1x16xf32>
        tpu.vector_store %arg7[%swap3A_980, %swap3A_981, %swap3A_982, %swap3A_983], %swap3A_986 {strides = array<i32>} : memref<2x16x16x128xf32, #tpu.memory_space<vmem>>, vector<1x1x1x16xf32>,
        %gather3A_987 = vector.shape_cast %broadcast_in_dim3A_821 : vector<16x1xi32> to vector<16xi32>
        %gather3A_988 = tpu.dynamic_gather %get3A_79[%gather3A_987] in [0] : vector<16xf32>, vector<16xi32> -> vector<16xf32>
        %swap3A_989 = arith.constant 0 : i32
        %swap3A_990 = arith.constant 15 : i32
        %swap3A_991 = arith.index_cast %swap3A_989 : i32 to index
        %swap3A_992 = arith.index_cast %scan3A_451 : i32 to index
        %swap3A_993 = arith.index_cast %swap3A_990 : i32 to index
        %swap3A_994 = arith.constant 32 : index
        %swap3A_995 = tpu.vector_load %arg7[%swap3A_991, %swap3A_992, %swap3A_993, %swap3A_994] {strides = array<i32>} : memref<2x16x16x128xf32, #tpu.memory_space<vmem>>, vector<1x1x1x16xf32>,
        %swap3A_996 = vector.shape_cast %swap3A_995 : vector<1x1x1x16xf32> to vector<16xf32>
        %swap3A_997 = vector.shape_cast %gather3A_988 : vector<16xf32> to vector<1x1x1x16xf32>
        tpu.vector_store %arg7[%swap3A_991, %swap3A_992, %swap3A_993, %swap3A_994], %swap3A_997 {strides = array<i32>} : memref<2x16x16x128xf32, #tpu.memory_space<vmem>>, vector<1x1x1x16xf32>,
        %get3A_998 = arith.constant 0 : i32
        %get3A_999 = arith.index_cast %get3A_998 : i32 to index
        %get3A_1000 = arith.index_cast %scan3A_451 : i32 to index
        %get3A_1001 = arith.constant 48 : index
        %get3A_1002 = tpu.vector_load %arg6[%get3A_999, %get3A_1000, %get3A_1001] {strides = array<i32>} : memref<2x16x128xi32, #tpu.memory_space<vmem>>, vector<1x1x16xi32>,
        %get3A_1003 = vector.shape_cast %get3A_1002 : vector<1x1x16xi32> to vector<16xi32>
        %broadcast_in_dim3A_1004 = vector.shape_cast %get3A_1003 : vector<16xi32> to vector<16x1xi32>
        %gather3A_1005 = vector.shape_cast %broadcast_in_dim3A_1004 : vector<16x1xi32> to vector<16xi32>
        %gather3A_1006 = tpu.dynamic_gather %get3A_4[%gather3A_1005] in [0] : vector<16xf32>, vector<16xi32> -> vector<16xf32>
        %swap3A_1007 = arith.constant 0 : i32
        %swap3A_1008 = arith.constant 0 : i32
        %swap3A_1009 = arith.index_cast %swap3A_1007 : i32 to index
        %swap3A_1010 = arith.index_cast %scan3A_451 : i32 to index
        %swap3A_1011 = arith.index_cast %swap3A_1008 : i32 to index
        %swap3A_1012 = arith.constant 48 : index
        %swap3A_1013 = tpu.vector_load %arg7[%swap3A_1009, %swap3A_1010, %swap3A_1011, %swap3A_1012] {strides = array<i32>} : memref<2x16x16x128xf32, #tpu.memory_space<vmem>>, vector<1x1x1x16xf32>,
        %swap3A_1014 = vector.shape_cast %swap3A_1013 : vector<1x1x1x16xf32> to vector<16xf32>
        %swap3A_1015 = vector.shape_cast %gather3A_1006 : vector<16xf32> to vector<1x1x1x16xf32>
        tpu.vector_store %arg7[%swap3A_1009, %swap3A_1010, %swap3A_1011, %swap3A_1012], %swap3A_1015 {strides = array<i32>} : memref<2x16x16x128xf32, #tpu.memory_space<vmem>>, vector<1x1x1x16xf32>,
        %gather3A_1016 = vector.shape_cast %broadcast_in_dim3A_1004 : vector<16x1xi32> to vector<16xi32>
        %gather3A_1017 = tpu.dynamic_gather %get3A_9[%gather3A_1016] in [0] : vector<16xf32>, vector<16xi32> -> vector<16xf32>
        %swap3A_1018 = arith.constant 0 : i32
        %swap3A_1019 = arith.constant 1 : i32
        %swap3A_1020 = arith.index_cast %swap3A_1018 : i32 to index
        %swap3A_1021 = arith.index_cast %scan3A_451 : i32 to index
        %swap3A_1022 = arith.index_cast %swap3A_1019 : i32 to index
        %swap3A_1023 = arith.constant 48 : index
        %swap3A_1024 = tpu.vector_load %arg7[%swap3A_1020, %swap3A_1021, %swap3A_1022, %swap3A_1023] {strides = array<i32>} : memref<2x16x16x128xf32, #tpu.memory_space<vmem>>, vector<1x1x1x16xf32>,
        %swap3A_1025 = vector.shape_cast %swap3A_1024 : vector<1x1x1x16xf32> to vector<16xf32>
        %swap3A_1026 = vector.shape_cast %gather3A_1017 : vector<16xf32> to vector<1x1x1x16xf32>
        tpu.vector_store %arg7[%swap3A_1020, %swap3A_1021, %swap3A_1022, %swap3A_1023], %swap3A_1026 {strides = array<i32>} : memref<2x16x16x128xf32, #tpu.memory_space<vmem>>, vector<1x1x1x16xf32>,
        %gather3A_1027 = vector.shape_cast %broadcast_in_dim3A_1004 : vector<16x1xi32> to vector<16xi32>
        %gather3A_1028 = tpu.dynamic_gather %get3A_14[%gather3A_1027] in [0] : vector<16xf32>, vector<16xi32> -> vector<16xf32>
        %swap3A_1029 = arith.constant 0 : i32
        %swap3A_1030 = arith.constant 2 : i32
        %swap3A_1031 = arith.index_cast %swap3A_1029 : i32 to index
        %swap3A_1032 = arith.index_cast %scan3A_451 : i32 to index
        %swap3A_1033 = arith.index_cast %swap3A_1030 : i32 to index
        %swap3A_1034 = arith.constant 48 : index
        %swap3A_1035 = tpu.vector_load %arg7[%swap3A_1031, %swap3A_1032, %swap3A_1033, %swap3A_1034] {strides = array<i32>} : memref<2x16x16x128xf32, #tpu.memory_space<vmem>>, vector<1x1x1x16xf32>,
        %swap3A_1036 = vector.shape_cast %swap3A_1035 : vector<1x1x1x16xf32> to vector<16xf32>
        %swap3A_1037 = vector.shape_cast %gather3A_1028 : vector<16xf32> to vector<1x1x1x16xf32>
        tpu.vector_store %arg7[%swap3A_1031, %swap3A_1032, %swap3A_1033, %swap3A_1034], %swap3A_1037 {strides = array<i32>} : memref<2x16x16x128xf32, #tpu.memory_space<vmem>>, vector<1x1x1x16xf32>,
        %gather3A_1038 = vector.shape_cast %broadcast_in_dim3A_1004 : vector<16x1xi32> to vector<16xi32>
        %gather3A_1039 = tpu.dynamic_gather %get3A_19[%gather3A_1038] in [0] : vector<16xf32>, vector<16xi32> -> vector<16xf32>
        %swap3A_1040 = arith.constant 0 : i32
        %swap3A_1041 = arith.constant 3 : i32
        %swap3A_1042 = arith.index_cast %swap3A_1040 : i32 to index
        %swap3A_1043 = arith.index_cast %scan3A_451 : i32 to index
        %swap3A_1044 = arith.index_cast %swap3A_1041 : i32 to index
        %swap3A_1045 = arith.constant 48 : index
        %swap3A_1046 = tpu.vector_load %arg7[%swap3A_1042, %swap3A_1043, %swap3A_1044, %swap3A_1045] {strides = array<i32>} : memref<2x16x16x128xf32, #tpu.memory_space<vmem>>, vector<1x1x1x16xf32>,
        %swap3A_1047 = vector.shape_cast %swap3A_1046 : vector<1x1x1x16xf32> to vector<16xf32>
        %swap3A_1048 = vector.shape_cast %gather3A_1039 : vector<16xf32> to vector<1x1x1x16xf32>
        tpu.vector_store %arg7[%swap3A_1042, %swap3A_1043, %swap3A_1044, %swap3A_1045], %swap3A_1048 {strides = array<i32>} : memref<2x16x16x128xf32, #tpu.memory_space<vmem>>, vector<1x1x1x16xf32>,
        %gather3A_1049 = vector.shape_cast %broadcast_in_dim3A_1004 : vector<16x1xi32> to vector<16xi32>
        %gather3A_1050 = tpu.dynamic_gather %get3A_24[%gather3A_1049] in [0] : vector<16xf32>, vector<16xi32> -> vector<16xf32>
        %swap3A_1051 = arith.constant 0 : i32
        %swap3A_1052 = arith.constant 4 : i32
        %swap3A_1053 = arith.index_cast %swap3A_1051 : i32 to index
        %swap3A_1054 = arith.index_cast %scan3A_451 : i32 to index
        %swap3A_1055 = arith.index_cast %swap3A_1052 : i32 to index
        %swap3A_1056 = arith.constant 48 : index
        %swap3A_1057 = tpu.vector_load %arg7[%swap3A_1053, %swap3A_1054, %swap3A_1055, %swap3A_1056] {strides = array<i32>} : memref<2x16x16x128xf32, #tpu.memory_space<vmem>>, vector<1x1x1x16xf32>,
        %swap3A_1058 = vector.shape_cast %swap3A_1057 : vector<1x1x1x16xf32> to vector<16xf32>
        %swap3A_1059 = vector.shape_cast %gather3A_1050 : vector<16xf32> to vector<1x1x1x16xf32>
        tpu.vector_store %arg7[%swap3A_1053, %swap3A_1054, %swap3A_1055, %swap3A_1056], %swap3A_1059 {strides = array<i32>} : memref<2x16x16x128xf32, #tpu.memory_space<vmem>>, vector<1x1x1x16xf32>,
        %gather3A_1060 = vector.shape_cast %broadcast_in_dim3A_1004 : vector<16x1xi32> to vector<16xi32>
        %gather3A_1061 = tpu.dynamic_gather %get3A_29[%gather3A_1060] in [0] : vector<16xf32>, vector<16xi32> -> vector<16xf32>
        %swap3A_1062 = arith.constant 0 : i32
        %swap3A_1063 = arith.constant 5 : i32
        %swap3A_1064 = arith.index_cast %swap3A_1062 : i32 to index
        %swap3A_1065 = arith.index_cast %scan3A_451 : i32 to index
        %swap3A_1066 = arith.index_cast %swap3A_1063 : i32 to index
        %swap3A_1067 = arith.constant 48 : index
        %swap3A_1068 = tpu.vector_load %arg7[%swap3A_1064, %swap3A_1065, %swap3A_1066, %swap3A_1067] {strides = array<i32>} : memref<2x16x16x128xf32, #tpu.memory_space<vmem>>, vector<1x1x1x16xf32>,
        %swap3A_1069 = vector.shape_cast %swap3A_1068 : vector<1x1x1x16xf32> to vector<16xf32>
        %swap3A_1070 = vector.shape_cast %gather3A_1061 : vector<16xf32> to vector<1x1x1x16xf32>
        tpu.vector_store %arg7[%swap3A_1064, %swap3A_1065, %swap3A_1066, %swap3A_1067], %swap3A_1070 {strides = array<i32>} : memref<2x16x16x128xf32, #tpu.memory_space<vmem>>, vector<1x1x1x16xf32>,
        %gather3A_1071 = vector.shape_cast %broadcast_in_dim3A_1004 : vector<16x1xi32> to vector<16xi32>
        %gather3A_1072 = tpu.dynamic_gather %get3A_34[%gather3A_1071] in [0] : vector<16xf32>, vector<16xi32> -> vector<16xf32>
        %swap3A_1073 = arith.constant 0 : i32
        %swap3A_1074 = arith.constant 6 : i32
        %swap3A_1075 = arith.index_cast %swap3A_1073 : i32 to index
        %swap3A_1076 = arith.index_cast %scan3A_451 : i32 to index
        %swap3A_1077 = arith.index_cast %swap3A_1074 : i32 to index
        %swap3A_1078 = arith.constant 48 : index
        %swap3A_1079 = tpu.vector_load %arg7[%swap3A_1075, %swap3A_1076, %swap3A_1077, %swap3A_1078] {strides = array<i32>} : memref<2x16x16x128xf32, #tpu.memory_space<vmem>>, vector<1x1x1x16xf32>,
        %swap3A_1080 = vector.shape_cast %swap3A_1079 : vector<1x1x1x16xf32> to vector<16xf32>
        %swap3A_1081 = vector.shape_cast %gather3A_1072 : vector<16xf32> to vector<1x1x1x16xf32>
        tpu.vector_store %arg7[%swap3A_1075, %swap3A_1076, %swap3A_1077, %swap3A_1078], %swap3A_1081 {strides = array<i32>} : memref<2x16x16x128xf32, #tpu.memory_space<vmem>>, vector<1x1x1x16xf32>,
        %gather3A_1082 = vector.shape_cast %broadcast_in_dim3A_1004 : vector<16x1xi32> to vector<16xi32>
        %gather3A_1083 = tpu.dynamic_gather %get3A_39[%gather3A_1082] in [0] : vector<16xf32>, vector<16xi32> -> vector<16xf32>
        %swap3A_1084 = arith.constant 0 : i32
        %swap3A_1085 = arith.constant 7 : i32
        %swap3A_1086 = arith.index_cast %swap3A_1084 : i32 to index
        %swap3A_1087 = arith.index_cast %scan3A_451 : i32 to index
        %swap3A_1088 = arith.index_cast %swap3A_1085 : i32 to index
        %swap3A_1089 = arith.constant 48 : index
        %swap3A_1090 = tpu.vector_load %arg7[%swap3A_1086, %swap3A_1087, %swap3A_1088, %swap3A_1089] {strides = array<i32>} : memref<2x16x16x128xf32, #tpu.memory_space<vmem>>, vector<1x1x1x16xf32>,
        %swap3A_1091 = vector.shape_cast %swap3A_1090 : vector<1x1x1x16xf32> to vector<16xf32>
        %swap3A_1092 = vector.shape_cast %gather3A_1083 : vector<16xf32> to vector<1x1x1x16xf32>
        tpu.vector_store %arg7[%swap3A_1086, %swap3A_1087, %swap3A_1088, %swap3A_1089], %swap3A_1092 {strides = array<i32>} : memref<2x16x16x128xf32, #tpu.memory_space<vmem>>, vector<1x1x1x16xf32>,
        %gather3A_1093 = vector.shape_cast %broadcast_in_dim3A_1004 : vector<16x1xi32> to vector<16xi32>
        %gather3A_1094 = tpu.dynamic_gather %get3A_44[%gather3A_1093] in [0] : vector<16xf32>, vector<16xi32> -> vector<16xf32>
        %swap3A_1095 = arith.constant 0 : i32
        %swap3A_1096 = arith.constant 8 : i32
        %swap3A_1097 = arith.index_cast %swap3A_1095 : i32 to index
        %swap3A_1098 = arith.index_cast %scan3A_451 : i32 to index
        %swap3A_1099 = arith.index_cast %swap3A_1096 : i32 to index
        %swap3A_1100 = arith.constant 48 : index
        %swap3A_1101 = tpu.vector_load %arg7[%swap3A_1097, %swap3A_1098, %swap3A_1099, %swap3A_1100] {strides = array<i32>} : memref<2x16x16x128xf32, #tpu.memory_space<vmem>>, vector<1x1x1x16xf32>,
        %swap3A_1102 = vector.shape_cast %swap3A_1101 : vector<1x1x1x16xf32> to vector<16xf32>
        %swap3A_1103 = vector.shape_cast %gather3A_1094 : vector<16xf32> to vector<1x1x1x16xf32>
        tpu.vector_store %arg7[%swap3A_1097, %swap3A_1098, %swap3A_1099, %swap3A_1100], %swap3A_1103 {strides = array<i32>} : memref<2x16x16x128xf32, #tpu.memory_space<vmem>>, vector<1x1x1x16xf32>,
        %gather3A_1104 = vector.shape_cast %broadcast_in_dim3A_1004 : vector<16x1xi32> to vector<16xi32>
        %gather3A_1105 = tpu.dynamic_gather %get3A_49[%gather3A_1104] in [0] : vector<16xf32>, vector<16xi32> -> vector<16xf32>
        %swap3A_1106 = arith.constant 0 : i32
        %swap3A_1107 = arith.constant 9 : i32
        %swap3A_1108 = arith.index_cast %swap3A_1106 : i32 to index
        %swap3A_1109 = arith.index_cast %scan3A_451 : i32 to index
        %swap3A_1110 = arith.index_cast %swap3A_1107 : i32 to index
        %swap3A_1111 = arith.constant 48 : index
        %swap3A_1112 = tpu.vector_load %arg7[%swap3A_1108, %swap3A_1109, %swap3A_1110, %swap3A_1111] {strides = array<i32>} : memref<2x16x16x128xf32, #tpu.memory_space<vmem>>, vector<1x1x1x16xf32>,
        %swap3A_1113 = vector.shape_cast %swap3A_1112 : vector<1x1x1x16xf32> to vector<16xf32>
        %swap3A_1114 = vector.shape_cast %gather3A_1105 : vector<16xf32> to vector<1x1x1x16xf32>
        tpu.vector_store %arg7[%swap3A_1108, %swap3A_1109, %swap3A_1110, %swap3A_1111], %swap3A_1114 {strides = array<i32>} : memref<2x16x16x128xf32, #tpu.memory_space<vmem>>, vector<1x1x1x16xf32>,
        %gather3A_1115 = vector.shape_cast %broadcast_in_dim3A_1004 : vector<16x1xi32> to vector<16xi32>
        %gather3A_1116 = tpu.dynamic_gather %get3A_54[%gather3A_1115] in [0] : vector<16xf32>, vector<16xi32> -> vector<16xf32>
        %swap3A_1117 = arith.constant 0 : i32
        %swap3A_1118 = arith.constant 10 : i32
        %swap3A_1119 = arith.index_cast %swap3A_1117 : i32 to index
        %swap3A_1120 = arith.index_cast %scan3A_451 : i32 to index
        %swap3A_1121 = arith.index_cast %swap3A_1118 : i32 to index
        %swap3A_1122 = arith.constant 48 : index
        %swap3A_1123 = tpu.vector_load %arg7[%swap3A_1119, %swap3A_1120, %swap3A_1121, %swap3A_1122] {strides = array<i32>} : memref<2x16x16x128xf32, #tpu.memory_space<vmem>>, vector<1x1x1x16xf32>,
        %swap3A_1124 = vector.shape_cast %swap3A_1123 : vector<1x1x1x16xf32> to vector<16xf32>
        %swap3A_1125 = vector.shape_cast %gather3A_1116 : vector<16xf32> to vector<1x1x1x16xf32>
        tpu.vector_store %arg7[%swap3A_1119, %swap3A_1120, %swap3A_1121, %swap3A_1122], %swap3A_1125 {strides = array<i32>} : memref<2x16x16x128xf32, #tpu.memory_space<vmem>>, vector<1x1x1x16xf32>,
        %gather3A_1126 = vector.shape_cast %broadcast_in_dim3A_1004 : vector<16x1xi32> to vector<16xi32>
        %gather3A_1127 = tpu.dynamic_gather %get3A_59[%gather3A_1126] in [0] : vector<16xf32>, vector<16xi32> -> vector<16xf32>
        %swap3A_1128 = arith.constant 0 : i32
        %swap3A_1129 = arith.constant 11 : i32
        %swap3A_1130 = arith.index_cast %swap3A_1128 : i32 to index
        %swap3A_1131 = arith.index_cast %scan3A_451 : i32 to index
        %swap3A_1132 = arith.index_cast %swap3A_1129 : i32 to index
        %swap3A_1133 = arith.constant 48 : index
        %swap3A_1134 = tpu.vector_load %arg7[%swap3A_1130, %swap3A_1131, %swap3A_1132, %swap3A_1133] {strides = array<i32>} : memref<2x16x16x128xf32, #tpu.memory_space<vmem>>, vector<1x1x1x16xf32>,
        %swap3A_1135 = vector.shape_cast %swap3A_1134 : vector<1x1x1x16xf32> to vector<16xf32>
        %swap3A_1136 = vector.shape_cast %gather3A_1127 : vector<16xf32> to vector<1x1x1x16xf32>
        tpu.vector_store %arg7[%swap3A_1130, %swap3A_1131, %swap3A_1132, %swap3A_1133], %swap3A_1136 {strides = array<i32>} : memref<2x16x16x128xf32, #tpu.memory_space<vmem>>, vector<1x1x1x16xf32>,
        %gather3A_1137 = vector.shape_cast %broadcast_in_dim3A_1004 : vector<16x1xi32> to vector<16xi32>
        %gather3A_1138 = tpu.dynamic_gather %get3A_64[%gather3A_1137] in [0] : vector<16xf32>, vector<16xi32> -> vector<16xf32>
        %swap3A_1139 = arith.constant 0 : i32
        %swap3A_1140 = arith.constant 12 : i32
        %swap3A_1141 = arith.index_cast %swap3A_1139 : i32 to index
        %swap3A_1142 = arith.index_cast %scan3A_451 : i32 to index
        %swap3A_1143 = arith.index_cast %swap3A_1140 : i32 to index
        %swap3A_1144 = arith.constant 48 : index
        %swap3A_1145 = tpu.vector_load %arg7[%swap3A_1141, %swap3A_1142, %swap3A_1143, %swap3A_1144] {strides = array<i32>} : memref<2x16x16x128xf32, #tpu.memory_space<vmem>>, vector<1x1x1x16xf32>,
        %swap3A_1146 = vector.shape_cast %swap3A_1145 : vector<1x1x1x16xf32> to vector<16xf32>
        %swap3A_1147 = vector.shape_cast %gather3A_1138 : vector<16xf32> to vector<1x1x1x16xf32>
        tpu.vector_store %arg7[%swap3A_1141, %swap3A_1142, %swap3A_1143, %swap3A_1144], %swap3A_1147 {strides = array<i32>} : memref<2x16x16x128xf32, #tpu.memory_space<vmem>>, vector<1x1x1x16xf32>,
        %gather3A_1148 = vector.shape_cast %broadcast_in_dim3A_1004 : vector<16x1xi32> to vector<16xi32>
        %gather3A_1149 = tpu.dynamic_gather %get3A_69[%gather3A_1148] in [0] : vector<16xf32>, vector<16xi32> -> vector<16xf32>
        %swap3A_1150 = arith.constant 0 : i32
        %swap3A_1151 = arith.constant 13 : i32
        %swap3A_1152 = arith.index_cast %swap3A_1150 : i32 to index
        %swap3A_1153 = arith.index_cast %scan3A_451 : i32 to index
        %swap3A_1154 = arith.index_cast %swap3A_1151 : i32 to index
        %swap3A_1155 = arith.constant 48 : index
        %swap3A_1156 = tpu.vector_load %arg7[%swap3A_1152, %swap3A_1153, %swap3A_1154, %swap3A_1155] {strides = array<i32>} : memref<2x16x16x128xf32, #tpu.memory_space<vmem>>, vector<1x1x1x16xf32>,
        %swap3A_1157 = vector.shape_cast %swap3A_1156 : vector<1x1x1x16xf32> to vector<16xf32>
        %swap3A_1158 = vector.shape_cast %gather3A_1149 : vector<16xf32> to vector<1x1x1x16xf32>
        tpu.vector_store %arg7[%swap3A_1152, %swap3A_1153, %swap3A_1154, %swap3A_1155], %swap3A_1158 {strides = array<i32>} : memref<2x16x16x128xf32, #tpu.memory_space<vmem>>, vector<1x1x1x16xf32>,
        %gather3A_1159 = vector.shape_cast %broadcast_in_dim3A_1004 : vector<16x1xi32> to vector<16xi32>
        %gather3A_1160 = tpu.dynamic_gather %get3A_74[%gather3A_1159] in [0] : vector<16xf32>, vector<16xi32> -> vector<16xf32>
        %swap3A_1161 = arith.constant 0 : i32
        %swap3A_1162 = arith.constant 14 : i32
        %swap3A_1163 = arith.index_cast %swap3A_1161 : i32 to index
        %swap3A_1164 = arith.index_cast %scan3A_451 : i32 to index
        %swap3A_1165 = arith.index_cast %swap3A_1162 : i32 to index
        %swap3A_1166 = arith.constant 48 : index
        %swap3A_1167 = tpu.vector_load %arg7[%swap3A_1163, %swap3A_1164, %swap3A_1165, %swap3A_1166] {strides = array<i32>} : memref<2x16x16x128xf32, #tpu.memory_space<vmem>>, vector<1x1x1x16xf32>,
        %swap3A_1168 = vector.shape_cast %swap3A_1167 : vector<1x1x1x16xf32> to vector<16xf32>
        %swap3A_1169 = vector.shape_cast %gather3A_1160 : vector<16xf32> to vector<1x1x1x16xf32>
        tpu.vector_store %arg7[%swap3A_1163, %swap3A_1164, %swap3A_1165, %swap3A_1166], %swap3A_1169 {strides = array<i32>} : memref<2x16x16x128xf32, #tpu.memory_space<vmem>>, vector<1x1x1x16xf32>,
        %gather3A_1170 = vector.shape_cast %broadcast_in_dim3A_1004 : vector<16x1xi32> to vector<16xi32>
        %gather3A_1171 = tpu.dynamic_gather %get3A_79[%gather3A_1170] in [0] : vector<16xf32>, vector<16xi32> -> vector<16xf32>
        %swap3A_1172 = arith.constant 0 : i32
        %swap3A_1173 = arith.constant 15 : i32
        %swap3A_1174 = arith.index_cast %swap3A_1172 : i32 to index
        %swap3A_1175 = arith.index_cast %scan3A_451 : i32 to index
        %swap3A_1176 = arith.index_cast %swap3A_1173 : i32 to index
        %swap3A_1177 = arith.constant 48 : index
        %swap3A_1178 = tpu.vector_load %arg7[%swap3A_1174, %swap3A_1175, %swap3A_1176, %swap3A_1177] {strides = array<i32>} : memref<2x16x16x128xf32, #tpu.memory_space<vmem>>, vector<1x1x1x16xf32>,
        %swap3A_1179 = vector.shape_cast %swap3A_1178 : vector<1x1x1x16xf32> to vector<16xf32>
        %swap3A_1180 = vector.shape_cast %gather3A_1171 : vector<16xf32> to vector<1x1x1x16xf32>
        tpu.vector_store %arg7[%swap3A_1174, %swap3A_1175, %swap3A_1176, %swap3A_1177], %swap3A_1180 {strides = array<i32>} : memref<2x16x16x128xf32, #tpu.memory_space<vmem>>, vector<1x1x1x16xf32>,
        %get3A_1181 = arith.constant 0 : i32
        %get3A_1182 = arith.index_cast %get3A_1181 : i32 to index
        %get3A_1183 = arith.index_cast %scan3A_451 : i32 to index
        %get3A_1184 = arith.constant 64 : index
        %get3A_1185 = tpu.vector_load %arg6[%get3A_1182, %get3A_1183, %get3A_1184] {strides = array<i32>} : memref<2x16x128xi32, #tpu.memory_space<vmem>>, vector<1x1x16xi32>,
        %get3A_1186 = vector.shape_cast %get3A_1185 : vector<1x1x16xi32> to vector<16xi32>
        %broadcast_in_dim3A_1187 = vector.shape_cast %get3A_1186 : vector<16xi32> to vector<16x1xi32>
        %gather3A_1188 = vector.shape_cast %broadcast_in_dim3A_1187 : vector<16x1xi32> to vector<16xi32>
        %gather3A_1189 = tpu.dynamic_gather %get3A_4[%gather3A_1188] in [0] : vector<16xf32>, vector<16xi32> -> vector<16xf32>
        %swap3A_1190 = arith.constant 0 : i32
        %swap3A_1191 = arith.constant 0 : i32
        %swap3A_1192 = arith.index_cast %swap3A_1190 : i32 to index
        %swap3A_1193 = arith.index_cast %scan3A_451 : i32 to index
        %swap3A_1194 = arith.index_cast %swap3A_1191 : i32 to index
        %swap3A_1195 = arith.constant 64 : index
        %swap3A_1196 = tpu.vector_load %arg7[%swap3A_1192, %swap3A_1193, %swap3A_1194, %swap3A_1195] {strides = array<i32>} : memref<2x16x16x128xf32, #tpu.memory_space<vmem>>, vector<1x1x1x16xf32>,
        %swap3A_1197 = vector.shape_cast %swap3A_1196 : vector<1x1x1x16xf32> to vector<16xf32>
        %swap3A_1198 = vector.shape_cast %gather3A_1189 : vector<16xf32> to vector<1x1x1x16xf32>
        tpu.vector_store %arg7[%swap3A_1192, %swap3A_1193, %swap3A_1194, %swap3A_1195], %swap3A_1198 {strides = array<i32>} : memref<2x16x16x128xf32, #tpu.memory_space<vmem>>, vector<1x1x1x16xf32>,
        %gather3A_1199 = vector.shape_cast %broadcast_in_dim3A_1187 : vector<16x1xi32> to vector<16xi32>
        %gather3A_1200 = tpu.dynamic_gather %get3A_9[%gather3A_1199] in [0] : vector<16xf32>, vector<16xi32> -> vector<16xf32>
        %swap3A_1201 = arith.constant 0 : i32
        %swap3A_1202 = arith.constant 1 : i32
        %swap3A_1203 = arith.index_cast %swap3A_1201 : i32 to index
        %swap3A_1204 = arith.index_cast %scan3A_451 : i32 to index
        %swap3A_1205 = arith.index_cast %swap3A_1202 : i32 to index
        %swap3A_1206 = arith.constant 64 : index
        %swap3A_1207 = tpu.vector_load %arg7[%swap3A_1203, %swap3A_1204, %swap3A_1205, %swap3A_1206] {strides = array<i32>} : memref<2x16x16x128xf32, #tpu.memory_space<vmem>>, vector<1x1x1x16xf32>,
        %swap3A_1208 = vector.shape_cast %swap3A_1207 : vector<1x1x1x16xf32> to vector<16xf32>
        %swap3A_1209 = vector.shape_cast %gather3A_1200 : vector<16xf32> to vector<1x1x1x16xf32>
        tpu.vector_store %arg7[%swap3A_1203, %swap3A_1204, %swap3A_1205, %swap3A_1206], %swap3A_1209 {strides = array<i32>} : memref<2x16x16x128xf32, #tpu.memory_space<vmem>>, vector<1x1x1x16xf32>,
        %gather3A_1210 = vector.shape_cast %broadcast_in_dim3A_1187 : vector<16x1xi32> to vector<16xi32>
        %gather3A_1211 = tpu.dynamic_gather %get3A_14[%gather3A_1210] in [0] : vector<16xf32>, vector<16xi32> -> vector<16xf32>
        %swap3A_1212 = arith.constant 0 : i32
        %swap3A_1213 = arith.constant 2 : i32
        %swap3A_1214 = arith.index_cast %swap3A_1212 : i32 to index
        %swap3A_1215 = arith.index_cast %scan3A_451 : i32 to index
        %swap3A_1216 = arith.index_cast %swap3A_1213 : i32 to index
        %swap3A_1217 = arith.constant 64 : index
        %swap3A_1218 = tpu.vector_load %arg7[%swap3A_1214, %swap3A_1215, %swap3A_1216, %swap3A_1217] {strides = array<i32>} : memref<2x16x16x128xf32, #tpu.memory_space<vmem>>, vector<1x1x1x16xf32>,
        %swap3A_1219 = vector.shape_cast %swap3A_1218 : vector<1x1x1x16xf32> to vector<16xf32>
        %swap3A_1220 = vector.shape_cast %gather3A_1211 : vector<16xf32> to vector<1x1x1x16xf32>
        tpu.vector_store %arg7[%swap3A_1214, %swap3A_1215, %swap3A_1216, %swap3A_1217], %swap3A_1220 {strides = array<i32>} : memref<2x16x16x128xf32, #tpu.memory_space<vmem>>, vector<1x1x1x16xf32>,
        %gather3A_1221 = vector.shape_cast %broadcast_in_dim3A_1187 : vector<16x1xi32> to vector<16xi32>
        %gather3A_1222 = tpu.dynamic_gather %get3A_19[%gather3A_1221] in [0] : vector<16xf32>, vector<16xi32> -> vector<16xf32>
        %swap3A_1223 = arith.constant 0 : i32
        %swap3A_1224 = arith.constant 3 : i32
        %swap3A_1225 = arith.index_cast %swap3A_1223 : i32 to index
        %swap3A_1226 = arith.index_cast %scan3A_451 : i32 to index
        %swap3A_1227 = arith.index_cast %swap3A_1224 : i32 to index
        %swap3A_1228 = arith.constant 64 : index
        %swap3A_1229 = tpu.vector_load %arg7[%swap3A_1225, %swap3A_1226, %swap3A_1227, %swap3A_1228] {strides = array<i32>} : memref<2x16x16x128xf32, #tpu.memory_space<vmem>>, vector<1x1x1x16xf32>,
        %swap3A_1230 = vector.shape_cast %swap3A_1229 : vector<1x1x1x16xf32> to vector<16xf32>
        %swap3A_1231 = vector.shape_cast %gather3A_1222 : vector<16xf32> to vector<1x1x1x16xf32>
        tpu.vector_store %arg7[%swap3A_1225, %swap3A_1226, %swap3A_1227, %swap3A_1228], %swap3A_1231 {strides = array<i32>} : memref<2x16x16x128xf32, #tpu.memory_space<vmem>>, vector<1x1x1x16xf32>,
        %gather3A_1232 = vector.shape_cast %broadcast_in_dim3A_1187 : vector<16x1xi32> to vector<16xi32>
        %gather3A_1233 = tpu.dynamic_gather %get3A_24[%gather3A_1232] in [0] : vector<16xf32>, vector<16xi32> -> vector<16xf32>
        %swap3A_1234 = arith.constant 0 : i32
        %swap3A_1235 = arith.constant 4 : i32
        %swap3A_1236 = arith.index_cast %swap3A_1234 : i32 to index
        %swap3A_1237 = arith.index_cast %scan3A_451 : i32 to index
        %swap3A_1238 = arith.index_cast %swap3A_1235 : i32 to index
        %swap3A_1239 = arith.constant 64 : index
        %swap3A_1240 = tpu.vector_load %arg7[%swap3A_1236, %swap3A_1237, %swap3A_1238, %swap3A_1239] {strides = array<i32>} : memref<2x16x16x128xf32, #tpu.memory_space<vmem>>, vector<1x1x1x16xf32>,
        %swap3A_1241 = vector.shape_cast %swap3A_1240 : vector<1x1x1x16xf32> to vector<16xf32>
        %swap3A_1242 = vector.shape_cast %gather3A_1233 : vector<16xf32> to vector<1x1x1x16xf32>
        tpu.vector_store %arg7[%swap3A_1236, %swap3A_1237, %swap3A_1238, %swap3A_1239], %swap3A_1242 {strides = array<i32>} : memref<2x16x16x128xf32, #tpu.memory_space<vmem>>, vector<1x1x1x16xf32>,
        %gather3A_1243 = vector.shape_cast %broadcast_in_dim3A_1187 : vector<16x1xi32> to vector<16xi32>
        %gather3A_1244 = tpu.dynamic_gather %get3A_29[%gather3A_1243] in [0] : vector<16xf32>, vector<16xi32> -> vector<16xf32>
        %swap3A_1245 = arith.constant 0 : i32
        %swap3A_1246 = arith.constant 5 : i32
        %swap3A_1247 = arith.index_cast %swap3A_1245 : i32 to index
        %swap3A_1248 = arith.index_cast %scan3A_451 : i32 to index
        %swap3A_1249 = arith.index_cast %swap3A_1246 : i32 to index
        %swap3A_1250 = arith.constant 64 : index
        %swap3A_1251 = tpu.vector_load %arg7[%swap3A_1247, %swap3A_1248, %swap3A_1249, %swap3A_1250] {strides = array<i32>} : memref<2x16x16x128xf32, #tpu.memory_space<vmem>>, vector<1x1x1x16xf32>,
        %swap3A_1252 = vector.shape_cast %swap3A_1251 : vector<1x1x1x16xf32> to vector<16xf32>
        %swap3A_1253 = vector.shape_cast %gather3A_1244 : vector<16xf32> to vector<1x1x1x16xf32>
        tpu.vector_store %arg7[%swap3A_1247, %swap3A_1248, %swap3A_1249, %swap3A_1250], %swap3A_1253 {strides = array<i32>} : memref<2x16x16x128xf32, #tpu.memory_space<vmem>>, vector<1x1x1x16xf32>,
        %gather3A_1254 = vector.shape_cast %broadcast_in_dim3A_1187 : vector<16x1xi32> to vector<16xi32>
        %gather3A_1255 = tpu.dynamic_gather %get3A_34[%gather3A_1254] in [0] : vector<16xf32>, vector<16xi32> -> vector<16xf32>
        %swap3A_1256 = arith.constant 0 : i32
        %swap3A_1257 = arith.constant 6 : i32
        %swap3A_1258 = arith.index_cast %swap3A_1256 : i32 to index
        %swap3A_1259 = arith.index_cast %scan3A_451 : i32 to index
        %swap3A_1260 = arith.index_cast %swap3A_1257 : i32 to index
        %swap3A_1261 = arith.constant 64 : index
        %swap3A_1262 = tpu.vector_load %arg7[%swap3A_1258, %swap3A_1259, %swap3A_1260, %swap3A_1261] {strides = array<i32>} : memref<2x16x16x128xf32, #tpu.memory_space<vmem>>, vector<1x1x1x16xf32>,
        %swap3A_1263 = vector.shape_cast %swap3A_1262 : vector<1x1x1x16xf32> to vector<16xf32>
        %swap3A_1264 = vector.shape_cast %gather3A_1255 : vector<16xf32> to vector<1x1x1x16xf32>
        tpu.vector_store %arg7[%swap3A_1258, %swap3A_1259, %swap3A_1260, %swap3A_1261], %swap3A_1264 {strides = array<i32>} : memref<2x16x16x128xf32, #tpu.memory_space<vmem>>, vector<1x1x1x16xf32>,
        %gather3A_1265 = vector.shape_cast %broadcast_in_dim3A_1187 : vector<16x1xi32> to vector<16xi32>
        %gather3A_1266 = tpu.dynamic_gather %get3A_39[%gather3A_1265] in [0] : vector<16xf32>, vector<16xi32> -> vector<16xf32>
        %swap3A_1267 = arith.constant 0 : i32
        %swap3A_1268 = arith.constant 7 : i32
        %swap3A_1269 = arith.index_cast %swap3A_1267 : i32 to index
        %swap3A_1270 = arith.index_cast %scan3A_451 : i32 to index
        %swap3A_1271 = arith.index_cast %swap3A_1268 : i32 to index
        %swap3A_1272 = arith.constant 64 : index
        %swap3A_1273 = tpu.vector_load %arg7[%swap3A_1269, %swap3A_1270, %swap3A_1271, %swap3A_1272] {strides = array<i32>} : memref<2x16x16x128xf32, #tpu.memory_space<vmem>>, vector<1x1x1x16xf32>,
        %swap3A_1274 = vector.shape_cast %swap3A_1273 : vector<1x1x1x16xf32> to vector<16xf32>
        %swap3A_1275 = vector.shape_cast %gather3A_1266 : vector<16xf32> to vector<1x1x1x16xf32>
        tpu.vector_store %arg7[%swap3A_1269, %swap3A_1270, %swap3A_1271, %swap3A_1272], %swap3A_1275 {strides = array<i32>} : memref<2x16x16x128xf32, #tpu.memory_space<vmem>>, vector<1x1x1x16xf32>,
        %gather3A_1276 = vector.shape_cast %broadcast_in_dim3A_1187 : vector<16x1xi32> to vector<16xi32>
        %gather3A_1277 = tpu.dynamic_gather %get3A_44[%gather3A_1276] in [0] : vector<16xf32>, vector<16xi32> -> vector<16xf32>
        %swap3A_1278 = arith.constant 0 : i32
        %swap3A_1279 = arith.constant 8 : i32
        %swap3A_1280 = arith.index_cast %swap3A_1278 : i32 to index
        %swap3A_1281 = arith.index_cast %scan3A_451 : i32 to index
        %swap3A_1282 = arith.index_cast %swap3A_1279 : i32 to index
        %swap3A_1283 = arith.constant 64 : index
        %swap3A_1284 = tpu.vector_load %arg7[%swap3A_1280, %swap3A_1281, %swap3A_1282, %swap3A_1283] {strides = array<i32>} : memref<2x16x16x128xf32, #tpu.memory_space<vmem>>, vector<1x1x1x16xf32>,
        %swap3A_1285 = vector.shape_cast %swap3A_1284 : vector<1x1x1x16xf32> to vector<16xf32>
        %swap3A_1286 = vector.shape_cast %gather3A_1277 : vector<16xf32> to vector<1x1x1x16xf32>
        tpu.vector_store %arg7[%swap3A_1280, %swap3A_1281, %swap3A_1282, %swap3A_1283], %swap3A_1286 {strides = array<i32>} : memref<2x16x16x128xf32, #tpu.memory_space<vmem>>, vector<1x1x1x16xf32>,
        %gather3A_1287 = vector.shape_cast %broadcast_in_dim3A_1187 : vector<16x1xi32> to vector<16xi32>
        %gather3A_1288 = tpu.dynamic_gather %get3A_49[%gather3A_1287] in [0] : vector<16xf32>, vector<16xi32> -> vector<16xf32>
        %swap3A_1289 = arith.constant 0 : i32
        %swap3A_1290 = arith.constant 9 : i32
        %swap3A_1291 = arith.index_cast %swap3A_1289 : i32 to index
        %swap3A_1292 = arith.index_cast %scan3A_451 : i32 to index
        %swap3A_1293 = arith.index_cast %swap3A_1290 : i32 to index
        %swap3A_1294 = arith.constant 64 : index
        %swap3A_1295 = tpu.vector_load %arg7[%swap3A_1291, %swap3A_1292, %swap3A_1293, %swap3A_1294] {strides = array<i32>} : memref<2x16x16x128xf32, #tpu.memory_space<vmem>>, vector<1x1x1x16xf32>,
        %swap3A_1296 = vector.shape_cast %swap3A_1295 : vector<1x1x1x16xf32> to vector<16xf32>
        %swap3A_1297 = vector.shape_cast %gather3A_1288 : vector<16xf32> to vector<1x1x1x16xf32>
        tpu.vector_store %arg7[%swap3A_1291, %swap3A_1292, %swap3A_1293, %swap3A_1294], %swap3A_1297 {strides = array<i32>} : memref<2x16x16x128xf32, #tpu.memory_space<vmem>>, vector<1x1x1x16xf32>,
        %gather3A_1298 = vector.shape_cast %broadcast_in_dim3A_1187 : vector<16x1xi32> to vector<16xi32>
        %gather3A_1299 = tpu.dynamic_gather %get3A_54[%gather3A_1298] in [0] : vector<16xf32>, vector<16xi32> -> vector<16xf32>
        %swap3A_1300 = arith.constant 0 : i32
        %swap3A_1301 = arith.constant 10 : i32
        %swap3A_1302 = arith.index_cast %swap3A_1300 : i32 to index
        %swap3A_1303 = arith.index_cast %scan3A_451 : i32 to index
        %swap3A_1304 = arith.index_cast %swap3A_1301 : i32 to index
        %swap3A_1305 = arith.constant 64 : index
        %swap3A_1306 = tpu.vector_load %arg7[%swap3A_1302, %swap3A_1303, %swap3A_1304, %swap3A_1305] {strides = array<i32>} : memref<2x16x16x128xf32, #tpu.memory_space<vmem>>, vector<1x1x1x16xf32>,
        %swap3A_1307 = vector.shape_cast %swap3A_1306 : vector<1x1x1x16xf32> to vector<16xf32>
        %swap3A_1308 = vector.shape_cast %gather3A_1299 : vector<16xf32> to vector<1x1x1x16xf32>
        tpu.vector_store %arg7[%swap3A_1302, %swap3A_1303, %swap3A_1304, %swap3A_1305], %swap3A_1308 {strides = array<i32>} : memref<2x16x16x128xf32, #tpu.memory_space<vmem>>, vector<1x1x1x16xf32>,
        %gather3A_1309 = vector.shape_cast %broadcast_in_dim3A_1187 : vector<16x1xi32> to vector<16xi32>
        %gather3A_1310 = tpu.dynamic_gather %get3A_59[%gather3A_1309] in [0] : vector<16xf32>, vector<16xi32> -> vector<16xf32>
        %swap3A_1311 = arith.constant 0 : i32
        %swap3A_1312 = arith.constant 11 : i32
        %swap3A_1313 = arith.index_cast %swap3A_1311 : i32 to index
        %swap3A_1314 = arith.index_cast %scan3A_451 : i32 to index
        %swap3A_1315 = arith.index_cast %swap3A_1312 : i32 to index
        %swap3A_1316 = arith.constant 64 : index
        %swap3A_1317 = tpu.vector_load %arg7[%swap3A_1313, %swap3A_1314, %swap3A_1315, %swap3A_1316] {strides = array<i32>} : memref<2x16x16x128xf32, #tpu.memory_space<vmem>>, vector<1x1x1x16xf32>,
        %swap3A_1318 = vector.shape_cast %swap3A_1317 : vector<1x1x1x16xf32> to vector<16xf32>
        %swap3A_1319 = vector.shape_cast %gather3A_1310 : vector<16xf32> to vector<1x1x1x16xf32>
        tpu.vector_store %arg7[%swap3A_1313, %swap3A_1314, %swap3A_1315, %swap3A_1316], %swap3A_1319 {strides = array<i32>} : memref<2x16x16x128xf32, #tpu.memory_space<vmem>>, vector<1x1x1x16xf32>,
        %gather3A_1320 = vector.shape_cast %broadcast_in_dim3A_1187 : vector<16x1xi32> to vector<16xi32>
        %gather3A_1321 = tpu.dynamic_gather %get3A_64[%gather3A_1320] in [0] : vector<16xf32>, vector<16xi32> -> vector<16xf32>
        %swap3A_1322 = arith.constant 0 : i32
        %swap3A_1323 = arith.constant 12 : i32
        %swap3A_1324 = arith.index_cast %swap3A_1322 : i32 to index
        %swap3A_1325 = arith.index_cast %scan3A_451 : i32 to index
        %swap3A_1326 = arith.index_cast %swap3A_1323 : i32 to index
        %swap3A_1327 = arith.constant 64 : index
        %swap3A_1328 = tpu.vector_load %arg7[%swap3A_1324, %swap3A_1325, %swap3A_1326, %swap3A_1327] {strides = array<i32>} : memref<2x16x16x128xf32, #tpu.memory_space<vmem>>, vector<1x1x1x16xf32>,
        %swap3A_1329 = vector.shape_cast %swap3A_1328 : vector<1x1x1x16xf32> to vector<16xf32>
        %swap3A_1330 = vector.shape_cast %gather3A_1321 : vector<16xf32> to vector<1x1x1x16xf32>
        tpu.vector_store %arg7[%swap3A_1324, %swap3A_1325, %swap3A_1326, %swap3A_1327], %swap3A_1330 {strides = array<i32>} : memref<2x16x16x128xf32, #tpu.memory_space<vmem>>, vector<1x1x1x16xf32>,
        %gather3A_1331 = vector.shape_cast %broadcast_in_dim3A_1187 : vector<16x1xi32> to vector<16xi32>
        %gather3A_1332 = tpu.dynamic_gather %get3A_69[%gather3A_1331] in [0] : vector<16xf32>, vector<16xi32> -> vector<16xf32>
        %swap3A_1333 = arith.constant 0 : i32
        %swap3A_1334 = arith.constant 13 : i32
        %swap3A_1335 = arith.index_cast %swap3A_1333 : i32 to index
        %swap3A_1336 = arith.index_cast %scan3A_451 : i32 to index
        %swap3A_1337 = arith.index_cast %swap3A_1334 : i32 to index
        %swap3A_1338 = arith.constant 64 : index
        %swap3A_1339 = tpu.vector_load %arg7[%swap3A_1335, %swap3A_1336, %swap3A_1337, %swap3A_1338] {strides = array<i32>} : memref<2x16x16x128xf32, #tpu.memory_space<vmem>>, vector<1x1x1x16xf32>,
        %swap3A_1340 = vector.shape_cast %swap3A_1339 : vector<1x1x1x16xf32> to vector<16xf32>
        %swap3A_1341 = vector.shape_cast %gather3A_1332 : vector<16xf32> to vector<1x1x1x16xf32>
        tpu.vector_store %arg7[%swap3A_1335, %swap3A_1336, %swap3A_1337, %swap3A_1338], %swap3A_1341 {strides = array<i32>} : memref<2x16x16x128xf32, #tpu.memory_space<vmem>>, vector<1x1x1x16xf32>,
        %gather3A_1342 = vector.shape_cast %broadcast_in_dim3A_1187 : vector<16x1xi32> to vector<16xi32>
        %gather3A_1343 = tpu.dynamic_gather %get3A_74[%gather3A_1342] in [0] : vector<16xf32>, vector<16xi32> -> vector<16xf32>
        %swap3A_1344 = arith.constant 0 : i32
        %swap3A_1345 = arith.constant 14 : i32
        %swap3A_1346 = arith.index_cast %swap3A_1344 : i32 to index
        %swap3A_1347 = arith.index_cast %scan3A_451 : i32 to index
        %swap3A_1348 = arith.index_cast %swap3A_1345 : i32 to index
        %swap3A_1349 = arith.constant 64 : index
        %swap3A_1350 = tpu.vector_load %arg7[%swap3A_1346, %swap3A_1347, %swap3A_1348, %swap3A_1349] {strides = array<i32>} : memref<2x16x16x128xf32, #tpu.memory_space<vmem>>, vector<1x1x1x16xf32>,
        %swap3A_1351 = vector.shape_cast %swap3A_1350 : vector<1x1x1x16xf32> to vector<16xf32>
        %swap3A_1352 = vector.shape_cast %gather3A_1343 : vector<16xf32> to vector<1x1x1x16xf32>
        tpu.vector_store %arg7[%swap3A_1346, %swap3A_1347, %swap3A_1348, %swap3A_1349], %swap3A_1352 {strides = array<i32>} : memref<2x16x16x128xf32, #tpu.memory_space<vmem>>, vector<1x1x1x16xf32>,
        %gather3A_1353 = vector.shape_cast %broadcast_in_dim3A_1187 : vector<16x1xi32> to vector<16xi32>
        %gather3A_1354 = tpu.dynamic_gather %get3A_79[%gather3A_1353] in [0] : vector<16xf32>, vector<16xi32> -> vector<16xf32>
        %swap3A_1355 = arith.constant 0 : i32
        %swap3A_1356 = arith.constant 15 : i32
        %swap3A_1357 = arith.index_cast %swap3A_1355 : i32 to index
        %swap3A_1358 = arith.index_cast %scan3A_451 : i32 to index
        %swap3A_1359 = arith.index_cast %swap3A_1356 : i32 to index
        %swap3A_1360 = arith.constant 64 : index
        %swap3A_1361 = tpu.vector_load %arg7[%swap3A_1357, %swap3A_1358, %swap3A_1359, %swap3A_1360] {strides = array<i32>} : memref<2x16x16x128xf32, #tpu.memory_space<vmem>>, vector<1x1x1x16xf32>,
        %swap3A_1362 = vector.shape_cast %swap3A_1361 : vector<1x1x1x16xf32> to vector<16xf32>
        %swap3A_1363 = vector.shape_cast %gather3A_1354 : vector<16xf32> to vector<1x1x1x16xf32>
        tpu.vector_store %arg7[%swap3A_1357, %swap3A_1358, %swap3A_1359, %swap3A_1360], %swap3A_1363 {strides = array<i32>} : memref<2x16x16x128xf32, #tpu.memory_space<vmem>>, vector<1x1x1x16xf32>,
        %get3A_1364 = arith.constant 0 : i32
        %get3A_1365 = arith.index_cast %get3A_1364 : i32 to index
        %get3A_1366 = arith.index_cast %scan3A_451 : i32 to index
        %get3A_1367 = arith.constant 80 : index
        %get3A_1368 = tpu.vector_load %arg6[%get3A_1365, %get3A_1366, %get3A_1367] {strides = array<i32>} : memref<2x16x128xi32, #tpu.memory_space<vmem>>, vector<1x1x16xi32>,
        %get3A_1369 = vector.shape_cast %get3A_1368 : vector<1x1x16xi32> to vector<16xi32>
        %broadcast_in_dim3A_1370 = vector.shape_cast %get3A_1369 : vector<16xi32> to vector<16x1xi32>
        %gather3A_1371 = vector.shape_cast %broadcast_in_dim3A_1370 : vector<16x1xi32> to vector<16xi32>
        %gather3A_1372 = tpu.dynamic_gather %get3A_4[%gather3A_1371] in [0] : vector<16xf32>, vector<16xi32> -> vector<16xf32>
        %swap3A_1373 = arith.constant 0 : i32
        %swap3A_1374 = arith.constant 0 : i32
        %swap3A_1375 = arith.index_cast %swap3A_1373 : i32 to index
        %swap3A_1376 = arith.index_cast %scan3A_451 : i32 to index
        %swap3A_1377 = arith.index_cast %swap3A_1374 : i32 to index
        %swap3A_1378 = arith.constant 80 : index
        %swap3A_1379 = tpu.vector_load %arg7[%swap3A_1375, %swap3A_1376, %swap3A_1377, %swap3A_1378] {strides = array<i32>} : memref<2x16x16x128xf32, #tpu.memory_space<vmem>>, vector<1x1x1x16xf32>,
        %swap3A_1380 = vector.shape_cast %swap3A_1379 : vector<1x1x1x16xf32> to vector<16xf32>
        %swap3A_1381 = vector.shape_cast %gather3A_1372 : vector<16xf32> to vector<1x1x1x16xf32>
        tpu.vector_store %arg7[%swap3A_1375, %swap3A_1376, %swap3A_1377, %swap3A_1378], %swap3A_1381 {strides = array<i32>} : memref<2x16x16x128xf32, #tpu.memory_space<vmem>>, vector<1x1x1x16xf32>,
        %gather3A_1382 = vector.shape_cast %broadcast_in_dim3A_1370 : vector<16x1xi32> to vector<16xi32>
        %gather3A_1383 = tpu.dynamic_gather %get3A_9[%gather3A_1382] in [0] : vector<16xf32>, vector<16xi32> -> vector<16xf32>
        %swap3A_1384 = arith.constant 0 : i32
        %swap3A_1385 = arith.constant 1 : i32
        %swap3A_1386 = arith.index_cast %swap3A_1384 : i32 to index
        %swap3A_1387 = arith.index_cast %scan3A_451 : i32 to index
        %swap3A_1388 = arith.index_cast %swap3A_1385 : i32 to index
        %swap3A_1389 = arith.constant 80 : index
        %swap3A_1390 = tpu.vector_load %arg7[%swap3A_1386, %swap3A_1387, %swap3A_1388, %swap3A_1389] {strides = array<i32>} : memref<2x16x16x128xf32, #tpu.memory_space<vmem>>, vector<1x1x1x16xf32>,
        %swap3A_1391 = vector.shape_cast %swap3A_1390 : vector<1x1x1x16xf32> to vector<16xf32>
        %swap3A_1392 = vector.shape_cast %gather3A_1383 : vector<16xf32> to vector<1x1x1x16xf32>
        tpu.vector_store %arg7[%swap3A_1386, %swap3A_1387, %swap3A_1388, %swap3A_1389], %swap3A_1392 {strides = array<i32>} : memref<2x16x16x128xf32, #tpu.memory_space<vmem>>, vector<1x1x1x16xf32>,
        %gather3A_1393 = vector.shape_cast %broadcast_in_dim3A_1370 : vector<16x1xi32> to vector<16xi32>
        %gather3A_1394 = tpu.dynamic_gather %get3A_14[%gather3A_1393] in [0] : vector<16xf32>, vector<16xi32> -> vector<16xf32>
        %swap3A_1395 = arith.constant 0 : i32
        %swap3A_1396 = arith.constant 2 : i32
        %swap3A_1397 = arith.index_cast %swap3A_1395 : i32 to index
        %swap3A_1398 = arith.index_cast %scan3A_451 : i32 to index
        %swap3A_1399 = arith.index_cast %swap3A_1396 : i32 to index
        %swap3A_1400 = arith.constant 80 : index
        %swap3A_1401 = tpu.vector_load %arg7[%swap3A_1397, %swap3A_1398, %swap3A_1399, %swap3A_1400] {strides = array<i32>} : memref<2x16x16x128xf32, #tpu.memory_space<vmem>>, vector<1x1x1x16xf32>,
        %swap3A_1402 = vector.shape_cast %swap3A_1401 : vector<1x1x1x16xf32> to vector<16xf32>
        %swap3A_1403 = vector.shape_cast %gather3A_1394 : vector<16xf32> to vector<1x1x1x16xf32>
        tpu.vector_store %arg7[%swap3A_1397, %swap3A_1398, %swap3A_1399, %swap3A_1400], %swap3A_1403 {strides = array<i32>} : memref<2x16x16x128xf32, #tpu.memory_space<vmem>>, vector<1x1x1x16xf32>,
        %gather3A_1404 = vector.shape_cast %broadcast_in_dim3A_1370 : vector<16x1xi32> to vector<16xi32>
        %gather3A_1405 = tpu.dynamic_gather %get3A_19[%gather3A_1404] in [0] : vector<16xf32>, vector<16xi32> -> vector<16xf32>
        %swap3A_1406 = arith.constant 0 : i32
        %swap3A_1407 = arith.constant 3 : i32
        %swap3A_1408 = arith.index_cast %swap3A_1406 : i32 to index
        %swap3A_1409 = arith.index_cast %scan3A_451 : i32 to index
        %swap3A_1410 = arith.index_cast %swap3A_1407 : i32 to index
        %swap3A_1411 = arith.constant 80 : index
        %swap3A_1412 = tpu.vector_load %arg7[%swap3A_1408, %swap3A_1409, %swap3A_1410, %swap3A_1411] {strides = array<i32>} : memref<2x16x16x128xf32, #tpu.memory_space<vmem>>, vector<1x1x1x16xf32>,
        %swap3A_1413 = vector.shape_cast %swap3A_1412 : vector<1x1x1x16xf32> to vector<16xf32>
        %swap3A_1414 = vector.shape_cast %gather3A_1405 : vector<16xf32> to vector<1x1x1x16xf32>
        tpu.vector_store %arg7[%swap3A_1408, %swap3A_1409, %swap3A_1410, %swap3A_1411], %swap3A_1414 {strides = array<i32>} : memref<2x16x16x128xf32, #tpu.memory_space<vmem>>, vector<1x1x1x16xf32>,
        %gather3A_1415 = vector.shape_cast %broadcast_in_dim3A_1370 : vector<16x1xi32> to vector<16xi32>
        %gather3A_1416 = tpu.dynamic_gather %get3A_24[%gather3A_1415] in [0] : vector<16xf32>, vector<16xi32> -> vector<16xf32>
        %swap3A_1417 = arith.constant 0 : i32
        %swap3A_1418 = arith.constant 4 : i32
        %swap3A_1419 = arith.index_cast %swap3A_1417 : i32 to index
        %swap3A_1420 = arith.index_cast %scan3A_451 : i32 to index
        %swap3A_1421 = arith.index_cast %swap3A_1418 : i32 to index
        %swap3A_1422 = arith.constant 80 : index
        %swap3A_1423 = tpu.vector_load %arg7[%swap3A_1419, %swap3A_1420, %swap3A_1421, %swap3A_1422] {strides = array<i32>} : memref<2x16x16x128xf32, #tpu.memory_space<vmem>>, vector<1x1x1x16xf32>,
        %swap3A_1424 = vector.shape_cast %swap3A_1423 : vector<1x1x1x16xf32> to vector<16xf32>
        %swap3A_1425 = vector.shape_cast %gather3A_1416 : vector<16xf32> to vector<1x1x1x16xf32>
        tpu.vector_store %arg7[%swap3A_1419, %swap3A_1420, %swap3A_1421, %swap3A_1422], %swap3A_1425 {strides = array<i32>} : memref<2x16x16x128xf32, #tpu.memory_space<vmem>>, vector<1x1x1x16xf32>,
        %gather3A_1426 = vector.shape_cast %broadcast_in_dim3A_1370 : vector<16x1xi32> to vector<16xi32>
        %gather3A_1427 = tpu.dynamic_gather %get3A_29[%gather3A_1426] in [0] : vector<16xf32>, vector<16xi32> -> vector<16xf32>
        %swap3A_1428 = arith.constant 0 : i32
        %swap3A_1429 = arith.constant 5 : i32
        %swap3A_1430 = arith.index_cast %swap3A_1428 : i32 to index
        %swap3A_1431 = arith.index_cast %scan3A_451 : i32 to index
        %swap3A_1432 = arith.index_cast %swap3A_1429 : i32 to index
        %swap3A_1433 = arith.constant 80 : index
        %swap3A_1434 = tpu.vector_load %arg7[%swap3A_1430, %swap3A_1431, %swap3A_1432, %swap3A_1433] {strides = array<i32>} : memref<2x16x16x128xf32, #tpu.memory_space<vmem>>, vector<1x1x1x16xf32>,
        %swap3A_1435 = vector.shape_cast %swap3A_1434 : vector<1x1x1x16xf32> to vector<16xf32>
        %swap3A_1436 = vector.shape_cast %gather3A_1427 : vector<16xf32> to vector<1x1x1x16xf32>
        tpu.vector_store %arg7[%swap3A_1430, %swap3A_1431, %swap3A_1432, %swap3A_1433], %swap3A_1436 {strides = array<i32>} : memref<2x16x16x128xf32, #tpu.memory_space<vmem>>, vector<1x1x1x16xf32>,
        %gather3A_1437 = vector.shape_cast %broadcast_in_dim3A_1370 : vector<16x1xi32> to vector<16xi32>
        %gather3A_1438 = tpu.dynamic_gather %get3A_34[%gather3A_1437] in [0] : vector<16xf32>, vector<16xi32> -> vector<16xf32>
        %swap3A_1439 = arith.constant 0 : i32
        %swap3A_1440 = arith.constant 6 : i32
        %swap3A_1441 = arith.index_cast %swap3A_1439 : i32 to index
        %swap3A_1442 = arith.index_cast %scan3A_451 : i32 to index
        %swap3A_1443 = arith.index_cast %swap3A_1440 : i32 to index
        %swap3A_1444 = arith.constant 80 : index
        %swap3A_1445 = tpu.vector_load %arg7[%swap3A_1441, %swap3A_1442, %swap3A_1443, %swap3A_1444] {strides = array<i32>} : memref<2x16x16x128xf32, #tpu.memory_space<vmem>>, vector<1x1x1x16xf32>,
        %swap3A_1446 = vector.shape_cast %swap3A_1445 : vector<1x1x1x16xf32> to vector<16xf32>
        %swap3A_1447 = vector.shape_cast %gather3A_1438 : vector<16xf32> to vector<1x1x1x16xf32>
        tpu.vector_store %arg7[%swap3A_1441, %swap3A_1442, %swap3A_1443, %swap3A_1444], %swap3A_1447 {strides = array<i32>} : memref<2x16x16x128xf32, #tpu.memory_space<vmem>>, vector<1x1x1x16xf32>,
        %gather3A_1448 = vector.shape_cast %broadcast_in_dim3A_1370 : vector<16x1xi32> to vector<16xi32>
        %gather3A_1449 = tpu.dynamic_gather %get3A_39[%gather3A_1448] in [0] : vector<16xf32>, vector<16xi32> -> vector<16xf32>
        %swap3A_1450 = arith.constant 0 : i32
        %swap3A_1451 = arith.constant 7 : i32
        %swap3A_1452 = arith.index_cast %swap3A_1450 : i32 to index
        %swap3A_1453 = arith.index_cast %scan3A_451 : i32 to index
        %swap3A_1454 = arith.index_cast %swap3A_1451 : i32 to index
        %swap3A_1455 = arith.constant 80 : index
        %swap3A_1456 = tpu.vector_load %arg7[%swap3A_1452, %swap3A_1453, %swap3A_1454, %swap3A_1455] {strides = array<i32>} : memref<2x16x16x128xf32, #tpu.memory_space<vmem>>, vector<1x1x1x16xf32>,
        %swap3A_1457 = vector.shape_cast %swap3A_1456 : vector<1x1x1x16xf32> to vector<16xf32>
        %swap3A_1458 = vector.shape_cast %gather3A_1449 : vector<16xf32> to vector<1x1x1x16xf32>
        tpu.vector_store %arg7[%swap3A_1452, %swap3A_1453, %swap3A_1454, %swap3A_1455], %swap3A_1458 {strides = array<i32>} : memref<2x16x16x128xf32, #tpu.memory_space<vmem>>, vector<1x1x1x16xf32>,
        %gather3A_1459 = vector.shape_cast %broadcast_in_dim3A_1370 : vector<16x1xi32> to vector<16xi32>
        %gather3A_1460 = tpu.dynamic_gather %get3A_44[%gather3A_1459] in [0] : vector<16xf32>, vector<16xi32> -> vector<16xf32>
        %swap3A_1461 = arith.constant 0 : i32
        %swap3A_1462 = arith.constant 8 : i32
        %swap3A_1463 = arith.index_cast %swap3A_1461 : i32 to index
        %swap3A_1464 = arith.index_cast %scan3A_451 : i32 to index
        %swap3A_1465 = arith.index_cast %swap3A_1462 : i32 to index
        %swap3A_1466 = arith.constant 80 : index
        %swap3A_1467 = tpu.vector_load %arg7[%swap3A_1463, %swap3A_1464, %swap3A_1465, %swap3A_1466] {strides = array<i32>} : memref<2x16x16x128xf32, #tpu.memory_space<vmem>>, vector<1x1x1x16xf32>,
        %swap3A_1468 = vector.shape_cast %swap3A_1467 : vector<1x1x1x16xf32> to vector<16xf32>
        %swap3A_1469 = vector.shape_cast %gather3A_1460 : vector<16xf32> to vector<1x1x1x16xf32>
        tpu.vector_store %arg7[%swap3A_1463, %swap3A_1464, %swap3A_1465, %swap3A_1466], %swap3A_1469 {strides = array<i32>} : memref<2x16x16x128xf32, #tpu.memory_space<vmem>>, vector<1x1x1x16xf32>,
        %gather3A_1470 = vector.shape_cast %broadcast_in_dim3A_1370 : vector<16x1xi32> to vector<16xi32>
        %gather3A_1471 = tpu.dynamic_gather %get3A_49[%gather3A_1470] in [0] : vector<16xf32>, vector<16xi32> -> vector<16xf32>
        %swap3A_1472 = arith.constant 0 : i32
        %swap3A_1473 = arith.constant 9 : i32
        %swap3A_1474 = arith.index_cast %swap3A_1472 : i32 to index
        %swap3A_1475 = arith.index_cast %scan3A_451 : i32 to index
        %swap3A_1476 = arith.index_cast %swap3A_1473 : i32 to index
        %swap3A_1477 = arith.constant 80 : index
        %swap3A_1478 = tpu.vector_load %arg7[%swap3A_1474, %swap3A_1475, %swap3A_1476, %swap3A_1477] {strides = array<i32>} : memref<2x16x16x128xf32, #tpu.memory_space<vmem>>, vector<1x1x1x16xf32>,
        %swap3A_1479 = vector.shape_cast %swap3A_1478 : vector<1x1x1x16xf32> to vector<16xf32>
        %swap3A_1480 = vector.shape_cast %gather3A_1471 : vector<16xf32> to vector<1x1x1x16xf32>
        tpu.vector_store %arg7[%swap3A_1474, %swap3A_1475, %swap3A_1476, %swap3A_1477], %swap3A_1480 {strides = array<i32>} : memref<2x16x16x128xf32, #tpu.memory_space<vmem>>, vector<1x1x1x16xf32>,
        %gather3A_1481 = vector.shape_cast %broadcast_in_dim3A_1370 : vector<16x1xi32> to vector<16xi32>
        %gather3A_1482 = tpu.dynamic_gather %get3A_54[%gather3A_1481] in [0] : vector<16xf32>, vector<16xi32> -> vector<16xf32>
        %swap3A_1483 = arith.constant 0 : i32
        %swap3A_1484 = arith.constant 10 : i32
        %swap3A_1485 = arith.index_cast %swap3A_1483 : i32 to index
        %swap3A_1486 = arith.index_cast %scan3A_451 : i32 to index
        %swap3A_1487 = arith.index_cast %swap3A_1484 : i32 to index
        %swap3A_1488 = arith.constant 80 : index
        %swap3A_1489 = tpu.vector_load %arg7[%swap3A_1485, %swap3A_1486, %swap3A_1487, %swap3A_1488] {strides = array<i32>} : memref<2x16x16x128xf32, #tpu.memory_space<vmem>>, vector<1x1x1x16xf32>,
        %swap3A_1490 = vector.shape_cast %swap3A_1489 : vector<1x1x1x16xf32> to vector<16xf32>
        %swap3A_1491 = vector.shape_cast %gather3A_1482 : vector<16xf32> to vector<1x1x1x16xf32>
        tpu.vector_store %arg7[%swap3A_1485, %swap3A_1486, %swap3A_1487, %swap3A_1488], %swap3A_1491 {strides = array<i32>} : memref<2x16x16x128xf32, #tpu.memory_space<vmem>>, vector<1x1x1x16xf32>,
        %gather3A_1492 = vector.shape_cast %broadcast_in_dim3A_1370 : vector<16x1xi32> to vector<16xi32>
        %gather3A_1493 = tpu.dynamic_gather %get3A_59[%gather3A_1492] in [0] : vector<16xf32>, vector<16xi32> -> vector<16xf32>
        %swap3A_1494 = arith.constant 0 : i32
        %swap3A_1495 = arith.constant 11 : i32
        %swap3A_1496 = arith.index_cast %swap3A_1494 : i32 to index
        %swap3A_1497 = arith.index_cast %scan3A_451 : i32 to index
        %swap3A_1498 = arith.index_cast %swap3A_1495 : i32 to index
        %swap3A_1499 = arith.constant 80 : index
        %swap3A_1500 = tpu.vector_load %arg7[%swap3A_1496, %swap3A_1497, %swap3A_1498, %swap3A_1499] {strides = array<i32>} : memref<2x16x16x128xf32, #tpu.memory_space<vmem>>, vector<1x1x1x16xf32>,
        %swap3A_1501 = vector.shape_cast %swap3A_1500 : vector<1x1x1x16xf32> to vector<16xf32>
        %swap3A_1502 = vector.shape_cast %gather3A_1493 : vector<16xf32> to vector<1x1x1x16xf32>
        tpu.vector_store %arg7[%swap3A_1496, %swap3A_1497, %swap3A_1498, %swap3A_1499], %swap3A_1502 {strides = array<i32>} : memref<2x16x16x128xf32, #tpu.memory_space<vmem>>, vector<1x1x1x16xf32>,
        %gather3A_1503 = vector.shape_cast %broadcast_in_dim3A_1370 : vector<16x1xi32> to vector<16xi32>
        %gather3A_1504 = tpu.dynamic_gather %get3A_64[%gather3A_1503] in [0] : vector<16xf32>, vector<16xi32> -> vector<16xf32>
        %swap3A_1505 = arith.constant 0 : i32
        %swap3A_1506 = arith.constant 12 : i32
        %swap3A_1507 = arith.index_cast %swap3A_1505 : i32 to index
        %swap3A_1508 = arith.index_cast %scan3A_451 : i32 to index
        %swap3A_1509 = arith.index_cast %swap3A_1506 : i32 to index
        %swap3A_1510 = arith.constant 80 : index
        %swap3A_1511 = tpu.vector_load %arg7[%swap3A_1507, %swap3A_1508, %swap3A_1509, %swap3A_1510] {strides = array<i32>} : memref<2x16x16x128xf32, #tpu.memory_space<vmem>>, vector<1x1x1x16xf32>,
        %swap3A_1512 = vector.shape_cast %swap3A_1511 : vector<1x1x1x16xf32> to vector<16xf32>
        %swap3A_1513 = vector.shape_cast %gather3A_1504 : vector<16xf32> to vector<1x1x1x16xf32>
        tpu.vector_store %arg7[%swap3A_1507, %swap3A_1508, %swap3A_1509, %swap3A_1510], %swap3A_1513 {strides = array<i32>} : memref<2x16x16x128xf32, #tpu.memory_space<vmem>>, vector<1x1x1x16xf32>,
        %gather3A_1514 = vector.shape_cast %broadcast_in_dim3A_1370 : vector<16x1xi32> to vector<16xi32>
        %gather3A_1515 = tpu.dynamic_gather %get3A_69[%gather3A_1514] in [0] : vector<16xf32>, vector<16xi32> -> vector<16xf32>
        %swap3A_1516 = arith.constant 0 : i32
        %swap3A_1517 = arith.constant 13 : i32
        %swap3A_1518 = arith.index_cast %swap3A_1516 : i32 to index
        %swap3A_1519 = arith.index_cast %scan3A_451 : i32 to index
        %swap3A_1520 = arith.index_cast %swap3A_1517 : i32 to index
        %swap3A_1521 = arith.constant 80 : index
        %swap3A_1522 = tpu.vector_load %arg7[%swap3A_1518, %swap3A_1519, %swap3A_1520, %swap3A_1521] {strides = array<i32>} : memref<2x16x16x128xf32, #tpu.memory_space<vmem>>, vector<1x1x1x16xf32>,
        %swap3A_1523 = vector.shape_cast %swap3A_1522 : vector<1x1x1x16xf32> to vector<16xf32>
        %swap3A_1524 = vector.shape_cast %gather3A_1515 : vector<16xf32> to vector<1x1x1x16xf32>
        tpu.vector_store %arg7[%swap3A_1518, %swap3A_1519, %swap3A_1520, %swap3A_1521], %swap3A_1524 {strides = array<i32>} : memref<2x16x16x128xf32, #tpu.memory_space<vmem>>, vector<1x1x1x16xf32>,
        %gather3A_1525 = vector.shape_cast %broadcast_in_dim3A_1370 : vector<16x1xi32> to vector<16xi32>
        %gather3A_1526 = tpu.dynamic_gather %get3A_74[%gather3A_1525] in [0] : vector<16xf32>, vector<16xi32> -> vector<16xf32>
        %swap3A_1527 = arith.constant 0 : i32
        %swap3A_1528 = arith.constant 14 : i32
        %swap3A_1529 = arith.index_cast %swap3A_1527 : i32 to index
        %swap3A_1530 = arith.index_cast %scan3A_451 : i32 to index
        %swap3A_1531 = arith.index_cast %swap3A_1528 : i32 to index
        %swap3A_1532 = arith.constant 80 : index
        %swap3A_1533 = tpu.vector_load %arg7[%swap3A_1529, %swap3A_1530, %swap3A_1531, %swap3A_1532] {strides = array<i32>} : memref<2x16x16x128xf32, #tpu.memory_space<vmem>>, vector<1x1x1x16xf32>,
        %swap3A_1534 = vector.shape_cast %swap3A_1533 : vector<1x1x1x16xf32> to vector<16xf32>
        %swap3A_1535 = vector.shape_cast %gather3A_1526 : vector<16xf32> to vector<1x1x1x16xf32>
        tpu.vector_store %arg7[%swap3A_1529, %swap3A_1530, %swap3A_1531, %swap3A_1532], %swap3A_1535 {strides = array<i32>} : memref<2x16x16x128xf32, #tpu.memory_space<vmem>>, vector<1x1x1x16xf32>,
        %gather3A_1536 = vector.shape_cast %broadcast_in_dim3A_1370 : vector<16x1xi32> to vector<16xi32>
        %gather3A_1537 = tpu.dynamic_gather %get3A_79[%gather3A_1536] in [0] : vector<16xf32>, vector<16xi32> -> vector<16xf32>
        %swap3A_1538 = arith.constant 0 : i32
        %swap3A_1539 = arith.constant 15 : i32
        %swap3A_1540 = arith.index_cast %swap3A_1538 : i32 to index
        %swap3A_1541 = arith.index_cast %scan3A_451 : i32 to index
        %swap3A_1542 = arith.index_cast %swap3A_1539 : i32 to index
        %swap3A_1543 = arith.constant 80 : index
        %swap3A_1544 = tpu.vector_load %arg7[%swap3A_1540, %swap3A_1541, %swap3A_1542, %swap3A_1543] {strides = array<i32>} : memref<2x16x16x128xf32, #tpu.memory_space<vmem>>, vector<1x1x1x16xf32>,
        %swap3A_1545 = vector.shape_cast %swap3A_1544 : vector<1x1x1x16xf32> to vector<16xf32>
        %swap3A_1546 = vector.shape_cast %gather3A_1537 : vector<16xf32> to vector<1x1x1x16xf32>
        tpu.vector_store %arg7[%swap3A_1540, %swap3A_1541, %swap3A_1542, %swap3A_1543], %swap3A_1546 {strides = array<i32>} : memref<2x16x16x128xf32, #tpu.memory_space<vmem>>, vector<1x1x1x16xf32>,
        %get3A_1547 = arith.constant 0 : i32
        %get3A_1548 = arith.index_cast %get3A_1547 : i32 to index
        %get3A_1549 = arith.index_cast %scan3A_451 : i32 to index
        %get3A_1550 = arith.constant 96 : index
        %get3A_1551 = tpu.vector_load %arg6[%get3A_1548, %get3A_1549, %get3A_1550] {strides = array<i32>} : memref<2x16x128xi32, #tpu.memory_space<vmem>>, vector<1x1x16xi32>,
        %get3A_1552 = vector.shape_cast %get3A_1551 : vector<1x1x16xi32> to vector<16xi32>
        %broadcast_in_dim3A_1553 = vector.shape_cast %get3A_1552 : vector<16xi32> to vector<16x1xi32>
        %gather3A_1554 = vector.shape_cast %broadcast_in_dim3A_1553 : vector<16x1xi32> to vector<16xi32>
        %gather3A_1555 = tpu.dynamic_gather %get3A_4[%gather3A_1554] in [0] : vector<16xf32>, vector<16xi32> -> vector<16xf32>
        %swap3A_1556 = arith.constant 0 : i32
        %swap3A_1557 = arith.constant 0 : i32
        %swap3A_1558 = arith.index_cast %swap3A_1556 : i32 to index
        %swap3A_1559 = arith.index_cast %scan3A_451 : i32 to index
        %swap3A_1560 = arith.index_cast %swap3A_1557 : i32 to index
        %swap3A_1561 = arith.constant 96 : index
        %swap3A_1562 = tpu.vector_load %arg7[%swap3A_1558, %swap3A_1559, %swap3A_1560, %swap3A_1561] {strides = array<i32>} : memref<2x16x16x128xf32, #tpu.memory_space<vmem>>, vector<1x1x1x16xf32>,
        %swap3A_1563 = vector.shape_cast %swap3A_1562 : vector<1x1x1x16xf32> to vector<16xf32>
        %swap3A_1564 = vector.shape_cast %gather3A_1555 : vector<16xf32> to vector<1x1x1x16xf32>
        tpu.vector_store %arg7[%swap3A_1558, %swap3A_1559, %swap3A_1560, %swap3A_1561], %swap3A_1564 {strides = array<i32>} : memref<2x16x16x128xf32, #tpu.memory_space<vmem>>, vector<1x1x1x16xf32>,
        %gather3A_1565 = vector.shape_cast %broadcast_in_dim3A_1553 : vector<16x1xi32> to vector<16xi32>
        %gather3A_1566 = tpu.dynamic_gather %get3A_9[%gather3A_1565] in [0] : vector<16xf32>, vector<16xi32> -> vector<16xf32>
        %swap3A_1567 = arith.constant 0 : i32
        %swap3A_1568 = arith.constant 1 : i32
        %swap3A_1569 = arith.index_cast %swap3A_1567 : i32 to index
        %swap3A_1570 = arith.index_cast %scan3A_451 : i32 to index
        %swap3A_1571 = arith.index_cast %swap3A_1568 : i32 to index
        %swap3A_1572 = arith.constant 96 : index
        %swap3A_1573 = tpu.vector_load %arg7[%swap3A_1569, %swap3A_1570, %swap3A_1571, %swap3A_1572] {strides = array<i32>} : memref<2x16x16x128xf32, #tpu.memory_space<vmem>>, vector<1x1x1x16xf32>,
        %swap3A_1574 = vector.shape_cast %swap3A_1573 : vector<1x1x1x16xf32> to vector<16xf32>
        %swap3A_1575 = vector.shape_cast %gather3A_1566 : vector<16xf32> to vector<1x1x1x16xf32>
        tpu.vector_store %arg7[%swap3A_1569, %swap3A_1570, %swap3A_1571, %swap3A_1572], %swap3A_1575 {strides = array<i32>} : memref<2x16x16x128xf32, #tpu.memory_space<vmem>>, vector<1x1x1x16xf32>,
        %gather3A_1576 = vector.shape_cast %broadcast_in_dim3A_1553 : vector<16x1xi32> to vector<16xi32>
        %gather3A_1577 = tpu.dynamic_gather %get3A_14[%gather3A_1576] in [0] : vector<16xf32>, vector<16xi32> -> vector<16xf32>
        %swap3A_1578 = arith.constant 0 : i32
        %swap3A_1579 = arith.constant 2 : i32
        %swap3A_1580 = arith.index_cast %swap3A_1578 : i32 to index
        %swap3A_1581 = arith.index_cast %scan3A_451 : i32 to index
        %swap3A_1582 = arith.index_cast %swap3A_1579 : i32 to index
        %swap3A_1583 = arith.constant 96 : index
        %swap3A_1584 = tpu.vector_load %arg7[%swap3A_1580, %swap3A_1581, %swap3A_1582, %swap3A_1583] {strides = array<i32>} : memref<2x16x16x128xf32, #tpu.memory_space<vmem>>, vector<1x1x1x16xf32>,
        %swap3A_1585 = vector.shape_cast %swap3A_1584 : vector<1x1x1x16xf32> to vector<16xf32>
        %swap3A_1586 = vector.shape_cast %gather3A_1577 : vector<16xf32> to vector<1x1x1x16xf32>
        tpu.vector_store %arg7[%swap3A_1580, %swap3A_1581, %swap3A_1582, %swap3A_1583], %swap3A_1586 {strides = array<i32>} : memref<2x16x16x128xf32, #tpu.memory_space<vmem>>, vector<1x1x1x16xf32>,
        %gather3A_1587 = vector.shape_cast %broadcast_in_dim3A_1553 : vector<16x1xi32> to vector<16xi32>
        %gather3A_1588 = tpu.dynamic_gather %get3A_19[%gather3A_1587] in [0] : vector<16xf32>, vector<16xi32> -> vector<16xf32>
        %swap3A_1589 = arith.constant 0 : i32
        %swap3A_1590 = arith.constant 3 : i32
        %swap3A_1591 = arith.index_cast %swap3A_1589 : i32 to index
        %swap3A_1592 = arith.index_cast %scan3A_451 : i32 to index
        %swap3A_1593 = arith.index_cast %swap3A_1590 : i32 to index
        %swap3A_1594 = arith.constant 96 : index
        %swap3A_1595 = tpu.vector_load %arg7[%swap3A_1591, %swap3A_1592, %swap3A_1593, %swap3A_1594] {strides = array<i32>} : memref<2x16x16x128xf32, #tpu.memory_space<vmem>>, vector<1x1x1x16xf32>,
        %swap3A_1596 = vector.shape_cast %swap3A_1595 : vector<1x1x1x16xf32> to vector<16xf32>
        %swap3A_1597 = vector.shape_cast %gather3A_1588 : vector<16xf32> to vector<1x1x1x16xf32>
        tpu.vector_store %arg7[%swap3A_1591, %swap3A_1592, %swap3A_1593, %swap3A_1594], %swap3A_1597 {strides = array<i32>} : memref<2x16x16x128xf32, #tpu.memory_space<vmem>>, vector<1x1x1x16xf32>,
        %gather3A_1598 = vector.shape_cast %broadcast_in_dim3A_1553 : vector<16x1xi32> to vector<16xi32>
        %gather3A_1599 = tpu.dynamic_gather %get3A_24[%gather3A_1598] in [0] : vector<16xf32>, vector<16xi32> -> vector<16xf32>
        %swap3A_1600 = arith.constant 0 : i32
        %swap3A_1601 = arith.constant 4 : i32
        %swap3A_1602 = arith.index_cast %swap3A_1600 : i32 to index
        %swap3A_1603 = arith.index_cast %scan3A_451 : i32 to index
        %swap3A_1604 = arith.index_cast %swap3A_1601 : i32 to index
        %swap3A_1605 = arith.constant 96 : index
        %swap3A_1606 = tpu.vector_load %arg7[%swap3A_1602, %swap3A_1603, %swap3A_1604, %swap3A_1605] {strides = array<i32>} : memref<2x16x16x128xf32, #tpu.memory_space<vmem>>, vector<1x1x1x16xf32>,
        %swap3A_1607 = vector.shape_cast %swap3A_1606 : vector<1x1x1x16xf32> to vector<16xf32>
        %swap3A_1608 = vector.shape_cast %gather3A_1599 : vector<16xf32> to vector<1x1x1x16xf32>
        tpu.vector_store %arg7[%swap3A_1602, %swap3A_1603, %swap3A_1604, %swap3A_1605], %swap3A_1608 {strides = array<i32>} : memref<2x16x16x128xf32, #tpu.memory_space<vmem>>, vector<1x1x1x16xf32>,
        %gather3A_1609 = vector.shape_cast %broadcast_in_dim3A_1553 : vector<16x1xi32> to vector<16xi32>
        %gather3A_1610 = tpu.dynamic_gather %get3A_29[%gather3A_1609] in [0] : vector<16xf32>, vector<16xi32> -> vector<16xf32>
        %swap3A_1611 = arith.constant 0 : i32
        %swap3A_1612 = arith.constant 5 : i32
        %swap3A_1613 = arith.index_cast %swap3A_1611 : i32 to index
        %swap3A_1614 = arith.index_cast %scan3A_451 : i32 to index
        %swap3A_1615 = arith.index_cast %swap3A_1612 : i32 to index
        %swap3A_1616 = arith.constant 96 : index
        %swap3A_1617 = tpu.vector_load %arg7[%swap3A_1613, %swap3A_1614, %swap3A_1615, %swap3A_1616] {strides = array<i32>} : memref<2x16x16x128xf32, #tpu.memory_space<vmem>>, vector<1x1x1x16xf32>,
        %swap3A_1618 = vector.shape_cast %swap3A_1617 : vector<1x1x1x16xf32> to vector<16xf32>
        %swap3A_1619 = vector.shape_cast %gather3A_1610 : vector<16xf32> to vector<1x1x1x16xf32>
        tpu.vector_store %arg7[%swap3A_1613, %swap3A_1614, %swap3A_1615, %swap3A_1616], %swap3A_1619 {strides = array<i32>} : memref<2x16x16x128xf32, #tpu.memory_space<vmem>>, vector<1x1x1x16xf32>,
        %gather3A_1620 = vector.shape_cast %broadcast_in_dim3A_1553 : vector<16x1xi32> to vector<16xi32>
        %gather3A_1621 = tpu.dynamic_gather %get3A_34[%gather3A_1620] in [0] : vector<16xf32>, vector<16xi32> -> vector<16xf32>
        %swap3A_1622 = arith.constant 0 : i32
        %swap3A_1623 = arith.constant 6 : i32
        %swap3A_1624 = arith.index_cast %swap3A_1622 : i32 to index
        %swap3A_1625 = arith.index_cast %scan3A_451 : i32 to index
        %swap3A_1626 = arith.index_cast %swap3A_1623 : i32 to index
        %swap3A_1627 = arith.constant 96 : index
        %swap3A_1628 = tpu.vector_load %arg7[%swap3A_1624, %swap3A_1625, %swap3A_1626, %swap3A_1627] {strides = array<i32>} : memref<2x16x16x128xf32, #tpu.memory_space<vmem>>, vector<1x1x1x16xf32>,
        %swap3A_1629 = vector.shape_cast %swap3A_1628 : vector<1x1x1x16xf32> to vector<16xf32>
        %swap3A_1630 = vector.shape_cast %gather3A_1621 : vector<16xf32> to vector<1x1x1x16xf32>
        tpu.vector_store %arg7[%swap3A_1624, %swap3A_1625, %swap3A_1626, %swap3A_1627], %swap3A_1630 {strides = array<i32>} : memref<2x16x16x128xf32, #tpu.memory_space<vmem>>, vector<1x1x1x16xf32>,
        %gather3A_1631 = vector.shape_cast %broadcast_in_dim3A_1553 : vector<16x1xi32> to vector<16xi32>
        %gather3A_1632 = tpu.dynamic_gather %get3A_39[%gather3A_1631] in [0] : vector<16xf32>, vector<16xi32> -> vector<16xf32>
        %swap3A_1633 = arith.constant 0 : i32
        %swap3A_1634 = arith.constant 7 : i32
        %swap3A_1635 = arith.index_cast %swap3A_1633 : i32 to index
        %swap3A_1636 = arith.index_cast %scan3A_451 : i32 to index
        %swap3A_1637 = arith.index_cast %swap3A_1634 : i32 to index
        %swap3A_1638 = arith.constant 96 : index
        %swap3A_1639 = tpu.vector_load %arg7[%swap3A_1635, %swap3A_1636, %swap3A_1637, %swap3A_1638] {strides = array<i32>} : memref<2x16x16x128xf32, #tpu.memory_space<vmem>>, vector<1x1x1x16xf32>,
        %swap3A_1640 = vector.shape_cast %swap3A_1639 : vector<1x1x1x16xf32> to vector<16xf32>
        %swap3A_1641 = vector.shape_cast %gather3A_1632 : vector<16xf32> to vector<1x1x1x16xf32>
        tpu.vector_store %arg7[%swap3A_1635, %swap3A_1636, %swap3A_1637, %swap3A_1638], %swap3A_1641 {strides = array<i32>} : memref<2x16x16x128xf32, #tpu.memory_space<vmem>>, vector<1x1x1x16xf32>,
        %gather3A_1642 = vector.shape_cast %broadcast_in_dim3A_1553 : vector<16x1xi32> to vector<16xi32>
        %gather3A_1643 = tpu.dynamic_gather %get3A_44[%gather3A_1642] in [0] : vector<16xf32>, vector<16xi32> -> vector<16xf32>
        %swap3A_1644 = arith.constant 0 : i32
        %swap3A_1645 = arith.constant 8 : i32
        %swap3A_1646 = arith.index_cast %swap3A_1644 : i32 to index
        %swap3A_1647 = arith.index_cast %scan3A_451 : i32 to index
        %swap3A_1648 = arith.index_cast %swap3A_1645 : i32 to index
        %swap3A_1649 = arith.constant 96 : index
        %swap3A_1650 = tpu.vector_load %arg7[%swap3A_1646, %swap3A_1647, %swap3A_1648, %swap3A_1649] {strides = array<i32>} : memref<2x16x16x128xf32, #tpu.memory_space<vmem>>, vector<1x1x1x16xf32>,
        %swap3A_1651 = vector.shape_cast %swap3A_1650 : vector<1x1x1x16xf32> to vector<16xf32>
        %swap3A_1652 = vector.shape_cast %gather3A_1643 : vector<16xf32> to vector<1x1x1x16xf32>
        tpu.vector_store %arg7[%swap3A_1646, %swap3A_1647, %swap3A_1648, %swap3A_1649], %swap3A_1652 {strides = array<i32>} : memref<2x16x16x128xf32, #tpu.memory_space<vmem>>, vector<1x1x1x16xf32>,
        %gather3A_1653 = vector.shape_cast %broadcast_in_dim3A_1553 : vector<16x1xi32> to vector<16xi32>
        %gather3A_1654 = tpu.dynamic_gather %get3A_49[%gather3A_1653] in [0] : vector<16xf32>, vector<16xi32> -> vector<16xf32>
        %swap3A_1655 = arith.constant 0 : i32
        %swap3A_1656 = arith.constant 9 : i32
        %swap3A_1657 = arith.index_cast %swap3A_1655 : i32 to index
        %swap3A_1658 = arith.index_cast %scan3A_451 : i32 to index
        %swap3A_1659 = arith.index_cast %swap3A_1656 : i32 to index
        %swap3A_1660 = arith.constant 96 : index
        %swap3A_1661 = tpu.vector_load %arg7[%swap3A_1657, %swap3A_1658, %swap3A_1659, %swap3A_1660] {strides = array<i32>} : memref<2x16x16x128xf32, #tpu.memory_space<vmem>>, vector<1x1x1x16xf32>,
        %swap3A_1662 = vector.shape_cast %swap3A_1661 : vector<1x1x1x16xf32> to vector<16xf32>
        %swap3A_1663 = vector.shape_cast %gather3A_1654 : vector<16xf32> to vector<1x1x1x16xf32>
        tpu.vector_store %arg7[%swap3A_1657, %swap3A_1658, %swap3A_1659, %swap3A_1660], %swap3A_1663 {strides = array<i32>} : memref<2x16x16x128xf32, #tpu.memory_space<vmem>>, vector<1x1x1x16xf32>,
        %gather3A_1664 = vector.shape_cast %broadcast_in_dim3A_1553 : vector<16x1xi32> to vector<16xi32>
        %gather3A_1665 = tpu.dynamic_gather %get3A_54[%gather3A_1664] in [0] : vector<16xf32>, vector<16xi32> -> vector<16xf32>
        %swap3A_1666 = arith.constant 0 : i32
        %swap3A_1667 = arith.constant 10 : i32
        %swap3A_1668 = arith.index_cast %swap3A_1666 : i32 to index
        %swap3A_1669 = arith.index_cast %scan3A_451 : i32 to index
        %swap3A_1670 = arith.index_cast %swap3A_1667 : i32 to index
        %swap3A_1671 = arith.constant 96 : index
        %swap3A_1672 = tpu.vector_load %arg7[%swap3A_1668, %swap3A_1669, %swap3A_1670, %swap3A_1671] {strides = array<i32>} : memref<2x16x16x128xf32, #tpu.memory_space<vmem>>, vector<1x1x1x16xf32>,
        %swap3A_1673 = vector.shape_cast %swap3A_1672 : vector<1x1x1x16xf32> to vector<16xf32>
        %swap3A_1674 = vector.shape_cast %gather3A_1665 : vector<16xf32> to vector<1x1x1x16xf32>
        tpu.vector_store %arg7[%swap3A_1668, %swap3A_1669, %swap3A_1670, %swap3A_1671], %swap3A_1674 {strides = array<i32>} : memref<2x16x16x128xf32, #tpu.memory_space<vmem>>, vector<1x1x1x16xf32>,
        %gather3A_1675 = vector.shape_cast %broadcast_in_dim3A_1553 : vector<16x1xi32> to vector<16xi32>
        %gather3A_1676 = tpu.dynamic_gather %get3A_59[%gather3A_1675] in [0] : vector<16xf32>, vector<16xi32> -> vector<16xf32>
        %swap3A_1677 = arith.constant 0 : i32
        %swap3A_1678 = arith.constant 11 : i32
        %swap3A_1679 = arith.index_cast %swap3A_1677 : i32 to index
        %swap3A_1680 = arith.index_cast %scan3A_451 : i32 to index
        %swap3A_1681 = arith.index_cast %swap3A_1678 : i32 to index
        %swap3A_1682 = arith.constant 96 : index
        %swap3A_1683 = tpu.vector_load %arg7[%swap3A_1679, %swap3A_1680, %swap3A_1681, %swap3A_1682] {strides = array<i32>} : memref<2x16x16x128xf32, #tpu.memory_space<vmem>>, vector<1x1x1x16xf32>,
        %swap3A_1684 = vector.shape_cast %swap3A_1683 : vector<1x1x1x16xf32> to vector<16xf32>
        %swap3A_1685 = vector.shape_cast %gather3A_1676 : vector<16xf32> to vector<1x1x1x16xf32>
        tpu.vector_store %arg7[%swap3A_1679, %swap3A_1680, %swap3A_1681, %swap3A_1682], %swap3A_1685 {strides = array<i32>} : memref<2x16x16x128xf32, #tpu.memory_space<vmem>>, vector<1x1x1x16xf32>,
        %gather3A_1686 = vector.shape_cast %broadcast_in_dim3A_1553 : vector<16x1xi32> to vector<16xi32>
        %gather3A_1687 = tpu.dynamic_gather %get3A_64[%gather3A_1686] in [0] : vector<16xf32>, vector<16xi32> -> vector<16xf32>
        %swap3A_1688 = arith.constant 0 : i32
        %swap3A_1689 = arith.constant 12 : i32
        %swap3A_1690 = arith.index_cast %swap3A_1688 : i32 to index
        %swap3A_1691 = arith.index_cast %scan3A_451 : i32 to index
        %swap3A_1692 = arith.index_cast %swap3A_1689 : i32 to index
        %swap3A_1693 = arith.constant 96 : index
        %swap3A_1694 = tpu.vector_load %arg7[%swap3A_1690, %swap3A_1691, %swap3A_1692, %swap3A_1693] {strides = array<i32>} : memref<2x16x16x128xf32, #tpu.memory_space<vmem>>, vector<1x1x1x16xf32>,
        %swap3A_1695 = vector.shape_cast %swap3A_1694 : vector<1x1x1x16xf32> to vector<16xf32>
        %swap3A_1696 = vector.shape_cast %gather3A_1687 : vector<16xf32> to vector<1x1x1x16xf32>
        tpu.vector_store %arg7[%swap3A_1690, %swap3A_1691, %swap3A_1692, %swap3A_1693], %swap3A_1696 {strides = array<i32>} : memref<2x16x16x128xf32, #tpu.memory_space<vmem>>, vector<1x1x1x16xf32>,
        %gather3A_1697 = vector.shape_cast %broadcast_in_dim3A_1553 : vector<16x1xi32> to vector<16xi32>
        %gather3A_1698 = tpu.dynamic_gather %get3A_69[%gather3A_1697] in [0] : vector<16xf32>, vector<16xi32> -> vector<16xf32>
        %swap3A_1699 = arith.constant 0 : i32
        %swap3A_1700 = arith.constant 13 : i32
        %swap3A_1701 = arith.index_cast %swap3A_1699 : i32 to index
        %swap3A_1702 = arith.index_cast %scan3A_451 : i32 to index
        %swap3A_1703 = arith.index_cast %swap3A_1700 : i32 to index
        %swap3A_1704 = arith.constant 96 : index
        %swap3A_1705 = tpu.vector_load %arg7[%swap3A_1701, %swap3A_1702, %swap3A_1703, %swap3A_1704] {strides = array<i32>} : memref<2x16x16x128xf32, #tpu.memory_space<vmem>>, vector<1x1x1x16xf32>,
        %swap3A_1706 = vector.shape_cast %swap3A_1705 : vector<1x1x1x16xf32> to vector<16xf32>
        %swap3A_1707 = vector.shape_cast %gather3A_1698 : vector<16xf32> to vector<1x1x1x16xf32>
        tpu.vector_store %arg7[%swap3A_1701, %swap3A_1702, %swap3A_1703, %swap3A_1704], %swap3A_1707 {strides = array<i32>} : memref<2x16x16x128xf32, #tpu.memory_space<vmem>>, vector<1x1x1x16xf32>,
        %gather3A_1708 = vector.shape_cast %broadcast_in_dim3A_1553 : vector<16x1xi32> to vector<16xi32>
        %gather3A_1709 = tpu.dynamic_gather %get3A_74[%gather3A_1708] in [0] : vector<16xf32>, vector<16xi32> -> vector<16xf32>
        %swap3A_1710 = arith.constant 0 : i32
        %swap3A_1711 = arith.constant 14 : i32
        %swap3A_1712 = arith.index_cast %swap3A_1710 : i32 to index
        %swap3A_1713 = arith.index_cast %scan3A_451 : i32 to index
        %swap3A_1714 = arith.index_cast %swap3A_1711 : i32 to index
        %swap3A_1715 = arith.constant 96 : index
        %swap3A_1716 = tpu.vector_load %arg7[%swap3A_1712, %swap3A_1713, %swap3A_1714, %swap3A_1715] {strides = array<i32>} : memref<2x16x16x128xf32, #tpu.memory_space<vmem>>, vector<1x1x1x16xf32>,
        %swap3A_1717 = vector.shape_cast %swap3A_1716 : vector<1x1x1x16xf32> to vector<16xf32>
        %swap3A_1718 = vector.shape_cast %gather3A_1709 : vector<16xf32> to vector<1x1x1x16xf32>
        tpu.vector_store %arg7[%swap3A_1712, %swap3A_1713, %swap3A_1714, %swap3A_1715], %swap3A_1718 {strides = array<i32>} : memref<2x16x16x128xf32, #tpu.memory_space<vmem>>, vector<1x1x1x16xf32>,
        %gather3A_1719 = vector.shape_cast %broadcast_in_dim3A_1553 : vector<16x1xi32> to vector<16xi32>
        %gather3A_1720 = tpu.dynamic_gather %get3A_79[%gather3A_1719] in [0] : vector<16xf32>, vector<16xi32> -> vector<16xf32>
        %swap3A_1721 = arith.constant 0 : i32
        %swap3A_1722 = arith.constant 15 : i32
        %swap3A_1723 = arith.index_cast %swap3A_1721 : i32 to index
        %swap3A_1724 = arith.index_cast %scan3A_451 : i32 to index
        %swap3A_1725 = arith.index_cast %swap3A_1722 : i32 to index
        %swap3A_1726 = arith.constant 96 : index
        %swap3A_1727 = tpu.vector_load %arg7[%swap3A_1723, %swap3A_1724, %swap3A_1725, %swap3A_1726] {strides = array<i32>} : memref<2x16x16x128xf32, #tpu.memory_space<vmem>>, vector<1x1x1x16xf32>,
        %swap3A_1728 = vector.shape_cast %swap3A_1727 : vector<1x1x1x16xf32> to vector<16xf32>
        %swap3A_1729 = vector.shape_cast %gather3A_1720 : vector<16xf32> to vector<1x1x1x16xf32>
        tpu.vector_store %arg7[%swap3A_1723, %swap3A_1724, %swap3A_1725, %swap3A_1726], %swap3A_1729 {strides = array<i32>} : memref<2x16x16x128xf32, #tpu.memory_space<vmem>>, vector<1x1x1x16xf32>,
        %get3A_1730 = arith.constant 0 : i32
        %get3A_1731 = arith.index_cast %get3A_1730 : i32 to index
        %get3A_1732 = arith.index_cast %scan3A_451 : i32 to index
        %get3A_1733 = arith.constant 112 : index
        %get3A_1734 = tpu.vector_load %arg6[%get3A_1731, %get3A_1732, %get3A_1733] {strides = array<i32>} : memref<2x16x128xi32, #tpu.memory_space<vmem>>, vector<1x1x16xi32>,
        %get3A_1735 = vector.shape_cast %get3A_1734 : vector<1x1x16xi32> to vector<16xi32>
        %broadcast_in_dim3A_1736 = vector.shape_cast %get3A_1735 : vector<16xi32> to vector<16x1xi32>
        %gather3A_1737 = vector.shape_cast %broadcast_in_dim3A_1736 : vector<16x1xi32> to vector<16xi32>
        %gather3A_1738 = tpu.dynamic_gather %get3A_4[%gather3A_1737] in [0] : vector<16xf32>, vector<16xi32> -> vector<16xf32>
        %swap3A_1739 = arith.constant 0 : i32
        %swap3A_1740 = arith.constant 0 : i32
        %swap3A_1741 = arith.index_cast %swap3A_1739 : i32 to index
        %swap3A_1742 = arith.index_cast %scan3A_451 : i32 to index
        %swap3A_1743 = arith.index_cast %swap3A_1740 : i32 to index
        %swap3A_1744 = arith.constant 112 : index
        %swap3A_1745 = tpu.vector_load %arg7[%swap3A_1741, %swap3A_1742, %swap3A_1743, %swap3A_1744] {strides = array<i32>} : memref<2x16x16x128xf32, #tpu.memory_space<vmem>>, vector<1x1x1x16xf32>,
        %swap3A_1746 = vector.shape_cast %swap3A_1745 : vector<1x1x1x16xf32> to vector<16xf32>
        %swap3A_1747 = vector.shape_cast %gather3A_1738 : vector<16xf32> to vector<1x1x1x16xf32>
        tpu.vector_store %arg7[%swap3A_1741, %swap3A_1742, %swap3A_1743, %swap3A_1744], %swap3A_1747 {strides = array<i32>} : memref<2x16x16x128xf32, #tpu.memory_space<vmem>>, vector<1x1x1x16xf32>,
        %gather3A_1748 = vector.shape_cast %broadcast_in_dim3A_1736 : vector<16x1xi32> to vector<16xi32>
        %gather3A_1749 = tpu.dynamic_gather %get3A_9[%gather3A_1748] in [0] : vector<16xf32>, vector<16xi32> -> vector<16xf32>
        %swap3A_1750 = arith.constant 0 : i32
        %swap3A_1751 = arith.constant 1 : i32
        %swap3A_1752 = arith.index_cast %swap3A_1750 : i32 to index
        %swap3A_1753 = arith.index_cast %scan3A_451 : i32 to index
        %swap3A_1754 = arith.index_cast %swap3A_1751 : i32 to index
        %swap3A_1755 = arith.constant 112 : index
        %swap3A_1756 = tpu.vector_load %arg7[%swap3A_1752, %swap3A_1753, %swap3A_1754, %swap3A_1755] {strides = array<i32>} : memref<2x16x16x128xf32, #tpu.memory_space<vmem>>, vector<1x1x1x16xf32>,
        %swap3A_1757 = vector.shape_cast %swap3A_1756 : vector<1x1x1x16xf32> to vector<16xf32>
        %swap3A_1758 = vector.shape_cast %gather3A_1749 : vector<16xf32> to vector<1x1x1x16xf32>
        tpu.vector_store %arg7[%swap3A_1752, %swap3A_1753, %swap3A_1754, %swap3A_1755], %swap3A_1758 {strides = array<i32>} : memref<2x16x16x128xf32, #tpu.memory_space<vmem>>, vector<1x1x1x16xf32>,
        %gather3A_1759 = vector.shape_cast %broadcast_in_dim3A_1736 : vector<16x1xi32> to vector<16xi32>
        %gather3A_1760 = tpu.dynamic_gather %get3A_14[%gather3A_1759] in [0] : vector<16xf32>, vector<16xi32> -> vector<16xf32>
        %swap3A_1761 = arith.constant 0 : i32
        %swap3A_1762 = arith.constant 2 : i32
        %swap3A_1763 = arith.index_cast %swap3A_1761 : i32 to index
        %swap3A_1764 = arith.index_cast %scan3A_451 : i32 to index
        %swap3A_1765 = arith.index_cast %swap3A_1762 : i32 to index
        %swap3A_1766 = arith.constant 112 : index
        %swap3A_1767 = tpu.vector_load %arg7[%swap3A_1763, %swap3A_1764, %swap3A_1765, %swap3A_1766] {strides = array<i32>} : memref<2x16x16x128xf32, #tpu.memory_space<vmem>>, vector<1x1x1x16xf32>,
        %swap3A_1768 = vector.shape_cast %swap3A_1767 : vector<1x1x1x16xf32> to vector<16xf32>
        %swap3A_1769 = vector.shape_cast %gather3A_1760 : vector<16xf32> to vector<1x1x1x16xf32>
        tpu.vector_store %arg7[%swap3A_1763, %swap3A_1764, %swap3A_1765, %swap3A_1766], %swap3A_1769 {strides = array<i32>} : memref<2x16x16x128xf32, #tpu.memory_space<vmem>>, vector<1x1x1x16xf32>,
        %gather3A_1770 = vector.shape_cast %broadcast_in_dim3A_1736 : vector<16x1xi32> to vector<16xi32>
        %gather3A_1771 = tpu.dynamic_gather %get3A_19[%gather3A_1770] in [0] : vector<16xf32>, vector<16xi32> -> vector<16xf32>
        %swap3A_1772 = arith.constant 0 : i32
        %swap3A_1773 = arith.constant 3 : i32
        %swap3A_1774 = arith.index_cast %swap3A_1772 : i32 to index
        %swap3A_1775 = arith.index_cast %scan3A_451 : i32 to index
        %swap3A_1776 = arith.index_cast %swap3A_1773 : i32 to index
        %swap3A_1777 = arith.constant 112 : index
        %swap3A_1778 = tpu.vector_load %arg7[%swap3A_1774, %swap3A_1775, %swap3A_1776, %swap3A_1777] {strides = array<i32>} : memref<2x16x16x128xf32, #tpu.memory_space<vmem>>, vector<1x1x1x16xf32>,
        %swap3A_1779 = vector.shape_cast %swap3A_1778 : vector<1x1x1x16xf32> to vector<16xf32>
        %swap3A_1780 = vector.shape_cast %gather3A_1771 : vector<16xf32> to vector<1x1x1x16xf32>
        tpu.vector_store %arg7[%swap3A_1774, %swap3A_1775, %swap3A_1776, %swap3A_1777], %swap3A_1780 {strides = array<i32>} : memref<2x16x16x128xf32, #tpu.memory_space<vmem>>, vector<1x1x1x16xf32>,
        %gather3A_1781 = vector.shape_cast %broadcast_in_dim3A_1736 : vector<16x1xi32> to vector<16xi32>
        %gather3A_1782 = tpu.dynamic_gather %get3A_24[%gather3A_1781] in [0] : vector<16xf32>, vector<16xi32> -> vector<16xf32>
        %swap3A_1783 = arith.constant 0 : i32
        %swap3A_1784 = arith.constant 4 : i32
        %swap3A_1785 = arith.index_cast %swap3A_1783 : i32 to index
        %swap3A_1786 = arith.index_cast %scan3A_451 : i32 to index
        %swap3A_1787 = arith.index_cast %swap3A_1784 : i32 to index
        %swap3A_1788 = arith.constant 112 : index
        %swap3A_1789 = tpu.vector_load %arg7[%swap3A_1785, %swap3A_1786, %swap3A_1787, %swap3A_1788] {strides = array<i32>} : memref<2x16x16x128xf32, #tpu.memory_space<vmem>>, vector<1x1x1x16xf32>,
        %swap3A_1790 = vector.shape_cast %swap3A_1789 : vector<1x1x1x16xf32> to vector<16xf32>
        %swap3A_1791 = vector.shape_cast %gather3A_1782 : vector<16xf32> to vector<1x1x1x16xf32>
        tpu.vector_store %arg7[%swap3A_1785, %swap3A_1786, %swap3A_1787, %swap3A_1788], %swap3A_1791 {strides = array<i32>} : memref<2x16x16x128xf32, #tpu.memory_space<vmem>>, vector<1x1x1x16xf32>,
        %gather3A_1792 = vector.shape_cast %broadcast_in_dim3A_1736 : vector<16x1xi32> to vector<16xi32>
        %gather3A_1793 = tpu.dynamic_gather %get3A_29[%gather3A_1792] in [0] : vector<16xf32>, vector<16xi32> -> vector<16xf32>
        %swap3A_1794 = arith.constant 0 : i32
        %swap3A_1795 = arith.constant 5 : i32
        %swap3A_1796 = arith.index_cast %swap3A_1794 : i32 to index
        %swap3A_1797 = arith.index_cast %scan3A_451 : i32 to index
        %swap3A_1798 = arith.index_cast %swap3A_1795 : i32 to index
        %swap3A_1799 = arith.constant 112 : index
        %swap3A_1800 = tpu.vector_load %arg7[%swap3A_1796, %swap3A_1797, %swap3A_1798, %swap3A_1799] {strides = array<i32>} : memref<2x16x16x128xf32, #tpu.memory_space<vmem>>, vector<1x1x1x16xf32>,
        %swap3A_1801 = vector.shape_cast %swap3A_1800 : vector<1x1x1x16xf32> to vector<16xf32>
        %swap3A_1802 = vector.shape_cast %gather3A_1793 : vector<16xf32> to vector<1x1x1x16xf32>
        tpu.vector_store %arg7[%swap3A_1796, %swap3A_1797, %swap3A_1798, %swap3A_1799], %swap3A_1802 {strides = array<i32>} : memref<2x16x16x128xf32, #tpu.memory_space<vmem>>, vector<1x1x1x16xf32>,
        %gather3A_1803 = vector.shape_cast %broadcast_in_dim3A_1736 : vector<16x1xi32> to vector<16xi32>
        %gather3A_1804 = tpu.dynamic_gather %get3A_34[%gather3A_1803] in [0] : vector<16xf32>, vector<16xi32> -> vector<16xf32>
        %swap3A_1805 = arith.constant 0 : i32
        %swap3A_1806 = arith.constant 6 : i32
        %swap3A_1807 = arith.index_cast %swap3A_1805 : i32 to index
        %swap3A_1808 = arith.index_cast %scan3A_451 : i32 to index
        %swap3A_1809 = arith.index_cast %swap3A_1806 : i32 to index
        %swap3A_1810 = arith.constant 112 : index
        %swap3A_1811 = tpu.vector_load %arg7[%swap3A_1807, %swap3A_1808, %swap3A_1809, %swap3A_1810] {strides = array<i32>} : memref<2x16x16x128xf32, #tpu.memory_space<vmem>>, vector<1x1x1x16xf32>,
        %swap3A_1812 = vector.shape_cast %swap3A_1811 : vector<1x1x1x16xf32> to vector<16xf32>
        %swap3A_1813 = vector.shape_cast %gather3A_1804 : vector<16xf32> to vector<1x1x1x16xf32>
        tpu.vector_store %arg7[%swap3A_1807, %swap3A_1808, %swap3A_1809, %swap3A_1810], %swap3A_1813 {strides = array<i32>} : memref<2x16x16x128xf32, #tpu.memory_space<vmem>>, vector<1x1x1x16xf32>,
        %gather3A_1814 = vector.shape_cast %broadcast_in_dim3A_1736 : vector<16x1xi32> to vector<16xi32>
        %gather3A_1815 = tpu.dynamic_gather %get3A_39[%gather3A_1814] in [0] : vector<16xf32>, vector<16xi32> -> vector<16xf32>
        %swap3A_1816 = arith.constant 0 : i32
        %swap3A_1817 = arith.constant 7 : i32
        %swap3A_1818 = arith.index_cast %swap3A_1816 : i32 to index
        %swap3A_1819 = arith.index_cast %scan3A_451 : i32 to index
        %swap3A_1820 = arith.index_cast %swap3A_1817 : i32 to index
        %swap3A_1821 = arith.constant 112 : index
        %swap3A_1822 = tpu.vector_load %arg7[%swap3A_1818, %swap3A_1819, %swap3A_1820, %swap3A_1821] {strides = array<i32>} : memref<2x16x16x128xf32, #tpu.memory_space<vmem>>, vector<1x1x1x16xf32>,
        %swap3A_1823 = vector.shape_cast %swap3A_1822 : vector<1x1x1x16xf32> to vector<16xf32>
        %swap3A_1824 = vector.shape_cast %gather3A_1815 : vector<16xf32> to vector<1x1x1x16xf32>
        tpu.vector_store %arg7[%swap3A_1818, %swap3A_1819, %swap3A_1820, %swap3A_1821], %swap3A_1824 {strides = array<i32>} : memref<2x16x16x128xf32, #tpu.memory_space<vmem>>, vector<1x1x1x16xf32>,
        %gather3A_1825 = vector.shape_cast %broadcast_in_dim3A_1736 : vector<16x1xi32> to vector<16xi32>
        %gather3A_1826 = tpu.dynamic_gather %get3A_44[%gather3A_1825] in [0] : vector<16xf32>, vector<16xi32> -> vector<16xf32>
        %swap3A_1827 = arith.constant 0 : i32
        %swap3A_1828 = arith.constant 8 : i32
        %swap3A_1829 = arith.index_cast %swap3A_1827 : i32 to index
        %swap3A_1830 = arith.index_cast %scan3A_451 : i32 to index
        %swap3A_1831 = arith.index_cast %swap3A_1828 : i32 to index
        %swap3A_1832 = arith.constant 112 : index
        %swap3A_1833 = tpu.vector_load %arg7[%swap3A_1829, %swap3A_1830, %swap3A_1831, %swap3A_1832] {strides = array<i32>} : memref<2x16x16x128xf32, #tpu.memory_space<vmem>>, vector<1x1x1x16xf32>,
        %swap3A_1834 = vector.shape_cast %swap3A_1833 : vector<1x1x1x16xf32> to vector<16xf32>
        %swap3A_1835 = vector.shape_cast %gather3A_1826 : vector<16xf32> to vector<1x1x1x16xf32>
        tpu.vector_store %arg7[%swap3A_1829, %swap3A_1830, %swap3A_1831, %swap3A_1832], %swap3A_1835 {strides = array<i32>} : memref<2x16x16x128xf32, #tpu.memory_space<vmem>>, vector<1x1x1x16xf32>,
        %gather3A_1836 = vector.shape_cast %broadcast_in_dim3A_1736 : vector<16x1xi32> to vector<16xi32>
        %gather3A_1837 = tpu.dynamic_gather %get3A_49[%gather3A_1836] in [0] : vector<16xf32>, vector<16xi32> -> vector<16xf32>
        %swap3A_1838 = arith.constant 0 : i32
        %swap3A_1839 = arith.constant 9 : i32
        %swap3A_1840 = arith.index_cast %swap3A_1838 : i32 to index
        %swap3A_1841 = arith.index_cast %scan3A_451 : i32 to index
        %swap3A_1842 = arith.index_cast %swap3A_1839 : i32 to index
        %swap3A_1843 = arith.constant 112 : index
        %swap3A_1844 = tpu.vector_load %arg7[%swap3A_1840, %swap3A_1841, %swap3A_1842, %swap3A_1843] {strides = array<i32>} : memref<2x16x16x128xf32, #tpu.memory_space<vmem>>, vector<1x1x1x16xf32>,
        %swap3A_1845 = vector.shape_cast %swap3A_1844 : vector<1x1x1x16xf32> to vector<16xf32>
        %swap3A_1846 = vector.shape_cast %gather3A_1837 : vector<16xf32> to vector<1x1x1x16xf32>
        tpu.vector_store %arg7[%swap3A_1840, %swap3A_1841, %swap3A_1842, %swap3A_1843], %swap3A_1846 {strides = array<i32>} : memref<2x16x16x128xf32, #tpu.memory_space<vmem>>, vector<1x1x1x16xf32>,
        %gather3A_1847 = vector.shape_cast %broadcast_in_dim3A_1736 : vector<16x1xi32> to vector<16xi32>
        %gather3A_1848 = tpu.dynamic_gather %get3A_54[%gather3A_1847] in [0] : vector<16xf32>, vector<16xi32> -> vector<16xf32>
        %swap3A_1849 = arith.constant 0 : i32
        %swap3A_1850 = arith.constant 10 : i32
        %swap3A_1851 = arith.index_cast %swap3A_1849 : i32 to index
        %swap3A_1852 = arith.index_cast %scan3A_451 : i32 to index
        %swap3A_1853 = arith.index_cast %swap3A_1850 : i32 to index
        %swap3A_1854 = arith.constant 112 : index
        %swap3A_1855 = tpu.vector_load %arg7[%swap3A_1851, %swap3A_1852, %swap3A_1853, %swap3A_1854] {strides = array<i32>} : memref<2x16x16x128xf32, #tpu.memory_space<vmem>>, vector<1x1x1x16xf32>,
        %swap3A_1856 = vector.shape_cast %swap3A_1855 : vector<1x1x1x16xf32> to vector<16xf32>
        %swap3A_1857 = vector.shape_cast %gather3A_1848 : vector<16xf32> to vector<1x1x1x16xf32>
        tpu.vector_store %arg7[%swap3A_1851, %swap3A_1852, %swap3A_1853, %swap3A_1854], %swap3A_1857 {strides = array<i32>} : memref<2x16x16x128xf32, #tpu.memory_space<vmem>>, vector<1x1x1x16xf32>,
        %gather3A_1858 = vector.shape_cast %broadcast_in_dim3A_1736 : vector<16x1xi32> to vector<16xi32>
        %gather3A_1859 = tpu.dynamic_gather %get3A_59[%gather3A_1858] in [0] : vector<16xf32>, vector<16xi32> -> vector<16xf32>
        %swap3A_1860 = arith.constant 0 : i32
        %swap3A_1861 = arith.constant 11 : i32
        %swap3A_1862 = arith.index_cast %swap3A_1860 : i32 to index
        %swap3A_1863 = arith.index_cast %scan3A_451 : i32 to index
        %swap3A_1864 = arith.index_cast %swap3A_1861 : i32 to index
        %swap3A_1865 = arith.constant 112 : index
        %swap3A_1866 = tpu.vector_load %arg7[%swap3A_1862, %swap3A_1863, %swap3A_1864, %swap3A_1865] {strides = array<i32>} : memref<2x16x16x128xf32, #tpu.memory_space<vmem>>, vector<1x1x1x16xf32>,
        %swap3A_1867 = vector.shape_cast %swap3A_1866 : vector<1x1x1x16xf32> to vector<16xf32>
        %swap3A_1868 = vector.shape_cast %gather3A_1859 : vector<16xf32> to vector<1x1x1x16xf32>
        tpu.vector_store %arg7[%swap3A_1862, %swap3A_1863, %swap3A_1864, %swap3A_1865], %swap3A_1868 {strides = array<i32>} : memref<2x16x16x128xf32, #tpu.memory_space<vmem>>, vector<1x1x1x16xf32>,
        %gather3A_1869 = vector.shape_cast %broadcast_in_dim3A_1736 : vector<16x1xi32> to vector<16xi32>
        %gather3A_1870 = tpu.dynamic_gather %get3A_64[%gather3A_1869] in [0] : vector<16xf32>, vector<16xi32> -> vector<16xf32>
        %swap3A_1871 = arith.constant 0 : i32
        %swap3A_1872 = arith.constant 12 : i32
        %swap3A_1873 = arith.index_cast %swap3A_1871 : i32 to index
        %swap3A_1874 = arith.index_cast %scan3A_451 : i32 to index
        %swap3A_1875 = arith.index_cast %swap3A_1872 : i32 to index
        %swap3A_1876 = arith.constant 112 : index
        %swap3A_1877 = tpu.vector_load %arg7[%swap3A_1873, %swap3A_1874, %swap3A_1875, %swap3A_1876] {strides = array<i32>} : memref<2x16x16x128xf32, #tpu.memory_space<vmem>>, vector<1x1x1x16xf32>,
        %swap3A_1878 = vector.shape_cast %swap3A_1877 : vector<1x1x1x16xf32> to vector<16xf32>
        %swap3A_1879 = vector.shape_cast %gather3A_1870 : vector<16xf32> to vector<1x1x1x16xf32>
        tpu.vector_store %arg7[%swap3A_1873, %swap3A_1874, %swap3A_1875, %swap3A_1876], %swap3A_1879 {strides = array<i32>} : memref<2x16x16x128xf32, #tpu.memory_space<vmem>>, vector<1x1x1x16xf32>,
        %gather3A_1880 = vector.shape_cast %broadcast_in_dim3A_1736 : vector<16x1xi32> to vector<16xi32>
        %gather3A_1881 = tpu.dynamic_gather %get3A_69[%gather3A_1880] in [0] : vector<16xf32>, vector<16xi32> -> vector<16xf32>
        %swap3A_1882 = arith.constant 0 : i32
        %swap3A_1883 = arith.constant 13 : i32
        %swap3A_1884 = arith.index_cast %swap3A_1882 : i32 to index
        %swap3A_1885 = arith.index_cast %scan3A_451 : i32 to index
        %swap3A_1886 = arith.index_cast %swap3A_1883 : i32 to index
        %swap3A_1887 = arith.constant 112 : index
        %swap3A_1888 = tpu.vector_load %arg7[%swap3A_1884, %swap3A_1885, %swap3A_1886, %swap3A_1887] {strides = array<i32>} : memref<2x16x16x128xf32, #tpu.memory_space<vmem>>, vector<1x1x1x16xf32>,
        %swap3A_1889 = vector.shape_cast %swap3A_1888 : vector<1x1x1x16xf32> to vector<16xf32>
        %swap3A_1890 = vector.shape_cast %gather3A_1881 : vector<16xf32> to vector<1x1x1x16xf32>
        tpu.vector_store %arg7[%swap3A_1884, %swap3A_1885, %swap3A_1886, %swap3A_1887], %swap3A_1890 {strides = array<i32>} : memref<2x16x16x128xf32, #tpu.memory_space<vmem>>, vector<1x1x1x16xf32>,
        %gather3A_1891 = vector.shape_cast %broadcast_in_dim3A_1736 : vector<16x1xi32> to vector<16xi32>
        %gather3A_1892 = tpu.dynamic_gather %get3A_74[%gather3A_1891] in [0] : vector<16xf32>, vector<16xi32> -> vector<16xf32>
        %swap3A_1893 = arith.constant 0 : i32
        %swap3A_1894 = arith.constant 14 : i32
        %swap3A_1895 = arith.index_cast %swap3A_1893 : i32 to index
        %swap3A_1896 = arith.index_cast %scan3A_451 : i32 to index
        %swap3A_1897 = arith.index_cast %swap3A_1894 : i32 to index
        %swap3A_1898 = arith.constant 112 : index
        %swap3A_1899 = tpu.vector_load %arg7[%swap3A_1895, %swap3A_1896, %swap3A_1897, %swap3A_1898] {strides = array<i32>} : memref<2x16x16x128xf32, #tpu.memory_space<vmem>>, vector<1x1x1x16xf32>,
        %swap3A_1900 = vector.shape_cast %swap3A_1899 : vector<1x1x1x16xf32> to vector<16xf32>
        %swap3A_1901 = vector.shape_cast %gather3A_1892 : vector<16xf32> to vector<1x1x1x16xf32>
        tpu.vector_store %arg7[%swap3A_1895, %swap3A_1896, %swap3A_1897, %swap3A_1898], %swap3A_1901 {strides = array<i32>} : memref<2x16x16x128xf32, #tpu.memory_space<vmem>>, vector<1x1x1x16xf32>,
        %gather3A_1902 = vector.shape_cast %broadcast_in_dim3A_1736 : vector<16x1xi32> to vector<16xi32>
        %gather3A_1903 = tpu.dynamic_gather %get3A_79[%gather3A_1902] in [0] : vector<16xf32>, vector<16xi32> -> vector<16xf32>
        %swap3A_1904 = arith.constant 0 : i32
        %swap3A_1905 = arith.constant 15 : i32
        %swap3A_1906 = arith.index_cast %swap3A_1904 : i32 to index
        %swap3A_1907 = arith.index_cast %scan3A_451 : i32 to index
        %swap3A_1908 = arith.index_cast %swap3A_1905 : i32 to index
        %swap3A_1909 = arith.constant 112 : index
        %swap3A_1910 = tpu.vector_load %arg7[%swap3A_1906, %swap3A_1907, %swap3A_1908, %swap3A_1909] {strides = array<i32>} : memref<2x16x16x128xf32, #tpu.memory_space<vmem>>, vector<1x1x1x16xf32>,
        %swap3A_1911 = vector.shape_cast %swap3A_1910 : vector<1x1x1x16xf32> to vector<16xf32>
        %swap3A_1912 = vector.shape_cast %gather3A_1903 : vector<16xf32> to vector<1x1x1x16xf32>
        tpu.vector_store %arg7[%swap3A_1906, %swap3A_1907, %swap3A_1908, %swap3A_1909], %swap3A_1912 {strides = array<i32>} : memref<2x16x16x128xf32, #tpu.memory_space<vmem>>, vector<1x1x1x16xf32>,
      }
      %scan3A_237 = arith.constant 16 : i32
      %mul3A_238 = arith.constant 8 : i32
      %mul3A_239 = arith.muli %mul3A_238, %add3A : i32
      %jit3A_240 = arith.constant 8 : i32
      %div3A_241 = arith.divsi %add3A_179, %jit3A_240 : i32
      %sign3A_242 = arith.constant 0 : i32
      %sign3A_243 = arith.cmpi sgt, %add3A_179, %sign3A_242 : i32
      %sign3A_244 = arith.extui %sign3A_243 : i1 to i32
      %sign3A_245 = arith.constant 0 : i32
      %sign3A_246 = arith.cmpi slt, %add3A_179, %sign3A_245 : i32
      %sign3A_247 = arith.extui %sign3A_246 : i1 to i32
      %sign3A_248 = arith.subi %sign3A_244, %sign3A_247 : i32
      %sign3A_249 = arith.constant 0 : i32
      %sign3A_250 = arith.cmpi sgt, %jit3A_240, %sign3A_249 : i32
      %sign3A_251 = arith.extui %sign3A_250 : i1 to i32
      %sign3A_252 = arith.constant 0 : i32
      %sign3A_253 = arith.cmpi slt, %jit3A_240, %sign3A_252 : i32
      %sign3A_254 = arith.extui %sign3A_253 : i1 to i32
      %sign3A_255 = arith.subi %sign3A_251, %sign3A_254 : i32
      %ne3A_256 = arith.cmpi ne, %sign3A_248, %sign3A_255 : i32
      %rem3A_257 = arith.remsi %add3A_179, %jit3A_240 : i32
      %ne3A_258 = arith.constant 0 : i32
      %ne3A_259 = arith.cmpi ne, %rem3A_257, %ne3A_258 : i32
      %and3A_260 = arith.andi %ne3A_256, %ne3A_259 : i1
      %sub3A_261 = arith.constant 1 : i32
      %sub3A_262 = arith.subi %div3A_241, %sub3A_261 : i32
      %select_n3A_263 = arith.select %and3A_260, %sub3A_262, %div3A_241 : i32
      %add3A_264 = arith.addi %mul3A_239, %select_n3A_263 : i32
      %jit3A_265 = arith.constant 8 : i32
      %eq3A_266 = arith.constant 0 : i32
      %eq3A_267 = arith.cmpi eq, %jit3A_265, %eq3A_266 : i32
      %jit3A_268 = arith.constant 1 : i32
      %select_n3A_269 = arith.select %eq3A_267, %jit3A_268, %jit3A_265 : i32
      %rem3A_270 = arith.remsi %add3A_179, %select_n3A_269 : i32
      %ne3A_271 = arith.constant 0 : i32
      %ne3A_272 = arith.cmpi ne, %rem3A_270, %ne3A_271 : i32
      %lt3A_273 = arith.constant 0 : i32
      %lt3A_274 = arith.cmpi slt, %rem3A_270, %lt3A_273 : i32
      %lt3A_275 = arith.constant 0 : i32
      %lt3A_276 = arith.cmpi slt, %select_n3A_269, %lt3A_275 : i32
      %ne3A_277 = arith.xori %lt3A_274, %lt3A_276 : i1
      %and3A_278 = arith.andi %ne3A_277, %ne3A_272 : i1
      %add3A_279 = arith.addi %rem3A_270, %select_n3A_269 : i32
      %select_n3A_280 = arith.select %and3A_278, %add3A_279, %rem3A_270 : i32
      %mul3A_281 = arith.constant 16 : i32
      %mul3A_282 = arith.muli %select_n3A_280, %mul3A_281 : i32
      %dma_start3A_283 = arith.constant 0 : i32
      %dma_start3A_284 = arith.constant 0 : i32
      %dma_start3A_285 = arith.constant 0 : i32
      %dma_start3A_286 = arith.constant 0 : i32
      %dma_start3A_287 = tpu.memref_slice %arg7[%dma_start3A_283, %dma_start3A_284, %dma_start3A_285, %dma_start3A_286] : memref<2x16x16x128xf32, #tpu.memory_space<vmem>> -> memref<1x16x16x128xf32, #tpu.memory_space<vmem>>
      %dma_start3A_288 = tpu.memref_squeeze %dma_start3A_287 : memref<1x16x16x128xf32, #tpu.memory_space<vmem>> -> memref<16x16x128xf32, #tpu.memory_space<vmem>>
      %dma_start3A_289 = arith.constant 0 : i32
      %dma_start3A_290 = arith.constant 0 : i32
      %dma_start3A_291 = tpu.memref_slice %arg4[%add3A_264, %mul3A_282, %dma_start3A_289, %dma_start3A_290] : memref<256x128x16x128xf32, #tpu.memory_space<hbm>> -> memref<1x16x16x128xf32, #tpu.memory_space<hbm>>
      %dma_start3A_292 = tpu.memref_squeeze %dma_start3A_291 : memref<1x16x16x128xf32, #tpu.memory_space<hbm>> -> memref<16x16x128xf32, #tpu.memory_space<hbm>>
      %dma_start3A_293 = arith.constant 0 : i32
      %dma_start3A_294 = arith.constant 0 : i32
      %dma_start3A_295 = tpu.memref_slice %arg4[%add3A_264, %mul3A_282, %dma_start3A_293, %dma_start3A_294] : memref<256x128x16x128xf32, #tpu.memory_space<hbm>> -> memref<1x16x16x128xf32, #tpu.memory_space<hbm>>
      %dma_start3A_296 = tpu.memref_squeeze %dma_start3A_295 : memref<1x16x16x128xf32, #tpu.memory_space<hbm>> -> memref<16x16x128xf32, #tpu.memory_space<hbm>>
      %dma_start3A_297 = arith.constant 0 : i32
      %dma_start3A_298 = arith.constant 0 : i32
      %dma_start3A_299 = arith.constant 0 : i32
      %dma_start3A_300 = tpu.memref_slice %arg7[%dma_start3A_283, %dma_start3A_297, %dma_start3A_298, %dma_start3A_299] : memref<2x16x16x128xf32, #tpu.memory_space<vmem>> -> memref<1x16x16x128xf32, #tpu.memory_space<vmem>>
      %dma_start3A_301 = tpu.memref_squeeze %dma_start3A_300 : memref<1x16x16x128xf32, #tpu.memory_space<vmem>> -> memref<16x16x128xf32, #tpu.memory_space<vmem>>
      tpu.enqueue_dma source(%dma_start3A_301 : memref<16x16x128xf32, #tpu.memory_space<vmem>>) target(%dma_start3A_296 : memref<16x16x128xf32, #tpu.memory_space<hbm>>) target_semaphore(%arg10 : memref<!tpu.dma_semaphore, #tpu.memory_space<semaphore_mem>>)
      %lt3A_302 = arith.constant 31 : i32
      %lt3A_303 = arith.cmpi slt, %scan3A_175, %lt3A_302 : i32
      %convert_element_type3A_304 = arith.extui %lt3A_303 : i1 to i32
      %cond3A_305 = arith.constant 0 : i32
      %cond3A_306 = arith.cmpi ne, %convert_element_type3A_304, %cond3A_305 : i32
      scf.if %cond3A_306 {
        %add3A_451 = arith.constant 2 : i32
        %add3A_452 = arith.addi %add3A_179, %add3A_451 : i32
        %mul3A_453 = arith.constant 8 : i32
        %mul3A_454 = arith.muli %mul3A_453, %add3A : i32
        %jit3A_455 = arith.constant 8 : i32
        %div3A_456 = arith.divsi %add3A_452, %jit3A_455 : i32
        %sign3A_457 = arith.constant 0 : i32
        %sign3A_458 = arith.cmpi sgt, %add3A_452, %sign3A_457 : i32
        %sign3A_459 = arith.extui %sign3A_458 : i1 to i32
        %sign3A_460 = arith.constant 0 : i32
        %sign3A_461 = arith.cmpi slt, %add3A_452, %sign3A_460 : i32
        %sign3A_462 = arith.extui %sign3A_461 : i1 to i32
        %sign3A_463 = arith.subi %sign3A_459, %sign3A_462 : i32
        %sign3A_464 = arith.constant 0 : i32
        %sign3A_465 = arith.cmpi sgt, %jit3A_455, %sign3A_464 : i32
        %sign3A_466 = arith.extui %sign3A_465 : i1 to i32
        %sign3A_467 = arith.constant 0 : i32
        %sign3A_468 = arith.cmpi slt, %jit3A_455, %sign3A_467 : i32
        %sign3A_469 = arith.extui %sign3A_468 : i1 to i32
        %sign3A_470 = arith.subi %sign3A_466, %sign3A_469 : i32
        %ne3A_471 = arith.cmpi ne, %sign3A_463, %sign3A_470 : i32
        %rem3A_472 = arith.remsi %add3A_452, %jit3A_455 : i32
        %ne3A_473 = arith.constant 0 : i32
        %ne3A_474 = arith.cmpi ne, %rem3A_472, %ne3A_473 : i32
        %and3A_475 = arith.andi %ne3A_471, %ne3A_474 : i1
        %sub3A_476 = arith.constant 1 : i32
        %sub3A_477 = arith.subi %div3A_456, %sub3A_476 : i32
        %select_n3A_478 = arith.select %and3A_475, %sub3A_477, %div3A_456 : i32
        %add3A_479 = arith.addi %mul3A_454, %select_n3A_478 : i32
        %jit3A_480 = arith.constant 8 : i32
        %eq3A_481 = arith.constant 0 : i32
        %eq3A_482 = arith.cmpi eq, %jit3A_480, %eq3A_481 : i32
        %jit3A_483 = arith.constant 1 : i32
        %select_n3A_484 = arith.select %eq3A_482, %jit3A_483, %jit3A_480 : i32
        %rem3A_485 = arith.remsi %add3A_452, %select_n3A_484 : i32
        %ne3A_486 = arith.constant 0 : i32
        %ne3A_487 = arith.cmpi ne, %rem3A_485, %ne3A_486 : i32
        %lt3A_488 = arith.constant 0 : i32
        %lt3A_489 = arith.cmpi slt, %rem3A_485, %lt3A_488 : i32
        %lt3A_490 = arith.constant 0 : i32
        %lt3A_491 = arith.cmpi slt, %select_n3A_484, %lt3A_490 : i32
        %ne3A_492 = arith.xori %lt3A_489, %lt3A_491 : i1
        %and3A_493 = arith.andi %ne3A_492, %ne3A_487 : i1
        %add3A_494 = arith.addi %rem3A_485, %select_n3A_484 : i32
        %select_n3A_495 = arith.select %and3A_493, %add3A_494, %rem3A_485 : i32
        %mul3A_496 = arith.constant 16 : i32
        %mul3A_497 = arith.muli %select_n3A_495, %mul3A_496 : i32
        %dma_start3A_498 = arith.constant 0 : i32
        %dma_start3A_499 = arith.constant 0 : i32
        %dma_start3A_500 = arith.constant 0 : i32
        %dma_start3A_501 = tpu.memref_slice %arg6[%dma_start3A_498, %dma_start3A_499, %dma_start3A_500] : memref<2x16x128xi32, #tpu.memory_space<vmem>> -> memref<1x16x128xi32, #tpu.memory_space<vmem>>
        %dma_start3A_502 = tpu.memref_squeeze %dma_start3A_501 : memref<1x16x128xi32, #tpu.memory_space<vmem>> -> memref<16x128xi32, #tpu.memory_space<vmem>>
        %dma_start3A_503 = arith.constant 0 : i32
        %dma_start3A_504 = tpu.memref_slice %arg2[%add3A_479, %mul3A_497, %dma_start3A_503] : memref<256x128x128xi32, #tpu.memory_space<hbm>> -> memref<1x16x128xi32, #tpu.memory_space<hbm>>
        %dma_start3A_505 = tpu.memref_squeeze %dma_start3A_504 : memref<1x16x128xi32, #tpu.memory_space<hbm>> -> memref<16x128xi32, #tpu.memory_space<hbm>>
        %dma_start3A_506 = arith.constant 0 : i32
        %dma_start3A_507 = arith.constant 0 : i32
        %dma_start3A_508 = tpu.memref_slice %arg6[%dma_start3A_498, %dma_start3A_506, %dma_start3A_507] : memref<2x16x128xi32, #tpu.memory_space<vmem>> -> memref<1x16x128xi32, #tpu.memory_space<vmem>>
        %dma_start3A_509 = tpu.memref_squeeze %dma_start3A_508 : memref<1x16x128xi32, #tpu.memory_space<vmem>> -> memref<16x128xi32, #tpu.memory_space<vmem>>
        %dma_start3A_510 = arith.constant 0 : i32
        %dma_start3A_511 = tpu.memref_slice %arg2[%add3A_479, %mul3A_497, %dma_start3A_510] : memref<256x128x128xi32, #tpu.memory_space<hbm>> -> memref<1x16x128xi32, #tpu.memory_space<hbm>>
        %dma_start3A_512 = tpu.memref_squeeze %dma_start3A_511 : memref<1x16x128xi32, #tpu.memory_space<hbm>> -> memref<16x128xi32, #tpu.memory_space<hbm>>
        tpu.enqueue_dma source(%dma_start3A_512 : memref<16x128xi32, #tpu.memory_space<hbm>>) target(%dma_start3A_509 : memref<16x128xi32, #tpu.memory_space<vmem>>) target_semaphore(%arg8 : memref<!tpu.dma_semaphore, #tpu.memory_space<semaphore_mem>>)
      } else {
      }
      %mul3A_307 = arith.constant 2 : i32
      %mul3A_308 = arith.muli %scan3A_175, %mul3A_307 : i32
      %add3A_309 = arith.constant 1 : i32
      %add3A_310 = arith.addi %mul3A_308, %add3A_309 : i32
      %mul3A_311 = arith.constant 8 : i32
      %mul3A_312 = arith.muli %mul3A_311, %add3A : i32
      %jit3A_313 = arith.constant 8 : i32
      %div3A_314 = arith.divsi %add3A_310, %jit3A_313 : i32
      %sign3A_315 = arith.constant 0 : i32
      %sign3A_316 = arith.cmpi sgt, %add3A_310, %sign3A_315 : i32
      %sign3A_317 = arith.extui %sign3A_316 : i1 to i32
      %sign3A_318 = arith.constant 0 : i32
      %sign3A_319 = arith.cmpi slt, %add3A_310, %sign3A_318 : i32
      %sign3A_320 = arith.extui %sign3A_319 : i1 to i32
      %sign3A_321 = arith.subi %sign3A_317, %sign3A_320 : i32
      %sign3A_322 = arith.constant 0 : i32
      %sign3A_323 = arith.cmpi sgt, %jit3A_313, %sign3A_322 : i32
      %sign3A_324 = arith.extui %sign3A_323 : i1 to i32
      %sign3A_325 = arith.constant 0 : i32
      %sign3A_326 = arith.cmpi slt, %jit3A_313, %sign3A_325 : i32
      %sign3A_327 = arith.extui %sign3A_326 : i1 to i32
      %sign3A_328 = arith.subi %sign3A_324, %sign3A_327 : i32
      %ne3A_329 = arith.cmpi ne, %sign3A_321, %sign3A_328 : i32
      %rem3A_330 = arith.remsi %add3A_310, %jit3A_313 : i32
      %ne3A_331 = arith.constant 0 : i32
      %ne3A_332 = arith.cmpi ne, %rem3A_330, %ne3A_331 : i32
      %and3A_333 = arith.andi %ne3A_329, %ne3A_332 : i1
      %sub3A_334 = arith.constant 1 : i32
      %sub3A_335 = arith.subi %div3A_314, %sub3A_334 : i32
      %select_n3A_336 = arith.select %and3A_333, %sub3A_335, %div3A_314 : i32
      %add3A_337 = arith.addi %mul3A_312, %select_n3A_336 : i32
      %jit3A_338 = arith.constant 8 : i32
      %eq3A_339 = arith.constant 0 : i32
      %eq3A_340 = arith.cmpi eq, %jit3A_338, %eq3A_339 : i32
      %jit3A_341 = arith.constant 1 : i32
      %select_n3A_342 = arith.select %eq3A_340, %jit3A_341, %jit3A_338 : i32
      %rem3A_343 = arith.remsi %add3A_310, %select_n3A_342 : i32
      %ne3A_344 = arith.constant 0 : i32
      %ne3A_345 = arith.cmpi ne, %rem3A_343, %ne3A_344 : i32
      %lt3A_346 = arith.constant 0 : i32
      %lt3A_347 = arith.cmpi slt, %rem3A_343, %lt3A_346 : i32
      %lt3A_348 = arith.constant 0 : i32
      %lt3A_349 = arith.cmpi slt, %select_n3A_342, %lt3A_348 : i32
      %ne3A_350 = arith.xori %lt3A_347, %lt3A_349 : i1
      %and3A_351 = arith.andi %ne3A_350, %ne3A_345 : i1
      %add3A_352 = arith.addi %rem3A_343, %select_n3A_342 : i32
      %select_n3A_353 = arith.select %and3A_351, %add3A_352, %rem3A_343 : i32
      %mul3A_354 = arith.constant 16 : i32
      %mul3A_355 = arith.muli %select_n3A_353, %mul3A_354 : i32
      %dma_wait3A_356 = arith.constant 1 : i32
      %dma_wait3A_357 = arith.constant 0 : i32
      %dma_wait3A_358 = arith.constant 0 : i32
      %dma_wait3A_359 = tpu.memref_slice %arg6[%dma_wait3A_356, %dma_wait3A_357, %dma_wait3A_358] : memref<2x16x128xi32, #tpu.memory_space<vmem>> -> memref<1x16x128xi32, #tpu.memory_space<vmem>>
      %dma_wait3A_360 = tpu.memref_squeeze %dma_wait3A_359 : memref<1x16x128xi32, #tpu.memory_space<vmem>> -> memref<16x128xi32, #tpu.memory_space<vmem>>
      %dma_wait3A_361 = arith.constant 0 : i32
      %dma_wait3A_362 = tpu.memref_slice %arg2[%add3A_337, %mul3A_355, %dma_wait3A_361] : memref<256x128x128xi32, #tpu.memory_space<hbm>> -> memref<1x16x128xi32, #tpu.memory_space<hbm>>
      %dma_wait3A_363 = tpu.memref_squeeze %dma_wait3A_362 : memref<1x16x128xi32, #tpu.memory_space<hbm>> -> memref<16x128xi32, #tpu.memory_space<hbm>>
      %dma_wait3A_364 = arith.constant 0 : i32
      %dma_wait3A_365 = arith.constant 0 : i32
      %dma_wait3A_366 = tpu.memref_slice %arg6[%dma_wait3A_356, %dma_wait3A_364, %dma_wait3A_365] : memref<2x16x128xi32, #tpu.memory_space<vmem>> -> memref<1x16x128xi32, #tpu.memory_space<vmem>>
      %dma_wait3A_367 = tpu.memref_squeeze %dma_wait3A_366 : memref<1x16x128xi32, #tpu.memory_space<vmem>> -> memref<16x128xi32, #tpu.memory_space<vmem>>
      %dma_wait3A_368 = arith.constant 0 : i32
      %dma_wait3A_369 = tpu.memref_slice %arg2[%add3A_337, %mul3A_355, %dma_wait3A_368] : memref<256x128x128xi32, #tpu.memory_space<hbm>> -> memref<1x16x128xi32, #tpu.memory_space<hbm>>
      %dma_wait3A_370 = tpu.memref_squeeze %dma_wait3A_369 : memref<1x16x128xi32, #tpu.memory_space<hbm>> -> memref<16x128xi32, #tpu.memory_space<hbm>>
      tpu.wait_dma2 semaphore(%arg9 : memref<!tpu.dma_semaphore, #tpu.memory_space<semaphore_mem>>) src(%dma_wait3A_370 : memref<16x128xi32, #tpu.memory_space<hbm>>) dst(%dma_wait3A_367 : memref<16x128xi32, #tpu.memory_space<vmem>>)
      %gt3A_371 = arith.constant 0 : i32
      %gt3A_372 = arith.cmpi sgt, %scan3A_175, %gt3A_371 : i32
      %convert_element_type3A_373 = arith.extui %gt3A_372 : i1 to i32
      %cond3A_374 = arith.constant 0 : i32
      %cond3A_375 = arith.cmpi ne, %convert_element_type3A_373, %cond3A_374 : i32
      scf.if %cond3A_375 {
        %sub3A_451 = arith.constant 2 : i32
        %sub3A_452 = arith.subi %add3A_310, %sub3A_451 : i32
        %mul3A_453 = arith.constant 8 : i32
        %mul3A_454 = arith.muli %mul3A_453, %add3A : i32
        %jit3A_455 = arith.constant 8 : i32
        %div3A_456 = arith.divsi %sub3A_452, %jit3A_455 : i32
        %sign3A_457 = arith.constant 0 : i32
        %sign3A_458 = arith.cmpi sgt, %sub3A_452, %sign3A_457 : i32
        %sign3A_459 = arith.extui %sign3A_458 : i1 to i32
        %sign3A_460 = arith.constant 0 : i32
        %sign3A_461 = arith.cmpi slt, %sub3A_452, %sign3A_460 : i32
        %sign3A_462 = arith.extui %sign3A_461 : i1 to i32
        %sign3A_463 = arith.subi %sign3A_459, %sign3A_462 : i32
        %sign3A_464 = arith.constant 0 : i32
        %sign3A_465 = arith.cmpi sgt, %jit3A_455, %sign3A_464 : i32
        %sign3A_466 = arith.extui %sign3A_465 : i1 to i32
        %sign3A_467 = arith.constant 0 : i32
        %sign3A_468 = arith.cmpi slt, %jit3A_455, %sign3A_467 : i32
        %sign3A_469 = arith.extui %sign3A_468 : i1 to i32
        %sign3A_470 = arith.subi %sign3A_466, %sign3A_469 : i32
        %ne3A_471 = arith.cmpi ne, %sign3A_463, %sign3A_470 : i32
        %rem3A_472 = arith.remsi %sub3A_452, %jit3A_455 : i32
        %ne3A_473 = arith.constant 0 : i32
        %ne3A_474 = arith.cmpi ne, %rem3A_472, %ne3A_473 : i32
        %and3A_475 = arith.andi %ne3A_471, %ne3A_474 : i1
        %sub3A_476 = arith.constant 1 : i32
        %sub3A_477 = arith.subi %div3A_456, %sub3A_476 : i32
        %select_n3A_478 = arith.select %and3A_475, %sub3A_477, %div3A_456 : i32
        %add3A_479 = arith.addi %mul3A_454, %select_n3A_478 : i32
        %jit3A_480 = arith.constant 8 : i32
        %eq3A_481 = arith.constant 0 : i32
        %eq3A_482 = arith.cmpi eq, %jit3A_480, %eq3A_481 : i32
        %jit3A_483 = arith.constant 1 : i32
        %select_n3A_484 = arith.select %eq3A_482, %jit3A_483, %jit3A_480 : i32
        %rem3A_485 = arith.remsi %sub3A_452, %select_n3A_484 : i32
        %ne3A_486 = arith.constant 0 : i32
        %ne3A_487 = arith.cmpi ne, %rem3A_485, %ne3A_486 : i32
        %lt3A_488 = arith.constant 0 : i32
        %lt3A_489 = arith.cmpi slt, %rem3A_485, %lt3A_488 : i32
        %lt3A_490 = arith.constant 0 : i32
        %lt3A_491 = arith.cmpi slt, %select_n3A_484, %lt3A_490 : i32
        %ne3A_492 = arith.xori %lt3A_489, %lt3A_491 : i1
        %and3A_493 = arith.andi %ne3A_492, %ne3A_487 : i1
        %add3A_494 = arith.addi %rem3A_485, %select_n3A_484 : i32
        %select_n3A_495 = arith.select %and3A_493, %add3A_494, %rem3A_485 : i32
        %mul3A_496 = arith.constant 16 : i32
        %mul3A_497 = arith.muli %select_n3A_495, %mul3A_496 : i32
        %dma_wait3A_498 = arith.constant 1 : i32
        %dma_wait3A_499 = arith.constant 0 : i32
        %dma_wait3A_500 = arith.constant 0 : i32
        %dma_wait3A_501 = arith.constant 0 : i32
        %dma_wait3A_502 = tpu.memref_slice %arg7[%dma_wait3A_498, %dma_wait3A_499, %dma_wait3A_500, %dma_wait3A_501] : memref<2x16x16x128xf32, #tpu.memory_space<vmem>> -> memref<1x16x16x128xf32, #tpu.memory_space<vmem>>
        %dma_wait3A_503 = tpu.memref_squeeze %dma_wait3A_502 : memref<1x16x16x128xf32, #tpu.memory_space<vmem>> -> memref<16x16x128xf32, #tpu.memory_space<vmem>>
        %dma_wait3A_504 = arith.constant 0 : i32
        %dma_wait3A_505 = arith.constant 0 : i32
        %dma_wait3A_506 = tpu.memref_slice %arg4[%add3A_479, %mul3A_497, %dma_wait3A_504, %dma_wait3A_505] : memref<256x128x16x128xf32, #tpu.memory_space<hbm>> -> memref<1x16x16x128xf32, #tpu.memory_space<hbm>>
        %dma_wait3A_507 = tpu.memref_squeeze %dma_wait3A_506 : memref<1x16x16x128xf32, #tpu.memory_space<hbm>> -> memref<16x16x128xf32, #tpu.memory_space<hbm>>
        %dma_wait3A_508 = arith.constant 0 : i32
        %dma_wait3A_509 = arith.constant 0 : i32
        %dma_wait3A_510 = tpu.memref_slice %arg4[%add3A_479, %mul3A_497, %dma_wait3A_508, %dma_wait3A_509] : memref<256x128x16x128xf32, #tpu.memory_space<hbm>> -> memref<1x16x16x128xf32, #tpu.memory_space<hbm>>
        %dma_wait3A_511 = tpu.memref_squeeze %dma_wait3A_510 : memref<1x16x16x128xf32, #tpu.memory_space<hbm>> -> memref<16x16x128xf32, #tpu.memory_space<hbm>>
        %dma_wait3A_512 = arith.constant 0 : i32
        %dma_wait3A_513 = arith.constant 0 : i32
        %dma_wait3A_514 = arith.constant 0 : i32
        %dma_wait3A_515 = tpu.memref_slice %arg7[%dma_wait3A_498, %dma_wait3A_512, %dma_wait3A_513, %dma_wait3A_514] : memref<2x16x16x128xf32, #tpu.memory_space<vmem>> -> memref<1x16x16x128xf32, #tpu.memory_space<vmem>>
        %dma_wait3A_516 = tpu.memref_squeeze %dma_wait3A_515 : memref<1x16x16x128xf32, #tpu.memory_space<vmem>> -> memref<16x16x128xf32, #tpu.memory_space<vmem>>
        tpu.wait_dma2 semaphore(%arg11 : memref<!tpu.dma_semaphore, #tpu.memory_space<semaphore_mem>>) src(%dma_wait3A_516 : memref<16x16x128xf32, #tpu.memory_space<vmem>>) dst(%dma_wait3A_511 : memref<16x16x128xf32, #tpu.memory_space<hbm>>)
      } else {
      }
      %scan3A_376 = arith.constant 0 : i32
      %scan3A_377 = arith.constant 0 : i32
      %scan3A_378 = arith.constant 16 : i32
      %scan3A_379 = arith.addi %scan3A_377, %scan3A_378 : i32
      %scan3A_380 = arith.constant 1 : i32
      scf.for %scan3A_451 = %scan3A_377 to %scan3A_379 step %scan3A_380  : i32 {
        %get3A_452 = arith.constant 1 : i32
        %get3A_453 = arith.index_cast %get3A_452 : i32 to index
        %get3A_454 = arith.index_cast %scan3A_451 : i32 to index
        %get3A_455 = arith.constant 0 : index
        %get3A_456 = tpu.vector_load %arg6[%get3A_453, %get3A_454, %get3A_455] {strides = array<i32>} : memref<2x16x128xi32, #tpu.memory_space<vmem>>, vector<1x1x16xi32>,
        %get3A_457 = vector.shape_cast %get3A_456 : vector<1x1x16xi32> to vector<16xi32>
        %broadcast_in_dim3A = vector.shape_cast %get3A_457 : vector<16xi32> to vector<16x1xi32>
        %gather3A = vector.shape_cast %broadcast_in_dim3A : vector<16x1xi32> to vector<16xi32>
        %gather3A_458 = tpu.dynamic_gather %get3A_4[%gather3A] in [0] : vector<16xf32>, vector<16xi32> -> vector<16xf32>
        %swap3A = arith.constant 1 : i32
        %swap3A_459 = arith.constant 0 : i32
        %swap3A_460 = arith.index_cast %swap3A : i32 to index
        %swap3A_461 = arith.index_cast %scan3A_451 : i32 to index
        %swap3A_462 = arith.index_cast %swap3A_459 : i32 to index
        %swap3A_463 = arith.constant 0 : index
        %swap3A_464 = tpu.vector_load %arg7[%swap3A_460, %swap3A_461, %swap3A_462, %swap3A_463] {strides = array<i32>} : memref<2x16x16x128xf32, #tpu.memory_space<vmem>>, vector<1x1x1x16xf32>,
        %swap3A_465 = vector.shape_cast %swap3A_464 : vector<1x1x1x16xf32> to vector<16xf32>
        %swap3A_466 = vector.shape_cast %gather3A_458 : vector<16xf32> to vector<1x1x1x16xf32>
        tpu.vector_store %arg7[%swap3A_460, %swap3A_461, %swap3A_462, %swap3A_463], %swap3A_466 {strides = array<i32>} : memref<2x16x16x128xf32, #tpu.memory_space<vmem>>, vector<1x1x1x16xf32>,
        %gather3A_467 = vector.shape_cast %broadcast_in_dim3A : vector<16x1xi32> to vector<16xi32>
        %gather3A_468 = tpu.dynamic_gather %get3A_9[%gather3A_467] in [0] : vector<16xf32>, vector<16xi32> -> vector<16xf32>
        %swap3A_469 = arith.constant 1 : i32
        %swap3A_470 = arith.constant 1 : i32
        %swap3A_471 = arith.index_cast %swap3A_469 : i32 to index
        %swap3A_472 = arith.index_cast %scan3A_451 : i32 to index
        %swap3A_473 = arith.index_cast %swap3A_470 : i32 to index
        %swap3A_474 = arith.constant 0 : index
        %swap3A_475 = tpu.vector_load %arg7[%swap3A_471, %swap3A_472, %swap3A_473, %swap3A_474] {strides = array<i32>} : memref<2x16x16x128xf32, #tpu.memory_space<vmem>>, vector<1x1x1x16xf32>,
        %swap3A_476 = vector.shape_cast %swap3A_475 : vector<1x1x1x16xf32> to vector<16xf32>
        %swap3A_477 = vector.shape_cast %gather3A_468 : vector<16xf32> to vector<1x1x1x16xf32>
        tpu.vector_store %arg7[%swap3A_471, %swap3A_472, %swap3A_473, %swap3A_474], %swap3A_477 {strides = array<i32>} : memref<2x16x16x128xf32, #tpu.memory_space<vmem>>, vector<1x1x1x16xf32>,
        %gather3A_478 = vector.shape_cast %broadcast_in_dim3A : vector<16x1xi32> to vector<16xi32>
        %gather3A_479 = tpu.dynamic_gather %get3A_14[%gather3A_478] in [0] : vector<16xf32>, vector<16xi32> -> vector<16xf32>
        %swap3A_480 = arith.constant 1 : i32
        %swap3A_481 = arith.constant 2 : i32
        %swap3A_482 = arith.index_cast %swap3A_480 : i32 to index
        %swap3A_483 = arith.index_cast %scan3A_451 : i32 to index
        %swap3A_484 = arith.index_cast %swap3A_481 : i32 to index
        %swap3A_485 = arith.constant 0 : index
        %swap3A_486 = tpu.vector_load %arg7[%swap3A_482, %swap3A_483, %swap3A_484, %swap3A_485] {strides = array<i32>} : memref<2x16x16x128xf32, #tpu.memory_space<vmem>>, vector<1x1x1x16xf32>,
        %swap3A_487 = vector.shape_cast %swap3A_486 : vector<1x1x1x16xf32> to vector<16xf32>
        %swap3A_488 = vector.shape_cast %gather3A_479 : vector<16xf32> to vector<1x1x1x16xf32>
        tpu.vector_store %arg7[%swap3A_482, %swap3A_483, %swap3A_484, %swap3A_485], %swap3A_488 {strides = array<i32>} : memref<2x16x16x128xf32, #tpu.memory_space<vmem>>, vector<1x1x1x16xf32>,
        %gather3A_489 = vector.shape_cast %broadcast_in_dim3A : vector<16x1xi32> to vector<16xi32>
        %gather3A_490 = tpu.dynamic_gather %get3A_19[%gather3A_489] in [0] : vector<16xf32>, vector<16xi32> -> vector<16xf32>
        %swap3A_491 = arith.constant 1 : i32
        %swap3A_492 = arith.constant 3 : i32
        %swap3A_493 = arith.index_cast %swap3A_491 : i32 to index
        %swap3A_494 = arith.index_cast %scan3A_451 : i32 to index
        %swap3A_495 = arith.index_cast %swap3A_492 : i32 to index
        %swap3A_496 = arith.constant 0 : index
        %swap3A_497 = tpu.vector_load %arg7[%swap3A_493, %swap3A_494, %swap3A_495, %swap3A_496] {strides = array<i32>} : memref<2x16x16x128xf32, #tpu.memory_space<vmem>>, vector<1x1x1x16xf32>,
        %swap3A_498 = vector.shape_cast %swap3A_497 : vector<1x1x1x16xf32> to vector<16xf32>
        %swap3A_499 = vector.shape_cast %gather3A_490 : vector<16xf32> to vector<1x1x1x16xf32>
        tpu.vector_store %arg7[%swap3A_493, %swap3A_494, %swap3A_495, %swap3A_496], %swap3A_499 {strides = array<i32>} : memref<2x16x16x128xf32, #tpu.memory_space<vmem>>, vector<1x1x1x16xf32>,
        %gather3A_500 = vector.shape_cast %broadcast_in_dim3A : vector<16x1xi32> to vector<16xi32>
        %gather3A_501 = tpu.dynamic_gather %get3A_24[%gather3A_500] in [0] : vector<16xf32>, vector<16xi32> -> vector<16xf32>
        %swap3A_502 = arith.constant 1 : i32
        %swap3A_503 = arith.constant 4 : i32
        %swap3A_504 = arith.index_cast %swap3A_502 : i32 to index
        %swap3A_505 = arith.index_cast %scan3A_451 : i32 to index
        %swap3A_506 = arith.index_cast %swap3A_503 : i32 to index
        %swap3A_507 = arith.constant 0 : index
        %swap3A_508 = tpu.vector_load %arg7[%swap3A_504, %swap3A_505, %swap3A_506, %swap3A_507] {strides = array<i32>} : memref<2x16x16x128xf32, #tpu.memory_space<vmem>>, vector<1x1x1x16xf32>,
        %swap3A_509 = vector.shape_cast %swap3A_508 : vector<1x1x1x16xf32> to vector<16xf32>
        %swap3A_510 = vector.shape_cast %gather3A_501 : vector<16xf32> to vector<1x1x1x16xf32>
        tpu.vector_store %arg7[%swap3A_504, %swap3A_505, %swap3A_506, %swap3A_507], %swap3A_510 {strides = array<i32>} : memref<2x16x16x128xf32, #tpu.memory_space<vmem>>, vector<1x1x1x16xf32>,
        %gather3A_511 = vector.shape_cast %broadcast_in_dim3A : vector<16x1xi32> to vector<16xi32>
        %gather3A_512 = tpu.dynamic_gather %get3A_29[%gather3A_511] in [0] : vector<16xf32>, vector<16xi32> -> vector<16xf32>
        %swap3A_513 = arith.constant 1 : i32
        %swap3A_514 = arith.constant 5 : i32
        %swap3A_515 = arith.index_cast %swap3A_513 : i32 to index
        %swap3A_516 = arith.index_cast %scan3A_451 : i32 to index
        %swap3A_517 = arith.index_cast %swap3A_514 : i32 to index
        %swap3A_518 = arith.constant 0 : index
        %swap3A_519 = tpu.vector_load %arg7[%swap3A_515, %swap3A_516, %swap3A_517, %swap3A_518] {strides = array<i32>} : memref<2x16x16x128xf32, #tpu.memory_space<vmem>>, vector<1x1x1x16xf32>,
        %swap3A_520 = vector.shape_cast %swap3A_519 : vector<1x1x1x16xf32> to vector<16xf32>
        %swap3A_521 = vector.shape_cast %gather3A_512 : vector<16xf32> to vector<1x1x1x16xf32>
        tpu.vector_store %arg7[%swap3A_515, %swap3A_516, %swap3A_517, %swap3A_518], %swap3A_521 {strides = array<i32>} : memref<2x16x16x128xf32, #tpu.memory_space<vmem>>, vector<1x1x1x16xf32>,
        %gather3A_522 = vector.shape_cast %broadcast_in_dim3A : vector<16x1xi32> to vector<16xi32>
        %gather3A_523 = tpu.dynamic_gather %get3A_34[%gather3A_522] in [0] : vector<16xf32>, vector<16xi32> -> vector<16xf32>
        %swap3A_524 = arith.constant 1 : i32
        %swap3A_525 = arith.constant 6 : i32
        %swap3A_526 = arith.index_cast %swap3A_524 : i32 to index
        %swap3A_527 = arith.index_cast %scan3A_451 : i32 to index
        %swap3A_528 = arith.index_cast %swap3A_525 : i32 to index
        %swap3A_529 = arith.constant 0 : index
        %swap3A_530 = tpu.vector_load %arg7[%swap3A_526, %swap3A_527, %swap3A_528, %swap3A_529] {strides = array<i32>} : memref<2x16x16x128xf32, #tpu.memory_space<vmem>>, vector<1x1x1x16xf32>,
        %swap3A_531 = vector.shape_cast %swap3A_530 : vector<1x1x1x16xf32> to vector<16xf32>
        %swap3A_532 = vector.shape_cast %gather3A_523 : vector<16xf32> to vector<1x1x1x16xf32>
        tpu.vector_store %arg7[%swap3A_526, %swap3A_527, %swap3A_528, %swap3A_529], %swap3A_532 {strides = array<i32>} : memref<2x16x16x128xf32, #tpu.memory_space<vmem>>, vector<1x1x1x16xf32>,
        %gather3A_533 = vector.shape_cast %broadcast_in_dim3A : vector<16x1xi32> to vector<16xi32>
        %gather3A_534 = tpu.dynamic_gather %get3A_39[%gather3A_533] in [0] : vector<16xf32>, vector<16xi32> -> vector<16xf32>
        %swap3A_535 = arith.constant 1 : i32
        %swap3A_536 = arith.constant 7 : i32
        %swap3A_537 = arith.index_cast %swap3A_535 : i32 to index
        %swap3A_538 = arith.index_cast %scan3A_451 : i32 to index
        %swap3A_539 = arith.index_cast %swap3A_536 : i32 to index
        %swap3A_540 = arith.constant 0 : index
        %swap3A_541 = tpu.vector_load %arg7[%swap3A_537, %swap3A_538, %swap3A_539, %swap3A_540] {strides = array<i32>} : memref<2x16x16x128xf32, #tpu.memory_space<vmem>>, vector<1x1x1x16xf32>,
        %swap3A_542 = vector.shape_cast %swap3A_541 : vector<1x1x1x16xf32> to vector<16xf32>
        %swap3A_543 = vector.shape_cast %gather3A_534 : vector<16xf32> to vector<1x1x1x16xf32>
        tpu.vector_store %arg7[%swap3A_537, %swap3A_538, %swap3A_539, %swap3A_540], %swap3A_543 {strides = array<i32>} : memref<2x16x16x128xf32, #tpu.memory_space<vmem>>, vector<1x1x1x16xf32>,
        %gather3A_544 = vector.shape_cast %broadcast_in_dim3A : vector<16x1xi32> to vector<16xi32>
        %gather3A_545 = tpu.dynamic_gather %get3A_44[%gather3A_544] in [0] : vector<16xf32>, vector<16xi32> -> vector<16xf32>
        %swap3A_546 = arith.constant 1 : i32
        %swap3A_547 = arith.constant 8 : i32
        %swap3A_548 = arith.index_cast %swap3A_546 : i32 to index
        %swap3A_549 = arith.index_cast %scan3A_451 : i32 to index
        %swap3A_550 = arith.index_cast %swap3A_547 : i32 to index
        %swap3A_551 = arith.constant 0 : index
        %swap3A_552 = tpu.vector_load %arg7[%swap3A_548, %swap3A_549, %swap3A_550, %swap3A_551] {strides = array<i32>} : memref<2x16x16x128xf32, #tpu.memory_space<vmem>>, vector<1x1x1x16xf32>,
        %swap3A_553 = vector.shape_cast %swap3A_552 : vector<1x1x1x16xf32> to vector<16xf32>
        %swap3A_554 = vector.shape_cast %gather3A_545 : vector<16xf32> to vector<1x1x1x16xf32>
        tpu.vector_store %arg7[%swap3A_548, %swap3A_549, %swap3A_550, %swap3A_551], %swap3A_554 {strides = array<i32>} : memref<2x16x16x128xf32, #tpu.memory_space<vmem>>, vector<1x1x1x16xf32>,
        %gather3A_555 = vector.shape_cast %broadcast_in_dim3A : vector<16x1xi32> to vector<16xi32>
        %gather3A_556 = tpu.dynamic_gather %get3A_49[%gather3A_555] in [0] : vector<16xf32>, vector<16xi32> -> vector<16xf32>
        %swap3A_557 = arith.constant 1 : i32
        %swap3A_558 = arith.constant 9 : i32
        %swap3A_559 = arith.index_cast %swap3A_557 : i32 to index
        %swap3A_560 = arith.index_cast %scan3A_451 : i32 to index
        %swap3A_561 = arith.index_cast %swap3A_558 : i32 to index
        %swap3A_562 = arith.constant 0 : index
        %swap3A_563 = tpu.vector_load %arg7[%swap3A_559, %swap3A_560, %swap3A_561, %swap3A_562] {strides = array<i32>} : memref<2x16x16x128xf32, #tpu.memory_space<vmem>>, vector<1x1x1x16xf32>,
        %swap3A_564 = vector.shape_cast %swap3A_563 : vector<1x1x1x16xf32> to vector<16xf32>
        %swap3A_565 = vector.shape_cast %gather3A_556 : vector<16xf32> to vector<1x1x1x16xf32>
        tpu.vector_store %arg7[%swap3A_559, %swap3A_560, %swap3A_561, %swap3A_562], %swap3A_565 {strides = array<i32>} : memref<2x16x16x128xf32, #tpu.memory_space<vmem>>, vector<1x1x1x16xf32>,
        %gather3A_566 = vector.shape_cast %broadcast_in_dim3A : vector<16x1xi32> to vector<16xi32>
        %gather3A_567 = tpu.dynamic_gather %get3A_54[%gather3A_566] in [0] : vector<16xf32>, vector<16xi32> -> vector<16xf32>
        %swap3A_568 = arith.constant 1 : i32
        %swap3A_569 = arith.constant 10 : i32
        %swap3A_570 = arith.index_cast %swap3A_568 : i32 to index
        %swap3A_571 = arith.index_cast %scan3A_451 : i32 to index
        %swap3A_572 = arith.index_cast %swap3A_569 : i32 to index
        %swap3A_573 = arith.constant 0 : index
        %swap3A_574 = tpu.vector_load %arg7[%swap3A_570, %swap3A_571, %swap3A_572, %swap3A_573] {strides = array<i32>} : memref<2x16x16x128xf32, #tpu.memory_space<vmem>>, vector<1x1x1x16xf32>,
        %swap3A_575 = vector.shape_cast %swap3A_574 : vector<1x1x1x16xf32> to vector<16xf32>
        %swap3A_576 = vector.shape_cast %gather3A_567 : vector<16xf32> to vector<1x1x1x16xf32>
        tpu.vector_store %arg7[%swap3A_570, %swap3A_571, %swap3A_572, %swap3A_573], %swap3A_576 {strides = array<i32>} : memref<2x16x16x128xf32, #tpu.memory_space<vmem>>, vector<1x1x1x16xf32>,
        %gather3A_577 = vector.shape_cast %broadcast_in_dim3A : vector<16x1xi32> to vector<16xi32>
        %gather3A_578 = tpu.dynamic_gather %get3A_59[%gather3A_577] in [0] : vector<16xf32>, vector<16xi32> -> vector<16xf32>
        %swap3A_579 = arith.constant 1 : i32
        %swap3A_580 = arith.constant 11 : i32
        %swap3A_581 = arith.index_cast %swap3A_579 : i32 to index
        %swap3A_582 = arith.index_cast %scan3A_451 : i32 to index
        %swap3A_583 = arith.index_cast %swap3A_580 : i32 to index
        %swap3A_584 = arith.constant 0 : index
        %swap3A_585 = tpu.vector_load %arg7[%swap3A_581, %swap3A_582, %swap3A_583, %swap3A_584] {strides = array<i32>} : memref<2x16x16x128xf32, #tpu.memory_space<vmem>>, vector<1x1x1x16xf32>,
        %swap3A_586 = vector.shape_cast %swap3A_585 : vector<1x1x1x16xf32> to vector<16xf32>
        %swap3A_587 = vector.shape_cast %gather3A_578 : vector<16xf32> to vector<1x1x1x16xf32>
        tpu.vector_store %arg7[%swap3A_581, %swap3A_582, %swap3A_583, %swap3A_584], %swap3A_587 {strides = array<i32>} : memref<2x16x16x128xf32, #tpu.memory_space<vmem>>, vector<1x1x1x16xf32>,
        %gather3A_588 = vector.shape_cast %broadcast_in_dim3A : vector<16x1xi32> to vector<16xi32>
        %gather3A_589 = tpu.dynamic_gather %get3A_64[%gather3A_588] in [0] : vector<16xf32>, vector<16xi32> -> vector<16xf32>
        %swap3A_590 = arith.constant 1 : i32
        %swap3A_591 = arith.constant 12 : i32
        %swap3A_592 = arith.index_cast %swap3A_590 : i32 to index
        %swap3A_593 = arith.index_cast %scan3A_451 : i32 to index
        %swap3A_594 = arith.index_cast %swap3A_591 : i32 to index
        %swap3A_595 = arith.constant 0 : index
        %swap3A_596 = tpu.vector_load %arg7[%swap3A_592, %swap3A_593, %swap3A_594, %swap3A_595] {strides = array<i32>} : memref<2x16x16x128xf32, #tpu.memory_space<vmem>>, vector<1x1x1x16xf32>,
        %swap3A_597 = vector.shape_cast %swap3A_596 : vector<1x1x1x16xf32> to vector<16xf32>
        %swap3A_598 = vector.shape_cast %gather3A_589 : vector<16xf32> to vector<1x1x1x16xf32>
        tpu.vector_store %arg7[%swap3A_592, %swap3A_593, %swap3A_594, %swap3A_595], %swap3A_598 {strides = array<i32>} : memref<2x16x16x128xf32, #tpu.memory_space<vmem>>, vector<1x1x1x16xf32>,
        %gather3A_599 = vector.shape_cast %broadcast_in_dim3A : vector<16x1xi32> to vector<16xi32>
        %gather3A_600 = tpu.dynamic_gather %get3A_69[%gather3A_599] in [0] : vector<16xf32>, vector<16xi32> -> vector<16xf32>
        %swap3A_601 = arith.constant 1 : i32
        %swap3A_602 = arith.constant 13 : i32
        %swap3A_603 = arith.index_cast %swap3A_601 : i32 to index
        %swap3A_604 = arith.index_cast %scan3A_451 : i32 to index
        %swap3A_605 = arith.index_cast %swap3A_602 : i32 to index
        %swap3A_606 = arith.constant 0 : index
        %swap3A_607 = tpu.vector_load %arg7[%swap3A_603, %swap3A_604, %swap3A_605, %swap3A_606] {strides = array<i32>} : memref<2x16x16x128xf32, #tpu.memory_space<vmem>>, vector<1x1x1x16xf32>,
        %swap3A_608 = vector.shape_cast %swap3A_607 : vector<1x1x1x16xf32> to vector<16xf32>
        %swap3A_609 = vector.shape_cast %gather3A_600 : vector<16xf32> to vector<1x1x1x16xf32>
        tpu.vector_store %arg7[%swap3A_603, %swap3A_604, %swap3A_605, %swap3A_606], %swap3A_609 {strides = array<i32>} : memref<2x16x16x128xf32, #tpu.memory_space<vmem>>, vector<1x1x1x16xf32>,
        %gather3A_610 = vector.shape_cast %broadcast_in_dim3A : vector<16x1xi32> to vector<16xi32>
        %gather3A_611 = tpu.dynamic_gather %get3A_74[%gather3A_610] in [0] : vector<16xf32>, vector<16xi32> -> vector<16xf32>
        %swap3A_612 = arith.constant 1 : i32
        %swap3A_613 = arith.constant 14 : i32
        %swap3A_614 = arith.index_cast %swap3A_612 : i32 to index
        %swap3A_615 = arith.index_cast %scan3A_451 : i32 to index
        %swap3A_616 = arith.index_cast %swap3A_613 : i32 to index
        %swap3A_617 = arith.constant 0 : index
        %swap3A_618 = tpu.vector_load %arg7[%swap3A_614, %swap3A_615, %swap3A_616, %swap3A_617] {strides = array<i32>} : memref<2x16x16x128xf32, #tpu.memory_space<vmem>>, vector<1x1x1x16xf32>,
        %swap3A_619 = vector.shape_cast %swap3A_618 : vector<1x1x1x16xf32> to vector<16xf32>
        %swap3A_620 = vector.shape_cast %gather3A_611 : vector<16xf32> to vector<1x1x1x16xf32>
        tpu.vector_store %arg7[%swap3A_614, %swap3A_615, %swap3A_616, %swap3A_617], %swap3A_620 {strides = array<i32>} : memref<2x16x16x128xf32, #tpu.memory_space<vmem>>, vector<1x1x1x16xf32>,
        %gather3A_621 = vector.shape_cast %broadcast_in_dim3A : vector<16x1xi32> to vector<16xi32>
        %gather3A_622 = tpu.dynamic_gather %get3A_79[%gather3A_621] in [0] : vector<16xf32>, vector<16xi32> -> vector<16xf32>
        %swap3A_623 = arith.constant 1 : i32
        %swap3A_624 = arith.constant 15 : i32
        %swap3A_625 = arith.index_cast %swap3A_623 : i32 to index
        %swap3A_626 = arith.index_cast %scan3A_451 : i32 to index
        %swap3A_627 = arith.index_cast %swap3A_624 : i32 to index
        %swap3A_628 = arith.constant 0 : index
        %swap3A_629 = tpu.vector_load %arg7[%swap3A_625, %swap3A_626, %swap3A_627, %swap3A_628] {strides = array<i32>} : memref<2x16x16x128xf32, #tpu.memory_space<vmem>>, vector<1x1x1x16xf32>,
        %swap3A_630 = vector.shape_cast %swap3A_629 : vector<1x1x1x16xf32> to vector<16xf32>
        %swap3A_631 = vector.shape_cast %gather3A_622 : vector<16xf32> to vector<1x1x1x16xf32>
        tpu.vector_store %arg7[%swap3A_625, %swap3A_626, %swap3A_627, %swap3A_628], %swap3A_631 {strides = array<i32>} : memref<2x16x16x128xf32, #tpu.memory_space<vmem>>, vector<1x1x1x16xf32>,
        %get3A_632 = arith.constant 1 : i32
        %get3A_633 = arith.index_cast %get3A_632 : i32 to index
        %get3A_634 = arith.index_cast %scan3A_451 : i32 to index
        %get3A_635 = arith.constant 16 : index
        %get3A_636 = tpu.vector_load %arg6[%get3A_633, %get3A_634, %get3A_635] {strides = array<i32>} : memref<2x16x128xi32, #tpu.memory_space<vmem>>, vector<1x1x16xi32>,
        %get3A_637 = vector.shape_cast %get3A_636 : vector<1x1x16xi32> to vector<16xi32>
        %broadcast_in_dim3A_638 = vector.shape_cast %get3A_637 : vector<16xi32> to vector<16x1xi32>
        %gather3A_639 = vector.shape_cast %broadcast_in_dim3A_638 : vector<16x1xi32> to vector<16xi32>
        %gather3A_640 = tpu.dynamic_gather %get3A_4[%gather3A_639] in [0] : vector<16xf32>, vector<16xi32> -> vector<16xf32>
        %swap3A_641 = arith.constant 1 : i32
        %swap3A_642 = arith.constant 0 : i32
        %swap3A_643 = arith.index_cast %swap3A_641 : i32 to index
        %swap3A_644 = arith.index_cast %scan3A_451 : i32 to index
        %swap3A_645 = arith.index_cast %swap3A_642 : i32 to index
        %swap3A_646 = arith.constant 16 : index
        %swap3A_647 = tpu.vector_load %arg7[%swap3A_643, %swap3A_644, %swap3A_645, %swap3A_646] {strides = array<i32>} : memref<2x16x16x128xf32, #tpu.memory_space<vmem>>, vector<1x1x1x16xf32>,
        %swap3A_648 = vector.shape_cast %swap3A_647 : vector<1x1x1x16xf32> to vector<16xf32>
        %swap3A_649 = vector.shape_cast %gather3A_640 : vector<16xf32> to vector<1x1x1x16xf32>
        tpu.vector_store %arg7[%swap3A_643, %swap3A_644, %swap3A_645, %swap3A_646], %swap3A_649 {strides = array<i32>} : memref<2x16x16x128xf32, #tpu.memory_space<vmem>>, vector<1x1x1x16xf32>,
        %gather3A_650 = vector.shape_cast %broadcast_in_dim3A_638 : vector<16x1xi32> to vector<16xi32>
        %gather3A_651 = tpu.dynamic_gather %get3A_9[%gather3A_650] in [0] : vector<16xf32>, vector<16xi32> -> vector<16xf32>
        %swap3A_652 = arith.constant 1 : i32
        %swap3A_653 = arith.constant 1 : i32
        %swap3A_654 = arith.index_cast %swap3A_652 : i32 to index
        %swap3A_655 = arith.index_cast %scan3A_451 : i32 to index
        %swap3A_656 = arith.index_cast %swap3A_653 : i32 to index
        %swap3A_657 = arith.constant 16 : index
        %swap3A_658 = tpu.vector_load %arg7[%swap3A_654, %swap3A_655, %swap3A_656, %swap3A_657] {strides = array<i32>} : memref<2x16x16x128xf32, #tpu.memory_space<vmem>>, vector<1x1x1x16xf32>,
        %swap3A_659 = vector.shape_cast %swap3A_658 : vector<1x1x1x16xf32> to vector<16xf32>
        %swap3A_660 = vector.shape_cast %gather3A_651 : vector<16xf32> to vector<1x1x1x16xf32>
        tpu.vector_store %arg7[%swap3A_654, %swap3A_655, %swap3A_656, %swap3A_657], %swap3A_660 {strides = array<i32>} : memref<2x16x16x128xf32, #tpu.memory_space<vmem>>, vector<1x1x1x16xf32>,
        %gather3A_661 = vector.shape_cast %broadcast_in_dim3A_638 : vector<16x1xi32> to vector<16xi32>
        %gather3A_662 = tpu.dynamic_gather %get3A_14[%gather3A_661] in [0] : vector<16xf32>, vector<16xi32> -> vector<16xf32>
        %swap3A_663 = arith.constant 1 : i32
        %swap3A_664 = arith.constant 2 : i32
        %swap3A_665 = arith.index_cast %swap3A_663 : i32 to index
        %swap3A_666 = arith.index_cast %scan3A_451 : i32 to index
        %swap3A_667 = arith.index_cast %swap3A_664 : i32 to index
        %swap3A_668 = arith.constant 16 : index
        %swap3A_669 = tpu.vector_load %arg7[%swap3A_665, %swap3A_666, %swap3A_667, %swap3A_668] {strides = array<i32>} : memref<2x16x16x128xf32, #tpu.memory_space<vmem>>, vector<1x1x1x16xf32>,
        %swap3A_670 = vector.shape_cast %swap3A_669 : vector<1x1x1x16xf32> to vector<16xf32>
        %swap3A_671 = vector.shape_cast %gather3A_662 : vector<16xf32> to vector<1x1x1x16xf32>
        tpu.vector_store %arg7[%swap3A_665, %swap3A_666, %swap3A_667, %swap3A_668], %swap3A_671 {strides = array<i32>} : memref<2x16x16x128xf32, #tpu.memory_space<vmem>>, vector<1x1x1x16xf32>,
        %gather3A_672 = vector.shape_cast %broadcast_in_dim3A_638 : vector<16x1xi32> to vector<16xi32>
        %gather3A_673 = tpu.dynamic_gather %get3A_19[%gather3A_672] in [0] : vector<16xf32>, vector<16xi32> -> vector<16xf32>
        %swap3A_674 = arith.constant 1 : i32
        %swap3A_675 = arith.constant 3 : i32
        %swap3A_676 = arith.index_cast %swap3A_674 : i32 to index
        %swap3A_677 = arith.index_cast %scan3A_451 : i32 to index
        %swap3A_678 = arith.index_cast %swap3A_675 : i32 to index
        %swap3A_679 = arith.constant 16 : index
        %swap3A_680 = tpu.vector_load %arg7[%swap3A_676, %swap3A_677, %swap3A_678, %swap3A_679] {strides = array<i32>} : memref<2x16x16x128xf32, #tpu.memory_space<vmem>>, vector<1x1x1x16xf32>,
        %swap3A_681 = vector.shape_cast %swap3A_680 : vector<1x1x1x16xf32> to vector<16xf32>
        %swap3A_682 = vector.shape_cast %gather3A_673 : vector<16xf32> to vector<1x1x1x16xf32>
        tpu.vector_store %arg7[%swap3A_676, %swap3A_677, %swap3A_678, %swap3A_679], %swap3A_682 {strides = array<i32>} : memref<2x16x16x128xf32, #tpu.memory_space<vmem>>, vector<1x1x1x16xf32>,
        %gather3A_683 = vector.shape_cast %broadcast_in_dim3A_638 : vector<16x1xi32> to vector<16xi32>
        %gather3A_684 = tpu.dynamic_gather %get3A_24[%gather3A_683] in [0] : vector<16xf32>, vector<16xi32> -> vector<16xf32>
        %swap3A_685 = arith.constant 1 : i32
        %swap3A_686 = arith.constant 4 : i32
        %swap3A_687 = arith.index_cast %swap3A_685 : i32 to index
        %swap3A_688 = arith.index_cast %scan3A_451 : i32 to index
        %swap3A_689 = arith.index_cast %swap3A_686 : i32 to index
        %swap3A_690 = arith.constant 16 : index
        %swap3A_691 = tpu.vector_load %arg7[%swap3A_687, %swap3A_688, %swap3A_689, %swap3A_690] {strides = array<i32>} : memref<2x16x16x128xf32, #tpu.memory_space<vmem>>, vector<1x1x1x16xf32>,
        %swap3A_692 = vector.shape_cast %swap3A_691 : vector<1x1x1x16xf32> to vector<16xf32>
        %swap3A_693 = vector.shape_cast %gather3A_684 : vector<16xf32> to vector<1x1x1x16xf32>
        tpu.vector_store %arg7[%swap3A_687, %swap3A_688, %swap3A_689, %swap3A_690], %swap3A_693 {strides = array<i32>} : memref<2x16x16x128xf32, #tpu.memory_space<vmem>>, vector<1x1x1x16xf32>,
        %gather3A_694 = vector.shape_cast %broadcast_in_dim3A_638 : vector<16x1xi32> to vector<16xi32>
        %gather3A_695 = tpu.dynamic_gather %get3A_29[%gather3A_694] in [0] : vector<16xf32>, vector<16xi32> -> vector<16xf32>
        %swap3A_696 = arith.constant 1 : i32
        %swap3A_697 = arith.constant 5 : i32
        %swap3A_698 = arith.index_cast %swap3A_696 : i32 to index
        %swap3A_699 = arith.index_cast %scan3A_451 : i32 to index
        %swap3A_700 = arith.index_cast %swap3A_697 : i32 to index
        %swap3A_701 = arith.constant 16 : index
        %swap3A_702 = tpu.vector_load %arg7[%swap3A_698, %swap3A_699, %swap3A_700, %swap3A_701] {strides = array<i32>} : memref<2x16x16x128xf32, #tpu.memory_space<vmem>>, vector<1x1x1x16xf32>,
        %swap3A_703 = vector.shape_cast %swap3A_702 : vector<1x1x1x16xf32> to vector<16xf32>
        %swap3A_704 = vector.shape_cast %gather3A_695 : vector<16xf32> to vector<1x1x1x16xf32>
        tpu.vector_store %arg7[%swap3A_698, %swap3A_699, %swap3A_700, %swap3A_701], %swap3A_704 {strides = array<i32>} : memref<2x16x16x128xf32, #tpu.memory_space<vmem>>, vector<1x1x1x16xf32>,
        %gather3A_705 = vector.shape_cast %broadcast_in_dim3A_638 : vector<16x1xi32> to vector<16xi32>
        %gather3A_706 = tpu.dynamic_gather %get3A_34[%gather3A_705] in [0] : vector<16xf32>, vector<16xi32> -> vector<16xf32>
        %swap3A_707 = arith.constant 1 : i32
        %swap3A_708 = arith.constant 6 : i32
        %swap3A_709 = arith.index_cast %swap3A_707 : i32 to index
        %swap3A_710 = arith.index_cast %scan3A_451 : i32 to index
        %swap3A_711 = arith.index_cast %swap3A_708 : i32 to index
        %swap3A_712 = arith.constant 16 : index
        %swap3A_713 = tpu.vector_load %arg7[%swap3A_709, %swap3A_710, %swap3A_711, %swap3A_712] {strides = array<i32>} : memref<2x16x16x128xf32, #tpu.memory_space<vmem>>, vector<1x1x1x16xf32>,
        %swap3A_714 = vector.shape_cast %swap3A_713 : vector<1x1x1x16xf32> to vector<16xf32>
        %swap3A_715 = vector.shape_cast %gather3A_706 : vector<16xf32> to vector<1x1x1x16xf32>
        tpu.vector_store %arg7[%swap3A_709, %swap3A_710, %swap3A_711, %swap3A_712], %swap3A_715 {strides = array<i32>} : memref<2x16x16x128xf32, #tpu.memory_space<vmem>>, vector<1x1x1x16xf32>,
        %gather3A_716 = vector.shape_cast %broadcast_in_dim3A_638 : vector<16x1xi32> to vector<16xi32>
        %gather3A_717 = tpu.dynamic_gather %get3A_39[%gather3A_716] in [0] : vector<16xf32>, vector<16xi32> -> vector<16xf32>
        %swap3A_718 = arith.constant 1 : i32
        %swap3A_719 = arith.constant 7 : i32
        %swap3A_720 = arith.index_cast %swap3A_718 : i32 to index
        %swap3A_721 = arith.index_cast %scan3A_451 : i32 to index
        %swap3A_722 = arith.index_cast %swap3A_719 : i32 to index
        %swap3A_723 = arith.constant 16 : index
        %swap3A_724 = tpu.vector_load %arg7[%swap3A_720, %swap3A_721, %swap3A_722, %swap3A_723] {strides = array<i32>} : memref<2x16x16x128xf32, #tpu.memory_space<vmem>>, vector<1x1x1x16xf32>,
        %swap3A_725 = vector.shape_cast %swap3A_724 : vector<1x1x1x16xf32> to vector<16xf32>
        %swap3A_726 = vector.shape_cast %gather3A_717 : vector<16xf32> to vector<1x1x1x16xf32>
        tpu.vector_store %arg7[%swap3A_720, %swap3A_721, %swap3A_722, %swap3A_723], %swap3A_726 {strides = array<i32>} : memref<2x16x16x128xf32, #tpu.memory_space<vmem>>, vector<1x1x1x16xf32>,
        %gather3A_727 = vector.shape_cast %broadcast_in_dim3A_638 : vector<16x1xi32> to vector<16xi32>
        %gather3A_728 = tpu.dynamic_gather %get3A_44[%gather3A_727] in [0] : vector<16xf32>, vector<16xi32> -> vector<16xf32>
        %swap3A_729 = arith.constant 1 : i32
        %swap3A_730 = arith.constant 8 : i32
        %swap3A_731 = arith.index_cast %swap3A_729 : i32 to index
        %swap3A_732 = arith.index_cast %scan3A_451 : i32 to index
        %swap3A_733 = arith.index_cast %swap3A_730 : i32 to index
        %swap3A_734 = arith.constant 16 : index
        %swap3A_735 = tpu.vector_load %arg7[%swap3A_731, %swap3A_732, %swap3A_733, %swap3A_734] {strides = array<i32>} : memref<2x16x16x128xf32, #tpu.memory_space<vmem>>, vector<1x1x1x16xf32>,
        %swap3A_736 = vector.shape_cast %swap3A_735 : vector<1x1x1x16xf32> to vector<16xf32>
        %swap3A_737 = vector.shape_cast %gather3A_728 : vector<16xf32> to vector<1x1x1x16xf32>
        tpu.vector_store %arg7[%swap3A_731, %swap3A_732, %swap3A_733, %swap3A_734], %swap3A_737 {strides = array<i32>} : memref<2x16x16x128xf32, #tpu.memory_space<vmem>>, vector<1x1x1x16xf32>,
        %gather3A_738 = vector.shape_cast %broadcast_in_dim3A_638 : vector<16x1xi32> to vector<16xi32>
        %gather3A_739 = tpu.dynamic_gather %get3A_49[%gather3A_738] in [0] : vector<16xf32>, vector<16xi32> -> vector<16xf32>
        %swap3A_740 = arith.constant 1 : i32
        %swap3A_741 = arith.constant 9 : i32
        %swap3A_742 = arith.index_cast %swap3A_740 : i32 to index
        %swap3A_743 = arith.index_cast %scan3A_451 : i32 to index
        %swap3A_744 = arith.index_cast %swap3A_741 : i32 to index
        %swap3A_745 = arith.constant 16 : index
        %swap3A_746 = tpu.vector_load %arg7[%swap3A_742, %swap3A_743, %swap3A_744, %swap3A_745] {strides = array<i32>} : memref<2x16x16x128xf32, #tpu.memory_space<vmem>>, vector<1x1x1x16xf32>,
        %swap3A_747 = vector.shape_cast %swap3A_746 : vector<1x1x1x16xf32> to vector<16xf32>
        %swap3A_748 = vector.shape_cast %gather3A_739 : vector<16xf32> to vector<1x1x1x16xf32>
        tpu.vector_store %arg7[%swap3A_742, %swap3A_743, %swap3A_744, %swap3A_745], %swap3A_748 {strides = array<i32>} : memref<2x16x16x128xf32, #tpu.memory_space<vmem>>, vector<1x1x1x16xf32>,
        %gather3A_749 = vector.shape_cast %broadcast_in_dim3A_638 : vector<16x1xi32> to vector<16xi32>
        %gather3A_750 = tpu.dynamic_gather %get3A_54[%gather3A_749] in [0] : vector<16xf32>, vector<16xi32> -> vector<16xf32>
        %swap3A_751 = arith.constant 1 : i32
        %swap3A_752 = arith.constant 10 : i32
        %swap3A_753 = arith.index_cast %swap3A_751 : i32 to index
        %swap3A_754 = arith.index_cast %scan3A_451 : i32 to index
        %swap3A_755 = arith.index_cast %swap3A_752 : i32 to index
        %swap3A_756 = arith.constant 16 : index
        %swap3A_757 = tpu.vector_load %arg7[%swap3A_753, %swap3A_754, %swap3A_755, %swap3A_756] {strides = array<i32>} : memref<2x16x16x128xf32, #tpu.memory_space<vmem>>, vector<1x1x1x16xf32>,
        %swap3A_758 = vector.shape_cast %swap3A_757 : vector<1x1x1x16xf32> to vector<16xf32>
        %swap3A_759 = vector.shape_cast %gather3A_750 : vector<16xf32> to vector<1x1x1x16xf32>
        tpu.vector_store %arg7[%swap3A_753, %swap3A_754, %swap3A_755, %swap3A_756], %swap3A_759 {strides = array<i32>} : memref<2x16x16x128xf32, #tpu.memory_space<vmem>>, vector<1x1x1x16xf32>,
        %gather3A_760 = vector.shape_cast %broadcast_in_dim3A_638 : vector<16x1xi32> to vector<16xi32>
        %gather3A_761 = tpu.dynamic_gather %get3A_59[%gather3A_760] in [0] : vector<16xf32>, vector<16xi32> -> vector<16xf32>
        %swap3A_762 = arith.constant 1 : i32
        %swap3A_763 = arith.constant 11 : i32
        %swap3A_764 = arith.index_cast %swap3A_762 : i32 to index
        %swap3A_765 = arith.index_cast %scan3A_451 : i32 to index
        %swap3A_766 = arith.index_cast %swap3A_763 : i32 to index
        %swap3A_767 = arith.constant 16 : index
        %swap3A_768 = tpu.vector_load %arg7[%swap3A_764, %swap3A_765, %swap3A_766, %swap3A_767] {strides = array<i32>} : memref<2x16x16x128xf32, #tpu.memory_space<vmem>>, vector<1x1x1x16xf32>,
        %swap3A_769 = vector.shape_cast %swap3A_768 : vector<1x1x1x16xf32> to vector<16xf32>
        %swap3A_770 = vector.shape_cast %gather3A_761 : vector<16xf32> to vector<1x1x1x16xf32>
        tpu.vector_store %arg7[%swap3A_764, %swap3A_765, %swap3A_766, %swap3A_767], %swap3A_770 {strides = array<i32>} : memref<2x16x16x128xf32, #tpu.memory_space<vmem>>, vector<1x1x1x16xf32>,
        %gather3A_771 = vector.shape_cast %broadcast_in_dim3A_638 : vector<16x1xi32> to vector<16xi32>
        %gather3A_772 = tpu.dynamic_gather %get3A_64[%gather3A_771] in [0] : vector<16xf32>, vector<16xi32> -> vector<16xf32>
        %swap3A_773 = arith.constant 1 : i32
        %swap3A_774 = arith.constant 12 : i32
        %swap3A_775 = arith.index_cast %swap3A_773 : i32 to index
        %swap3A_776 = arith.index_cast %scan3A_451 : i32 to index
        %swap3A_777 = arith.index_cast %swap3A_774 : i32 to index
        %swap3A_778 = arith.constant 16 : index
        %swap3A_779 = tpu.vector_load %arg7[%swap3A_775, %swap3A_776, %swap3A_777, %swap3A_778] {strides = array<i32>} : memref<2x16x16x128xf32, #tpu.memory_space<vmem>>, vector<1x1x1x16xf32>,
        %swap3A_780 = vector.shape_cast %swap3A_779 : vector<1x1x1x16xf32> to vector<16xf32>
        %swap3A_781 = vector.shape_cast %gather3A_772 : vector<16xf32> to vector<1x1x1x16xf32>
        tpu.vector_store %arg7[%swap3A_775, %swap3A_776, %swap3A_777, %swap3A_778], %swap3A_781 {strides = array<i32>} : memref<2x16x16x128xf32, #tpu.memory_space<vmem>>, vector<1x1x1x16xf32>,
        %gather3A_782 = vector.shape_cast %broadcast_in_dim3A_638 : vector<16x1xi32> to vector<16xi32>
        %gather3A_783 = tpu.dynamic_gather %get3A_69[%gather3A_782] in [0] : vector<16xf32>, vector<16xi32> -> vector<16xf32>
        %swap3A_784 = arith.constant 1 : i32
        %swap3A_785 = arith.constant 13 : i32
        %swap3A_786 = arith.index_cast %swap3A_784 : i32 to index
        %swap3A_787 = arith.index_cast %scan3A_451 : i32 to index
        %swap3A_788 = arith.index_cast %swap3A_785 : i32 to index
        %swap3A_789 = arith.constant 16 : index
        %swap3A_790 = tpu.vector_load %arg7[%swap3A_786, %swap3A_787, %swap3A_788, %swap3A_789] {strides = array<i32>} : memref<2x16x16x128xf32, #tpu.memory_space<vmem>>, vector<1x1x1x16xf32>,
        %swap3A_791 = vector.shape_cast %swap3A_790 : vector<1x1x1x16xf32> to vector<16xf32>
        %swap3A_792 = vector.shape_cast %gather3A_783 : vector<16xf32> to vector<1x1x1x16xf32>
        tpu.vector_store %arg7[%swap3A_786, %swap3A_787, %swap3A_788, %swap3A_789], %swap3A_792 {strides = array<i32>} : memref<2x16x16x128xf32, #tpu.memory_space<vmem>>, vector<1x1x1x16xf32>,
        %gather3A_793 = vector.shape_cast %broadcast_in_dim3A_638 : vector<16x1xi32> to vector<16xi32>
        %gather3A_794 = tpu.dynamic_gather %get3A_74[%gather3A_793] in [0] : vector<16xf32>, vector<16xi32> -> vector<16xf32>
        %swap3A_795 = arith.constant 1 : i32
        %swap3A_796 = arith.constant 14 : i32
        %swap3A_797 = arith.index_cast %swap3A_795 : i32 to index
        %swap3A_798 = arith.index_cast %scan3A_451 : i32 to index
        %swap3A_799 = arith.index_cast %swap3A_796 : i32 to index
        %swap3A_800 = arith.constant 16 : index
        %swap3A_801 = tpu.vector_load %arg7[%swap3A_797, %swap3A_798, %swap3A_799, %swap3A_800] {strides = array<i32>} : memref<2x16x16x128xf32, #tpu.memory_space<vmem>>, vector<1x1x1x16xf32>,
        %swap3A_802 = vector.shape_cast %swap3A_801 : vector<1x1x1x16xf32> to vector<16xf32>
        %swap3A_803 = vector.shape_cast %gather3A_794 : vector<16xf32> to vector<1x1x1x16xf32>
        tpu.vector_store %arg7[%swap3A_797, %swap3A_798, %swap3A_799, %swap3A_800], %swap3A_803 {strides = array<i32>} : memref<2x16x16x128xf32, #tpu.memory_space<vmem>>, vector<1x1x1x16xf32>,
        %gather3A_804 = vector.shape_cast %broadcast_in_dim3A_638 : vector<16x1xi32> to vector<16xi32>
        %gather3A_805 = tpu.dynamic_gather %get3A_79[%gather3A_804] in [0] : vector<16xf32>, vector<16xi32> -> vector<16xf32>
        %swap3A_806 = arith.constant 1 : i32
        %swap3A_807 = arith.constant 15 : i32
        %swap3A_808 = arith.index_cast %swap3A_806 : i32 to index
        %swap3A_809 = arith.index_cast %scan3A_451 : i32 to index
        %swap3A_810 = arith.index_cast %swap3A_807 : i32 to index
        %swap3A_811 = arith.constant 16 : index
        %swap3A_812 = tpu.vector_load %arg7[%swap3A_808, %swap3A_809, %swap3A_810, %swap3A_811] {strides = array<i32>} : memref<2x16x16x128xf32, #tpu.memory_space<vmem>>, vector<1x1x1x16xf32>,
        %swap3A_813 = vector.shape_cast %swap3A_812 : vector<1x1x1x16xf32> to vector<16xf32>
        %swap3A_814 = vector.shape_cast %gather3A_805 : vector<16xf32> to vector<1x1x1x16xf32>
        tpu.vector_store %arg7[%swap3A_808, %swap3A_809, %swap3A_810, %swap3A_811], %swap3A_814 {strides = array<i32>} : memref<2x16x16x128xf32, #tpu.memory_space<vmem>>, vector<1x1x1x16xf32>,
        %get3A_815 = arith.constant 1 : i32
        %get3A_816 = arith.index_cast %get3A_815 : i32 to index
        %get3A_817 = arith.index_cast %scan3A_451 : i32 to index
        %get3A_818 = arith.constant 32 : index
        %get3A_819 = tpu.vector_load %arg6[%get3A_816, %get3A_817, %get3A_818] {strides = array<i32>} : memref<2x16x128xi32, #tpu.memory_space<vmem>>, vector<1x1x16xi32>,
        %get3A_820 = vector.shape_cast %get3A_819 : vector<1x1x16xi32> to vector<16xi32>
        %broadcast_in_dim3A_821 = vector.shape_cast %get3A_820 : vector<16xi32> to vector<16x1xi32>
        %gather3A_822 = vector.shape_cast %broadcast_in_dim3A_821 : vector<16x1xi32> to vector<16xi32>
        %gather3A_823 = tpu.dynamic_gather %get3A_4[%gather3A_822] in [0] : vector<16xf32>, vector<16xi32> -> vector<16xf32>
        %swap3A_824 = arith.constant 1 : i32
        %swap3A_825 = arith.constant 0 : i32
        %swap3A_826 = arith.index_cast %swap3A_824 : i32 to index
        %swap3A_827 = arith.index_cast %scan3A_451 : i32 to index
        %swap3A_828 = arith.index_cast %swap3A_825 : i32 to index
        %swap3A_829 = arith.constant 32 : index
        %swap3A_830 = tpu.vector_load %arg7[%swap3A_826, %swap3A_827, %swap3A_828, %swap3A_829] {strides = array<i32>} : memref<2x16x16x128xf32, #tpu.memory_space<vmem>>, vector<1x1x1x16xf32>,
        %swap3A_831 = vector.shape_cast %swap3A_830 : vector<1x1x1x16xf32> to vector<16xf32>
        %swap3A_832 = vector.shape_cast %gather3A_823 : vector<16xf32> to vector<1x1x1x16xf32>
        tpu.vector_store %arg7[%swap3A_826, %swap3A_827, %swap3A_828, %swap3A_829], %swap3A_832 {strides = array<i32>} : memref<2x16x16x128xf32, #tpu.memory_space<vmem>>, vector<1x1x1x16xf32>,
        %gather3A_833 = vector.shape_cast %broadcast_in_dim3A_821 : vector<16x1xi32> to vector<16xi32>
        %gather3A_834 = tpu.dynamic_gather %get3A_9[%gather3A_833] in [0] : vector<16xf32>, vector<16xi32> -> vector<16xf32>
        %swap3A_835 = arith.constant 1 : i32
        %swap3A_836 = arith.constant 1 : i32
        %swap3A_837 = arith.index_cast %swap3A_835 : i32 to index
        %swap3A_838 = arith.index_cast %scan3A_451 : i32 to index
        %swap3A_839 = arith.index_cast %swap3A_836 : i32 to index
        %swap3A_840 = arith.constant 32 : index
        %swap3A_841 = tpu.vector_load %arg7[%swap3A_837, %swap3A_838, %swap3A_839, %swap3A_840] {strides = array<i32>} : memref<2x16x16x128xf32, #tpu.memory_space<vmem>>, vector<1x1x1x16xf32>,
        %swap3A_842 = vector.shape_cast %swap3A_841 : vector<1x1x1x16xf32> to vector<16xf32>
        %swap3A_843 = vector.shape_cast %gather3A_834 : vector<16xf32> to vector<1x1x1x16xf32>
        tpu.vector_store %arg7[%swap3A_837, %swap3A_838, %swap3A_839, %swap3A_840], %swap3A_843 {strides = array<i32>} : memref<2x16x16x128xf32, #tpu.memory_space<vmem>>, vector<1x1x1x16xf32>,
        %gather3A_844 = vector.shape_cast %broadcast_in_dim3A_821 : vector<16x1xi32> to vector<16xi32>
        %gather3A_845 = tpu.dynamic_gather %get3A_14[%gather3A_844] in [0] : vector<16xf32>, vector<16xi32> -> vector<16xf32>
        %swap3A_846 = arith.constant 1 : i32
        %swap3A_847 = arith.constant 2 : i32
        %swap3A_848 = arith.index_cast %swap3A_846 : i32 to index
        %swap3A_849 = arith.index_cast %scan3A_451 : i32 to index
        %swap3A_850 = arith.index_cast %swap3A_847 : i32 to index
        %swap3A_851 = arith.constant 32 : index
        %swap3A_852 = tpu.vector_load %arg7[%swap3A_848, %swap3A_849, %swap3A_850, %swap3A_851] {strides = array<i32>} : memref<2x16x16x128xf32, #tpu.memory_space<vmem>>, vector<1x1x1x16xf32>,
        %swap3A_853 = vector.shape_cast %swap3A_852 : vector<1x1x1x16xf32> to vector<16xf32>
        %swap3A_854 = vector.shape_cast %gather3A_845 : vector<16xf32> to vector<1x1x1x16xf32>
        tpu.vector_store %arg7[%swap3A_848, %swap3A_849, %swap3A_850, %swap3A_851], %swap3A_854 {strides = array<i32>} : memref<2x16x16x128xf32, #tpu.memory_space<vmem>>, vector<1x1x1x16xf32>,
        %gather3A_855 = vector.shape_cast %broadcast_in_dim3A_821 : vector<16x1xi32> to vector<16xi32>
        %gather3A_856 = tpu.dynamic_gather %get3A_19[%gather3A_855] in [0] : vector<16xf32>, vector<16xi32> -> vector<16xf32>
        %swap3A_857 = arith.constant 1 : i32
        %swap3A_858 = arith.constant 3 : i32
        %swap3A_859 = arith.index_cast %swap3A_857 : i32 to index
        %swap3A_860 = arith.index_cast %scan3A_451 : i32 to index
        %swap3A_861 = arith.index_cast %swap3A_858 : i32 to index
        %swap3A_862 = arith.constant 32 : index
        %swap3A_863 = tpu.vector_load %arg7[%swap3A_859, %swap3A_860, %swap3A_861, %swap3A_862] {strides = array<i32>} : memref<2x16x16x128xf32, #tpu.memory_space<vmem>>, vector<1x1x1x16xf32>,
        %swap3A_864 = vector.shape_cast %swap3A_863 : vector<1x1x1x16xf32> to vector<16xf32>
        %swap3A_865 = vector.shape_cast %gather3A_856 : vector<16xf32> to vector<1x1x1x16xf32>
        tpu.vector_store %arg7[%swap3A_859, %swap3A_860, %swap3A_861, %swap3A_862], %swap3A_865 {strides = array<i32>} : memref<2x16x16x128xf32, #tpu.memory_space<vmem>>, vector<1x1x1x16xf32>,
        %gather3A_866 = vector.shape_cast %broadcast_in_dim3A_821 : vector<16x1xi32> to vector<16xi32>
        %gather3A_867 = tpu.dynamic_gather %get3A_24[%gather3A_866] in [0] : vector<16xf32>, vector<16xi32> -> vector<16xf32>
        %swap3A_868 = arith.constant 1 : i32
        %swap3A_869 = arith.constant 4 : i32
        %swap3A_870 = arith.index_cast %swap3A_868 : i32 to index
        %swap3A_871 = arith.index_cast %scan3A_451 : i32 to index
        %swap3A_872 = arith.index_cast %swap3A_869 : i32 to index
        %swap3A_873 = arith.constant 32 : index
        %swap3A_874 = tpu.vector_load %arg7[%swap3A_870, %swap3A_871, %swap3A_872, %swap3A_873] {strides = array<i32>} : memref<2x16x16x128xf32, #tpu.memory_space<vmem>>, vector<1x1x1x16xf32>,
        %swap3A_875 = vector.shape_cast %swap3A_874 : vector<1x1x1x16xf32> to vector<16xf32>
        %swap3A_876 = vector.shape_cast %gather3A_867 : vector<16xf32> to vector<1x1x1x16xf32>
        tpu.vector_store %arg7[%swap3A_870, %swap3A_871, %swap3A_872, %swap3A_873], %swap3A_876 {strides = array<i32>} : memref<2x16x16x128xf32, #tpu.memory_space<vmem>>, vector<1x1x1x16xf32>,
        %gather3A_877 = vector.shape_cast %broadcast_in_dim3A_821 : vector<16x1xi32> to vector<16xi32>
        %gather3A_878 = tpu.dynamic_gather %get3A_29[%gather3A_877] in [0] : vector<16xf32>, vector<16xi32> -> vector<16xf32>
        %swap3A_879 = arith.constant 1 : i32
        %swap3A_880 = arith.constant 5 : i32
        %swap3A_881 = arith.index_cast %swap3A_879 : i32 to index
        %swap3A_882 = arith.index_cast %scan3A_451 : i32 to index
        %swap3A_883 = arith.index_cast %swap3A_880 : i32 to index
        %swap3A_884 = arith.constant 32 : index
        %swap3A_885 = tpu.vector_load %arg7[%swap3A_881, %swap3A_882, %swap3A_883, %swap3A_884] {strides = array<i32>} : memref<2x16x16x128xf32, #tpu.memory_space<vmem>>, vector<1x1x1x16xf32>,
        %swap3A_886 = vector.shape_cast %swap3A_885 : vector<1x1x1x16xf32> to vector<16xf32>
        %swap3A_887 = vector.shape_cast %gather3A_878 : vector<16xf32> to vector<1x1x1x16xf32>
        tpu.vector_store %arg7[%swap3A_881, %swap3A_882, %swap3A_883, %swap3A_884], %swap3A_887 {strides = array<i32>} : memref<2x16x16x128xf32, #tpu.memory_space<vmem>>, vector<1x1x1x16xf32>,
        %gather3A_888 = vector.shape_cast %broadcast_in_dim3A_821 : vector<16x1xi32> to vector<16xi32>
        %gather3A_889 = tpu.dynamic_gather %get3A_34[%gather3A_888] in [0] : vector<16xf32>, vector<16xi32> -> vector<16xf32>
        %swap3A_890 = arith.constant 1 : i32
        %swap3A_891 = arith.constant 6 : i32
        %swap3A_892 = arith.index_cast %swap3A_890 : i32 to index
        %swap3A_893 = arith.index_cast %scan3A_451 : i32 to index
        %swap3A_894 = arith.index_cast %swap3A_891 : i32 to index
        %swap3A_895 = arith.constant 32 : index
        %swap3A_896 = tpu.vector_load %arg7[%swap3A_892, %swap3A_893, %swap3A_894, %swap3A_895] {strides = array<i32>} : memref<2x16x16x128xf32, #tpu.memory_space<vmem>>, vector<1x1x1x16xf32>,
        %swap3A_897 = vector.shape_cast %swap3A_896 : vector<1x1x1x16xf32> to vector<16xf32>
        %swap3A_898 = vector.shape_cast %gather3A_889 : vector<16xf32> to vector<1x1x1x16xf32>
        tpu.vector_store %arg7[%swap3A_892, %swap3A_893, %swap3A_894, %swap3A_895], %swap3A_898 {strides = array<i32>} : memref<2x16x16x128xf32, #tpu.memory_space<vmem>>, vector<1x1x1x16xf32>,
        %gather3A_899 = vector.shape_cast %broadcast_in_dim3A_821 : vector<16x1xi32> to vector<16xi32>
        %gather3A_900 = tpu.dynamic_gather %get3A_39[%gather3A_899] in [0] : vector<16xf32>, vector<16xi32> -> vector<16xf32>
        %swap3A_901 = arith.constant 1 : i32
        %swap3A_902 = arith.constant 7 : i32
        %swap3A_903 = arith.index_cast %swap3A_901 : i32 to index
        %swap3A_904 = arith.index_cast %scan3A_451 : i32 to index
        %swap3A_905 = arith.index_cast %swap3A_902 : i32 to index
        %swap3A_906 = arith.constant 32 : index
        %swap3A_907 = tpu.vector_load %arg7[%swap3A_903, %swap3A_904, %swap3A_905, %swap3A_906] {strides = array<i32>} : memref<2x16x16x128xf32, #tpu.memory_space<vmem>>, vector<1x1x1x16xf32>,
        %swap3A_908 = vector.shape_cast %swap3A_907 : vector<1x1x1x16xf32> to vector<16xf32>
        %swap3A_909 = vector.shape_cast %gather3A_900 : vector<16xf32> to vector<1x1x1x16xf32>
        tpu.vector_store %arg7[%swap3A_903, %swap3A_904, %swap3A_905, %swap3A_906], %swap3A_909 {strides = array<i32>} : memref<2x16x16x128xf32, #tpu.memory_space<vmem>>, vector<1x1x1x16xf32>,
        %gather3A_910 = vector.shape_cast %broadcast_in_dim3A_821 : vector<16x1xi32> to vector<16xi32>
        %gather3A_911 = tpu.dynamic_gather %get3A_44[%gather3A_910] in [0] : vector<16xf32>, vector<16xi32> -> vector<16xf32>
        %swap3A_912 = arith.constant 1 : i32
        %swap3A_913 = arith.constant 8 : i32
        %swap3A_914 = arith.index_cast %swap3A_912 : i32 to index
        %swap3A_915 = arith.index_cast %scan3A_451 : i32 to index
        %swap3A_916 = arith.index_cast %swap3A_913 : i32 to index
        %swap3A_917 = arith.constant 32 : index
        %swap3A_918 = tpu.vector_load %arg7[%swap3A_914, %swap3A_915, %swap3A_916, %swap3A_917] {strides = array<i32>} : memref<2x16x16x128xf32, #tpu.memory_space<vmem>>, vector<1x1x1x16xf32>,
        %swap3A_919 = vector.shape_cast %swap3A_918 : vector<1x1x1x16xf32> to vector<16xf32>
        %swap3A_920 = vector.shape_cast %gather3A_911 : vector<16xf32> to vector<1x1x1x16xf32>
        tpu.vector_store %arg7[%swap3A_914, %swap3A_915, %swap3A_916, %swap3A_917], %swap3A_920 {strides = array<i32>} : memref<2x16x16x128xf32, #tpu.memory_space<vmem>>, vector<1x1x1x16xf32>,
        %gather3A_921 = vector.shape_cast %broadcast_in_dim3A_821 : vector<16x1xi32> to vector<16xi32>
        %gather3A_922 = tpu.dynamic_gather %get3A_49[%gather3A_921] in [0] : vector<16xf32>, vector<16xi32> -> vector<16xf32>
        %swap3A_923 = arith.constant 1 : i32
        %swap3A_924 = arith.constant 9 : i32
        %swap3A_925 = arith.index_cast %swap3A_923 : i32 to index
        %swap3A_926 = arith.index_cast %scan3A_451 : i32 to index
        %swap3A_927 = arith.index_cast %swap3A_924 : i32 to index
        %swap3A_928 = arith.constant 32 : index
        %swap3A_929 = tpu.vector_load %arg7[%swap3A_925, %swap3A_926, %swap3A_927, %swap3A_928] {strides = array<i32>} : memref<2x16x16x128xf32, #tpu.memory_space<vmem>>, vector<1x1x1x16xf32>,
        %swap3A_930 = vector.shape_cast %swap3A_929 : vector<1x1x1x16xf32> to vector<16xf32>
        %swap3A_931 = vector.shape_cast %gather3A_922 : vector<16xf32> to vector<1x1x1x16xf32>
        tpu.vector_store %arg7[%swap3A_925, %swap3A_926, %swap3A_927, %swap3A_928], %swap3A_931 {strides = array<i32>} : memref<2x16x16x128xf32, #tpu.memory_space<vmem>>, vector<1x1x1x16xf32>,
        %gather3A_932 = vector.shape_cast %broadcast_in_dim3A_821 : vector<16x1xi32> to vector<16xi32>
        %gather3A_933 = tpu.dynamic_gather %get3A_54[%gather3A_932] in [0] : vector<16xf32>, vector<16xi32> -> vector<16xf32>
        %swap3A_934 = arith.constant 1 : i32
        %swap3A_935 = arith.constant 10 : i32
        %swap3A_936 = arith.index_cast %swap3A_934 : i32 to index
        %swap3A_937 = arith.index_cast %scan3A_451 : i32 to index
        %swap3A_938 = arith.index_cast %swap3A_935 : i32 to index
        %swap3A_939 = arith.constant 32 : index
        %swap3A_940 = tpu.vector_load %arg7[%swap3A_936, %swap3A_937, %swap3A_938, %swap3A_939] {strides = array<i32>} : memref<2x16x16x128xf32, #tpu.memory_space<vmem>>, vector<1x1x1x16xf32>,
        %swap3A_941 = vector.shape_cast %swap3A_940 : vector<1x1x1x16xf32> to vector<16xf32>
        %swap3A_942 = vector.shape_cast %gather3A_933 : vector<16xf32> to vector<1x1x1x16xf32>
        tpu.vector_store %arg7[%swap3A_936, %swap3A_937, %swap3A_938, %swap3A_939], %swap3A_942 {strides = array<i32>} : memref<2x16x16x128xf32, #tpu.memory_space<vmem>>, vector<1x1x1x16xf32>,
        %gather3A_943 = vector.shape_cast %broadcast_in_dim3A_821 : vector<16x1xi32> to vector<16xi32>
        %gather3A_944 = tpu.dynamic_gather %get3A_59[%gather3A_943] in [0] : vector<16xf32>, vector<16xi32> -> vector<16xf32>
        %swap3A_945 = arith.constant 1 : i32
        %swap3A_946 = arith.constant 11 : i32
        %swap3A_947 = arith.index_cast %swap3A_945 : i32 to index
        %swap3A_948 = arith.index_cast %scan3A_451 : i32 to index
        %swap3A_949 = arith.index_cast %swap3A_946 : i32 to index
        %swap3A_950 = arith.constant 32 : index
        %swap3A_951 = tpu.vector_load %arg7[%swap3A_947, %swap3A_948, %swap3A_949, %swap3A_950] {strides = array<i32>} : memref<2x16x16x128xf32, #tpu.memory_space<vmem>>, vector<1x1x1x16xf32>,
        %swap3A_952 = vector.shape_cast %swap3A_951 : vector<1x1x1x16xf32> to vector<16xf32>
        %swap3A_953 = vector.shape_cast %gather3A_944 : vector<16xf32> to vector<1x1x1x16xf32>
        tpu.vector_store %arg7[%swap3A_947, %swap3A_948, %swap3A_949, %swap3A_950], %swap3A_953 {strides = array<i32>} : memref<2x16x16x128xf32, #tpu.memory_space<vmem>>, vector<1x1x1x16xf32>,
        %gather3A_954 = vector.shape_cast %broadcast_in_dim3A_821 : vector<16x1xi32> to vector<16xi32>
        %gather3A_955 = tpu.dynamic_gather %get3A_64[%gather3A_954] in [0] : vector<16xf32>, vector<16xi32> -> vector<16xf32>
        %swap3A_956 = arith.constant 1 : i32
        %swap3A_957 = arith.constant 12 : i32
        %swap3A_958 = arith.index_cast %swap3A_956 : i32 to index
        %swap3A_959 = arith.index_cast %scan3A_451 : i32 to index
        %swap3A_960 = arith.index_cast %swap3A_957 : i32 to index
        %swap3A_961 = arith.constant 32 : index
        %swap3A_962 = tpu.vector_load %arg7[%swap3A_958, %swap3A_959, %swap3A_960, %swap3A_961] {strides = array<i32>} : memref<2x16x16x128xf32, #tpu.memory_space<vmem>>, vector<1x1x1x16xf32>,
        %swap3A_963 = vector.shape_cast %swap3A_962 : vector<1x1x1x16xf32> to vector<16xf32>
        %swap3A_964 = vector.shape_cast %gather3A_955 : vector<16xf32> to vector<1x1x1x16xf32>
        tpu.vector_store %arg7[%swap3A_958, %swap3A_959, %swap3A_960, %swap3A_961], %swap3A_964 {strides = array<i32>} : memref<2x16x16x128xf32, #tpu.memory_space<vmem>>, vector<1x1x1x16xf32>,
        %gather3A_965 = vector.shape_cast %broadcast_in_dim3A_821 : vector<16x1xi32> to vector<16xi32>
        %gather3A_966 = tpu.dynamic_gather %get3A_69[%gather3A_965] in [0] : vector<16xf32>, vector<16xi32> -> vector<16xf32>
        %swap3A_967 = arith.constant 1 : i32
        %swap3A_968 = arith.constant 13 : i32
        %swap3A_969 = arith.index_cast %swap3A_967 : i32 to index
        %swap3A_970 = arith.index_cast %scan3A_451 : i32 to index
        %swap3A_971 = arith.index_cast %swap3A_968 : i32 to index
        %swap3A_972 = arith.constant 32 : index
        %swap3A_973 = tpu.vector_load %arg7[%swap3A_969, %swap3A_970, %swap3A_971, %swap3A_972] {strides = array<i32>} : memref<2x16x16x128xf32, #tpu.memory_space<vmem>>, vector<1x1x1x16xf32>,
        %swap3A_974 = vector.shape_cast %swap3A_973 : vector<1x1x1x16xf32> to vector<16xf32>
        %swap3A_975 = vector.shape_cast %gather3A_966 : vector<16xf32> to vector<1x1x1x16xf32>
        tpu.vector_store %arg7[%swap3A_969, %swap3A_970, %swap3A_971, %swap3A_972], %swap3A_975 {strides = array<i32>} : memref<2x16x16x128xf32, #tpu.memory_space<vmem>>, vector<1x1x1x16xf32>,
        %gather3A_976 = vector.shape_cast %broadcast_in_dim3A_821 : vector<16x1xi32> to vector<16xi32>
        %gather3A_977 = tpu.dynamic_gather %get3A_74[%gather3A_976] in [0] : vector<16xf32>, vector<16xi32> -> vector<16xf32>
        %swap3A_978 = arith.constant 1 : i32
        %swap3A_979 = arith.constant 14 : i32
        %swap3A_980 = arith.index_cast %swap3A_978 : i32 to index
        %swap3A_981 = arith.index_cast %scan3A_451 : i32 to index
        %swap3A_982 = arith.index_cast %swap3A_979 : i32 to index
        %swap3A_983 = arith.constant 32 : index
        %swap3A_984 = tpu.vector_load %arg7[%swap3A_980, %swap3A_981, %swap3A_982, %swap3A_983] {strides = array<i32>} : memref<2x16x16x128xf32, #tpu.memory_space<vmem>>, vector<1x1x1x16xf32>,
        %swap3A_985 = vector.shape_cast %swap3A_984 : vector<1x1x1x16xf32> to vector<16xf32>
        %swap3A_986 = vector.shape_cast %gather3A_977 : vector<16xf32> to vector<1x1x1x16xf32>
        tpu.vector_store %arg7[%swap3A_980, %swap3A_981, %swap3A_982, %swap3A_983], %swap3A_986 {strides = array<i32>} : memref<2x16x16x128xf32, #tpu.memory_space<vmem>>, vector<1x1x1x16xf32>,
        %gather3A_987 = vector.shape_cast %broadcast_in_dim3A_821 : vector<16x1xi32> to vector<16xi32>
        %gather3A_988 = tpu.dynamic_gather %get3A_79[%gather3A_987] in [0] : vector<16xf32>, vector<16xi32> -> vector<16xf32>
        %swap3A_989 = arith.constant 1 : i32
        %swap3A_990 = arith.constant 15 : i32
        %swap3A_991 = arith.index_cast %swap3A_989 : i32 to index
        %swap3A_992 = arith.index_cast %scan3A_451 : i32 to index
        %swap3A_993 = arith.index_cast %swap3A_990 : i32 to index
        %swap3A_994 = arith.constant 32 : index
        %swap3A_995 = tpu.vector_load %arg7[%swap3A_991, %swap3A_992, %swap3A_993, %swap3A_994] {strides = array<i32>} : memref<2x16x16x128xf32, #tpu.memory_space<vmem>>, vector<1x1x1x16xf32>,
        %swap3A_996 = vector.shape_cast %swap3A_995 : vector<1x1x1x16xf32> to vector<16xf32>
        %swap3A_997 = vector.shape_cast %gather3A_988 : vector<16xf32> to vector<1x1x1x16xf32>
        tpu.vector_store %arg7[%swap3A_991, %swap3A_992, %swap3A_993, %swap3A_994], %swap3A_997 {strides = array<i32>} : memref<2x16x16x128xf32, #tpu.memory_space<vmem>>, vector<1x1x1x16xf32>,
        %get3A_998 = arith.constant 1 : i32
        %get3A_999 = arith.index_cast %get3A_998 : i32 to index
        %get3A_1000 = arith.index_cast %scan3A_451 : i32 to index
        %get3A_1001 = arith.constant 48 : index
        %get3A_1002 = tpu.vector_load %arg6[%get3A_999, %get3A_1000, %get3A_1001] {strides = array<i32>} : memref<2x16x128xi32, #tpu.memory_space<vmem>>, vector<1x1x16xi32>,
        %get3A_1003 = vector.shape_cast %get3A_1002 : vector<1x1x16xi32> to vector<16xi32>
        %broadcast_in_dim3A_1004 = vector.shape_cast %get3A_1003 : vector<16xi32> to vector<16x1xi32>
        %gather3A_1005 = vector.shape_cast %broadcast_in_dim3A_1004 : vector<16x1xi32> to vector<16xi32>
        %gather3A_1006 = tpu.dynamic_gather %get3A_4[%gather3A_1005] in [0] : vector<16xf32>, vector<16xi32> -> vector<16xf32>
        %swap3A_1007 = arith.constant 1 : i32
        %swap3A_1008 = arith.constant 0 : i32
        %swap3A_1009 = arith.index_cast %swap3A_1007 : i32 to index
        %swap3A_1010 = arith.index_cast %scan3A_451 : i32 to index
        %swap3A_1011 = arith.index_cast %swap3A_1008 : i32 to index
        %swap3A_1012 = arith.constant 48 : index
        %swap3A_1013 = tpu.vector_load %arg7[%swap3A_1009, %swap3A_1010, %swap3A_1011, %swap3A_1012] {strides = array<i32>} : memref<2x16x16x128xf32, #tpu.memory_space<vmem>>, vector<1x1x1x16xf32>,
        %swap3A_1014 = vector.shape_cast %swap3A_1013 : vector<1x1x1x16xf32> to vector<16xf32>
        %swap3A_1015 = vector.shape_cast %gather3A_1006 : vector<16xf32> to vector<1x1x1x16xf32>
        tpu.vector_store %arg7[%swap3A_1009, %swap3A_1010, %swap3A_1011, %swap3A_1012], %swap3A_1015 {strides = array<i32>} : memref<2x16x16x128xf32, #tpu.memory_space<vmem>>, vector<1x1x1x16xf32>,
        %gather3A_1016 = vector.shape_cast %broadcast_in_dim3A_1004 : vector<16x1xi32> to vector<16xi32>
        %gather3A_1017 = tpu.dynamic_gather %get3A_9[%gather3A_1016] in [0] : vector<16xf32>, vector<16xi32> -> vector<16xf32>
        %swap3A_1018 = arith.constant 1 : i32
        %swap3A_1019 = arith.constant 1 : i32
        %swap3A_1020 = arith.index_cast %swap3A_1018 : i32 to index
        %swap3A_1021 = arith.index_cast %scan3A_451 : i32 to index
        %swap3A_1022 = arith.index_cast %swap3A_1019 : i32 to index
        %swap3A_1023 = arith.constant 48 : index
        %swap3A_1024 = tpu.vector_load %arg7[%swap3A_1020, %swap3A_1021, %swap3A_1022, %swap3A_1023] {strides = array<i32>} : memref<2x16x16x128xf32, #tpu.memory_space<vmem>>, vector<1x1x1x16xf32>,
        %swap3A_1025 = vector.shape_cast %swap3A_1024 : vector<1x1x1x16xf32> to vector<16xf32>
        %swap3A_1026 = vector.shape_cast %gather3A_1017 : vector<16xf32> to vector<1x1x1x16xf32>
        tpu.vector_store %arg7[%swap3A_1020, %swap3A_1021, %swap3A_1022, %swap3A_1023], %swap3A_1026 {strides = array<i32>} : memref<2x16x16x128xf32, #tpu.memory_space<vmem>>, vector<1x1x1x16xf32>,
        %gather3A_1027 = vector.shape_cast %broadcast_in_dim3A_1004 : vector<16x1xi32> to vector<16xi32>
        %gather3A_1028 = tpu.dynamic_gather %get3A_14[%gather3A_1027] in [0] : vector<16xf32>, vector<16xi32> -> vector<16xf32>
        %swap3A_1029 = arith.constant 1 : i32
        %swap3A_1030 = arith.constant 2 : i32
        %swap3A_1031 = arith.index_cast %swap3A_1029 : i32 to index
        %swap3A_1032 = arith.index_cast %scan3A_451 : i32 to index
        %swap3A_1033 = arith.index_cast %swap3A_1030 : i32 to index
        %swap3A_1034 = arith.constant 48 : index
        %swap3A_1035 = tpu.vector_load %arg7[%swap3A_1031, %swap3A_1032, %swap3A_1033, %swap3A_1034] {strides = array<i32>} : memref<2x16x16x128xf32, #tpu.memory_space<vmem>>, vector<1x1x1x16xf32>,
        %swap3A_1036 = vector.shape_cast %swap3A_1035 : vector<1x1x1x16xf32> to vector<16xf32>
        %swap3A_1037 = vector.shape_cast %gather3A_1028 : vector<16xf32> to vector<1x1x1x16xf32>
        tpu.vector_store %arg7[%swap3A_1031, %swap3A_1032, %swap3A_1033, %swap3A_1034], %swap3A_1037 {strides = array<i32>} : memref<2x16x16x128xf32, #tpu.memory_space<vmem>>, vector<1x1x1x16xf32>,
        %gather3A_1038 = vector.shape_cast %broadcast_in_dim3A_1004 : vector<16x1xi32> to vector<16xi32>
        %gather3A_1039 = tpu.dynamic_gather %get3A_19[%gather3A_1038] in [0] : vector<16xf32>, vector<16xi32> -> vector<16xf32>
        %swap3A_1040 = arith.constant 1 : i32
        %swap3A_1041 = arith.constant 3 : i32
        %swap3A_1042 = arith.index_cast %swap3A_1040 : i32 to index
        %swap3A_1043 = arith.index_cast %scan3A_451 : i32 to index
        %swap3A_1044 = arith.index_cast %swap3A_1041 : i32 to index
        %swap3A_1045 = arith.constant 48 : index
        %swap3A_1046 = tpu.vector_load %arg7[%swap3A_1042, %swap3A_1043, %swap3A_1044, %swap3A_1045] {strides = array<i32>} : memref<2x16x16x128xf32, #tpu.memory_space<vmem>>, vector<1x1x1x16xf32>,
        %swap3A_1047 = vector.shape_cast %swap3A_1046 : vector<1x1x1x16xf32> to vector<16xf32>
        %swap3A_1048 = vector.shape_cast %gather3A_1039 : vector<16xf32> to vector<1x1x1x16xf32>
        tpu.vector_store %arg7[%swap3A_1042, %swap3A_1043, %swap3A_1044, %swap3A_1045], %swap3A_1048 {strides = array<i32>} : memref<2x16x16x128xf32, #tpu.memory_space<vmem>>, vector<1x1x1x16xf32>,
        %gather3A_1049 = vector.shape_cast %broadcast_in_dim3A_1004 : vector<16x1xi32> to vector<16xi32>
        %gather3A_1050 = tpu.dynamic_gather %get3A_24[%gather3A_1049] in [0] : vector<16xf32>, vector<16xi32> -> vector<16xf32>
        %swap3A_1051 = arith.constant 1 : i32
        %swap3A_1052 = arith.constant 4 : i32
        %swap3A_1053 = arith.index_cast %swap3A_1051 : i32 to index
        %swap3A_1054 = arith.index_cast %scan3A_451 : i32 to index
        %swap3A_1055 = arith.index_cast %swap3A_1052 : i32 to index
        %swap3A_1056 = arith.constant 48 : index
        %swap3A_1057 = tpu.vector_load %arg7[%swap3A_1053, %swap3A_1054, %swap3A_1055, %swap3A_1056] {strides = array<i32>} : memref<2x16x16x128xf32, #tpu.memory_space<vmem>>, vector<1x1x1x16xf32>,
        %swap3A_1058 = vector.shape_cast %swap3A_1057 : vector<1x1x1x16xf32> to vector<16xf32>
        %swap3A_1059 = vector.shape_cast %gather3A_1050 : vector<16xf32> to vector<1x1x1x16xf32>
        tpu.vector_store %arg7[%swap3A_1053, %swap3A_1054, %swap3A_1055, %swap3A_1056], %swap3A_1059 {strides = array<i32>} : memref<2x16x16x128xf32, #tpu.memory_space<vmem>>, vector<1x1x1x16xf32>,
        %gather3A_1060 = vector.shape_cast %broadcast_in_dim3A_1004 : vector<16x1xi32> to vector<16xi32>
        %gather3A_1061 = tpu.dynamic_gather %get3A_29[%gather3A_1060] in [0] : vector<16xf32>, vector<16xi32> -> vector<16xf32>
        %swap3A_1062 = arith.constant 1 : i32
        %swap3A_1063 = arith.constant 5 : i32
        %swap3A_1064 = arith.index_cast %swap3A_1062 : i32 to index
        %swap3A_1065 = arith.index_cast %scan3A_451 : i32 to index
        %swap3A_1066 = arith.index_cast %swap3A_1063 : i32 to index
        %swap3A_1067 = arith.constant 48 : index
        %swap3A_1068 = tpu.vector_load %arg7[%swap3A_1064, %swap3A_1065, %swap3A_1066, %swap3A_1067] {strides = array<i32>} : memref<2x16x16x128xf32, #tpu.memory_space<vmem>>, vector<1x1x1x16xf32>,
        %swap3A_1069 = vector.shape_cast %swap3A_1068 : vector<1x1x1x16xf32> to vector<16xf32>
        %swap3A_1070 = vector.shape_cast %gather3A_1061 : vector<16xf32> to vector<1x1x1x16xf32>
        tpu.vector_store %arg7[%swap3A_1064, %swap3A_1065, %swap3A_1066, %swap3A_1067], %swap3A_1070 {strides = array<i32>} : memref<2x16x16x128xf32, #tpu.memory_space<vmem>>, vector<1x1x1x16xf32>,
        %gather3A_1071 = vector.shape_cast %broadcast_in_dim3A_1004 : vector<16x1xi32> to vector<16xi32>
        %gather3A_1072 = tpu.dynamic_gather %get3A_34[%gather3A_1071] in [0] : vector<16xf32>, vector<16xi32> -> vector<16xf32>
        %swap3A_1073 = arith.constant 1 : i32
        %swap3A_1074 = arith.constant 6 : i32
        %swap3A_1075 = arith.index_cast %swap3A_1073 : i32 to index
        %swap3A_1076 = arith.index_cast %scan3A_451 : i32 to index
        %swap3A_1077 = arith.index_cast %swap3A_1074 : i32 to index
        %swap3A_1078 = arith.constant 48 : index
        %swap3A_1079 = tpu.vector_load %arg7[%swap3A_1075, %swap3A_1076, %swap3A_1077, %swap3A_1078] {strides = array<i32>} : memref<2x16x16x128xf32, #tpu.memory_space<vmem>>, vector<1x1x1x16xf32>,
        %swap3A_1080 = vector.shape_cast %swap3A_1079 : vector<1x1x1x16xf32> to vector<16xf32>
        %swap3A_1081 = vector.shape_cast %gather3A_1072 : vector<16xf32> to vector<1x1x1x16xf32>
        tpu.vector_store %arg7[%swap3A_1075, %swap3A_1076, %swap3A_1077, %swap3A_1078], %swap3A_1081 {strides = array<i32>} : memref<2x16x16x128xf32, #tpu.memory_space<vmem>>, vector<1x1x1x16xf32>,
        %gather3A_1082 = vector.shape_cast %broadcast_in_dim3A_1004 : vector<16x1xi32> to vector<16xi32>
        %gather3A_1083 = tpu.dynamic_gather %get3A_39[%gather3A_1082] in [0] : vector<16xf32>, vector<16xi32> -> vector<16xf32>
        %swap3A_1084 = arith.constant 1 : i32
        %swap3A_1085 = arith.constant 7 : i32
        %swap3A_1086 = arith.index_cast %swap3A_1084 : i32 to index
        %swap3A_1087 = arith.index_cast %scan3A_451 : i32 to index
        %swap3A_1088 = arith.index_cast %swap3A_1085 : i32 to index
        %swap3A_1089 = arith.constant 48 : index
        %swap3A_1090 = tpu.vector_load %arg7[%swap3A_1086, %swap3A_1087, %swap3A_1088, %swap3A_1089] {strides = array<i32>} : memref<2x16x16x128xf32, #tpu.memory_space<vmem>>, vector<1x1x1x16xf32>,
        %swap3A_1091 = vector.shape_cast %swap3A_1090 : vector<1x1x1x16xf32> to vector<16xf32>
        %swap3A_1092 = vector.shape_cast %gather3A_1083 : vector<16xf32> to vector<1x1x1x16xf32>
        tpu.vector_store %arg7[%swap3A_1086, %swap3A_1087, %swap3A_1088, %swap3A_1089], %swap3A_1092 {strides = array<i32>} : memref<2x16x16x128xf32, #tpu.memory_space<vmem>>, vector<1x1x1x16xf32>,
        %gather3A_1093 = vector.shape_cast %broadcast_in_dim3A_1004 : vector<16x1xi32> to vector<16xi32>
        %gather3A_1094 = tpu.dynamic_gather %get3A_44[%gather3A_1093] in [0] : vector<16xf32>, vector<16xi32> -> vector<16xf32>
        %swap3A_1095 = arith.constant 1 : i32
        %swap3A_1096 = arith.constant 8 : i32
        %swap3A_1097 = arith.index_cast %swap3A_1095 : i32 to index
        %swap3A_1098 = arith.index_cast %scan3A_451 : i32 to index
        %swap3A_1099 = arith.index_cast %swap3A_1096 : i32 to index
        %swap3A_1100 = arith.constant 48 : index
        %swap3A_1101 = tpu.vector_load %arg7[%swap3A_1097, %swap3A_1098, %swap3A_1099, %swap3A_1100] {strides = array<i32>} : memref<2x16x16x128xf32, #tpu.memory_space<vmem>>, vector<1x1x1x16xf32>,
        %swap3A_1102 = vector.shape_cast %swap3A_1101 : vector<1x1x1x16xf32> to vector<16xf32>
        %swap3A_1103 = vector.shape_cast %gather3A_1094 : vector<16xf32> to vector<1x1x1x16xf32>
        tpu.vector_store %arg7[%swap3A_1097, %swap3A_1098, %swap3A_1099, %swap3A_1100], %swap3A_1103 {strides = array<i32>} : memref<2x16x16x128xf32, #tpu.memory_space<vmem>>, vector<1x1x1x16xf32>,
        %gather3A_1104 = vector.shape_cast %broadcast_in_dim3A_1004 : vector<16x1xi32> to vector<16xi32>
        %gather3A_1105 = tpu.dynamic_gather %get3A_49[%gather3A_1104] in [0] : vector<16xf32>, vector<16xi32> -> vector<16xf32>
        %swap3A_1106 = arith.constant 1 : i32
        %swap3A_1107 = arith.constant 9 : i32
        %swap3A_1108 = arith.index_cast %swap3A_1106 : i32 to index
        %swap3A_1109 = arith.index_cast %scan3A_451 : i32 to index
        %swap3A_1110 = arith.index_cast %swap3A_1107 : i32 to index
        %swap3A_1111 = arith.constant 48 : index
        %swap3A_1112 = tpu.vector_load %arg7[%swap3A_1108, %swap3A_1109, %swap3A_1110, %swap3A_1111] {strides = array<i32>} : memref<2x16x16x128xf32, #tpu.memory_space<vmem>>, vector<1x1x1x16xf32>,
        %swap3A_1113 = vector.shape_cast %swap3A_1112 : vector<1x1x1x16xf32> to vector<16xf32>
        %swap3A_1114 = vector.shape_cast %gather3A_1105 : vector<16xf32> to vector<1x1x1x16xf32>
        tpu.vector_store %arg7[%swap3A_1108, %swap3A_1109, %swap3A_1110, %swap3A_1111], %swap3A_1114 {strides = array<i32>} : memref<2x16x16x128xf32, #tpu.memory_space<vmem>>, vector<1x1x1x16xf32>,
        %gather3A_1115 = vector.shape_cast %broadcast_in_dim3A_1004 : vector<16x1xi32> to vector<16xi32>
        %gather3A_1116 = tpu.dynamic_gather %get3A_54[%gather3A_1115] in [0] : vector<16xf32>, vector<16xi32> -> vector<16xf32>
        %swap3A_1117 = arith.constant 1 : i32
        %swap3A_1118 = arith.constant 10 : i32
        %swap3A_1119 = arith.index_cast %swap3A_1117 : i32 to index
        %swap3A_1120 = arith.index_cast %scan3A_451 : i32 to index
        %swap3A_1121 = arith.index_cast %swap3A_1118 : i32 to index
        %swap3A_1122 = arith.constant 48 : index
        %swap3A_1123 = tpu.vector_load %arg7[%swap3A_1119, %swap3A_1120, %swap3A_1121, %swap3A_1122] {strides = array<i32>} : memref<2x16x16x128xf32, #tpu.memory_space<vmem>>, vector<1x1x1x16xf32>,
        %swap3A_1124 = vector.shape_cast %swap3A_1123 : vector<1x1x1x16xf32> to vector<16xf32>
        %swap3A_1125 = vector.shape_cast %gather3A_1116 : vector<16xf32> to vector<1x1x1x16xf32>
        tpu.vector_store %arg7[%swap3A_1119, %swap3A_1120, %swap3A_1121, %swap3A_1122], %swap3A_1125 {strides = array<i32>} : memref<2x16x16x128xf32, #tpu.memory_space<vmem>>, vector<1x1x1x16xf32>,
        %gather3A_1126 = vector.shape_cast %broadcast_in_dim3A_1004 : vector<16x1xi32> to vector<16xi32>
        %gather3A_1127 = tpu.dynamic_gather %get3A_59[%gather3A_1126] in [0] : vector<16xf32>, vector<16xi32> -> vector<16xf32>
        %swap3A_1128 = arith.constant 1 : i32
        %swap3A_1129 = arith.constant 11 : i32
        %swap3A_1130 = arith.index_cast %swap3A_1128 : i32 to index
        %swap3A_1131 = arith.index_cast %scan3A_451 : i32 to index
        %swap3A_1132 = arith.index_cast %swap3A_1129 : i32 to index
        %swap3A_1133 = arith.constant 48 : index
        %swap3A_1134 = tpu.vector_load %arg7[%swap3A_1130, %swap3A_1131, %swap3A_1132, %swap3A_1133] {strides = array<i32>} : memref<2x16x16x128xf32, #tpu.memory_space<vmem>>, vector<1x1x1x16xf32>,
        %swap3A_1135 = vector.shape_cast %swap3A_1134 : vector<1x1x1x16xf32> to vector<16xf32>
        %swap3A_1136 = vector.shape_cast %gather3A_1127 : vector<16xf32> to vector<1x1x1x16xf32>
        tpu.vector_store %arg7[%swap3A_1130, %swap3A_1131, %swap3A_1132, %swap3A_1133], %swap3A_1136 {strides = array<i32>} : memref<2x16x16x128xf32, #tpu.memory_space<vmem>>, vector<1x1x1x16xf32>,
        %gather3A_1137 = vector.shape_cast %broadcast_in_dim3A_1004 : vector<16x1xi32> to vector<16xi32>
        %gather3A_1138 = tpu.dynamic_gather %get3A_64[%gather3A_1137] in [0] : vector<16xf32>, vector<16xi32> -> vector<16xf32>
        %swap3A_1139 = arith.constant 1 : i32
        %swap3A_1140 = arith.constant 12 : i32
        %swap3A_1141 = arith.index_cast %swap3A_1139 : i32 to index
        %swap3A_1142 = arith.index_cast %scan3A_451 : i32 to index
        %swap3A_1143 = arith.index_cast %swap3A_1140 : i32 to index
        %swap3A_1144 = arith.constant 48 : index
        %swap3A_1145 = tpu.vector_load %arg7[%swap3A_1141, %swap3A_1142, %swap3A_1143, %swap3A_1144] {strides = array<i32>} : memref<2x16x16x128xf32, #tpu.memory_space<vmem>>, vector<1x1x1x16xf32>,
        %swap3A_1146 = vector.shape_cast %swap3A_1145 : vector<1x1x1x16xf32> to vector<16xf32>
        %swap3A_1147 = vector.shape_cast %gather3A_1138 : vector<16xf32> to vector<1x1x1x16xf32>
        tpu.vector_store %arg7[%swap3A_1141, %swap3A_1142, %swap3A_1143, %swap3A_1144], %swap3A_1147 {strides = array<i32>} : memref<2x16x16x128xf32, #tpu.memory_space<vmem>>, vector<1x1x1x16xf32>,
        %gather3A_1148 = vector.shape_cast %broadcast_in_dim3A_1004 : vector<16x1xi32> to vector<16xi32>
        %gather3A_1149 = tpu.dynamic_gather %get3A_69[%gather3A_1148] in [0] : vector<16xf32>, vector<16xi32> -> vector<16xf32>
        %swap3A_1150 = arith.constant 1 : i32
        %swap3A_1151 = arith.constant 13 : i32
        %swap3A_1152 = arith.index_cast %swap3A_1150 : i32 to index
        %swap3A_1153 = arith.index_cast %scan3A_451 : i32 to index
        %swap3A_1154 = arith.index_cast %swap3A_1151 : i32 to index
        %swap3A_1155 = arith.constant 48 : index
        %swap3A_1156 = tpu.vector_load %arg7[%swap3A_1152, %swap3A_1153, %swap3A_1154, %swap3A_1155] {strides = array<i32>} : memref<2x16x16x128xf32, #tpu.memory_space<vmem>>, vector<1x1x1x16xf32>,
        %swap3A_1157 = vector.shape_cast %swap3A_1156 : vector<1x1x1x16xf32> to vector<16xf32>
        %swap3A_1158 = vector.shape_cast %gather3A_1149 : vector<16xf32> to vector<1x1x1x16xf32>
        tpu.vector_store %arg7[%swap3A_1152, %swap3A_1153, %swap3A_1154, %swap3A_1155], %swap3A_1158 {strides = array<i32>} : memref<2x16x16x128xf32, #tpu.memory_space<vmem>>, vector<1x1x1x16xf32>,
        %gather3A_1159 = vector.shape_cast %broadcast_in_dim3A_1004 : vector<16x1xi32> to vector<16xi32>
        %gather3A_1160 = tpu.dynamic_gather %get3A_74[%gather3A_1159] in [0] : vector<16xf32>, vector<16xi32> -> vector<16xf32>
        %swap3A_1161 = arith.constant 1 : i32
        %swap3A_1162 = arith.constant 14 : i32
        %swap3A_1163 = arith.index_cast %swap3A_1161 : i32 to index
        %swap3A_1164 = arith.index_cast %scan3A_451 : i32 to index
        %swap3A_1165 = arith.index_cast %swap3A_1162 : i32 to index
        %swap3A_1166 = arith.constant 48 : index
        %swap3A_1167 = tpu.vector_load %arg7[%swap3A_1163, %swap3A_1164, %swap3A_1165, %swap3A_1166] {strides = array<i32>} : memref<2x16x16x128xf32, #tpu.memory_space<vmem>>, vector<1x1x1x16xf32>,
        %swap3A_1168 = vector.shape_cast %swap3A_1167 : vector<1x1x1x16xf32> to vector<16xf32>
        %swap3A_1169 = vector.shape_cast %gather3A_1160 : vector<16xf32> to vector<1x1x1x16xf32>
        tpu.vector_store %arg7[%swap3A_1163, %swap3A_1164, %swap3A_1165, %swap3A_1166], %swap3A_1169 {strides = array<i32>} : memref<2x16x16x128xf32, #tpu.memory_space<vmem>>, vector<1x1x1x16xf32>,
        %gather3A_1170 = vector.shape_cast %broadcast_in_dim3A_1004 : vector<16x1xi32> to vector<16xi32>
        %gather3A_1171 = tpu.dynamic_gather %get3A_79[%gather3A_1170] in [0] : vector<16xf32>, vector<16xi32> -> vector<16xf32>
        %swap3A_1172 = arith.constant 1 : i32
        %swap3A_1173 = arith.constant 15 : i32
        %swap3A_1174 = arith.index_cast %swap3A_1172 : i32 to index
        %swap3A_1175 = arith.index_cast %scan3A_451 : i32 to index
        %swap3A_1176 = arith.index_cast %swap3A_1173 : i32 to index
        %swap3A_1177 = arith.constant 48 : index
        %swap3A_1178 = tpu.vector_load %arg7[%swap3A_1174, %swap3A_1175, %swap3A_1176, %swap3A_1177] {strides = array<i32>} : memref<2x16x16x128xf32, #tpu.memory_space<vmem>>, vector<1x1x1x16xf32>,
        %swap3A_1179 = vector.shape_cast %swap3A_1178 : vector<1x1x1x16xf32> to vector<16xf32>
        %swap3A_1180 = vector.shape_cast %gather3A_1171 : vector<16xf32> to vector<1x1x1x16xf32>
        tpu.vector_store %arg7[%swap3A_1174, %swap3A_1175, %swap3A_1176, %swap3A_1177], %swap3A_1180 {strides = array<i32>} : memref<2x16x16x128xf32, #tpu.memory_space<vmem>>, vector<1x1x1x16xf32>,
        %get3A_1181 = arith.constant 1 : i32
        %get3A_1182 = arith.index_cast %get3A_1181 : i32 to index
        %get3A_1183 = arith.index_cast %scan3A_451 : i32 to index
        %get3A_1184 = arith.constant 64 : index
        %get3A_1185 = tpu.vector_load %arg6[%get3A_1182, %get3A_1183, %get3A_1184] {strides = array<i32>} : memref<2x16x128xi32, #tpu.memory_space<vmem>>, vector<1x1x16xi32>,
        %get3A_1186 = vector.shape_cast %get3A_1185 : vector<1x1x16xi32> to vector<16xi32>
        %broadcast_in_dim3A_1187 = vector.shape_cast %get3A_1186 : vector<16xi32> to vector<16x1xi32>
        %gather3A_1188 = vector.shape_cast %broadcast_in_dim3A_1187 : vector<16x1xi32> to vector<16xi32>
        %gather3A_1189 = tpu.dynamic_gather %get3A_4[%gather3A_1188] in [0] : vector<16xf32>, vector<16xi32> -> vector<16xf32>
        %swap3A_1190 = arith.constant 1 : i32
        %swap3A_1191 = arith.constant 0 : i32
        %swap3A_1192 = arith.index_cast %swap3A_1190 : i32 to index
        %swap3A_1193 = arith.index_cast %scan3A_451 : i32 to index
        %swap3A_1194 = arith.index_cast %swap3A_1191 : i32 to index
        %swap3A_1195 = arith.constant 64 : index
        %swap3A_1196 = tpu.vector_load %arg7[%swap3A_1192, %swap3A_1193, %swap3A_1194, %swap3A_1195] {strides = array<i32>} : memref<2x16x16x128xf32, #tpu.memory_space<vmem>>, vector<1x1x1x16xf32>,
        %swap3A_1197 = vector.shape_cast %swap3A_1196 : vector<1x1x1x16xf32> to vector<16xf32>
        %swap3A_1198 = vector.shape_cast %gather3A_1189 : vector<16xf32> to vector<1x1x1x16xf32>
        tpu.vector_store %arg7[%swap3A_1192, %swap3A_1193, %swap3A_1194, %swap3A_1195], %swap3A_1198 {strides = array<i32>} : memref<2x16x16x128xf32, #tpu.memory_space<vmem>>, vector<1x1x1x16xf32>,
        %gather3A_1199 = vector.shape_cast %broadcast_in_dim3A_1187 : vector<16x1xi32> to vector<16xi32>
        %gather3A_1200 = tpu.dynamic_gather %get3A_9[%gather3A_1199] in [0] : vector<16xf32>, vector<16xi32> -> vector<16xf32>
        %swap3A_1201 = arith.constant 1 : i32
        %swap3A_1202 = arith.constant 1 : i32
        %swap3A_1203 = arith.index_cast %swap3A_1201 : i32 to index
        %swap3A_1204 = arith.index_cast %scan3A_451 : i32 to index
        %swap3A_1205 = arith.index_cast %swap3A_1202 : i32 to index
        %swap3A_1206 = arith.constant 64 : index
        %swap3A_1207 = tpu.vector_load %arg7[%swap3A_1203, %swap3A_1204, %swap3A_1205, %swap3A_1206] {strides = array<i32>} : memref<2x16x16x128xf32, #tpu.memory_space<vmem>>, vector<1x1x1x16xf32>,
        %swap3A_1208 = vector.shape_cast %swap3A_1207 : vector<1x1x1x16xf32> to vector<16xf32>
        %swap3A_1209 = vector.shape_cast %gather3A_1200 : vector<16xf32> to vector<1x1x1x16xf32>
        tpu.vector_store %arg7[%swap3A_1203, %swap3A_1204, %swap3A_1205, %swap3A_1206], %swap3A_1209 {strides = array<i32>} : memref<2x16x16x128xf32, #tpu.memory_space<vmem>>, vector<1x1x1x16xf32>,
        %gather3A_1210 = vector.shape_cast %broadcast_in_dim3A_1187 : vector<16x1xi32> to vector<16xi32>
        %gather3A_1211 = tpu.dynamic_gather %get3A_14[%gather3A_1210] in [0] : vector<16xf32>, vector<16xi32> -> vector<16xf32>
        %swap3A_1212 = arith.constant 1 : i32
        %swap3A_1213 = arith.constant 2 : i32
        %swap3A_1214 = arith.index_cast %swap3A_1212 : i32 to index
        %swap3A_1215 = arith.index_cast %scan3A_451 : i32 to index
        %swap3A_1216 = arith.index_cast %swap3A_1213 : i32 to index
        %swap3A_1217 = arith.constant 64 : index
        %swap3A_1218 = tpu.vector_load %arg7[%swap3A_1214, %swap3A_1215, %swap3A_1216, %swap3A_1217] {strides = array<i32>} : memref<2x16x16x128xf32, #tpu.memory_space<vmem>>, vector<1x1x1x16xf32>,
        %swap3A_1219 = vector.shape_cast %swap3A_1218 : vector<1x1x1x16xf32> to vector<16xf32>
        %swap3A_1220 = vector.shape_cast %gather3A_1211 : vector<16xf32> to vector<1x1x1x16xf32>
        tpu.vector_store %arg7[%swap3A_1214, %swap3A_1215, %swap3A_1216, %swap3A_1217], %swap3A_1220 {strides = array<i32>} : memref<2x16x16x128xf32, #tpu.memory_space<vmem>>, vector<1x1x1x16xf32>,
        %gather3A_1221 = vector.shape_cast %broadcast_in_dim3A_1187 : vector<16x1xi32> to vector<16xi32>
        %gather3A_1222 = tpu.dynamic_gather %get3A_19[%gather3A_1221] in [0] : vector<16xf32>, vector<16xi32> -> vector<16xf32>
        %swap3A_1223 = arith.constant 1 : i32
        %swap3A_1224 = arith.constant 3 : i32
        %swap3A_1225 = arith.index_cast %swap3A_1223 : i32 to index
        %swap3A_1226 = arith.index_cast %scan3A_451 : i32 to index
        %swap3A_1227 = arith.index_cast %swap3A_1224 : i32 to index
        %swap3A_1228 = arith.constant 64 : index
        %swap3A_1229 = tpu.vector_load %arg7[%swap3A_1225, %swap3A_1226, %swap3A_1227, %swap3A_1228] {strides = array<i32>} : memref<2x16x16x128xf32, #tpu.memory_space<vmem>>, vector<1x1x1x16xf32>,
        %swap3A_1230 = vector.shape_cast %swap3A_1229 : vector<1x1x1x16xf32> to vector<16xf32>
        %swap3A_1231 = vector.shape_cast %gather3A_1222 : vector<16xf32> to vector<1x1x1x16xf32>
        tpu.vector_store %arg7[%swap3A_1225, %swap3A_1226, %swap3A_1227, %swap3A_1228], %swap3A_1231 {strides = array<i32>} : memref<2x16x16x128xf32, #tpu.memory_space<vmem>>, vector<1x1x1x16xf32>,
        %gather3A_1232 = vector.shape_cast %broadcast_in_dim3A_1187 : vector<16x1xi32> to vector<16xi32>
        %gather3A_1233 = tpu.dynamic_gather %get3A_24[%gather3A_1232] in [0] : vector<16xf32>, vector<16xi32> -> vector<16xf32>
        %swap3A_1234 = arith.constant 1 : i32
        %swap3A_1235 = arith.constant 4 : i32
        %swap3A_1236 = arith.index_cast %swap3A_1234 : i32 to index
        %swap3A_1237 = arith.index_cast %scan3A_451 : i32 to index
        %swap3A_1238 = arith.index_cast %swap3A_1235 : i32 to index
        %swap3A_1239 = arith.constant 64 : index
        %swap3A_1240 = tpu.vector_load %arg7[%swap3A_1236, %swap3A_1237, %swap3A_1238, %swap3A_1239] {strides = array<i32>} : memref<2x16x16x128xf32, #tpu.memory_space<vmem>>, vector<1x1x1x16xf32>,
        %swap3A_1241 = vector.shape_cast %swap3A_1240 : vector<1x1x1x16xf32> to vector<16xf32>
        %swap3A_1242 = vector.shape_cast %gather3A_1233 : vector<16xf32> to vector<1x1x1x16xf32>
        tpu.vector_store %arg7[%swap3A_1236, %swap3A_1237, %swap3A_1238, %swap3A_1239], %swap3A_1242 {strides = array<i32>} : memref<2x16x16x128xf32, #tpu.memory_space<vmem>>, vector<1x1x1x16xf32>,
        %gather3A_1243 = vector.shape_cast %broadcast_in_dim3A_1187 : vector<16x1xi32> to vector<16xi32>
        %gather3A_1244 = tpu.dynamic_gather %get3A_29[%gather3A_1243] in [0] : vector<16xf32>, vector<16xi32> -> vector<16xf32>
        %swap3A_1245 = arith.constant 1 : i32
        %swap3A_1246 = arith.constant 5 : i32
        %swap3A_1247 = arith.index_cast %swap3A_1245 : i32 to index
        %swap3A_1248 = arith.index_cast %scan3A_451 : i32 to index
        %swap3A_1249 = arith.index_cast %swap3A_1246 : i32 to index
        %swap3A_1250 = arith.constant 64 : index
        %swap3A_1251 = tpu.vector_load %arg7[%swap3A_1247, %swap3A_1248, %swap3A_1249, %swap3A_1250] {strides = array<i32>} : memref<2x16x16x128xf32, #tpu.memory_space<vmem>>, vector<1x1x1x16xf32>,
        %swap3A_1252 = vector.shape_cast %swap3A_1251 : vector<1x1x1x16xf32> to vector<16xf32>
        %swap3A_1253 = vector.shape_cast %gather3A_1244 : vector<16xf32> to vector<1x1x1x16xf32>
        tpu.vector_store %arg7[%swap3A_1247, %swap3A_1248, %swap3A_1249, %swap3A_1250], %swap3A_1253 {strides = array<i32>} : memref<2x16x16x128xf32, #tpu.memory_space<vmem>>, vector<1x1x1x16xf32>,
        %gather3A_1254 = vector.shape_cast %broadcast_in_dim3A_1187 : vector<16x1xi32> to vector<16xi32>
        %gather3A_1255 = tpu.dynamic_gather %get3A_34[%gather3A_1254] in [0] : vector<16xf32>, vector<16xi32> -> vector<16xf32>
        %swap3A_1256 = arith.constant 1 : i32
        %swap3A_1257 = arith.constant 6 : i32
        %swap3A_1258 = arith.index_cast %swap3A_1256 : i32 to index
        %swap3A_1259 = arith.index_cast %scan3A_451 : i32 to index
        %swap3A_1260 = arith.index_cast %swap3A_1257 : i32 to index
        %swap3A_1261 = arith.constant 64 : index
        %swap3A_1262 = tpu.vector_load %arg7[%swap3A_1258, %swap3A_1259, %swap3A_1260, %swap3A_1261] {strides = array<i32>} : memref<2x16x16x128xf32, #tpu.memory_space<vmem>>, vector<1x1x1x16xf32>,
        %swap3A_1263 = vector.shape_cast %swap3A_1262 : vector<1x1x1x16xf32> to vector<16xf32>
        %swap3A_1264 = vector.shape_cast %gather3A_1255 : vector<16xf32> to vector<1x1x1x16xf32>
        tpu.vector_store %arg7[%swap3A_1258, %swap3A_1259, %swap3A_1260, %swap3A_1261], %swap3A_1264 {strides = array<i32>} : memref<2x16x16x128xf32, #tpu.memory_space<vmem>>, vector<1x1x1x16xf32>,
        %gather3A_1265 = vector.shape_cast %broadcast_in_dim3A_1187 : vector<16x1xi32> to vector<16xi32>
        %gather3A_1266 = tpu.dynamic_gather %get3A_39[%gather3A_1265] in [0] : vector<16xf32>, vector<16xi32> -> vector<16xf32>
        %swap3A_1267 = arith.constant 1 : i32
        %swap3A_1268 = arith.constant 7 : i32
        %swap3A_1269 = arith.index_cast %swap3A_1267 : i32 to index
        %swap3A_1270 = arith.index_cast %scan3A_451 : i32 to index
        %swap3A_1271 = arith.index_cast %swap3A_1268 : i32 to index
        %swap3A_1272 = arith.constant 64 : index
        %swap3A_1273 = tpu.vector_load %arg7[%swap3A_1269, %swap3A_1270, %swap3A_1271, %swap3A_1272] {strides = array<i32>} : memref<2x16x16x128xf32, #tpu.memory_space<vmem>>, vector<1x1x1x16xf32>,
        %swap3A_1274 = vector.shape_cast %swap3A_1273 : vector<1x1x1x16xf32> to vector<16xf32>
        %swap3A_1275 = vector.shape_cast %gather3A_1266 : vector<16xf32> to vector<1x1x1x16xf32>
        tpu.vector_store %arg7[%swap3A_1269, %swap3A_1270, %swap3A_1271, %swap3A_1272], %swap3A_1275 {strides = array<i32>} : memref<2x16x16x128xf32, #tpu.memory_space<vmem>>, vector<1x1x1x16xf32>,
        %gather3A_1276 = vector.shape_cast %broadcast_in_dim3A_1187 : vector<16x1xi32> to vector<16xi32>
        %gather3A_1277 = tpu.dynamic_gather %get3A_44[%gather3A_1276] in [0] : vector<16xf32>, vector<16xi32> -> vector<16xf32>
        %swap3A_1278 = arith.constant 1 : i32
        %swap3A_1279 = arith.constant 8 : i32
        %swap3A_1280 = arith.index_cast %swap3A_1278 : i32 to index
        %swap3A_1281 = arith.index_cast %scan3A_451 : i32 to index
        %swap3A_1282 = arith.index_cast %swap3A_1279 : i32 to index
        %swap3A_1283 = arith.constant 64 : index
        %swap3A_1284 = tpu.vector_load %arg7[%swap3A_1280, %swap3A_1281, %swap3A_1282, %swap3A_1283] {strides = array<i32>} : memref<2x16x16x128xf32, #tpu.memory_space<vmem>>, vector<1x1x1x16xf32>,
        %swap3A_1285 = vector.shape_cast %swap3A_1284 : vector<1x1x1x16xf32> to vector<16xf32>
        %swap3A_1286 = vector.shape_cast %gather3A_1277 : vector<16xf32> to vector<1x1x1x16xf32>
        tpu.vector_store %arg7[%swap3A_1280, %swap3A_1281, %swap3A_1282, %swap3A_1283], %swap3A_1286 {strides = array<i32>} : memref<2x16x16x128xf32, #tpu.memory_space<vmem>>, vector<1x1x1x16xf32>,
        %gather3A_1287 = vector.shape_cast %broadcast_in_dim3A_1187 : vector<16x1xi32> to vector<16xi32>
        %gather3A_1288 = tpu.dynamic_gather %get3A_49[%gather3A_1287] in [0] : vector<16xf32>, vector<16xi32> -> vector<16xf32>
        %swap3A_1289 = arith.constant 1 : i32
        %swap3A_1290 = arith.constant 9 : i32
        %swap3A_1291 = arith.index_cast %swap3A_1289 : i32 to index
        %swap3A_1292 = arith.index_cast %scan3A_451 : i32 to index
        %swap3A_1293 = arith.index_cast %swap3A_1290 : i32 to index
        %swap3A_1294 = arith.constant 64 : index
        %swap3A_1295 = tpu.vector_load %arg7[%swap3A_1291, %swap3A_1292, %swap3A_1293, %swap3A_1294] {strides = array<i32>} : memref<2x16x16x128xf32, #tpu.memory_space<vmem>>, vector<1x1x1x16xf32>,
        %swap3A_1296 = vector.shape_cast %swap3A_1295 : vector<1x1x1x16xf32> to vector<16xf32>
        %swap3A_1297 = vector.shape_cast %gather3A_1288 : vector<16xf32> to vector<1x1x1x16xf32>
        tpu.vector_store %arg7[%swap3A_1291, %swap3A_1292, %swap3A_1293, %swap3A_1294], %swap3A_1297 {strides = array<i32>} : memref<2x16x16x128xf32, #tpu.memory_space<vmem>>, vector<1x1x1x16xf32>,
        %gather3A_1298 = vector.shape_cast %broadcast_in_dim3A_1187 : vector<16x1xi32> to vector<16xi32>
        %gather3A_1299 = tpu.dynamic_gather %get3A_54[%gather3A_1298] in [0] : vector<16xf32>, vector<16xi32> -> vector<16xf32>
        %swap3A_1300 = arith.constant 1 : i32
        %swap3A_1301 = arith.constant 10 : i32
        %swap3A_1302 = arith.index_cast %swap3A_1300 : i32 to index
        %swap3A_1303 = arith.index_cast %scan3A_451 : i32 to index
        %swap3A_1304 = arith.index_cast %swap3A_1301 : i32 to index
        %swap3A_1305 = arith.constant 64 : index
        %swap3A_1306 = tpu.vector_load %arg7[%swap3A_1302, %swap3A_1303, %swap3A_1304, %swap3A_1305] {strides = array<i32>} : memref<2x16x16x128xf32, #tpu.memory_space<vmem>>, vector<1x1x1x16xf32>,
        %swap3A_1307 = vector.shape_cast %swap3A_1306 : vector<1x1x1x16xf32> to vector<16xf32>
        %swap3A_1308 = vector.shape_cast %gather3A_1299 : vector<16xf32> to vector<1x1x1x16xf32>
        tpu.vector_store %arg7[%swap3A_1302, %swap3A_1303, %swap3A_1304, %swap3A_1305], %swap3A_1308 {strides = array<i32>} : memref<2x16x16x128xf32, #tpu.memory_space<vmem>>, vector<1x1x1x16xf32>,
        %gather3A_1309 = vector.shape_cast %broadcast_in_dim3A_1187 : vector<16x1xi32> to vector<16xi32>
        %gather3A_1310 = tpu.dynamic_gather %get3A_59[%gather3A_1309] in [0] : vector<16xf32>, vector<16xi32> -> vector<16xf32>
        %swap3A_1311 = arith.constant 1 : i32
        %swap3A_1312 = arith.constant 11 : i32
        %swap3A_1313 = arith.index_cast %swap3A_1311 : i32 to index
        %swap3A_1314 = arith.index_cast %scan3A_451 : i32 to index
        %swap3A_1315 = arith.index_cast %swap3A_1312 : i32 to index
        %swap3A_1316 = arith.constant 64 : index
        %swap3A_1317 = tpu.vector_load %arg7[%swap3A_1313, %swap3A_1314, %swap3A_1315, %swap3A_1316] {strides = array<i32>} : memref<2x16x16x128xf32, #tpu.memory_space<vmem>>, vector<1x1x1x16xf32>,
        %swap3A_1318 = vector.shape_cast %swap3A_1317 : vector<1x1x1x16xf32> to vector<16xf32>
        %swap3A_1319 = vector.shape_cast %gather3A_1310 : vector<16xf32> to vector<1x1x1x16xf32>
        tpu.vector_store %arg7[%swap3A_1313, %swap3A_1314, %swap3A_1315, %swap3A_1316], %swap3A_1319 {strides = array<i32>} : memref<2x16x16x128xf32, #tpu.memory_space<vmem>>, vector<1x1x1x16xf32>,
        %gather3A_1320 = vector.shape_cast %broadcast_in_dim3A_1187 : vector<16x1xi32> to vector<16xi32>
        %gather3A_1321 = tpu.dynamic_gather %get3A_64[%gather3A_1320] in [0] : vector<16xf32>, vector<16xi32> -> vector<16xf32>
        %swap3A_1322 = arith.constant 1 : i32
        %swap3A_1323 = arith.constant 12 : i32
        %swap3A_1324 = arith.index_cast %swap3A_1322 : i32 to index
        %swap3A_1325 = arith.index_cast %scan3A_451 : i32 to index
        %swap3A_1326 = arith.index_cast %swap3A_1323 : i32 to index
        %swap3A_1327 = arith.constant 64 : index
        %swap3A_1328 = tpu.vector_load %arg7[%swap3A_1324, %swap3A_1325, %swap3A_1326, %swap3A_1327] {strides = array<i32>} : memref<2x16x16x128xf32, #tpu.memory_space<vmem>>, vector<1x1x1x16xf32>,
        %swap3A_1329 = vector.shape_cast %swap3A_1328 : vector<1x1x1x16xf32> to vector<16xf32>
        %swap3A_1330 = vector.shape_cast %gather3A_1321 : vector<16xf32> to vector<1x1x1x16xf32>
        tpu.vector_store %arg7[%swap3A_1324, %swap3A_1325, %swap3A_1326, %swap3A_1327], %swap3A_1330 {strides = array<i32>} : memref<2x16x16x128xf32, #tpu.memory_space<vmem>>, vector<1x1x1x16xf32>,
        %gather3A_1331 = vector.shape_cast %broadcast_in_dim3A_1187 : vector<16x1xi32> to vector<16xi32>
        %gather3A_1332 = tpu.dynamic_gather %get3A_69[%gather3A_1331] in [0] : vector<16xf32>, vector<16xi32> -> vector<16xf32>
        %swap3A_1333 = arith.constant 1 : i32
        %swap3A_1334 = arith.constant 13 : i32
        %swap3A_1335 = arith.index_cast %swap3A_1333 : i32 to index
        %swap3A_1336 = arith.index_cast %scan3A_451 : i32 to index
        %swap3A_1337 = arith.index_cast %swap3A_1334 : i32 to index
        %swap3A_1338 = arith.constant 64 : index
        %swap3A_1339 = tpu.vector_load %arg7[%swap3A_1335, %swap3A_1336, %swap3A_1337, %swap3A_1338] {strides = array<i32>} : memref<2x16x16x128xf32, #tpu.memory_space<vmem>>, vector<1x1x1x16xf32>,
        %swap3A_1340 = vector.shape_cast %swap3A_1339 : vector<1x1x1x16xf32> to vector<16xf32>
        %swap3A_1341 = vector.shape_cast %gather3A_1332 : vector<16xf32> to vector<1x1x1x16xf32>
        tpu.vector_store %arg7[%swap3A_1335, %swap3A_1336, %swap3A_1337, %swap3A_1338], %swap3A_1341 {strides = array<i32>} : memref<2x16x16x128xf32, #tpu.memory_space<vmem>>, vector<1x1x1x16xf32>,
        %gather3A_1342 = vector.shape_cast %broadcast_in_dim3A_1187 : vector<16x1xi32> to vector<16xi32>
        %gather3A_1343 = tpu.dynamic_gather %get3A_74[%gather3A_1342] in [0] : vector<16xf32>, vector<16xi32> -> vector<16xf32>
        %swap3A_1344 = arith.constant 1 : i32
        %swap3A_1345 = arith.constant 14 : i32
        %swap3A_1346 = arith.index_cast %swap3A_1344 : i32 to index
        %swap3A_1347 = arith.index_cast %scan3A_451 : i32 to index
        %swap3A_1348 = arith.index_cast %swap3A_1345 : i32 to index
        %swap3A_1349 = arith.constant 64 : index
        %swap3A_1350 = tpu.vector_load %arg7[%swap3A_1346, %swap3A_1347, %swap3A_1348, %swap3A_1349] {strides = array<i32>} : memref<2x16x16x128xf32, #tpu.memory_space<vmem>>, vector<1x1x1x16xf32>,
        %swap3A_1351 = vector.shape_cast %swap3A_1350 : vector<1x1x1x16xf32> to vector<16xf32>
        %swap3A_1352 = vector.shape_cast %gather3A_1343 : vector<16xf32> to vector<1x1x1x16xf32>
        tpu.vector_store %arg7[%swap3A_1346, %swap3A_1347, %swap3A_1348, %swap3A_1349], %swap3A_1352 {strides = array<i32>} : memref<2x16x16x128xf32, #tpu.memory_space<vmem>>, vector<1x1x1x16xf32>,
        %gather3A_1353 = vector.shape_cast %broadcast_in_dim3A_1187 : vector<16x1xi32> to vector<16xi32>
        %gather3A_1354 = tpu.dynamic_gather %get3A_79[%gather3A_1353] in [0] : vector<16xf32>, vector<16xi32> -> vector<16xf32>
        %swap3A_1355 = arith.constant 1 : i32
        %swap3A_1356 = arith.constant 15 : i32
        %swap3A_1357 = arith.index_cast %swap3A_1355 : i32 to index
        %swap3A_1358 = arith.index_cast %scan3A_451 : i32 to index
        %swap3A_1359 = arith.index_cast %swap3A_1356 : i32 to index
        %swap3A_1360 = arith.constant 64 : index
        %swap3A_1361 = tpu.vector_load %arg7[%swap3A_1357, %swap3A_1358, %swap3A_1359, %swap3A_1360] {strides = array<i32>} : memref<2x16x16x128xf32, #tpu.memory_space<vmem>>, vector<1x1x1x16xf32>,
        %swap3A_1362 = vector.shape_cast %swap3A_1361 : vector<1x1x1x16xf32> to vector<16xf32>
        %swap3A_1363 = vector.shape_cast %gather3A_1354 : vector<16xf32> to vector<1x1x1x16xf32>
        tpu.vector_store %arg7[%swap3A_1357, %swap3A_1358, %swap3A_1359, %swap3A_1360], %swap3A_1363 {strides = array<i32>} : memref<2x16x16x128xf32, #tpu.memory_space<vmem>>, vector<1x1x1x16xf32>,
        %get3A_1364 = arith.constant 1 : i32
        %get3A_1365 = arith.index_cast %get3A_1364 : i32 to index
        %get3A_1366 = arith.index_cast %scan3A_451 : i32 to index
        %get3A_1367 = arith.constant 80 : index
        %get3A_1368 = tpu.vector_load %arg6[%get3A_1365, %get3A_1366, %get3A_1367] {strides = array<i32>} : memref<2x16x128xi32, #tpu.memory_space<vmem>>, vector<1x1x16xi32>,
        %get3A_1369 = vector.shape_cast %get3A_1368 : vector<1x1x16xi32> to vector<16xi32>
        %broadcast_in_dim3A_1370 = vector.shape_cast %get3A_1369 : vector<16xi32> to vector<16x1xi32>
        %gather3A_1371 = vector.shape_cast %broadcast_in_dim3A_1370 : vector<16x1xi32> to vector<16xi32>
        %gather3A_1372 = tpu.dynamic_gather %get3A_4[%gather3A_1371] in [0] : vector<16xf32>, vector<16xi32> -> vector<16xf32>
        %swap3A_1373 = arith.constant 1 : i32
        %swap3A_1374 = arith.constant 0 : i32
        %swap3A_1375 = arith.index_cast %swap3A_1373 : i32 to index
        %swap3A_1376 = arith.index_cast %scan3A_451 : i32 to index
        %swap3A_1377 = arith.index_cast %swap3A_1374 : i32 to index
        %swap3A_1378 = arith.constant 80 : index
        %swap3A_1379 = tpu.vector_load %arg7[%swap3A_1375, %swap3A_1376, %swap3A_1377, %swap3A_1378] {strides = array<i32>} : memref<2x16x16x128xf32, #tpu.memory_space<vmem>>, vector<1x1x1x16xf32>,
        %swap3A_1380 = vector.shape_cast %swap3A_1379 : vector<1x1x1x16xf32> to vector<16xf32>
        %swap3A_1381 = vector.shape_cast %gather3A_1372 : vector<16xf32> to vector<1x1x1x16xf32>
        tpu.vector_store %arg7[%swap3A_1375, %swap3A_1376, %swap3A_1377, %swap3A_1378], %swap3A_1381 {strides = array<i32>} : memref<2x16x16x128xf32, #tpu.memory_space<vmem>>, vector<1x1x1x16xf32>,
        %gather3A_1382 = vector.shape_cast %broadcast_in_dim3A_1370 : vector<16x1xi32> to vector<16xi32>
        %gather3A_1383 = tpu.dynamic_gather %get3A_9[%gather3A_1382] in [0] : vector<16xf32>, vector<16xi32> -> vector<16xf32>
        %swap3A_1384 = arith.constant 1 : i32
        %swap3A_1385 = arith.constant 1 : i32
        %swap3A_1386 = arith.index_cast %swap3A_1384 : i32 to index
        %swap3A_1387 = arith.index_cast %scan3A_451 : i32 to index
        %swap3A_1388 = arith.index_cast %swap3A_1385 : i32 to index
        %swap3A_1389 = arith.constant 80 : index
        %swap3A_1390 = tpu.vector_load %arg7[%swap3A_1386, %swap3A_1387, %swap3A_1388, %swap3A_1389] {strides = array<i32>} : memref<2x16x16x128xf32, #tpu.memory_space<vmem>>, vector<1x1x1x16xf32>,
        %swap3A_1391 = vector.shape_cast %swap3A_1390 : vector<1x1x1x16xf32> to vector<16xf32>
        %swap3A_1392 = vector.shape_cast %gather3A_1383 : vector<16xf32> to vector<1x1x1x16xf32>
        tpu.vector_store %arg7[%swap3A_1386, %swap3A_1387, %swap3A_1388, %swap3A_1389], %swap3A_1392 {strides = array<i32>} : memref<2x16x16x128xf32, #tpu.memory_space<vmem>>, vector<1x1x1x16xf32>,
        %gather3A_1393 = vector.shape_cast %broadcast_in_dim3A_1370 : vector<16x1xi32> to vector<16xi32>
        %gather3A_1394 = tpu.dynamic_gather %get3A_14[%gather3A_1393] in [0] : vector<16xf32>, vector<16xi32> -> vector<16xf32>
        %swap3A_1395 = arith.constant 1 : i32
        %swap3A_1396 = arith.constant 2 : i32
        %swap3A_1397 = arith.index_cast %swap3A_1395 : i32 to index
        %swap3A_1398 = arith.index_cast %scan3A_451 : i32 to index
        %swap3A_1399 = arith.index_cast %swap3A_1396 : i32 to index
        %swap3A_1400 = arith.constant 80 : index
        %swap3A_1401 = tpu.vector_load %arg7[%swap3A_1397, %swap3A_1398, %swap3A_1399, %swap3A_1400] {strides = array<i32>} : memref<2x16x16x128xf32, #tpu.memory_space<vmem>>, vector<1x1x1x16xf32>,
        %swap3A_1402 = vector.shape_cast %swap3A_1401 : vector<1x1x1x16xf32> to vector<16xf32>
        %swap3A_1403 = vector.shape_cast %gather3A_1394 : vector<16xf32> to vector<1x1x1x16xf32>
        tpu.vector_store %arg7[%swap3A_1397, %swap3A_1398, %swap3A_1399, %swap3A_1400], %swap3A_1403 {strides = array<i32>} : memref<2x16x16x128xf32, #tpu.memory_space<vmem>>, vector<1x1x1x16xf32>,
        %gather3A_1404 = vector.shape_cast %broadcast_in_dim3A_1370 : vector<16x1xi32> to vector<16xi32>
        %gather3A_1405 = tpu.dynamic_gather %get3A_19[%gather3A_1404] in [0] : vector<16xf32>, vector<16xi32> -> vector<16xf32>
        %swap3A_1406 = arith.constant 1 : i32
        %swap3A_1407 = arith.constant 3 : i32
        %swap3A_1408 = arith.index_cast %swap3A_1406 : i32 to index
        %swap3A_1409 = arith.index_cast %scan3A_451 : i32 to index
        %swap3A_1410 = arith.index_cast %swap3A_1407 : i32 to index
        %swap3A_1411 = arith.constant 80 : index
        %swap3A_1412 = tpu.vector_load %arg7[%swap3A_1408, %swap3A_1409, %swap3A_1410, %swap3A_1411] {strides = array<i32>} : memref<2x16x16x128xf32, #tpu.memory_space<vmem>>, vector<1x1x1x16xf32>,
        %swap3A_1413 = vector.shape_cast %swap3A_1412 : vector<1x1x1x16xf32> to vector<16xf32>
        %swap3A_1414 = vector.shape_cast %gather3A_1405 : vector<16xf32> to vector<1x1x1x16xf32>
        tpu.vector_store %arg7[%swap3A_1408, %swap3A_1409, %swap3A_1410, %swap3A_1411], %swap3A_1414 {strides = array<i32>} : memref<2x16x16x128xf32, #tpu.memory_space<vmem>>, vector<1x1x1x16xf32>,
        %gather3A_1415 = vector.shape_cast %broadcast_in_dim3A_1370 : vector<16x1xi32> to vector<16xi32>
        %gather3A_1416 = tpu.dynamic_gather %get3A_24[%gather3A_1415] in [0] : vector<16xf32>, vector<16xi32> -> vector<16xf32>
        %swap3A_1417 = arith.constant 1 : i32
        %swap3A_1418 = arith.constant 4 : i32
        %swap3A_1419 = arith.index_cast %swap3A_1417 : i32 to index
        %swap3A_1420 = arith.index_cast %scan3A_451 : i32 to index
        %swap3A_1421 = arith.index_cast %swap3A_1418 : i32 to index
        %swap3A_1422 = arith.constant 80 : index
        %swap3A_1423 = tpu.vector_load %arg7[%swap3A_1419, %swap3A_1420, %swap3A_1421, %swap3A_1422] {strides = array<i32>} : memref<2x16x16x128xf32, #tpu.memory_space<vmem>>, vector<1x1x1x16xf32>,
        %swap3A_1424 = vector.shape_cast %swap3A_1423 : vector<1x1x1x16xf32> to vector<16xf32>
        %swap3A_1425 = vector.shape_cast %gather3A_1416 : vector<16xf32> to vector<1x1x1x16xf32>
        tpu.vector_store %arg7[%swap3A_1419, %swap3A_1420, %swap3A_1421, %swap3A_1422], %swap3A_1425 {strides = array<i32>} : memref<2x16x16x128xf32, #tpu.memory_space<vmem>>, vector<1x1x1x16xf32>,
        %gather3A_1426 = vector.shape_cast %broadcast_in_dim3A_1370 : vector<16x1xi32> to vector<16xi32>
        %gather3A_1427 = tpu.dynamic_gather %get3A_29[%gather3A_1426] in [0] : vector<16xf32>, vector<16xi32> -> vector<16xf32>
        %swap3A_1428 = arith.constant 1 : i32
        %swap3A_1429 = arith.constant 5 : i32
        %swap3A_1430 = arith.index_cast %swap3A_1428 : i32 to index
        %swap3A_1431 = arith.index_cast %scan3A_451 : i32 to index
        %swap3A_1432 = arith.index_cast %swap3A_1429 : i32 to index
        %swap3A_1433 = arith.constant 80 : index
        %swap3A_1434 = tpu.vector_load %arg7[%swap3A_1430, %swap3A_1431, %swap3A_1432, %swap3A_1433] {strides = array<i32>} : memref<2x16x16x128xf32, #tpu.memory_space<vmem>>, vector<1x1x1x16xf32>,
        %swap3A_1435 = vector.shape_cast %swap3A_1434 : vector<1x1x1x16xf32> to vector<16xf32>
        %swap3A_1436 = vector.shape_cast %gather3A_1427 : vector<16xf32> to vector<1x1x1x16xf32>
        tpu.vector_store %arg7[%swap3A_1430, %swap3A_1431, %swap3A_1432, %swap3A_1433], %swap3A_1436 {strides = array<i32>} : memref<2x16x16x128xf32, #tpu.memory_space<vmem>>, vector<1x1x1x16xf32>,
        %gather3A_1437 = vector.shape_cast %broadcast_in_dim3A_1370 : vector<16x1xi32> to vector<16xi32>
        %gather3A_1438 = tpu.dynamic_gather %get3A_34[%gather3A_1437] in [0] : vector<16xf32>, vector<16xi32> -> vector<16xf32>
        %swap3A_1439 = arith.constant 1 : i32
        %swap3A_1440 = arith.constant 6 : i32
        %swap3A_1441 = arith.index_cast %swap3A_1439 : i32 to index
        %swap3A_1442 = arith.index_cast %scan3A_451 : i32 to index
        %swap3A_1443 = arith.index_cast %swap3A_1440 : i32 to index
        %swap3A_1444 = arith.constant 80 : index
        %swap3A_1445 = tpu.vector_load %arg7[%swap3A_1441, %swap3A_1442, %swap3A_1443, %swap3A_1444] {strides = array<i32>} : memref<2x16x16x128xf32, #tpu.memory_space<vmem>>, vector<1x1x1x16xf32>,
        %swap3A_1446 = vector.shape_cast %swap3A_1445 : vector<1x1x1x16xf32> to vector<16xf32>
        %swap3A_1447 = vector.shape_cast %gather3A_1438 : vector<16xf32> to vector<1x1x1x16xf32>
        tpu.vector_store %arg7[%swap3A_1441, %swap3A_1442, %swap3A_1443, %swap3A_1444], %swap3A_1447 {strides = array<i32>} : memref<2x16x16x128xf32, #tpu.memory_space<vmem>>, vector<1x1x1x16xf32>,
        %gather3A_1448 = vector.shape_cast %broadcast_in_dim3A_1370 : vector<16x1xi32> to vector<16xi32>
        %gather3A_1449 = tpu.dynamic_gather %get3A_39[%gather3A_1448] in [0] : vector<16xf32>, vector<16xi32> -> vector<16xf32>
        %swap3A_1450 = arith.constant 1 : i32
        %swap3A_1451 = arith.constant 7 : i32
        %swap3A_1452 = arith.index_cast %swap3A_1450 : i32 to index
        %swap3A_1453 = arith.index_cast %scan3A_451 : i32 to index
        %swap3A_1454 = arith.index_cast %swap3A_1451 : i32 to index
        %swap3A_1455 = arith.constant 80 : index
        %swap3A_1456 = tpu.vector_load %arg7[%swap3A_1452, %swap3A_1453, %swap3A_1454, %swap3A_1455] {strides = array<i32>} : memref<2x16x16x128xf32, #tpu.memory_space<vmem>>, vector<1x1x1x16xf32>,
        %swap3A_1457 = vector.shape_cast %swap3A_1456 : vector<1x1x1x16xf32> to vector<16xf32>
        %swap3A_1458 = vector.shape_cast %gather3A_1449 : vector<16xf32> to vector<1x1x1x16xf32>
        tpu.vector_store %arg7[%swap3A_1452, %swap3A_1453, %swap3A_1454, %swap3A_1455], %swap3A_1458 {strides = array<i32>} : memref<2x16x16x128xf32, #tpu.memory_space<vmem>>, vector<1x1x1x16xf32>,
        %gather3A_1459 = vector.shape_cast %broadcast_in_dim3A_1370 : vector<16x1xi32> to vector<16xi32>
        %gather3A_1460 = tpu.dynamic_gather %get3A_44[%gather3A_1459] in [0] : vector<16xf32>, vector<16xi32> -> vector<16xf32>
        %swap3A_1461 = arith.constant 1 : i32
        %swap3A_1462 = arith.constant 8 : i32
        %swap3A_1463 = arith.index_cast %swap3A_1461 : i32 to index
        %swap3A_1464 = arith.index_cast %scan3A_451 : i32 to index
        %swap3A_1465 = arith.index_cast %swap3A_1462 : i32 to index
        %swap3A_1466 = arith.constant 80 : index
        %swap3A_1467 = tpu.vector_load %arg7[%swap3A_1463, %swap3A_1464, %swap3A_1465, %swap3A_1466] {strides = array<i32>} : memref<2x16x16x128xf32, #tpu.memory_space<vmem>>, vector<1x1x1x16xf32>,
        %swap3A_1468 = vector.shape_cast %swap3A_1467 : vector<1x1x1x16xf32> to vector<16xf32>
        %swap3A_1469 = vector.shape_cast %gather3A_1460 : vector<16xf32> to vector<1x1x1x16xf32>
        tpu.vector_store %arg7[%swap3A_1463, %swap3A_1464, %swap3A_1465, %swap3A_1466], %swap3A_1469 {strides = array<i32>} : memref<2x16x16x128xf32, #tpu.memory_space<vmem>>, vector<1x1x1x16xf32>,
        %gather3A_1470 = vector.shape_cast %broadcast_in_dim3A_1370 : vector<16x1xi32> to vector<16xi32>
        %gather3A_1471 = tpu.dynamic_gather %get3A_49[%gather3A_1470] in [0] : vector<16xf32>, vector<16xi32> -> vector<16xf32>
        %swap3A_1472 = arith.constant 1 : i32
        %swap3A_1473 = arith.constant 9 : i32
        %swap3A_1474 = arith.index_cast %swap3A_1472 : i32 to index
        %swap3A_1475 = arith.index_cast %scan3A_451 : i32 to index
        %swap3A_1476 = arith.index_cast %swap3A_1473 : i32 to index
        %swap3A_1477 = arith.constant 80 : index
        %swap3A_1478 = tpu.vector_load %arg7[%swap3A_1474, %swap3A_1475, %swap3A_1476, %swap3A_1477] {strides = array<i32>} : memref<2x16x16x128xf32, #tpu.memory_space<vmem>>, vector<1x1x1x16xf32>,
        %swap3A_1479 = vector.shape_cast %swap3A_1478 : vector<1x1x1x16xf32> to vector<16xf32>
        %swap3A_1480 = vector.shape_cast %gather3A_1471 : vector<16xf32> to vector<1x1x1x16xf32>
        tpu.vector_store %arg7[%swap3A_1474, %swap3A_1475, %swap3A_1476, %swap3A_1477], %swap3A_1480 {strides = array<i32>} : memref<2x16x16x128xf32, #tpu.memory_space<vmem>>, vector<1x1x1x16xf32>,
        %gather3A_1481 = vector.shape_cast %broadcast_in_dim3A_1370 : vector<16x1xi32> to vector<16xi32>
        %gather3A_1482 = tpu.dynamic_gather %get3A_54[%gather3A_1481] in [0] : vector<16xf32>, vector<16xi32> -> vector<16xf32>
        %swap3A_1483 = arith.constant 1 : i32
        %swap3A_1484 = arith.constant 10 : i32
        %swap3A_1485 = arith.index_cast %swap3A_1483 : i32 to index
        %swap3A_1486 = arith.index_cast %scan3A_451 : i32 to index
        %swap3A_1487 = arith.index_cast %swap3A_1484 : i32 to index
        %swap3A_1488 = arith.constant 80 : index
        %swap3A_1489 = tpu.vector_load %arg7[%swap3A_1485, %swap3A_1486, %swap3A_1487, %swap3A_1488] {strides = array<i32>} : memref<2x16x16x128xf32, #tpu.memory_space<vmem>>, vector<1x1x1x16xf32>,
        %swap3A_1490 = vector.shape_cast %swap3A_1489 : vector<1x1x1x16xf32> to vector<16xf32>
        %swap3A_1491 = vector.shape_cast %gather3A_1482 : vector<16xf32> to vector<1x1x1x16xf32>
        tpu.vector_store %arg7[%swap3A_1485, %swap3A_1486, %swap3A_1487, %swap3A_1488], %swap3A_1491 {strides = array<i32>} : memref<2x16x16x128xf32, #tpu.memory_space<vmem>>, vector<1x1x1x16xf32>,
        %gather3A_1492 = vector.shape_cast %broadcast_in_dim3A_1370 : vector<16x1xi32> to vector<16xi32>
        %gather3A_1493 = tpu.dynamic_gather %get3A_59[%gather3A_1492] in [0] : vector<16xf32>, vector<16xi32> -> vector<16xf32>
        %swap3A_1494 = arith.constant 1 : i32
        %swap3A_1495 = arith.constant 11 : i32
        %swap3A_1496 = arith.index_cast %swap3A_1494 : i32 to index
        %swap3A_1497 = arith.index_cast %scan3A_451 : i32 to index
        %swap3A_1498 = arith.index_cast %swap3A_1495 : i32 to index
        %swap3A_1499 = arith.constant 80 : index
        %swap3A_1500 = tpu.vector_load %arg7[%swap3A_1496, %swap3A_1497, %swap3A_1498, %swap3A_1499] {strides = array<i32>} : memref<2x16x16x128xf32, #tpu.memory_space<vmem>>, vector<1x1x1x16xf32>,
        %swap3A_1501 = vector.shape_cast %swap3A_1500 : vector<1x1x1x16xf32> to vector<16xf32>
        %swap3A_1502 = vector.shape_cast %gather3A_1493 : vector<16xf32> to vector<1x1x1x16xf32>
        tpu.vector_store %arg7[%swap3A_1496, %swap3A_1497, %swap3A_1498, %swap3A_1499], %swap3A_1502 {strides = array<i32>} : memref<2x16x16x128xf32, #tpu.memory_space<vmem>>, vector<1x1x1x16xf32>,
        %gather3A_1503 = vector.shape_cast %broadcast_in_dim3A_1370 : vector<16x1xi32> to vector<16xi32>
        %gather3A_1504 = tpu.dynamic_gather %get3A_64[%gather3A_1503] in [0] : vector<16xf32>, vector<16xi32> -> vector<16xf32>
        %swap3A_1505 = arith.constant 1 : i32
        %swap3A_1506 = arith.constant 12 : i32
        %swap3A_1507 = arith.index_cast %swap3A_1505 : i32 to index
        %swap3A_1508 = arith.index_cast %scan3A_451 : i32 to index
        %swap3A_1509 = arith.index_cast %swap3A_1506 : i32 to index
        %swap3A_1510 = arith.constant 80 : index
        %swap3A_1511 = tpu.vector_load %arg7[%swap3A_1507, %swap3A_1508, %swap3A_1509, %swap3A_1510] {strides = array<i32>} : memref<2x16x16x128xf32, #tpu.memory_space<vmem>>, vector<1x1x1x16xf32>,
        %swap3A_1512 = vector.shape_cast %swap3A_1511 : vector<1x1x1x16xf32> to vector<16xf32>
        %swap3A_1513 = vector.shape_cast %gather3A_1504 : vector<16xf32> to vector<1x1x1x16xf32>
        tpu.vector_store %arg7[%swap3A_1507, %swap3A_1508, %swap3A_1509, %swap3A_1510], %swap3A_1513 {strides = array<i32>} : memref<2x16x16x128xf32, #tpu.memory_space<vmem>>, vector<1x1x1x16xf32>,
        %gather3A_1514 = vector.shape_cast %broadcast_in_dim3A_1370 : vector<16x1xi32> to vector<16xi32>
        %gather3A_1515 = tpu.dynamic_gather %get3A_69[%gather3A_1514] in [0] : vector<16xf32>, vector<16xi32> -> vector<16xf32>
        %swap3A_1516 = arith.constant 1 : i32
        %swap3A_1517 = arith.constant 13 : i32
        %swap3A_1518 = arith.index_cast %swap3A_1516 : i32 to index
        %swap3A_1519 = arith.index_cast %scan3A_451 : i32 to index
        %swap3A_1520 = arith.index_cast %swap3A_1517 : i32 to index
        %swap3A_1521 = arith.constant 80 : index
        %swap3A_1522 = tpu.vector_load %arg7[%swap3A_1518, %swap3A_1519, %swap3A_1520, %swap3A_1521] {strides = array<i32>} : memref<2x16x16x128xf32, #tpu.memory_space<vmem>>, vector<1x1x1x16xf32>,
        %swap3A_1523 = vector.shape_cast %swap3A_1522 : vector<1x1x1x16xf32> to vector<16xf32>
        %swap3A_1524 = vector.shape_cast %gather3A_1515 : vector<16xf32> to vector<1x1x1x16xf32>
        tpu.vector_store %arg7[%swap3A_1518, %swap3A_1519, %swap3A_1520, %swap3A_1521], %swap3A_1524 {strides = array<i32>} : memref<2x16x16x128xf32, #tpu.memory_space<vmem>>, vector<1x1x1x16xf32>,
        %gather3A_1525 = vector.shape_cast %broadcast_in_dim3A_1370 : vector<16x1xi32> to vector<16xi32>
        %gather3A_1526 = tpu.dynamic_gather %get3A_74[%gather3A_1525] in [0] : vector<16xf32>, vector<16xi32> -> vector<16xf32>
        %swap3A_1527 = arith.constant 1 : i32
        %swap3A_1528 = arith.constant 14 : i32
        %swap3A_1529 = arith.index_cast %swap3A_1527 : i32 to index
        %swap3A_1530 = arith.index_cast %scan3A_451 : i32 to index
        %swap3A_1531 = arith.index_cast %swap3A_1528 : i32 to index
        %swap3A_1532 = arith.constant 80 : index
        %swap3A_1533 = tpu.vector_load %arg7[%swap3A_1529, %swap3A_1530, %swap3A_1531, %swap3A_1532] {strides = array<i32>} : memref<2x16x16x128xf32, #tpu.memory_space<vmem>>, vector<1x1x1x16xf32>,
        %swap3A_1534 = vector.shape_cast %swap3A_1533 : vector<1x1x1x16xf32> to vector<16xf32>
        %swap3A_1535 = vector.shape_cast %gather3A_1526 : vector<16xf32> to vector<1x1x1x16xf32>
        tpu.vector_store %arg7[%swap3A_1529, %swap3A_1530, %swap3A_1531, %swap3A_1532], %swap3A_1535 {strides = array<i32>} : memref<2x16x16x128xf32, #tpu.memory_space<vmem>>, vector<1x1x1x16xf32>,
        %gather3A_1536 = vector.shape_cast %broadcast_in_dim3A_1370 : vector<16x1xi32> to vector<16xi32>
        %gather3A_1537 = tpu.dynamic_gather %get3A_79[%gather3A_1536] in [0] : vector<16xf32>, vector<16xi32> -> vector<16xf32>
        %swap3A_1538 = arith.constant 1 : i32
        %swap3A_1539 = arith.constant 15 : i32
        %swap3A_1540 = arith.index_cast %swap3A_1538 : i32 to index
        %swap3A_1541 = arith.index_cast %scan3A_451 : i32 to index
        %swap3A_1542 = arith.index_cast %swap3A_1539 : i32 to index
        %swap3A_1543 = arith.constant 80 : index
        %swap3A_1544 = tpu.vector_load %arg7[%swap3A_1540, %swap3A_1541, %swap3A_1542, %swap3A_1543] {strides = array<i32>} : memref<2x16x16x128xf32, #tpu.memory_space<vmem>>, vector<1x1x1x16xf32>,
        %swap3A_1545 = vector.shape_cast %swap3A_1544 : vector<1x1x1x16xf32> to vector<16xf32>
        %swap3A_1546 = vector.shape_cast %gather3A_1537 : vector<16xf32> to vector<1x1x1x16xf32>
        tpu.vector_store %arg7[%swap3A_1540, %swap3A_1541, %swap3A_1542, %swap3A_1543], %swap3A_1546 {strides = array<i32>} : memref<2x16x16x128xf32, #tpu.memory_space<vmem>>, vector<1x1x1x16xf32>,
        %get3A_1547 = arith.constant 1 : i32
        %get3A_1548 = arith.index_cast %get3A_1547 : i32 to index
        %get3A_1549 = arith.index_cast %scan3A_451 : i32 to index
        %get3A_1550 = arith.constant 96 : index
        %get3A_1551 = tpu.vector_load %arg6[%get3A_1548, %get3A_1549, %get3A_1550] {strides = array<i32>} : memref<2x16x128xi32, #tpu.memory_space<vmem>>, vector<1x1x16xi32>,
        %get3A_1552 = vector.shape_cast %get3A_1551 : vector<1x1x16xi32> to vector<16xi32>
        %broadcast_in_dim3A_1553 = vector.shape_cast %get3A_1552 : vector<16xi32> to vector<16x1xi32>
        %gather3A_1554 = vector.shape_cast %broadcast_in_dim3A_1553 : vector<16x1xi32> to vector<16xi32>
        %gather3A_1555 = tpu.dynamic_gather %get3A_4[%gather3A_1554] in [0] : vector<16xf32>, vector<16xi32> -> vector<16xf32>
        %swap3A_1556 = arith.constant 1 : i32
        %swap3A_1557 = arith.constant 0 : i32
        %swap3A_1558 = arith.index_cast %swap3A_1556 : i32 to index
        %swap3A_1559 = arith.index_cast %scan3A_451 : i32 to index
        %swap3A_1560 = arith.index_cast %swap3A_1557 : i32 to index
        %swap3A_1561 = arith.constant 96 : index
        %swap3A_1562 = tpu.vector_load %arg7[%swap3A_1558, %swap3A_1559, %swap3A_1560, %swap3A_1561] {strides = array<i32>} : memref<2x16x16x128xf32, #tpu.memory_space<vmem>>, vector<1x1x1x16xf32>,
        %swap3A_1563 = vector.shape_cast %swap3A_1562 : vector<1x1x1x16xf32> to vector<16xf32>
        %swap3A_1564 = vector.shape_cast %gather3A_1555 : vector<16xf32> to vector<1x1x1x16xf32>
        tpu.vector_store %arg7[%swap3A_1558, %swap3A_1559, %swap3A_1560, %swap3A_1561], %swap3A_1564 {strides = array<i32>} : memref<2x16x16x128xf32, #tpu.memory_space<vmem>>, vector<1x1x1x16xf32>,
        %gather3A_1565 = vector.shape_cast %broadcast_in_dim3A_1553 : vector<16x1xi32> to vector<16xi32>
        %gather3A_1566 = tpu.dynamic_gather %get3A_9[%gather3A_1565] in [0] : vector<16xf32>, vector<16xi32> -> vector<16xf32>
        %swap3A_1567 = arith.constant 1 : i32
        %swap3A_1568 = arith.constant 1 : i32
        %swap3A_1569 = arith.index_cast %swap3A_1567 : i32 to index
        %swap3A_1570 = arith.index_cast %scan3A_451 : i32 to index
        %swap3A_1571 = arith.index_cast %swap3A_1568 : i32 to index
        %swap3A_1572 = arith.constant 96 : index
        %swap3A_1573 = tpu.vector_load %arg7[%swap3A_1569, %swap3A_1570, %swap3A_1571, %swap3A_1572] {strides = array<i32>} : memref<2x16x16x128xf32, #tpu.memory_space<vmem>>, vector<1x1x1x16xf32>,
        %swap3A_1574 = vector.shape_cast %swap3A_1573 : vector<1x1x1x16xf32> to vector<16xf32>
        %swap3A_1575 = vector.shape_cast %gather3A_1566 : vector<16xf32> to vector<1x1x1x16xf32>
        tpu.vector_store %arg7[%swap3A_1569, %swap3A_1570, %swap3A_1571, %swap3A_1572], %swap3A_1575 {strides = array<i32>} : memref<2x16x16x128xf32, #tpu.memory_space<vmem>>, vector<1x1x1x16xf32>,
        %gather3A_1576 = vector.shape_cast %broadcast_in_dim3A_1553 : vector<16x1xi32> to vector<16xi32>
        %gather3A_1577 = tpu.dynamic_gather %get3A_14[%gather3A_1576] in [0] : vector<16xf32>, vector<16xi32> -> vector<16xf32>
        %swap3A_1578 = arith.constant 1 : i32
        %swap3A_1579 = arith.constant 2 : i32
        %swap3A_1580 = arith.index_cast %swap3A_1578 : i32 to index
        %swap3A_1581 = arith.index_cast %scan3A_451 : i32 to index
        %swap3A_1582 = arith.index_cast %swap3A_1579 : i32 to index
        %swap3A_1583 = arith.constant 96 : index
        %swap3A_1584 = tpu.vector_load %arg7[%swap3A_1580, %swap3A_1581, %swap3A_1582, %swap3A_1583] {strides = array<i32>} : memref<2x16x16x128xf32, #tpu.memory_space<vmem>>, vector<1x1x1x16xf32>,
        %swap3A_1585 = vector.shape_cast %swap3A_1584 : vector<1x1x1x16xf32> to vector<16xf32>
        %swap3A_1586 = vector.shape_cast %gather3A_1577 : vector<16xf32> to vector<1x1x1x16xf32>
        tpu.vector_store %arg7[%swap3A_1580, %swap3A_1581, %swap3A_1582, %swap3A_1583], %swap3A_1586 {strides = array<i32>} : memref<2x16x16x128xf32, #tpu.memory_space<vmem>>, vector<1x1x1x16xf32>,
        %gather3A_1587 = vector.shape_cast %broadcast_in_dim3A_1553 : vector<16x1xi32> to vector<16xi32>
        %gather3A_1588 = tpu.dynamic_gather %get3A_19[%gather3A_1587] in [0] : vector<16xf32>, vector<16xi32> -> vector<16xf32>
        %swap3A_1589 = arith.constant 1 : i32
        %swap3A_1590 = arith.constant 3 : i32
        %swap3A_1591 = arith.index_cast %swap3A_1589 : i32 to index
        %swap3A_1592 = arith.index_cast %scan3A_451 : i32 to index
        %swap3A_1593 = arith.index_cast %swap3A_1590 : i32 to index
        %swap3A_1594 = arith.constant 96 : index
        %swap3A_1595 = tpu.vector_load %arg7[%swap3A_1591, %swap3A_1592, %swap3A_1593, %swap3A_1594] {strides = array<i32>} : memref<2x16x16x128xf32, #tpu.memory_space<vmem>>, vector<1x1x1x16xf32>,
        %swap3A_1596 = vector.shape_cast %swap3A_1595 : vector<1x1x1x16xf32> to vector<16xf32>
        %swap3A_1597 = vector.shape_cast %gather3A_1588 : vector<16xf32> to vector<1x1x1x16xf32>
        tpu.vector_store %arg7[%swap3A_1591, %swap3A_1592, %swap3A_1593, %swap3A_1594], %swap3A_1597 {strides = array<i32>} : memref<2x16x16x128xf32, #tpu.memory_space<vmem>>, vector<1x1x1x16xf32>,
        %gather3A_1598 = vector.shape_cast %broadcast_in_dim3A_1553 : vector<16x1xi32> to vector<16xi32>
        %gather3A_1599 = tpu.dynamic_gather %get3A_24[%gather3A_1598] in [0] : vector<16xf32>, vector<16xi32> -> vector<16xf32>
        %swap3A_1600 = arith.constant 1 : i32
        %swap3A_1601 = arith.constant 4 : i32
        %swap3A_1602 = arith.index_cast %swap3A_1600 : i32 to index
        %swap3A_1603 = arith.index_cast %scan3A_451 : i32 to index
        %swap3A_1604 = arith.index_cast %swap3A_1601 : i32 to index
        %swap3A_1605 = arith.constant 96 : index
        %swap3A_1606 = tpu.vector_load %arg7[%swap3A_1602, %swap3A_1603, %swap3A_1604, %swap3A_1605] {strides = array<i32>} : memref<2x16x16x128xf32, #tpu.memory_space<vmem>>, vector<1x1x1x16xf32>,
        %swap3A_1607 = vector.shape_cast %swap3A_1606 : vector<1x1x1x16xf32> to vector<16xf32>
        %swap3A_1608 = vector.shape_cast %gather3A_1599 : vector<16xf32> to vector<1x1x1x16xf32>
        tpu.vector_store %arg7[%swap3A_1602, %swap3A_1603, %swap3A_1604, %swap3A_1605], %swap3A_1608 {strides = array<i32>} : memref<2x16x16x128xf32, #tpu.memory_space<vmem>>, vector<1x1x1x16xf32>,
        %gather3A_1609 = vector.shape_cast %broadcast_in_dim3A_1553 : vector<16x1xi32> to vector<16xi32>
        %gather3A_1610 = tpu.dynamic_gather %get3A_29[%gather3A_1609] in [0] : vector<16xf32>, vector<16xi32> -> vector<16xf32>
        %swap3A_1611 = arith.constant 1 : i32
        %swap3A_1612 = arith.constant 5 : i32
        %swap3A_1613 = arith.index_cast %swap3A_1611 : i32 to index
        %swap3A_1614 = arith.index_cast %scan3A_451 : i32 to index
        %swap3A_1615 = arith.index_cast %swap3A_1612 : i32 to index
        %swap3A_1616 = arith.constant 96 : index
        %swap3A_1617 = tpu.vector_load %arg7[%swap3A_1613, %swap3A_1614, %swap3A_1615, %swap3A_1616] {strides = array<i32>} : memref<2x16x16x128xf32, #tpu.memory_space<vmem>>, vector<1x1x1x16xf32>,
        %swap3A_1618 = vector.shape_cast %swap3A_1617 : vector<1x1x1x16xf32> to vector<16xf32>
        %swap3A_1619 = vector.shape_cast %gather3A_1610 : vector<16xf32> to vector<1x1x1x16xf32>
        tpu.vector_store %arg7[%swap3A_1613, %swap3A_1614, %swap3A_1615, %swap3A_1616], %swap3A_1619 {strides = array<i32>} : memref<2x16x16x128xf32, #tpu.memory_space<vmem>>, vector<1x1x1x16xf32>,
        %gather3A_1620 = vector.shape_cast %broadcast_in_dim3A_1553 : vector<16x1xi32> to vector<16xi32>
        %gather3A_1621 = tpu.dynamic_gather %get3A_34[%gather3A_1620] in [0] : vector<16xf32>, vector<16xi32> -> vector<16xf32>
        %swap3A_1622 = arith.constant 1 : i32
        %swap3A_1623 = arith.constant 6 : i32
        %swap3A_1624 = arith.index_cast %swap3A_1622 : i32 to index
        %swap3A_1625 = arith.index_cast %scan3A_451 : i32 to index
        %swap3A_1626 = arith.index_cast %swap3A_1623 : i32 to index
        %swap3A_1627 = arith.constant 96 : index
        %swap3A_1628 = tpu.vector_load %arg7[%swap3A_1624, %swap3A_1625, %swap3A_1626, %swap3A_1627] {strides = array<i32>} : memref<2x16x16x128xf32, #tpu.memory_space<vmem>>, vector<1x1x1x16xf32>,
        %swap3A_1629 = vector.shape_cast %swap3A_1628 : vector<1x1x1x16xf32> to vector<16xf32>
        %swap3A_1630 = vector.shape_cast %gather3A_1621 : vector<16xf32> to vector<1x1x1x16xf32>
        tpu.vector_store %arg7[%swap3A_1624, %swap3A_1625, %swap3A_1626, %swap3A_1627], %swap3A_1630 {strides = array<i32>} : memref<2x16x16x128xf32, #tpu.memory_space<vmem>>, vector<1x1x1x16xf32>,
        %gather3A_1631 = vector.shape_cast %broadcast_in_dim3A_1553 : vector<16x1xi32> to vector<16xi32>
        %gather3A_1632 = tpu.dynamic_gather %get3A_39[%gather3A_1631] in [0] : vector<16xf32>, vector<16xi32> -> vector<16xf32>
        %swap3A_1633 = arith.constant 1 : i32
        %swap3A_1634 = arith.constant 7 : i32
        %swap3A_1635 = arith.index_cast %swap3A_1633 : i32 to index
        %swap3A_1636 = arith.index_cast %scan3A_451 : i32 to index
        %swap3A_1637 = arith.index_cast %swap3A_1634 : i32 to index
        %swap3A_1638 = arith.constant 96 : index
        %swap3A_1639 = tpu.vector_load %arg7[%swap3A_1635, %swap3A_1636, %swap3A_1637, %swap3A_1638] {strides = array<i32>} : memref<2x16x16x128xf32, #tpu.memory_space<vmem>>, vector<1x1x1x16xf32>,
        %swap3A_1640 = vector.shape_cast %swap3A_1639 : vector<1x1x1x16xf32> to vector<16xf32>
        %swap3A_1641 = vector.shape_cast %gather3A_1632 : vector<16xf32> to vector<1x1x1x16xf32>
        tpu.vector_store %arg7[%swap3A_1635, %swap3A_1636, %swap3A_1637, %swap3A_1638], %swap3A_1641 {strides = array<i32>} : memref<2x16x16x128xf32, #tpu.memory_space<vmem>>, vector<1x1x1x16xf32>,
        %gather3A_1642 = vector.shape_cast %broadcast_in_dim3A_1553 : vector<16x1xi32> to vector<16xi32>
        %gather3A_1643 = tpu.dynamic_gather %get3A_44[%gather3A_1642] in [0] : vector<16xf32>, vector<16xi32> -> vector<16xf32>
        %swap3A_1644 = arith.constant 1 : i32
        %swap3A_1645 = arith.constant 8 : i32
        %swap3A_1646 = arith.index_cast %swap3A_1644 : i32 to index
        %swap3A_1647 = arith.index_cast %scan3A_451 : i32 to index
        %swap3A_1648 = arith.index_cast %swap3A_1645 : i32 to index
        %swap3A_1649 = arith.constant 96 : index
        %swap3A_1650 = tpu.vector_load %arg7[%swap3A_1646, %swap3A_1647, %swap3A_1648, %swap3A_1649] {strides = array<i32>} : memref<2x16x16x128xf32, #tpu.memory_space<vmem>>, vector<1x1x1x16xf32>,
        %swap3A_1651 = vector.shape_cast %swap3A_1650 : vector<1x1x1x16xf32> to vector<16xf32>
        %swap3A_1652 = vector.shape_cast %gather3A_1643 : vector<16xf32> to vector<1x1x1x16xf32>
        tpu.vector_store %arg7[%swap3A_1646, %swap3A_1647, %swap3A_1648, %swap3A_1649], %swap3A_1652 {strides = array<i32>} : memref<2x16x16x128xf32, #tpu.memory_space<vmem>>, vector<1x1x1x16xf32>,
        %gather3A_1653 = vector.shape_cast %broadcast_in_dim3A_1553 : vector<16x1xi32> to vector<16xi32>
        %gather3A_1654 = tpu.dynamic_gather %get3A_49[%gather3A_1653] in [0] : vector<16xf32>, vector<16xi32> -> vector<16xf32>
        %swap3A_1655 = arith.constant 1 : i32
        %swap3A_1656 = arith.constant 9 : i32
        %swap3A_1657 = arith.index_cast %swap3A_1655 : i32 to index
        %swap3A_1658 = arith.index_cast %scan3A_451 : i32 to index
        %swap3A_1659 = arith.index_cast %swap3A_1656 : i32 to index
        %swap3A_1660 = arith.constant 96 : index
        %swap3A_1661 = tpu.vector_load %arg7[%swap3A_1657, %swap3A_1658, %swap3A_1659, %swap3A_1660] {strides = array<i32>} : memref<2x16x16x128xf32, #tpu.memory_space<vmem>>, vector<1x1x1x16xf32>,
        %swap3A_1662 = vector.shape_cast %swap3A_1661 : vector<1x1x1x16xf32> to vector<16xf32>
        %swap3A_1663 = vector.shape_cast %gather3A_1654 : vector<16xf32> to vector<1x1x1x16xf32>
        tpu.vector_store %arg7[%swap3A_1657, %swap3A_1658, %swap3A_1659, %swap3A_1660], %swap3A_1663 {strides = array<i32>} : memref<2x16x16x128xf32, #tpu.memory_space<vmem>>, vector<1x1x1x16xf32>,
        %gather3A_1664 = vector.shape_cast %broadcast_in_dim3A_1553 : vector<16x1xi32> to vector<16xi32>
        %gather3A_1665 = tpu.dynamic_gather %get3A_54[%gather3A_1664] in [0] : vector<16xf32>, vector<16xi32> -> vector<16xf32>
        %swap3A_1666 = arith.constant 1 : i32
        %swap3A_1667 = arith.constant 10 : i32
        %swap3A_1668 = arith.index_cast %swap3A_1666 : i32 to index
        %swap3A_1669 = arith.index_cast %scan3A_451 : i32 to index
        %swap3A_1670 = arith.index_cast %swap3A_1667 : i32 to index
        %swap3A_1671 = arith.constant 96 : index
        %swap3A_1672 = tpu.vector_load %arg7[%swap3A_1668, %swap3A_1669, %swap3A_1670, %swap3A_1671] {strides = array<i32>} : memref<2x16x16x128xf32, #tpu.memory_space<vmem>>, vector<1x1x1x16xf32>,
        %swap3A_1673 = vector.shape_cast %swap3A_1672 : vector<1x1x1x16xf32> to vector<16xf32>
        %swap3A_1674 = vector.shape_cast %gather3A_1665 : vector<16xf32> to vector<1x1x1x16xf32>
        tpu.vector_store %arg7[%swap3A_1668, %swap3A_1669, %swap3A_1670, %swap3A_1671], %swap3A_1674 {strides = array<i32>} : memref<2x16x16x128xf32, #tpu.memory_space<vmem>>, vector<1x1x1x16xf32>,
        %gather3A_1675 = vector.shape_cast %broadcast_in_dim3A_1553 : vector<16x1xi32> to vector<16xi32>
        %gather3A_1676 = tpu.dynamic_gather %get3A_59[%gather3A_1675] in [0] : vector<16xf32>, vector<16xi32> -> vector<16xf32>
        %swap3A_1677 = arith.constant 1 : i32
        %swap3A_1678 = arith.constant 11 : i32
        %swap3A_1679 = arith.index_cast %swap3A_1677 : i32 to index
        %swap3A_1680 = arith.index_cast %scan3A_451 : i32 to index
        %swap3A_1681 = arith.index_cast %swap3A_1678 : i32 to index
        %swap3A_1682 = arith.constant 96 : index
        %swap3A_1683 = tpu.vector_load %arg7[%swap3A_1679, %swap3A_1680, %swap3A_1681, %swap3A_1682] {strides = array<i32>} : memref<2x16x16x128xf32, #tpu.memory_space<vmem>>, vector<1x1x1x16xf32>,
        %swap3A_1684 = vector.shape_cast %swap3A_1683 : vector<1x1x1x16xf32> to vector<16xf32>
        %swap3A_1685 = vector.shape_cast %gather3A_1676 : vector<16xf32> to vector<1x1x1x16xf32>
        tpu.vector_store %arg7[%swap3A_1679, %swap3A_1680, %swap3A_1681, %swap3A_1682], %swap3A_1685 {strides = array<i32>} : memref<2x16x16x128xf32, #tpu.memory_space<vmem>>, vector<1x1x1x16xf32>,
        %gather3A_1686 = vector.shape_cast %broadcast_in_dim3A_1553 : vector<16x1xi32> to vector<16xi32>
        %gather3A_1687 = tpu.dynamic_gather %get3A_64[%gather3A_1686] in [0] : vector<16xf32>, vector<16xi32> -> vector<16xf32>
        %swap3A_1688 = arith.constant 1 : i32
        %swap3A_1689 = arith.constant 12 : i32
        %swap3A_1690 = arith.index_cast %swap3A_1688 : i32 to index
        %swap3A_1691 = arith.index_cast %scan3A_451 : i32 to index
        %swap3A_1692 = arith.index_cast %swap3A_1689 : i32 to index
        %swap3A_1693 = arith.constant 96 : index
        %swap3A_1694 = tpu.vector_load %arg7[%swap3A_1690, %swap3A_1691, %swap3A_1692, %swap3A_1693] {strides = array<i32>} : memref<2x16x16x128xf32, #tpu.memory_space<vmem>>, vector<1x1x1x16xf32>,
        %swap3A_1695 = vector.shape_cast %swap3A_1694 : vector<1x1x1x16xf32> to vector<16xf32>
        %swap3A_1696 = vector.shape_cast %gather3A_1687 : vector<16xf32> to vector<1x1x1x16xf32>
        tpu.vector_store %arg7[%swap3A_1690, %swap3A_1691, %swap3A_1692, %swap3A_1693], %swap3A_1696 {strides = array<i32>} : memref<2x16x16x128xf32, #tpu.memory_space<vmem>>, vector<1x1x1x16xf32>,
        %gather3A_1697 = vector.shape_cast %broadcast_in_dim3A_1553 : vector<16x1xi32> to vector<16xi32>
        %gather3A_1698 = tpu.dynamic_gather %get3A_69[%gather3A_1697] in [0] : vector<16xf32>, vector<16xi32> -> vector<16xf32>
        %swap3A_1699 = arith.constant 1 : i32
        %swap3A_1700 = arith.constant 13 : i32
        %swap3A_1701 = arith.index_cast %swap3A_1699 : i32 to index
        %swap3A_1702 = arith.index_cast %scan3A_451 : i32 to index
        %swap3A_1703 = arith.index_cast %swap3A_1700 : i32 to index
        %swap3A_1704 = arith.constant 96 : index
        %swap3A_1705 = tpu.vector_load %arg7[%swap3A_1701, %swap3A_1702, %swap3A_1703, %swap3A_1704] {strides = array<i32>} : memref<2x16x16x128xf32, #tpu.memory_space<vmem>>, vector<1x1x1x16xf32>,
        %swap3A_1706 = vector.shape_cast %swap3A_1705 : vector<1x1x1x16xf32> to vector<16xf32>
        %swap3A_1707 = vector.shape_cast %gather3A_1698 : vector<16xf32> to vector<1x1x1x16xf32>
        tpu.vector_store %arg7[%swap3A_1701, %swap3A_1702, %swap3A_1703, %swap3A_1704], %swap3A_1707 {strides = array<i32>} : memref<2x16x16x128xf32, #tpu.memory_space<vmem>>, vector<1x1x1x16xf32>,
        %gather3A_1708 = vector.shape_cast %broadcast_in_dim3A_1553 : vector<16x1xi32> to vector<16xi32>
        %gather3A_1709 = tpu.dynamic_gather %get3A_74[%gather3A_1708] in [0] : vector<16xf32>, vector<16xi32> -> vector<16xf32>
        %swap3A_1710 = arith.constant 1 : i32
        %swap3A_1711 = arith.constant 14 : i32
        %swap3A_1712 = arith.index_cast %swap3A_1710 : i32 to index
        %swap3A_1713 = arith.index_cast %scan3A_451 : i32 to index
        %swap3A_1714 = arith.index_cast %swap3A_1711 : i32 to index
        %swap3A_1715 = arith.constant 96 : index
        %swap3A_1716 = tpu.vector_load %arg7[%swap3A_1712, %swap3A_1713, %swap3A_1714, %swap3A_1715] {strides = array<i32>} : memref<2x16x16x128xf32, #tpu.memory_space<vmem>>, vector<1x1x1x16xf32>,
        %swap3A_1717 = vector.shape_cast %swap3A_1716 : vector<1x1x1x16xf32> to vector<16xf32>
        %swap3A_1718 = vector.shape_cast %gather3A_1709 : vector<16xf32> to vector<1x1x1x16xf32>
        tpu.vector_store %arg7[%swap3A_1712, %swap3A_1713, %swap3A_1714, %swap3A_1715], %swap3A_1718 {strides = array<i32>} : memref<2x16x16x128xf32, #tpu.memory_space<vmem>>, vector<1x1x1x16xf32>,
        %gather3A_1719 = vector.shape_cast %broadcast_in_dim3A_1553 : vector<16x1xi32> to vector<16xi32>
        %gather3A_1720 = tpu.dynamic_gather %get3A_79[%gather3A_1719] in [0] : vector<16xf32>, vector<16xi32> -> vector<16xf32>
        %swap3A_1721 = arith.constant 1 : i32
        %swap3A_1722 = arith.constant 15 : i32
        %swap3A_1723 = arith.index_cast %swap3A_1721 : i32 to index
        %swap3A_1724 = arith.index_cast %scan3A_451 : i32 to index
        %swap3A_1725 = arith.index_cast %swap3A_1722 : i32 to index
        %swap3A_1726 = arith.constant 96 : index
        %swap3A_1727 = tpu.vector_load %arg7[%swap3A_1723, %swap3A_1724, %swap3A_1725, %swap3A_1726] {strides = array<i32>} : memref<2x16x16x128xf32, #tpu.memory_space<vmem>>, vector<1x1x1x16xf32>,
        %swap3A_1728 = vector.shape_cast %swap3A_1727 : vector<1x1x1x16xf32> to vector<16xf32>
        %swap3A_1729 = vector.shape_cast %gather3A_1720 : vector<16xf32> to vector<1x1x1x16xf32>
        tpu.vector_store %arg7[%swap3A_1723, %swap3A_1724, %swap3A_1725, %swap3A_1726], %swap3A_1729 {strides = array<i32>} : memref<2x16x16x128xf32, #tpu.memory_space<vmem>>, vector<1x1x1x16xf32>,
        %get3A_1730 = arith.constant 1 : i32
        %get3A_1731 = arith.index_cast %get3A_1730 : i32 to index
        %get3A_1732 = arith.index_cast %scan3A_451 : i32 to index
        %get3A_1733 = arith.constant 112 : index
        %get3A_1734 = tpu.vector_load %arg6[%get3A_1731, %get3A_1732, %get3A_1733] {strides = array<i32>} : memref<2x16x128xi32, #tpu.memory_space<vmem>>, vector<1x1x16xi32>,
        %get3A_1735 = vector.shape_cast %get3A_1734 : vector<1x1x16xi32> to vector<16xi32>
        %broadcast_in_dim3A_1736 = vector.shape_cast %get3A_1735 : vector<16xi32> to vector<16x1xi32>
        %gather3A_1737 = vector.shape_cast %broadcast_in_dim3A_1736 : vector<16x1xi32> to vector<16xi32>
        %gather3A_1738 = tpu.dynamic_gather %get3A_4[%gather3A_1737] in [0] : vector<16xf32>, vector<16xi32> -> vector<16xf32>
        %swap3A_1739 = arith.constant 1 : i32
        %swap3A_1740 = arith.constant 0 : i32
        %swap3A_1741 = arith.index_cast %swap3A_1739 : i32 to index
        %swap3A_1742 = arith.index_cast %scan3A_451 : i32 to index
        %swap3A_1743 = arith.index_cast %swap3A_1740 : i32 to index
        %swap3A_1744 = arith.constant 112 : index
        %swap3A_1745 = tpu.vector_load %arg7[%swap3A_1741, %swap3A_1742, %swap3A_1743, %swap3A_1744] {strides = array<i32>} : memref<2x16x16x128xf32, #tpu.memory_space<vmem>>, vector<1x1x1x16xf32>,
        %swap3A_1746 = vector.shape_cast %swap3A_1745 : vector<1x1x1x16xf32> to vector<16xf32>
        %swap3A_1747 = vector.shape_cast %gather3A_1738 : vector<16xf32> to vector<1x1x1x16xf32>
        tpu.vector_store %arg7[%swap3A_1741, %swap3A_1742, %swap3A_1743, %swap3A_1744], %swap3A_1747 {strides = array<i32>} : memref<2x16x16x128xf32, #tpu.memory_space<vmem>>, vector<1x1x1x16xf32>,
        %gather3A_1748 = vector.shape_cast %broadcast_in_dim3A_1736 : vector<16x1xi32> to vector<16xi32>
        %gather3A_1749 = tpu.dynamic_gather %get3A_9[%gather3A_1748] in [0] : vector<16xf32>, vector<16xi32> -> vector<16xf32>
        %swap3A_1750 = arith.constant 1 : i32
        %swap3A_1751 = arith.constant 1 : i32
        %swap3A_1752 = arith.index_cast %swap3A_1750 : i32 to index
        %swap3A_1753 = arith.index_cast %scan3A_451 : i32 to index
        %swap3A_1754 = arith.index_cast %swap3A_1751 : i32 to index
        %swap3A_1755 = arith.constant 112 : index
        %swap3A_1756 = tpu.vector_load %arg7[%swap3A_1752, %swap3A_1753, %swap3A_1754, %swap3A_1755] {strides = array<i32>} : memref<2x16x16x128xf32, #tpu.memory_space<vmem>>, vector<1x1x1x16xf32>,
        %swap3A_1757 = vector.shape_cast %swap3A_1756 : vector<1x1x1x16xf32> to vector<16xf32>
        %swap3A_1758 = vector.shape_cast %gather3A_1749 : vector<16xf32> to vector<1x1x1x16xf32>
        tpu.vector_store %arg7[%swap3A_1752, %swap3A_1753, %swap3A_1754, %swap3A_1755], %swap3A_1758 {strides = array<i32>} : memref<2x16x16x128xf32, #tpu.memory_space<vmem>>, vector<1x1x1x16xf32>,
        %gather3A_1759 = vector.shape_cast %broadcast_in_dim3A_1736 : vector<16x1xi32> to vector<16xi32>
        %gather3A_1760 = tpu.dynamic_gather %get3A_14[%gather3A_1759] in [0] : vector<16xf32>, vector<16xi32> -> vector<16xf32>
        %swap3A_1761 = arith.constant 1 : i32
        %swap3A_1762 = arith.constant 2 : i32
        %swap3A_1763 = arith.index_cast %swap3A_1761 : i32 to index
        %swap3A_1764 = arith.index_cast %scan3A_451 : i32 to index
        %swap3A_1765 = arith.index_cast %swap3A_1762 : i32 to index
        %swap3A_1766 = arith.constant 112 : index
        %swap3A_1767 = tpu.vector_load %arg7[%swap3A_1763, %swap3A_1764, %swap3A_1765, %swap3A_1766] {strides = array<i32>} : memref<2x16x16x128xf32, #tpu.memory_space<vmem>>, vector<1x1x1x16xf32>,
        %swap3A_1768 = vector.shape_cast %swap3A_1767 : vector<1x1x1x16xf32> to vector<16xf32>
        %swap3A_1769 = vector.shape_cast %gather3A_1760 : vector<16xf32> to vector<1x1x1x16xf32>
        tpu.vector_store %arg7[%swap3A_1763, %swap3A_1764, %swap3A_1765, %swap3A_1766], %swap3A_1769 {strides = array<i32>} : memref<2x16x16x128xf32, #tpu.memory_space<vmem>>, vector<1x1x1x16xf32>,
        %gather3A_1770 = vector.shape_cast %broadcast_in_dim3A_1736 : vector<16x1xi32> to vector<16xi32>
        %gather3A_1771 = tpu.dynamic_gather %get3A_19[%gather3A_1770] in [0] : vector<16xf32>, vector<16xi32> -> vector<16xf32>
        %swap3A_1772 = arith.constant 1 : i32
        %swap3A_1773 = arith.constant 3 : i32
        %swap3A_1774 = arith.index_cast %swap3A_1772 : i32 to index
        %swap3A_1775 = arith.index_cast %scan3A_451 : i32 to index
        %swap3A_1776 = arith.index_cast %swap3A_1773 : i32 to index
        %swap3A_1777 = arith.constant 112 : index
        %swap3A_1778 = tpu.vector_load %arg7[%swap3A_1774, %swap3A_1775, %swap3A_1776, %swap3A_1777] {strides = array<i32>} : memref<2x16x16x128xf32, #tpu.memory_space<vmem>>, vector<1x1x1x16xf32>,
        %swap3A_1779 = vector.shape_cast %swap3A_1778 : vector<1x1x1x16xf32> to vector<16xf32>
        %swap3A_1780 = vector.shape_cast %gather3A_1771 : vector<16xf32> to vector<1x1x1x16xf32>
        tpu.vector_store %arg7[%swap3A_1774, %swap3A_1775, %swap3A_1776, %swap3A_1777], %swap3A_1780 {strides = array<i32>} : memref<2x16x16x128xf32, #tpu.memory_space<vmem>>, vector<1x1x1x16xf32>,
        %gather3A_1781 = vector.shape_cast %broadcast_in_dim3A_1736 : vector<16x1xi32> to vector<16xi32>
        %gather3A_1782 = tpu.dynamic_gather %get3A_24[%gather3A_1781] in [0] : vector<16xf32>, vector<16xi32> -> vector<16xf32>
        %swap3A_1783 = arith.constant 1 : i32
        %swap3A_1784 = arith.constant 4 : i32
        %swap3A_1785 = arith.index_cast %swap3A_1783 : i32 to index
        %swap3A_1786 = arith.index_cast %scan3A_451 : i32 to index
        %swap3A_1787 = arith.index_cast %swap3A_1784 : i32 to index
        %swap3A_1788 = arith.constant 112 : index
        %swap3A_1789 = tpu.vector_load %arg7[%swap3A_1785, %swap3A_1786, %swap3A_1787, %swap3A_1788] {strides = array<i32>} : memref<2x16x16x128xf32, #tpu.memory_space<vmem>>, vector<1x1x1x16xf32>,
        %swap3A_1790 = vector.shape_cast %swap3A_1789 : vector<1x1x1x16xf32> to vector<16xf32>
        %swap3A_1791 = vector.shape_cast %gather3A_1782 : vector<16xf32> to vector<1x1x1x16xf32>
        tpu.vector_store %arg7[%swap3A_1785, %swap3A_1786, %swap3A_1787, %swap3A_1788], %swap3A_1791 {strides = array<i32>} : memref<2x16x16x128xf32, #tpu.memory_space<vmem>>, vector<1x1x1x16xf32>,
        %gather3A_1792 = vector.shape_cast %broadcast_in_dim3A_1736 : vector<16x1xi32> to vector<16xi32>
        %gather3A_1793 = tpu.dynamic_gather %get3A_29[%gather3A_1792] in [0] : vector<16xf32>, vector<16xi32> -> vector<16xf32>
        %swap3A_1794 = arith.constant 1 : i32
        %swap3A_1795 = arith.constant 5 : i32
        %swap3A_1796 = arith.index_cast %swap3A_1794 : i32 to index
        %swap3A_1797 = arith.index_cast %scan3A_451 : i32 to index
        %swap3A_1798 = arith.index_cast %swap3A_1795 : i32 to index
        %swap3A_1799 = arith.constant 112 : index
        %swap3A_1800 = tpu.vector_load %arg7[%swap3A_1796, %swap3A_1797, %swap3A_1798, %swap3A_1799] {strides = array<i32>} : memref<2x16x16x128xf32, #tpu.memory_space<vmem>>, vector<1x1x1x16xf32>,
        %swap3A_1801 = vector.shape_cast %swap3A_1800 : vector<1x1x1x16xf32> to vector<16xf32>
        %swap3A_1802 = vector.shape_cast %gather3A_1793 : vector<16xf32> to vector<1x1x1x16xf32>
        tpu.vector_store %arg7[%swap3A_1796, %swap3A_1797, %swap3A_1798, %swap3A_1799], %swap3A_1802 {strides = array<i32>} : memref<2x16x16x128xf32, #tpu.memory_space<vmem>>, vector<1x1x1x16xf32>,
        %gather3A_1803 = vector.shape_cast %broadcast_in_dim3A_1736 : vector<16x1xi32> to vector<16xi32>
        %gather3A_1804 = tpu.dynamic_gather %get3A_34[%gather3A_1803] in [0] : vector<16xf32>, vector<16xi32> -> vector<16xf32>
        %swap3A_1805 = arith.constant 1 : i32
        %swap3A_1806 = arith.constant 6 : i32
        %swap3A_1807 = arith.index_cast %swap3A_1805 : i32 to index
        %swap3A_1808 = arith.index_cast %scan3A_451 : i32 to index
        %swap3A_1809 = arith.index_cast %swap3A_1806 : i32 to index
        %swap3A_1810 = arith.constant 112 : index
        %swap3A_1811 = tpu.vector_load %arg7[%swap3A_1807, %swap3A_1808, %swap3A_1809, %swap3A_1810] {strides = array<i32>} : memref<2x16x16x128xf32, #tpu.memory_space<vmem>>, vector<1x1x1x16xf32>,
        %swap3A_1812 = vector.shape_cast %swap3A_1811 : vector<1x1x1x16xf32> to vector<16xf32>
        %swap3A_1813 = vector.shape_cast %gather3A_1804 : vector<16xf32> to vector<1x1x1x16xf32>
        tpu.vector_store %arg7[%swap3A_1807, %swap3A_1808, %swap3A_1809, %swap3A_1810], %swap3A_1813 {strides = array<i32>} : memref<2x16x16x128xf32, #tpu.memory_space<vmem>>, vector<1x1x1x16xf32>,
        %gather3A_1814 = vector.shape_cast %broadcast_in_dim3A_1736 : vector<16x1xi32> to vector<16xi32>
        %gather3A_1815 = tpu.dynamic_gather %get3A_39[%gather3A_1814] in [0] : vector<16xf32>, vector<16xi32> -> vector<16xf32>
        %swap3A_1816 = arith.constant 1 : i32
        %swap3A_1817 = arith.constant 7 : i32
        %swap3A_1818 = arith.index_cast %swap3A_1816 : i32 to index
        %swap3A_1819 = arith.index_cast %scan3A_451 : i32 to index
        %swap3A_1820 = arith.index_cast %swap3A_1817 : i32 to index
        %swap3A_1821 = arith.constant 112 : index
        %swap3A_1822 = tpu.vector_load %arg7[%swap3A_1818, %swap3A_1819, %swap3A_1820, %swap3A_1821] {strides = array<i32>} : memref<2x16x16x128xf32, #tpu.memory_space<vmem>>, vector<1x1x1x16xf32>,
        %swap3A_1823 = vector.shape_cast %swap3A_1822 : vector<1x1x1x16xf32> to vector<16xf32>
        %swap3A_1824 = vector.shape_cast %gather3A_1815 : vector<16xf32> to vector<1x1x1x16xf32>
        tpu.vector_store %arg7[%swap3A_1818, %swap3A_1819, %swap3A_1820, %swap3A_1821], %swap3A_1824 {strides = array<i32>} : memref<2x16x16x128xf32, #tpu.memory_space<vmem>>, vector<1x1x1x16xf32>,
        %gather3A_1825 = vector.shape_cast %broadcast_in_dim3A_1736 : vector<16x1xi32> to vector<16xi32>
        %gather3A_1826 = tpu.dynamic_gather %get3A_44[%gather3A_1825] in [0] : vector<16xf32>, vector<16xi32> -> vector<16xf32>
        %swap3A_1827 = arith.constant 1 : i32
        %swap3A_1828 = arith.constant 8 : i32
        %swap3A_1829 = arith.index_cast %swap3A_1827 : i32 to index
        %swap3A_1830 = arith.index_cast %scan3A_451 : i32 to index
        %swap3A_1831 = arith.index_cast %swap3A_1828 : i32 to index
        %swap3A_1832 = arith.constant 112 : index
        %swap3A_1833 = tpu.vector_load %arg7[%swap3A_1829, %swap3A_1830, %swap3A_1831, %swap3A_1832] {strides = array<i32>} : memref<2x16x16x128xf32, #tpu.memory_space<vmem>>, vector<1x1x1x16xf32>,
        %swap3A_1834 = vector.shape_cast %swap3A_1833 : vector<1x1x1x16xf32> to vector<16xf32>
        %swap3A_1835 = vector.shape_cast %gather3A_1826 : vector<16xf32> to vector<1x1x1x16xf32>
        tpu.vector_store %arg7[%swap3A_1829, %swap3A_1830, %swap3A_1831, %swap3A_1832], %swap3A_1835 {strides = array<i32>} : memref<2x16x16x128xf32, #tpu.memory_space<vmem>>, vector<1x1x1x16xf32>,
        %gather3A_1836 = vector.shape_cast %broadcast_in_dim3A_1736 : vector<16x1xi32> to vector<16xi32>
        %gather3A_1837 = tpu.dynamic_gather %get3A_49[%gather3A_1836] in [0] : vector<16xf32>, vector<16xi32> -> vector<16xf32>
        %swap3A_1838 = arith.constant 1 : i32
        %swap3A_1839 = arith.constant 9 : i32
        %swap3A_1840 = arith.index_cast %swap3A_1838 : i32 to index
        %swap3A_1841 = arith.index_cast %scan3A_451 : i32 to index
        %swap3A_1842 = arith.index_cast %swap3A_1839 : i32 to index
        %swap3A_1843 = arith.constant 112 : index
        %swap3A_1844 = tpu.vector_load %arg7[%swap3A_1840, %swap3A_1841, %swap3A_1842, %swap3A_1843] {strides = array<i32>} : memref<2x16x16x128xf32, #tpu.memory_space<vmem>>, vector<1x1x1x16xf32>,
        %swap3A_1845 = vector.shape_cast %swap3A_1844 : vector<1x1x1x16xf32> to vector<16xf32>
        %swap3A_1846 = vector.shape_cast %gather3A_1837 : vector<16xf32> to vector<1x1x1x16xf32>
        tpu.vector_store %arg7[%swap3A_1840, %swap3A_1841, %swap3A_1842, %swap3A_1843], %swap3A_1846 {strides = array<i32>} : memref<2x16x16x128xf32, #tpu.memory_space<vmem>>, vector<1x1x1x16xf32>,
        %gather3A_1847 = vector.shape_cast %broadcast_in_dim3A_1736 : vector<16x1xi32> to vector<16xi32>
        %gather3A_1848 = tpu.dynamic_gather %get3A_54[%gather3A_1847] in [0] : vector<16xf32>, vector<16xi32> -> vector<16xf32>
        %swap3A_1849 = arith.constant 1 : i32
        %swap3A_1850 = arith.constant 10 : i32
        %swap3A_1851 = arith.index_cast %swap3A_1849 : i32 to index
        %swap3A_1852 = arith.index_cast %scan3A_451 : i32 to index
        %swap3A_1853 = arith.index_cast %swap3A_1850 : i32 to index
        %swap3A_1854 = arith.constant 112 : index
        %swap3A_1855 = tpu.vector_load %arg7[%swap3A_1851, %swap3A_1852, %swap3A_1853, %swap3A_1854] {strides = array<i32>} : memref<2x16x16x128xf32, #tpu.memory_space<vmem>>, vector<1x1x1x16xf32>,
        %swap3A_1856 = vector.shape_cast %swap3A_1855 : vector<1x1x1x16xf32> to vector<16xf32>
        %swap3A_1857 = vector.shape_cast %gather3A_1848 : vector<16xf32> to vector<1x1x1x16xf32>
        tpu.vector_store %arg7[%swap3A_1851, %swap3A_1852, %swap3A_1853, %swap3A_1854], %swap3A_1857 {strides = array<i32>} : memref<2x16x16x128xf32, #tpu.memory_space<vmem>>, vector<1x1x1x16xf32>,
        %gather3A_1858 = vector.shape_cast %broadcast_in_dim3A_1736 : vector<16x1xi32> to vector<16xi32>
        %gather3A_1859 = tpu.dynamic_gather %get3A_59[%gather3A_1858] in [0] : vector<16xf32>, vector<16xi32> -> vector<16xf32>
        %swap3A_1860 = arith.constant 1 : i32
        %swap3A_1861 = arith.constant 11 : i32
        %swap3A_1862 = arith.index_cast %swap3A_1860 : i32 to index
        %swap3A_1863 = arith.index_cast %scan3A_451 : i32 to index
        %swap3A_1864 = arith.index_cast %swap3A_1861 : i32 to index
        %swap3A_1865 = arith.constant 112 : index
        %swap3A_1866 = tpu.vector_load %arg7[%swap3A_1862, %swap3A_1863, %swap3A_1864, %swap3A_1865] {strides = array<i32>} : memref<2x16x16x128xf32, #tpu.memory_space<vmem>>, vector<1x1x1x16xf32>,
        %swap3A_1867 = vector.shape_cast %swap3A_1866 : vector<1x1x1x16xf32> to vector<16xf32>
        %swap3A_1868 = vector.shape_cast %gather3A_1859 : vector<16xf32> to vector<1x1x1x16xf32>
        tpu.vector_store %arg7[%swap3A_1862, %swap3A_1863, %swap3A_1864, %swap3A_1865], %swap3A_1868 {strides = array<i32>} : memref<2x16x16x128xf32, #tpu.memory_space<vmem>>, vector<1x1x1x16xf32>,
        %gather3A_1869 = vector.shape_cast %broadcast_in_dim3A_1736 : vector<16x1xi32> to vector<16xi32>
        %gather3A_1870 = tpu.dynamic_gather %get3A_64[%gather3A_1869] in [0] : vector<16xf32>, vector<16xi32> -> vector<16xf32>
        %swap3A_1871 = arith.constant 1 : i32
        %swap3A_1872 = arith.constant 12 : i32
        %swap3A_1873 = arith.index_cast %swap3A_1871 : i32 to index
        %swap3A_1874 = arith.index_cast %scan3A_451 : i32 to index
        %swap3A_1875 = arith.index_cast %swap3A_1872 : i32 to index
        %swap3A_1876 = arith.constant 112 : index
        %swap3A_1877 = tpu.vector_load %arg7[%swap3A_1873, %swap3A_1874, %swap3A_1875, %swap3A_1876] {strides = array<i32>} : memref<2x16x16x128xf32, #tpu.memory_space<vmem>>, vector<1x1x1x16xf32>,
        %swap3A_1878 = vector.shape_cast %swap3A_1877 : vector<1x1x1x16xf32> to vector<16xf32>
        %swap3A_1879 = vector.shape_cast %gather3A_1870 : vector<16xf32> to vector<1x1x1x16xf32>
        tpu.vector_store %arg7[%swap3A_1873, %swap3A_1874, %swap3A_1875, %swap3A_1876], %swap3A_1879 {strides = array<i32>} : memref<2x16x16x128xf32, #tpu.memory_space<vmem>>, vector<1x1x1x16xf32>,
        %gather3A_1880 = vector.shape_cast %broadcast_in_dim3A_1736 : vector<16x1xi32> to vector<16xi32>
        %gather3A_1881 = tpu.dynamic_gather %get3A_69[%gather3A_1880] in [0] : vector<16xf32>, vector<16xi32> -> vector<16xf32>
        %swap3A_1882 = arith.constant 1 : i32
        %swap3A_1883 = arith.constant 13 : i32
        %swap3A_1884 = arith.index_cast %swap3A_1882 : i32 to index
        %swap3A_1885 = arith.index_cast %scan3A_451 : i32 to index
        %swap3A_1886 = arith.index_cast %swap3A_1883 : i32 to index
        %swap3A_1887 = arith.constant 112 : index
        %swap3A_1888 = tpu.vector_load %arg7[%swap3A_1884, %swap3A_1885, %swap3A_1886, %swap3A_1887] {strides = array<i32>} : memref<2x16x16x128xf32, #tpu.memory_space<vmem>>, vector<1x1x1x16xf32>,
        %swap3A_1889 = vector.shape_cast %swap3A_1888 : vector<1x1x1x16xf32> to vector<16xf32>
        %swap3A_1890 = vector.shape_cast %gather3A_1881 : vector<16xf32> to vector<1x1x1x16xf32>
        tpu.vector_store %arg7[%swap3A_1884, %swap3A_1885, %swap3A_1886, %swap3A_1887], %swap3A_1890 {strides = array<i32>} : memref<2x16x16x128xf32, #tpu.memory_space<vmem>>, vector<1x1x1x16xf32>,
        %gather3A_1891 = vector.shape_cast %broadcast_in_dim3A_1736 : vector<16x1xi32> to vector<16xi32>
        %gather3A_1892 = tpu.dynamic_gather %get3A_74[%gather3A_1891] in [0] : vector<16xf32>, vector<16xi32> -> vector<16xf32>
        %swap3A_1893 = arith.constant 1 : i32
        %swap3A_1894 = arith.constant 14 : i32
        %swap3A_1895 = arith.index_cast %swap3A_1893 : i32 to index
        %swap3A_1896 = arith.index_cast %scan3A_451 : i32 to index
        %swap3A_1897 = arith.index_cast %swap3A_1894 : i32 to index
        %swap3A_1898 = arith.constant 112 : index
        %swap3A_1899 = tpu.vector_load %arg7[%swap3A_1895, %swap3A_1896, %swap3A_1897, %swap3A_1898] {strides = array<i32>} : memref<2x16x16x128xf32, #tpu.memory_space<vmem>>, vector<1x1x1x16xf32>,
        %swap3A_1900 = vector.shape_cast %swap3A_1899 : vector<1x1x1x16xf32> to vector<16xf32>
        %swap3A_1901 = vector.shape_cast %gather3A_1892 : vector<16xf32> to vector<1x1x1x16xf32>
        tpu.vector_store %arg7[%swap3A_1895, %swap3A_1896, %swap3A_1897, %swap3A_1898], %swap3A_1901 {strides = array<i32>} : memref<2x16x16x128xf32, #tpu.memory_space<vmem>>, vector<1x1x1x16xf32>,
        %gather3A_1902 = vector.shape_cast %broadcast_in_dim3A_1736 : vector<16x1xi32> to vector<16xi32>
        %gather3A_1903 = tpu.dynamic_gather %get3A_79[%gather3A_1902] in [0] : vector<16xf32>, vector<16xi32> -> vector<16xf32>
        %swap3A_1904 = arith.constant 1 : i32
        %swap3A_1905 = arith.constant 15 : i32
        %swap3A_1906 = arith.index_cast %swap3A_1904 : i32 to index
        %swap3A_1907 = arith.index_cast %scan3A_451 : i32 to index
        %swap3A_1908 = arith.index_cast %swap3A_1905 : i32 to index
        %swap3A_1909 = arith.constant 112 : index
        %swap3A_1910 = tpu.vector_load %arg7[%swap3A_1906, %swap3A_1907, %swap3A_1908, %swap3A_1909] {strides = array<i32>} : memref<2x16x16x128xf32, #tpu.memory_space<vmem>>, vector<1x1x1x16xf32>,
        %swap3A_1911 = vector.shape_cast %swap3A_1910 : vector<1x1x1x16xf32> to vector<16xf32>
        %swap3A_1912 = vector.shape_cast %gather3A_1903 : vector<16xf32> to vector<1x1x1x16xf32>
        tpu.vector_store %arg7[%swap3A_1906, %swap3A_1907, %swap3A_1908, %swap3A_1909], %swap3A_1912 {strides = array<i32>} : memref<2x16x16x128xf32, #tpu.memory_space<vmem>>, vector<1x1x1x16xf32>,
      }
      %scan3A_381 = arith.constant 16 : i32
      %mul3A_382 = arith.constant 8 : i32
      %mul3A_383 = arith.muli %mul3A_382, %add3A : i32
      %jit3A_384 = arith.constant 8 : i32
      %div3A_385 = arith.divsi %add3A_310, %jit3A_384 : i32
      %sign3A_386 = arith.constant 0 : i32
      %sign3A_387 = arith.cmpi sgt, %add3A_310, %sign3A_386 : i32
      %sign3A_388 = arith.extui %sign3A_387 : i1 to i32
      %sign3A_389 = arith.constant 0 : i32
      %sign3A_390 = arith.cmpi slt, %add3A_310, %sign3A_389 : i32
      %sign3A_391 = arith.extui %sign3A_390 : i1 to i32
      %sign3A_392 = arith.subi %sign3A_388, %sign3A_391 : i32
      %sign3A_393 = arith.constant 0 : i32
      %sign3A_394 = arith.cmpi sgt, %jit3A_384, %sign3A_393 : i32
      %sign3A_395 = arith.extui %sign3A_394 : i1 to i32
      %sign3A_396 = arith.constant 0 : i32
      %sign3A_397 = arith.cmpi slt, %jit3A_384, %sign3A_396 : i32
      %sign3A_398 = arith.extui %sign3A_397 : i1 to i32
      %sign3A_399 = arith.subi %sign3A_395, %sign3A_398 : i32
      %ne3A_400 = arith.cmpi ne, %sign3A_392, %sign3A_399 : i32
      %rem3A_401 = arith.remsi %add3A_310, %jit3A_384 : i32
      %ne3A_402 = arith.constant 0 : i32
      %ne3A_403 = arith.cmpi ne, %rem3A_401, %ne3A_402 : i32
      %and3A_404 = arith.andi %ne3A_400, %ne3A_403 : i1
      %sub3A_405 = arith.constant 1 : i32
      %sub3A_406 = arith.subi %div3A_385, %sub3A_405 : i32
      %select_n3A_407 = arith.select %and3A_404, %sub3A_406, %div3A_385 : i32
      %add3A_408 = arith.addi %mul3A_383, %select_n3A_407 : i32
      %jit3A_409 = arith.constant 8 : i32
      %eq3A_410 = arith.constant 0 : i32
      %eq3A_411 = arith.cmpi eq, %jit3A_409, %eq3A_410 : i32
      %jit3A_412 = arith.constant 1 : i32
      %select_n3A_413 = arith.select %eq3A_411, %jit3A_412, %jit3A_409 : i32
      %rem3A_414 = arith.remsi %add3A_310, %select_n3A_413 : i32
      %ne3A_415 = arith.constant 0 : i32
      %ne3A_416 = arith.cmpi ne, %rem3A_414, %ne3A_415 : i32
      %lt3A_417 = arith.constant 0 : i32
      %lt3A_418 = arith.cmpi slt, %rem3A_414, %lt3A_417 : i32
      %lt3A_419 = arith.constant 0 : i32
      %lt3A_420 = arith.cmpi slt, %select_n3A_413, %lt3A_419 : i32
      %ne3A_421 = arith.xori %lt3A_418, %lt3A_420 : i1
      %and3A_422 = arith.andi %ne3A_421, %ne3A_416 : i1
      %add3A_423 = arith.addi %rem3A_414, %select_n3A_413 : i32
      %select_n3A_424 = arith.select %and3A_422, %add3A_423, %rem3A_414 : i32
      %mul3A_425 = arith.constant 16 : i32
      %mul3A_426 = arith.muli %select_n3A_424, %mul3A_425 : i32
      %dma_start3A_427 = arith.constant 1 : i32
      %dma_start3A_428 = arith.constant 0 : i32
      %dma_start3A_429 = arith.constant 0 : i32
      %dma_start3A_430 = arith.constant 0 : i32
      %dma_start3A_431 = tpu.memref_slice %arg7[%dma_start3A_427, %dma_start3A_428, %dma_start3A_429, %dma_start3A_430] : memref<2x16x16x128xf32, #tpu.memory_space<vmem>> -> memref<1x16x16x128xf32, #tpu.memory_space<vmem>>
      %dma_start3A_432 = tpu.memref_squeeze %dma_start3A_431 : memref<1x16x16x128xf32, #tpu.memory_space<vmem>> -> memref<16x16x128xf32, #tpu.memory_space<vmem>>
      %dma_start3A_433 = arith.constant 0 : i32
      %dma_start3A_434 = arith.constant 0 : i32
      %dma_start3A_435 = tpu.memref_slice %arg4[%add3A_408, %mul3A_426, %dma_start3A_433, %dma_start3A_434] : memref<256x128x16x128xf32, #tpu.memory_space<hbm>> -> memref<1x16x16x128xf32, #tpu.memory_space<hbm>>
      %dma_start3A_436 = tpu.memref_squeeze %dma_start3A_435 : memref<1x16x16x128xf32, #tpu.memory_space<hbm>> -> memref<16x16x128xf32, #tpu.memory_space<hbm>>
      %dma_start3A_437 = arith.constant 0 : i32
      %dma_start3A_438 = arith.constant 0 : i32
      %dma_start3A_439 = tpu.memref_slice %arg4[%add3A_408, %mul3A_426, %dma_start3A_437, %dma_start3A_438] : memref<256x128x16x128xf32, #tpu.memory_space<hbm>> -> memref<1x16x16x128xf32, #tpu.memory_space<hbm>>
      %dma_start3A_440 = tpu.memref_squeeze %dma_start3A_439 : memref<1x16x16x128xf32, #tpu.memory_space<hbm>> -> memref<16x16x128xf32, #tpu.memory_space<hbm>>
      %dma_start3A_441 = arith.constant 0 : i32
      %dma_start3A_442 = arith.constant 0 : i32
      %dma_start3A_443 = arith.constant 0 : i32
      %dma_start3A_444 = tpu.memref_slice %arg7[%dma_start3A_427, %dma_start3A_441, %dma_start3A_442, %dma_start3A_443] : memref<2x16x16x128xf32, #tpu.memory_space<vmem>> -> memref<1x16x16x128xf32, #tpu.memory_space<vmem>>
      %dma_start3A_445 = tpu.memref_squeeze %dma_start3A_444 : memref<1x16x16x128xf32, #tpu.memory_space<vmem>> -> memref<16x16x128xf32, #tpu.memory_space<vmem>>
      tpu.enqueue_dma source(%dma_start3A_445 : memref<16x16x128xf32, #tpu.memory_space<vmem>>) target(%dma_start3A_440 : memref<16x16x128xf32, #tpu.memory_space<hbm>>) target_semaphore(%arg11 : memref<!tpu.dma_semaphore, #tpu.memory_space<semaphore_mem>>)
      %lt3A_446 = arith.constant 31 : i32
      %lt3A_447 = arith.cmpi slt, %scan3A_175, %lt3A_446 : i32
      %convert_element_type3A_448 = arith.extui %lt3A_447 : i1 to i32
      %cond3A_449 = arith.constant 0 : i32
      %cond3A_450 = arith.cmpi ne, %convert_element_type3A_448, %cond3A_449 : i32
      scf.if %cond3A_450 {
        %add3A_451 = arith.constant 2 : i32
        %add3A_452 = arith.addi %add3A_310, %add3A_451 : i32
        %mul3A_453 = arith.constant 8 : i32
        %mul3A_454 = arith.muli %mul3A_453, %add3A : i32
        %jit3A_455 = arith.constant 8 : i32
        %div3A_456 = arith.divsi %add3A_452, %jit3A_455 : i32
        %sign3A_457 = arith.constant 0 : i32
        %sign3A_458 = arith.cmpi sgt, %add3A_452, %sign3A_457 : i32
        %sign3A_459 = arith.extui %sign3A_458 : i1 to i32
        %sign3A_460 = arith.constant 0 : i32
        %sign3A_461 = arith.cmpi slt, %add3A_452, %sign3A_460 : i32
        %sign3A_462 = arith.extui %sign3A_461 : i1 to i32
        %sign3A_463 = arith.subi %sign3A_459, %sign3A_462 : i32
        %sign3A_464 = arith.constant 0 : i32
        %sign3A_465 = arith.cmpi sgt, %jit3A_455, %sign3A_464 : i32
        %sign3A_466 = arith.extui %sign3A_465 : i1 to i32
        %sign3A_467 = arith.constant 0 : i32
        %sign3A_468 = arith.cmpi slt, %jit3A_455, %sign3A_467 : i32
        %sign3A_469 = arith.extui %sign3A_468 : i1 to i32
        %sign3A_470 = arith.subi %sign3A_466, %sign3A_469 : i32
        %ne3A_471 = arith.cmpi ne, %sign3A_463, %sign3A_470 : i32
        %rem3A_472 = arith.remsi %add3A_452, %jit3A_455 : i32
        %ne3A_473 = arith.constant 0 : i32
        %ne3A_474 = arith.cmpi ne, %rem3A_472, %ne3A_473 : i32
        %and3A_475 = arith.andi %ne3A_471, %ne3A_474 : i1
        %sub3A_476 = arith.constant 1 : i32
        %sub3A_477 = arith.subi %div3A_456, %sub3A_476 : i32
        %select_n3A_478 = arith.select %and3A_475, %sub3A_477, %div3A_456 : i32
        %add3A_479 = arith.addi %mul3A_454, %select_n3A_478 : i32
        %jit3A_480 = arith.constant 8 : i32
        %eq3A_481 = arith.constant 0 : i32
        %eq3A_482 = arith.cmpi eq, %jit3A_480, %eq3A_481 : i32
        %jit3A_483 = arith.constant 1 : i32
        %select_n3A_484 = arith.select %eq3A_482, %jit3A_483, %jit3A_480 : i32
        %rem3A_485 = arith.remsi %add3A_452, %select_n3A_484 : i32
        %ne3A_486 = arith.constant 0 : i32
        %ne3A_487 = arith.cmpi ne, %rem3A_485, %ne3A_486 : i32
        %lt3A_488 = arith.constant 0 : i32
        %lt3A_489 = arith.cmpi slt, %rem3A_485, %lt3A_488 : i32
        %lt3A_490 = arith.constant 0 : i32
        %lt3A_491 = arith.cmpi slt, %select_n3A_484, %lt3A_490 : i32
        %ne3A_492 = arith.xori %lt3A_489, %lt3A_491 : i1
        %and3A_493 = arith.andi %ne3A_492, %ne3A_487 : i1
        %add3A_494 = arith.addi %rem3A_485, %select_n3A_484 : i32
        %select_n3A_495 = arith.select %and3A_493, %add3A_494, %rem3A_485 : i32
        %mul3A_496 = arith.constant 16 : i32
        %mul3A_497 = arith.muli %select_n3A_495, %mul3A_496 : i32
        %dma_start3A_498 = arith.constant 1 : i32
        %dma_start3A_499 = arith.constant 0 : i32
        %dma_start3A_500 = arith.constant 0 : i32
        %dma_start3A_501 = tpu.memref_slice %arg6[%dma_start3A_498, %dma_start3A_499, %dma_start3A_500] : memref<2x16x128xi32, #tpu.memory_space<vmem>> -> memref<1x16x128xi32, #tpu.memory_space<vmem>>
        %dma_start3A_502 = tpu.memref_squeeze %dma_start3A_501 : memref<1x16x128xi32, #tpu.memory_space<vmem>> -> memref<16x128xi32, #tpu.memory_space<vmem>>
        %dma_start3A_503 = arith.constant 0 : i32
        %dma_start3A_504 = tpu.memref_slice %arg2[%add3A_479, %mul3A_497, %dma_start3A_503] : memref<256x128x128xi32, #tpu.memory_space<hbm>> -> memref<1x16x128xi32, #tpu.memory_space<hbm>>
        %dma_start3A_505 = tpu.memref_squeeze %dma_start3A_504 : memref<1x16x128xi32, #tpu.memory_space<hbm>> -> memref<16x128xi32, #tpu.memory_space<hbm>>
        %dma_start3A_506 = arith.constant 0 : i32
        %dma_start3A_507 = arith.constant 0 : i32
        %dma_start3A_508 = tpu.memref_slice %arg6[%dma_start3A_498, %dma_start3A_506, %dma_start3A_507] : memref<2x16x128xi32, #tpu.memory_space<vmem>> -> memref<1x16x128xi32, #tpu.memory_space<vmem>>
        %dma_start3A_509 = tpu.memref_squeeze %dma_start3A_508 : memref<1x16x128xi32, #tpu.memory_space<vmem>> -> memref<16x128xi32, #tpu.memory_space<vmem>>
        %dma_start3A_510 = arith.constant 0 : i32
        %dma_start3A_511 = tpu.memref_slice %arg2[%add3A_479, %mul3A_497, %dma_start3A_510] : memref<256x128x128xi32, #tpu.memory_space<hbm>> -> memref<1x16x128xi32, #tpu.memory_space<hbm>>
        %dma_start3A_512 = tpu.memref_squeeze %dma_start3A_511 : memref<1x16x128xi32, #tpu.memory_space<hbm>> -> memref<16x128xi32, #tpu.memory_space<hbm>>
        tpu.enqueue_dma source(%dma_start3A_512 : memref<16x128xi32, #tpu.memory_space<hbm>>) target(%dma_start3A_509 : memref<16x128xi32, #tpu.memory_space<vmem>>) target_semaphore(%arg9 : memref<!tpu.dma_semaphore, #tpu.memory_space<semaphore_mem>>)
      } else {
      }
    }
    %scan3A_125 = arith.constant 32 : i32
    %mul3A_126 = arith.constant 8 : i32
    %mul3A_127 = arith.muli %mul3A_126, %add3A : i32
    %add3A_128 = arith.constant 7 : i32
    %add3A_129 = arith.addi %mul3A_127, %add3A_128 : i32
    %dma_wait3A = arith.constant 0 : i32
    %dma_wait3A_130 = arith.constant 0 : i32
    %dma_wait3A_131 = arith.constant 0 : i32
    %dma_wait3A_132 = arith.constant 0 : i32
    %dma_wait3A_133 = tpu.memref_slice %arg7[%dma_wait3A, %dma_wait3A_130, %dma_wait3A_131, %dma_wait3A_132] : memref<2x16x16x128xf32, #tpu.memory_space<vmem>> -> memref<1x16x16x128xf32, #tpu.memory_space<vmem>>
    %dma_wait3A_134 = tpu.memref_squeeze %dma_wait3A_133 : memref<1x16x16x128xf32, #tpu.memory_space<vmem>> -> memref<16x16x128xf32, #tpu.memory_space<vmem>>
    %dma_wait3A_135 = arith.constant 96 : i32
    %dma_wait3A_136 = arith.constant 0 : i32
    %dma_wait3A_137 = arith.constant 0 : i32
    %dma_wait3A_138 = tpu.memref_slice %arg4[%add3A_129, %dma_wait3A_135, %dma_wait3A_136, %dma_wait3A_137] : memref<256x128x16x128xf32, #tpu.memory_space<hbm>> -> memref<1x16x16x128xf32, #tpu.memory_space<hbm>>
    %dma_wait3A_139 = tpu.memref_squeeze %dma_wait3A_138 : memref<1x16x16x128xf32, #tpu.memory_space<hbm>> -> memref<16x16x128xf32, #tpu.memory_space<hbm>>
    %dma_wait3A_140 = arith.constant 96 : i32
    %dma_wait3A_141 = arith.constant 0 : i32
    %dma_wait3A_142 = arith.constant 0 : i32
    %dma_wait3A_143 = tpu.memref_slice %arg4[%add3A_129, %dma_wait3A_140, %dma_wait3A_141, %dma_wait3A_142] : memref<256x128x16x128xf32, #tpu.memory_space<hbm>> -> memref<1x16x16x128xf32, #tpu.memory_space<hbm>>
    %dma_wait3A_144 = tpu.memref_squeeze %dma_wait3A_143 : memref<1x16x16x128xf32, #tpu.memory_space<hbm>> -> memref<16x16x128xf32, #tpu.memory_space<hbm>>
    %dma_wait3A_145 = arith.constant 0 : i32
    %dma_wait3A_146 = arith.constant 0 : i32
    %dma_wait3A_147 = arith.constant 0 : i32
    %dma_wait3A_148 = tpu.memref_slice %arg7[%dma_wait3A, %dma_wait3A_145, %dma_wait3A_146, %dma_wait3A_147] : memref<2x16x16x128xf32, #tpu.memory_space<vmem>> -> memref<1x16x16x128xf32, #tpu.memory_space<vmem>>
    %dma_wait3A_149 = tpu.memref_squeeze %dma_wait3A_148 : memref<1x16x16x128xf32, #tpu.memory_space<vmem>> -> memref<16x16x128xf32, #tpu.memory_space<vmem>>
    tpu.wait_dma2 semaphore(%arg10 : memref<!tpu.dma_semaphore, #tpu.memory_space<semaphore_mem>>) src(%dma_wait3A_149 : memref<16x16x128xf32, #tpu.memory_space<vmem>>) dst(%dma_wait3A_144 : memref<16x16x128xf32, #tpu.memory_space<hbm>>)
    %mul3A_150 = arith.constant 8 : i32
    %mul3A_151 = arith.muli %mul3A_150, %add3A : i32
    %add3A_152 = arith.constant 7 : i32
    %add3A_153 = arith.addi %mul3A_151, %add3A_152 : i32
    %dma_wait3A_154 = arith.constant 1 : i32
    %dma_wait3A_155 = arith.constant 0 : i32
    %dma_wait3A_156 = arith.constant 0 : i32
    %dma_wait3A_157 = arith.constant 0 : i32
    %dma_wait3A_158 = tpu.memref_slice %arg7[%dma_wait3A_154, %dma_wait3A_155, %dma_wait3A_156, %dma_wait3A_157] : memref<2x16x16x128xf32, #tpu.memory_space<vmem>> -> memref<1x16x16x128xf32, #tpu.memory_space<vmem>>
    %dma_wait3A_159 = tpu.memref_squeeze %dma_wait3A_158 : memref<1x16x16x128xf32, #tpu.memory_space<vmem>> -> memref<16x16x128xf32, #tpu.memory_space<vmem>>
    %dma_wait3A_160 = arith.constant 112 : i32
    %dma_wait3A_161 = arith.constant 0 : i32
    %dma_wait3A_162 = arith.constant 0 : i32
    %dma_wait3A_163 = tpu.memref_slice %arg4[%add3A_153, %dma_wait3A_160, %dma_wait3A_161, %dma_wait3A_162] : memref<256x128x16x128xf32, #tpu.memory_space<hbm>> -> memref<1x16x16x128xf32, #tpu.memory_space<hbm>>
    %dma_wait3A_164 = tpu.memref_squeeze %dma_wait3A_163 : memref<1x16x16x128xf32, #tpu.memory_space<hbm>> -> memref<16x16x128xf32, #tpu.memory_space<hbm>>
    %dma_wait3A_165 = arith.constant 112 : i32
    %dma_wait3A_166 = arith.constant 0 : i32
    %dma_wait3A_167 = arith.constant 0 : i32
    %dma_wait3A_168 = tpu.memref_slice %arg4[%add3A_153, %dma_wait3A_165, %dma_wait3A_166, %dma_wait3A_167] : memref<256x128x16x128xf32, #tpu.memory_space<hbm>> -> memref<1x16x16x128xf32, #tpu.memory_space<hbm>>
    %dma_wait3A_169 = tpu.memref_squeeze %dma_wait3A_168 : memref<1x16x16x128xf32, #tpu.memory_space<hbm>> -> memref<16x16x128xf32, #tpu.memory_space<hbm>>
    %dma_wait3A_170 = arith.constant 0 : i32
    %dma_wait3A_171 = arith.constant 0 : i32
    %dma_wait3A_172 = arith.constant 0 : i32
    %dma_wait3A_173 = tpu.memref_slice %arg7[%dma_wait3A_154, %dma_wait3A_170, %dma_wait3A_171, %dma_wait3A_172] : memref<2x16x16x128xf32, #tpu.memory_space<vmem>> -> memref<1x16x16x128xf32, #tpu.memory_space<vmem>>
    %dma_wait3A_174 = tpu.memref_squeeze %dma_wait3A_173 : memref<1x16x16x128xf32, #tpu.memory_space<vmem>> -> memref<16x16x128xf32, #tpu.memory_space<vmem>>
    tpu.wait_dma2 semaphore(%arg11 : memref<!tpu.dma_semaphore, #tpu.memory_space<semaphore_mem>>) src(%dma_wait3A_174 : memref<16x16x128xf32, #tpu.memory_space<vmem>>) dst(%dma_wait3A_169 : memref<16x16x128xf32, #tpu.memory_space<hbm>>)
    return
  }
}

module attributes {stable_mosaic.version = 14 : i64} {
  func.func @_inv_body(%arg0: i32, %arg1: memref<8x128x1xi32, #tpu.memory_space<vmem>>, %arg2: memref<8x128x1xi32, #tpu.memory_space<vmem>>, %arg3: memref<8x128x16xf32, #tpu.memory_space<vmem>>, %arg4: memref<128x128xf32, #tpu.memory_space<vmem>>, %arg5: memref<16x128xf32, #tpu.memory_space<vmem>>, %arg6: memref<128x128xf32, #tpu.memory_space<vmem>>, %arg7: memref<16x128xf32, #tpu.memory_space<vmem>>, %arg8: memref<1x128xf32, #tpu.memory_space<vmem>>, %arg9: memref<8x128x128xf32, #tpu.memory_space<vmem>>) attributes {dimension_semantics = [#tpu.dimension_semantics<arbitrary>], iteration_bounds = array<i64: 32>, scalar_prefetch = 0 : i64, scratch_operands = 0 : i64, tpu.core_type = #tpu.core_type<tc>, window_params = [{transform_indices = @transform_0, window_bounds = array<i64: 8, 128, 1>}, {transform_indices = @transform_1, window_bounds = array<i64: 8, 128, 1>}, {transform_indices = @transform_2, window_bounds = array<i64: 8, 128, 16>}, {pipeline_mode = #tpu.pipeline_mode<synchronous>, transform_indices = @transform_3, window_bounds = array<i64: 128, 128>}, {pipeline_mode = #tpu.pipeline_mode<synchronous>, transform_indices = @transform_4, window_bounds = array<i64: 16, 128>}, {pipeline_mode = #tpu.pipeline_mode<synchronous>, transform_indices = @transform_5, window_bounds = array<i64: 128, 128>}, {pipeline_mode = #tpu.pipeline_mode<synchronous>, transform_indices = @transform_6, window_bounds = array<i64: 16, 128>}, {pipeline_mode = #tpu.pipeline_mode<synchronous>, transform_indices = @transform_7, window_bounds = array<i64: 1, 128>}, {transform_indices = @transform_8, window_bounds = array<i64: 8, 128, 128>}]} {
    %get3A = arith.constant 0 : index
    %get3A_0 = arith.constant 0 : index
    %get3A_1 = arith.constant 0 : index
    %get3A_2 = vector.load %arg1[%get3A, %get3A_0, %get3A_1] : memref<8x128x1xi32, #tpu.memory_space<vmem>>, vector<8x128x1xi32>
    %reshape3A = vector.shape_cast %get3A_2 : vector<8x128x1xi32> to vector<1024x1xi32>
    %get3A_3 = arith.constant 0 : index
    %get3A_4 = arith.constant 0 : index
    %get3A_5 = arith.constant 0 : index
    %get3A_6 = vector.load %arg2[%get3A_3, %get3A_4, %get3A_5] : memref<8x128x1xi32, #tpu.memory_space<vmem>>, vector<8x128x1xi32>
    %reshape3A_7 = vector.shape_cast %get3A_6 : vector<8x128x1xi32> to vector<1024x1xi32>
    %iota3A = tpu.iota {dimensions = array<i32: 1>} : vector<1024x128xi32>
    %eq3A = vector.broadcast %reshape3A : vector<1024x1xi32> to vector<1024x128xi32>
    %eq3A_8 = arith.cmpi eq, %eq3A, %iota3A : vector<1024x128xi32>
    %convert_element_type3A = arith.extui %eq3A_8 : vector<1024x128xi1> to vector<1024x128xi32>
    %convert_element_type3A_9 = arith.sitofp %convert_element_type3A : vector<1024x128xi32> to vector<1024x128xf32>
    %iota3A_10 = tpu.iota {dimensions = array<i32: 1>} : vector<1024x16xi32>
    %eq3A_11 = vector.broadcast %reshape3A_7 : vector<1024x1xi32> to vector<1024x16xi32>
    %eq3A_12 = arith.cmpi eq, %eq3A_11, %iota3A_10 : vector<1024x16xi32>
    %convert_element_type3A_13 = arith.extui %eq3A_12 : vector<1024x16xi1> to vector<1024x16xi32>
    %convert_element_type3A_14 = arith.sitofp %convert_element_type3A_13 : vector<1024x16xi32> to vector<1024x16xf32>
    %get3A_15 = arith.constant 0 : index
    %get3A_16 = arith.constant 0 : index
    %get3A_17 = vector.load %arg4[%get3A_15, %get3A_16] : memref<128x128xf32, #tpu.memory_space<vmem>>, vector<128x128xf32>
    %dot_general3A = arith.constant dense<0.000000e+00> : vector<1024x128xf32>
    %dot_general3A_18 = tpu.matmul %convert_element_type3A_9, %get3A_17, %dot_general3A {dimension_numbers = #tpu.dot_dimension_numbers<[1], [0], [0], [1], [0, 0, 1, 1], [], []>, transpose_lhs_hint = false} : vector<1024x128xf32>, vector<128x128xf32>, vector<1024x128xf32> -> vector<1024x128xf32>
    %get3A_19 = arith.constant 0 : index
    %get3A_20 = arith.constant 0 : index
    %get3A_21 = vector.load %arg5[%get3A_19, %get3A_20] : memref<16x128xf32, #tpu.memory_space<vmem>>, vector<16x128xf32>
    %dot_general3A_22 = arith.constant dense<0.000000e+00> : vector<1024x128xf32>
    %dot_general3A_23 = tpu.matmul %convert_element_type3A_14, %get3A_21, %dot_general3A_22 {dimension_numbers = #tpu.dot_dimension_numbers<[1], [0], [0], [1], [0, 0, 1, 1], [], []>, transpose_lhs_hint = false} : vector<1024x16xf32>, vector<16x128xf32>, vector<1024x128xf32> -> vector<1024x128xf32>
    %add3A = arith.addf %dot_general3A_18, %dot_general3A_23 : vector<1024x128xf32>
    %get3A_24 = arith.constant 0 : index
    %get3A_25 = arith.constant 0 : index
    %get3A_26 = arith.constant 0 : index
    %get3A_27 = vector.load %arg3[%get3A_24, %get3A_25, %get3A_26] : memref<8x128x16xf32, #tpu.memory_space<vmem>>, vector<8x128x16xf32>
    %reshape3A_28 = vector.shape_cast %get3A_27 : vector<8x128x16xf32> to vector<1024x16xf32>
    %get3A_29 = arith.constant 0 : index
    %get3A_30 = arith.constant 0 : index
    %get3A_31 = vector.load %arg6[%get3A_29, %get3A_30] : memref<128x128xf32, #tpu.memory_space<vmem>>, vector<128x128xf32>
    %dot_general3A_32 = arith.constant dense<0.000000e+00> : vector<1024x128xf32>
    %dot_general3A_33 = tpu.matmul %add3A, %get3A_31, %dot_general3A_32 {dimension_numbers = #tpu.dot_dimension_numbers<[1], [0], [0], [1], [0, 0, 1, 1], [], []>, transpose_lhs_hint = false} : vector<1024x128xf32>, vector<128x128xf32>, vector<1024x128xf32> -> vector<1024x128xf32>
    %get3A_34 = arith.constant 0 : index
    %get3A_35 = arith.constant 0 : index
    %get3A_36 = vector.load %arg7[%get3A_34, %get3A_35] : memref<16x128xf32, #tpu.memory_space<vmem>>, vector<16x128xf32>
    %dot_general3A_37 = arith.constant dense<0.000000e+00> : vector<1024x128xf32>
    %dot_general3A_38 = tpu.matmul %reshape3A_28, %get3A_36, %dot_general3A_37 {dimension_numbers = #tpu.dot_dimension_numbers<[1], [0], [0], [1], [0, 0, 1, 1], [], []>, transpose_lhs_hint = false} : vector<1024x16xf32>, vector<16x128xf32>, vector<1024x128xf32> -> vector<1024x128xf32>
    %add3A_39 = arith.addf %dot_general3A_33, %dot_general3A_38 : vector<1024x128xf32>
    %get3A_40 = arith.constant 0 : index
    %get3A_41 = arith.constant 0 : index
    %get3A_42 = vector.load %arg8[%get3A_40, %get3A_41] : memref<1x128xf32, #tpu.memory_space<vmem>>, vector<1x128xf32>
    %add3A_43 = vector.broadcast %get3A_42 : vector<1x128xf32> to vector<1024x128xf32>
    %add3A_44 = arith.addf %add3A_39, %add3A_43 : vector<1024x128xf32>
    %reshape3A_45 = vector.shape_cast %add3A_44 : vector<1024x128xf32> to vector<8x128x128xf32>
    %swap3A = arith.constant 0 : index
    %swap3A_46 = arith.constant 0 : index
    %swap3A_47 = arith.constant 0 : index
    %swap3A_48 = vector.load %arg9[%swap3A, %swap3A_46, %swap3A_47] : memref<8x128x128xf32, #tpu.memory_space<vmem>>, vector<8x128x128xf32>
    tpu.vector_store %arg9[%swap3A, %swap3A_46, %swap3A_47], %reshape3A_45 {strides = array<i32>} : memref<8x128x128xf32, #tpu.memory_space<vmem>>, vector<8x128x128xf32>,
    return
  }
  func.func @transform_0(%arg0: i32) -> (i32, i32, i32) {
    %c0_i32 = arith.constant 0 : i32
    %c0_i32_0 = arith.constant 0 : i32
    %c0_i32_1 = arith.constant 0 : i32
    return %arg0, %c0_i32, %c0_i32_0 : i32, i32, i32
  }
  func.func @transform_1(%arg0: i32) -> (i32, i32, i32) {
    %c0_i32 = arith.constant 0 : i32
    %c0_i32_0 = arith.constant 0 : i32
    %c0_i32_1 = arith.constant 0 : i32
    return %arg0, %c0_i32, %c0_i32_0 : i32, i32, i32
  }
  func.func @transform_2(%arg0: i32) -> (i32, i32, i32) {
    %c0_i32 = arith.constant 0 : i32
    %c0_i32_0 = arith.constant 0 : i32
    %c0_i32_1 = arith.constant 0 : i32
    return %arg0, %c0_i32, %c0_i32_0 : i32, i32, i32
  }
  func.func @transform_3(%arg0: i32) -> (i32, i32) {
    %c0_i32 = arith.constant 0 : i32
    %c0_i32_0 = arith.constant 0 : i32
    %c0_i32_1 = arith.constant 0 : i32
    return %c0_i32, %c0_i32_0 : i32, i32
  }
  func.func @transform_4(%arg0: i32) -> (i32, i32) {
    %c0_i32 = arith.constant 0 : i32
    %c0_i32_0 = arith.constant 0 : i32
    %c0_i32_1 = arith.constant 0 : i32
    return %c0_i32, %c0_i32_0 : i32, i32
  }
  func.func @transform_5(%arg0: i32) -> (i32, i32) {
    %c0_i32 = arith.constant 0 : i32
    %c0_i32_0 = arith.constant 0 : i32
    %c0_i32_1 = arith.constant 0 : i32
    return %c0_i32, %c0_i32_0 : i32, i32
  }
  func.func @transform_6(%arg0: i32) -> (i32, i32) {
    %c0_i32 = arith.constant 0 : i32
    %c0_i32_0 = arith.constant 0 : i32
    %c0_i32_1 = arith.constant 0 : i32
    return %c0_i32, %c0_i32_0 : i32, i32
  }
  func.func @transform_7(%arg0: i32) -> (i32, i32) {
    %c0_i32 = arith.constant 0 : i32
    %c0_i32_0 = arith.constant 0 : i32
    %c0_i32_1 = arith.constant 0 : i32
    return %c0_i32, %c0_i32_0 : i32, i32
  }
  func.func @transform_8(%arg0: i32) -> (i32, i32, i32) {
    %c0_i32 = arith.constant 0 : i32
    %c0_i32_0 = arith.constant 0 : i32
    %c0_i32_1 = arith.constant 0 : i32
    return %arg0, %c0_i32, %c0_i32_0 : i32, i32, i32
  }
}

</mosaic_0001>

<sc_bundles>
// kernel: kernel.4.cloned.1.call-start
scs
__scs_entry_jumppad:
0x0: {  	(pc) =	sbr.rel $0x88, $3  }
0x1: {  	(tag) =	ssettag $0x0;
	lr =	simm.s32 $0x1  }
0x2: {  	[smem:$0x3F98] =	sst lr;
	_ =	strace $0xD0000000  }
0x3: {  	_ = 	snop  }
0x4: {  	_ = 	snop  }
0x5: {  	_ = 	snop  }
0x6: {  	_ = 	snop  }
0x7: {  	_ = 	snop  }
__scs_overlays_trampoline_lowered:
0x8: {  	[smem:$0x3FA7] =	sst s0  }
0x9: {  	[smem:$0x3FA8] =	sst s1  }
0xa: {  	[smem:$0x3FA9] =	sst s2  }
0xb: {  	[smem:$0x3FAA] =	sst s3  }
0xc: {  	[smem:$0x3FAB] =	sst s4  }
0xd: {  	[smem:$0x3FAC] =	sst s5  }
0xe: {  	[smem:$0x3FAD] =	sst s6  }
0xf: {  	[smem:$0x3FAE] =	sst s7  }
0x10: {  	[smem:$0x3FAF] =	sst s8  }
0x11: {  	[smem:$0x3FB0] =	sst s9;
	s0 =	simm.s32 @!p0 $0x0  }
0x12: {  	s1 =	sld [smem:$0x3F96];
	s0 =	simm.s32 @p0 $0x1  }
0x13: {  	[smem:$0x3FB1] =	sst s0;
	s0 =	simm.s32 @!p1 $0x0  }
0x14: {  	s2 =	sld [smem:$0x3F95];
	s0 =	simm.s32 @p1 $0x1  }
0x15: {  	[smem:$0x3FB2] =	sst s0;
	s0 =	simm.s32 @!p2 $0x0  }
0x16: {  	s3 =	sld [smem:$0x3FDB];
	s0 =	simm.s32 @p2 $0x1  }
0x17: {  	s4 =	simm.s32 $0x1BF5;
	[smem:$0x3FB4] =	sst s0  }
0x18: {  	s0 =	sld [smem:$0x3F97];
	_ =	swait.ge [sflag:s4], $0x0  }
0x19: {  	s7 =	sld [smem:$0x3F98]  }
0x1a: {  	s8 =	sadd.s32 $0xFFFFE003, lr  }
0x1b: {  	s9 =	sadd.s32 $0xFFFFFEF7, lr;
	s5 =	simm.s32 $0xFFFFFFFF;
	p2 =	slt.u32 s8, $0xFFFFF086  }
0x1c: {  	p1 =	slt.u32 s9, $0xF7A;
	s5 =	simm.s32 @!p2 $0x0  }
0x1d: {  	s5 =	simm.s32 @p1 $0x1;
	p0 =	seq.s32 s7, s2  }
0x1e: {  	s7 =	smul.u32 @!p0 $0xF7A, s2;
	p2 =	seq.s32 @!p0 s5, $0x0  }
0x1f: {  	s9 =	smul.u32 $0xF7A, s1;
	s8 =	simm.s32 @!p0 $0x1BF5;
	p2 =	por !p2, p0  }
0x20: {  	[sflag:s8] =	ssyncset.s32 @!p0 $0xFFFFF086;
	s6 =	sadd.s32 @!p0 s3, s7;
	s7 =	simm.s32 @!p0 $0x108  }
0x21: {  	s3 =	sadd.s32 s3, s9;
	s6 =	sadd.s32 @!p0 $0x88, s6;
	s7 =	simm.s32 @p2 $0x1082  }
0x22: {  	[simem:s7], [sflag:s8] =	dma.local @!p0 [hbm:s6], $0xF7A  }
0x23: {  	s9 =	sor.u32 $0xD0000000, s2;
	s6 =	simm.s32 $0x108;
	_ =	swait.ge @!p0 [sflag:s8], $0x0  }
0x24: {  	s3 =	sadd.s32 $0x88, s3;
	s6 =	simm.s32 @!p1 $0x1082;
	[sflag:s4] =	ssyncset.s32 $0xFFFFF086  }
0x25: {  	[simem:s6], [sflag:s4] =	dma.local [hbm:s3], $0xF7A  }
0x26: {  	[smem:$0x3F98] =	sst s1;
	(tag) =	ssettag s2;
	_ =	strace s9  }
0x27: {  	s1 =	sld [smem:$0x3FA8]  }
0x28: {  	s2 =	sld [smem:$0x3FA9]  }
0x29: {  	s4 =	sld [smem:$0x3FAB]  }
0x2a: {  	p0 =	seq.s32 s5, $0x0;
	s5 =	sld [smem:$0x3FAC]  }
0x2b: {  	s6 =	sld [smem:$0x3FAD]  }
0x2c: {  	s7 =	sld [smem:$0x3FAE]  }
0x2d: {  	s3 =	simm.s32 $0x108;
	s8 =	sld [smem:$0x3FAF]  }
0x2e: {  	s3 =	simm.s32 @!p0 $0x1082;
	s9 =	sld [smem:$0x3FB0]  }
0x2f: {  	lr =	sadd.s32 s0, s3;
	s0 =	sld [smem:$0x3FA7]  }
0x30: {  	s3 =	sld [smem:$0x3FAA]  }
0x31: {  	[smem:$0x3FB3] =	sst s10  }
0x32: {  	s10 =	sld [smem:$0x3FB1];
	_ =	sdelay $0x3  }
0x33: {  	p0 =	seq.s32 s10, $0x1;
	s10 =	sld [smem:$0x3FB3];
	_ =	sdelay $0x3  }
0x34: {  	[smem:$0x3FB3] =	sst s10  }
0x35: {  	s10 =	sld [smem:$0x3FB2];
	_ =	sdelay $0x3  }
0x36: {  	p1 =	seq.s32 s10, $0x1;
	s10 =	sld [smem:$0x3FB3];
	_ =	sdelay $0x3  }
0x37: {  	[smem:$0x3FB3] =	sst s10  }
0x38: {  	s10 =	sld [smem:$0x3FB4]  }
0x39: {  	_ = 	snop;
	(pc) =	sbr.ind lr, $3  }
0x3a: {  	_ = 	snop  }
0x3b: {  	_ = 	snop  }
0x3c: {  	p2 =	seq.s32 s10, $0x1;
	s10 =	sld [smem:$0x3FB3]  }
0x3d: {  	_ =	shalt  }
0x3e: {  	_ =	shalt  }
0x3f: {  	_ =	shalt  }
0x40: {  	_ =	shalt  }
0x41: {  	_ =	shalt  }
0x42: {  	_ =	shalt  }
0x43: {  	_ =	shalt  }
0x44: {  	_ =	shalt  }
0x45: {  	_ =	shalt  }
0x46: {  	_ =	shalt  }
0x47: {  	_ =	shalt  }
0x48: {  	_ =	shalt  }
0x49: {  	_ =	shalt  }
0x4a: {  	_ =	shalt  }
0x4b: {  	_ =	shalt  }
0x4c: {  	_ =	shalt  }
0x4d: {  	_ =	shalt  }
0x4e: {  	_ =	shalt  }
0x4f: {  	_ =	shalt  }
0x50: {  	_ =	shalt  }
0x51: {  	_ =	shalt  }
0x52: {  	_ =	shalt  }
0x53: {  	_ =	shalt  }
0x54: {  	_ =	shalt  }
0x55: {  	_ =	shalt  }
0x56: {  	_ =	shalt  }
0x57: {  	_ =	shalt  }
0x58: {  	_ =	shalt  }
0x59: {  	_ =	shalt  }
0x5a: {  	_ =	shalt  }
0x5b: {  	_ =	shalt  }
0x5c: {  	_ =	shalt  }
0x5d: {  	_ =	shalt  }
0x5e: {  	_ =	shalt  }
0x5f: {  	_ =	shalt  }
0x60: {  	_ =	shalt  }
0x61: {  	_ =	shalt  }
0x62: {  	_ =	shalt  }
0x63: {  	_ =	shalt  }
0x64: {  	_ =	shalt  }
0x65: {  	_ =	shalt  }
0x66: {  	_ =	shalt  }
0x67: {  	_ =	shalt  }
0x68: {  	_ =	shalt  }
0x69: {  	_ =	shalt  }
0x6a: {  	_ =	shalt  }
0x6b: {  	_ =	shalt  }
0x6c: {  	_ =	shalt  }
0x6d: {  	_ =	shalt  }
0x6e: {  	_ =	shalt  }
0x6f: {  	_ =	shalt  }
0x70: {  	_ =	shalt  }
0x71: {  	_ =	shalt  }
0x72: {  	_ =	shalt  }
0x73: {  	_ =	shalt  }
0x74: {  	_ =	shalt  }
0x75: {  	_ =	shalt  }
0x76: {  	_ =	shalt  }
0x77: {  	_ =	shalt  }
0x78: {  	_ =	shalt  }
0x79: {  	_ =	shalt  }
0x7a: {  	_ =	shalt  }
0x7b: {  	_ =	shalt  }
0x7c: {  	_ =	shalt  }
0x7d: {  	_ =	shalt  }
0x7e: {  	_ =	shalt  }
0x7f: {  	_ =	shalt  }
0x80: {  	_ =	shalt  }
0x81: {  	_ =	shalt  }
0x82: {  	_ =	shalt  }
0x83: {  	_ =	shalt  }
0x84: {  	_ =	shalt  }
0x85: {  	_ =	shalt  }
0x86: {  	_ =	shalt  }
0x87: {  	_ =	shalt  }
.Lfunc_end0:
.L_simem_size_0:
called_computation_lowered:
.L_overlay_start_0:
0x88: {  	s2 =	sld [smem:$0x3FD9]  }
0x89: {  	s3 =	sld [smem:$0x3FFE];
	_ =	sdelay $0x1  }
0x8a: {  	s1 =	srdreg.scid  }
0x8b: {  	s0 =	sand.u32 $0x1, s1  }
0x8c: {  	s14 =	sshll.u32 s0, $0xA;
	s2 =	sadd.s32 s3, s2  }
0x8d: {  	s2 =	sadd.s32 s2, s14  }
0x8e: {  	[smem:$0x3FBF] =	sst s2  }
0x8f: {  	_ = 	snop  }
0x90: {  	s2 =	sld [smem:$0x3FD0];
	_ =	sdelay $0x2  }
0x91: {  	s4 =	simm.s32 $0xA;
	s5 =	simm.s32 $0x10;
	s15 =	sld [smem:$0x3FC7]  }
0x92: {  	[smem:s5], [sflag:s4] =	dma.local [hbm:s2], $0x1  }
0x93: {  	_ =	swait.eq [sflag:s4], $0x1  }
0x94: {  	[sflag:s4] =	ssyncset.done $0x0  }
0x95: {  	[sflag:s4] =	ssyncadd.s32 $0xFFFFFFFF  }
0x96: {  	s16 =	sld [smem:$0x11];
	(tm) =	ssettm $0x1  }
0x97: {  	s17 =	sld [smem:$0x3FFB];
	_ =	sdelay $0x3  }
0x98: {  	_ =	strace s17  }
0x99: {  	s4 =	sld [smem:$0x3FFC];
	_ =	sdelay $0x3  }
0x9a: {  	_ =	strace s4  }
0x9b: {  	s4 =	sld [smem:$0x3FFD];
	_ =	sdelay $0x3  }
0x9c: {  	_ =	strace s4  }
0x9d: {  	_ =	strace $0x8FFFFFFF  }
0x9e: {  	s18 =	sld [smem:$0x3FDB];
	_ =	sdelay $0x1  }
0x9f: {  	s19 =	simm.s32 $_scs_section_size  }
0xa0: {  	s6 =	simm.s32 $_size__tile_overlayer_lowered;
	s7 =	simm.s32 $_tile_overlayer_lowered  }
0xa1: {  	s22 =	simm.s32 $0x1BFF;
	s21 =	sshll.u32 s7, $0x1;
	s4 =	sadd.s32 s19, s18  }
0xa2: {  	s8 =	simm.s32 $0x0;
	s20 =	sshll.u32 s6, $0x1;
	s6 =	sadd.s32 s21, s4  }
0xa3: {  	[timem:s8], [sflag:s22] =	dma.local [hbm:s6], s20  }
0xa4: {  	_ =	swait.ge [sflag:s22], s20  }
0xa5: {  	s5 =	ssub.s32 $0x0, s20;
	[sflag:s22] =	ssyncset.done $0x0  }
0xa6: {  	[sflag:s22] =	ssyncadd.s32 s5;
	_ =	sdelay $0x1  }
0xa7: {  	s23 =	simm.s32 $0x1B8B  }
0xa8: {  	_ =	swait.ge [sflag:s23], $0x1  }
0xa9: {  	[sflag:s23] =	ssyncset.done $0x0  }
0xaa: {  	s25 =	simm.s32 $0x1B8E;
	s24 =	sld [smem:$0x3FFE];
	[sflag:s23] =	ssyncadd.s32 $0xFFFFFFFF  }
0xab: {  	s26 =	simm.s32 $execute0_lowered;
	[smem:$0x3FD2] =	sst s25  }
0xac: {  	s6 =	sshll.u32 s26, $0x1;
	_ =	strace $0x80000046;
	[dreg:$0x1] =	wrdreg $0xFFFFFFFF  }
0xad: {  	s28 =	simm.s32 $_size_execute0_lowered;
	s4 =	sadd.s32 s4, s6;
	[dreg:$0x0] =	wrdreg $0x0  }
0xae: {  	s6 =	sshll.u32 s28, $0x1;
	[dreg:$0x2] =	wrdreg s4  }
0xaf: {  	[dreg:$0x3] =	wrdreg s6  }
0xb0: {  	[dreg:$0x4] =	wrdreg $0xC0  }
0xb1: {  	_ =	task [dreg:s8], $0x5FFFF  }
0xb2: {  	[dreg:$0x1] =	wrdreg $0xFFFFFFFF  }
0xb3: {  	[dreg:$0x0] =	wrdreg $0x60  }
0xb4: {  	[dreg:$0x2] =	wrdreg s15  }
0xb5: {  	[dreg:$0x3] =	wrdreg s24  }
0xb6: {  	[dreg:$0x4] =	wrdreg s16  }
0xb7: {  	[dreg:$0x5] =	wrdreg $0x9  }
0xb8: {  	_ =	task.clear_ibuf [dreg:s8], $0x6FFFF;
	_ =	strace $0x90000046  }
0xb9: {  	s29 =	simm.s32 $0x9;
	_ =	strace $0x80000048  }
0xba: {  	_ =	swait.ge [sflag:s29], $0x1  }
0xbb: {  	[sflag:s29] =	ssyncadd.s32 $0xFFFFFFFF  }
0xbc: {  	_ =	strace $0x90000048  }
0xbd: {  	_ =	sfence  }
0xbe: {  	s30 =	sld [smem:$0x0];
	_ =	sdelay $0x2  }
0xbf: {  	s31 =	sshll.u32 s1, $0xD;
	s1 =	sshrl.u32 s1, $0x2  }
0xc0: {  	s3 =	sand.u32 $0x4000, s31;
	s1 =	sadd.s32 s1, s30  }
0xc1: {  	s0 =	sor.u32 s3, s0;
	s1 =	sshll.u32 s1, $0x11  }
0xc2: {  	s0 =	sor.u32 s1, s0  }
0xc3: {  	s0 =	sadd.s32 $0x8F2B, s0  }
0xc4: {  	[sflag:s0] =	ssyncadd.remote.s32 $0x1  }
0xc5: {  	_ =	sfence.sel $0xFFFF  }
0xc6: {  	[dreg:$0x0] =	wrdreg $0xFFFFFFFF;
	(pc) =	sbr.abs _section_cstart, $3  }
0xc7: {  	[dreg:$0x1] =	wrdreg $0xFFFFFFFF  }
0xc8: {  	_ =	task.clear_ibuf [dreg:s8], $0x2FFFF;
	_ =	strace $0x9FFFFFFF  }
0xc9: {  	(tm) =	ssettm $0x7FFFFFFF  }
tec
execute0_lowered:
.L_overlay_start_1:
0x0: {  	(tag) =	ssettag $0x1  }
0x1: {  	s1 =	rddreg [dreg:$0x0]  }
0x2: {  	s6 =	rddreg [dreg:$0x1]  }
0x3: {  	s3 =	rddreg [dreg:$0x2]  }
0x4: {  	s4 =	srdreg.scid;
	s0 =	rddreg [dreg:$0x3]  }
0x5: {  	s2 =	stileid.u32;
	s10 =	simm.s32 $0x5;
	s11 =	simm.s32 $0x100  }
0x6: {  	s12 =	simm.s32 $0x900;
	s13 =	simm.s32 $0x1;
	s14 =	simm.s32 $0x1100  }
0x7: {  	s15 =	simm.s32 $0x2;
	s16 =	simm.s32 $0x9100;
	s17 =	simm.s32 $0x3  }
0x8: {  	s18 =	simm.s32 $0x4;
	s19 =	simm.s32 $0x0;
	s5 =	sand.u32 $0x1, s4  }
.Ltmp0:
0x9: {  	s7 =	sshll.u32 s2, $0x4;
	s8 =	sshll.u32 s5, $0x3;
	(pc) =	sbr.rel .LBB2_1-.Ltmp0, $4  }
0xa: {  	s4 =	simm.s32 $0x0;
	s9 =	ssub.s32 $0x2, s5;
	s5 =	sor.u32 s8, s7  }
0xb: {  	s6 =	sadd.s32 $0xE00, s6;
	s31 =	sshrl.u32 s9, $0x1;
	s8 =	sshll.u32 s5, $0xB  }
0xc: {  	[smem:$0x7FF] =	sst s4;
	s9 =	ssub.s32 s9, s31;
	s7 =	sadd.s32 s1, s8  }
0xd: {  	_ =	strace $0x80000047;
	s9 =	smax.u32 s9, $0x1;
	s8 =	sadd.s32 $0x100, s7  }
.LBB2_8:
0xe: {  	s19 =	sadd.s32 $0x1, s19  }
0xf: {  	_ =	swait.ge [sflag:s17], $0x8000;
	p0 =	sne.s32 s19, s9  }
.Ltmp1:
0x10: {  	[sflag:s17] =	ssyncset.done $0x0;
	(pc) =	sbr.rel @!p0 .LBB2_9-.Ltmp1, $4  }
0x11: {  	[sflag:s17] =	ssyncadd.s32 $0xFFFF8000  }
0x12: {  	_ =	swait.ge [sflag:s18], $0x8000  }
0x13: {  	[sflag:s18] =	ssyncset.done $0x0  }
0x14: {  	[sflag:s18] =	ssyncadd.s32 $0xFFFF8000  }
.LBB2_1:
0x15: {  	[tilespmem:s4], [sflag:$0x5] =	stream.linear.gather [hbm4b:s6+s4], $0x100, $0x38;
	[tilespmem:$0x11100] =	vst v63  }
0x16: {  	_ =	swait.ge [sflag:s10], $0x100  }
0x17: {  	[sflag:s10] =	ssyncset.done $0x0  }
0x18: {  	[sflag:s10] =	ssyncadd.s32 $0xFFFFFF00  }
0x19: {  	v0 =	vld [tilespmem:$0x0]  }
0x1a: {  	v1 =	vld [tilespmem:$0x10]  }
0x1b: {  	v2 =	vld [tilespmem:$0x20]  }
0x1c: {  	v3 =	vld [tilespmem:$0x30]  }
0x1d: {  	v4 =	vld [tilespmem:$0x40]  }
0x1e: {  	v5 =	vld [tilespmem:$0x50]  }
0x1f: {  	v6 =	vld [tilespmem:$0x60]  }
0x20: {  	v7 =	vld [tilespmem:$0x70]  }
0x21: {  	v8 =	vld [tilespmem:$0x80]  }
0x22: {  	v9 =	vld [tilespmem:$0x90]  }
0x23: {  	v10 =	vld [tilespmem:$0xA0]  }
0x24: {  	v11 =	vld [tilespmem:$0xB0]  }
0x25: {  	v12 =	vld [tilespmem:$0xC0]  }
0x26: {  	v13 =	vld [tilespmem:$0xD0]  }
0x27: {  	v14 =	vld [tilespmem:$0xE0]  }
0x28: {  	v15 =	vld [tilespmem:$0xF0];
	[tilespmem:s11], [sflag:$0x1] =	stream.linear.gather [hbm4b:s7+s4], $0x800, $0x38  }
0x29: {  	s20 =	simm.s32 $0x0  }
0x2a: {  	[tilespmem:s12], [sflag:$0x2] =	stream.linear.gather [hbm4b:s8+s4], $0x800, $0x38;
	[tilespmem:$0x11100] =	vst v63  }
.LBB2_2:
0x2b: {  	_ =	swait.ge [sflag:s13], $0x800  }
0x2c: {  	p0 =	seq.s32 s20, $0x0;
	[sflag:s13] =	ssyncset.done $0x0  }
0x2d: {  	s21 =	sshll.u32 s20, $0x1;
	s24 =	simm.s32 @!p0 $0x3;
	[sflag:s13] =	ssyncadd.s32 $0xFFFFF800  }
0x2e: {  	s22 =	sshrl.u32 s20, $0x2;
	s23 =	sshll.u32 s20, $0xD;
	_ =	swait.ge @!p0 [sflag:s24], $0x8000  }
0x2f: {  	s25 =	simm.s32 $0x1500;
	s22 =	sor.u32 s5, s22;
	[sflag:s24] =	ssyncset.done @!p0 $0x0  }
0x30: {  	s23 =	sand.u32 $0x6000, s23;
	[sflag:s24] =	ssyncadd.s32 @!p0 $0xFFFF8000;
	s24 =	simm.s32 $0x0  }
.LBB2_3:
0x31: {  	s26 =	sshra.s32 s24, $0x2  }
0x32: {  	v16 =	vld [tilespmem:s26+$0x100];
	_ =	sdelay $0x4  }
0x33: {  	v16 =	vand.u32 $0xF, v16  }
0x34: {  	v17 =	vperm.xlane v0, v16  }
0x35: {  	v18 =	vperm.xlane v1, v16  }
0x36: {  	[tilespmem:s25+$0xFFFFFC00] =	vst v17;
	v17 =	vperm.xlane v2, v16  }
0x37: {  	v52 =	vperm.xlane v3, v16;
	[tilespmem:s25+$0xFFFFFC80] =	vst v18  }
0x38: {  	[tilespmem:s25+$0xFFFFFD00] =	vst v17;
	v17 =	vperm.xlane v4, v16  }
0x39: {  	v53 =	vperm.xlane v5, v16;
	[tilespmem:s25+$0xFFFFFD80] =	vst v52  }
0x3a: {  	[tilespmem:s25+$0xFFFFFE00] =	vst v17;
	v17 =	vperm.xlane v6, v16  }
0x3b: {  	v54 =	vperm.xlane v7, v16;
	[tilespmem:s25+$0xFFFFFE80] =	vst v53  }
0x3c: {  	[tilespmem:s25+$0xFFFFFF00] =	vst v17;
	v17 =	vperm.xlane v8, v16  }
0x3d: {  	v55 =	vperm.xlane v9, v16;
	[tilespmem:s25+$0xFFFFFF80] =	vst v54  }
0x3e: {  	[tilespmem:s25+$0x0] =	vst v17;
	v17 =	vperm.xlane v10, v16  }
0x3f: {  	v56 =	vperm.xlane v11, v16;
	[tilespmem:s25+$0x80] =	vst v55  }
0x40: {  	[tilespmem:s25+$0x100] =	vst v17;
	v17 =	vperm.xlane v12, v16  }
0x41: {  	v57 =	vperm.xlane v13, v16;
	[tilespmem:s25+$0x180] =	vst v56  }
0x42: {  	[tilespmem:s25+$0x200] =	vst v17;
	v17 =	vperm.xlane v14, v16  }
0x43: {  	[tilespmem:s25+$0x280] =	vst v57;
	v16 =	vperm.xlane v15, v16  }
0x44: {  	[tilespmem:s25+$0x300] =	vst v17  }
0x45: {  	[tilespmem:s25+$0x380] =	vst v16  }
0x46: {  	v16 =	vld [tilespmem:s26+$0x110];
	_ =	sdelay $0x4  }
0x47: {  	v16 =	vand.u32 $0xF, v16  }
0x48: {  	v17 =	vperm.xlane v0, v16  }
0x49: {  	v58 =	vperm.xlane v1, v16  }
0x4a: {  	[tilespmem:s25+$0xFFFFFC10] =	vst v17;
	v17 =	vperm.xlane v2, v16  }
0x4b: {  	v59 =	vperm.xlane v3, v16;
	[tilespmem:s25+$0xFFFFFC90] =	vst v58  }
0x4c: {  	[tilespmem:s25+$0xFFFFFD10] =	vst v17;
	v17 =	vperm.xlane v4, v16  }
0x4d: {  	v60 =	vperm.xlane v5, v16;
	[tilespmem:s25+$0xFFFFFD90] =	vst v59  }
0x4e: {  	[tilespmem:s25+$0xFFFFFE10] =	vst v17;
	v17 =	vperm.xlane v6, v16  }
0x4f: {  	v61 =	vperm.xlane v7, v16;
	[tilespmem:s25+$0xFFFFFE90] =	vst v60  }
0x50: {  	[tilespmem:s25+$0xFFFFFF10] =	vst v17;
	v17 =	vperm.xlane v8, v16  }
0x51: {  	v62 =	vperm.xlane v9, v16;
	[tilespmem:s25+$0xFFFFFF90] =	vst v61  }
0x52: {  	[tilespmem:s25+$0x10] =	vst v17;
	v17 =	vperm.xlane v10, v16  }
0x53: {  	v63 =	vperm.xlane v11, v16;
	[tilespmem:s25+$0x90] =	vst v62  }
0x54: {  	[tilespmem:s25+$0x110] =	vst v17;
	v17 =	vperm.xlane v12, v16  }
0x55: {  	v21 =	vperm.xlane v13, v16;
	[tilespmem:s25+$0x190] =	vst v63  }
0x56: {  	[tilespmem:s25+$0x210] =	vst v17;
	v17 =	vperm.xlane v14, v16  }
0x57: {  	[tilespmem:s25+$0x290] =	vst v21;
	v16 =	vperm.xlane v15, v16  }
0x58: {  	[tilespmem:s25+$0x310] =	vst v17  }
0x59: {  	[tilespmem:s25+$0x390] =	vst v16  }
0x5a: {  	v16 =	vld [tilespmem:s26+$0x120];
	_ =	sdelay $0x4  }
0x5b: {  	v16 =	vand.u32 $0xF, v16  }
0x5c: {  	v17 =	vperm.xlane v0, v16  }
0x5d: {  	v22 =	vperm.xlane v1, v16  }
0x5e: {  	[tilespmem:s25+$0xFFFFFC20] =	vst v17;
	v17 =	vperm.xlane v2, v16  }
0x5f: {  	v23 =	vperm.xlane v3, v16;
	[tilespmem:s25+$0xFFFFFCA0] =	vst v22  }
0x60: {  	[tilespmem:s25+$0xFFFFFD20] =	vst v17;
	v17 =	vperm.xlane v4, v16  }
0x61: {  	v24 =	vperm.xlane v5, v16;
	[tilespmem:s25+$0xFFFFFDA0] =	vst v23  }
0x62: {  	[tilespmem:s25+$0xFFFFFE20] =	vst v17;
	v17 =	vperm.xlane v6, v16  }
0x63: {  	v25 =	vperm.xlane v7, v16;
	[tilespmem:s25+$0xFFFFFEA0] =	vst v24  }
0x64: {  	[tilespmem:s25+$0xFFFFFF20] =	vst v17;
	v17 =	vperm.xlane v8, v16  }
0x65: {  	v26 =	vperm.xlane v9, v16;
	[tilespmem:s25+$0xFFFFFFA0] =	vst v25  }
0x66: {  	[tilespmem:s25+$0x20] =	vst v17;
	v17 =	vperm.xlane v10, v16  }
0x67: {  	v27 =	vperm.xlane v11, v16;
	[tilespmem:s25+$0xA0] =	vst v26  }
0x68: {  	[tilespmem:s25+$0x120] =	vst v17;
	v17 =	vperm.xlane v12, v16  }
0x69: {  	v28 =	vperm.xlane v13, v16;
	[tilespmem:s25+$0x1A0] =	vst v27  }
0x6a: {  	[tilespmem:s25+$0x220] =	vst v17;
	v17 =	vperm.xlane v14, v16  }
0x6b: {  	[tilespmem:s25+$0x2A0] =	vst v28;
	v16 =	vperm.xlane v15, v16  }
0x6c: {  	[tilespmem:s25+$0x320] =	vst v17  }
0x6d: {  	[tilespmem:s25+$0x3A0] =	vst v16  }
0x6e: {  	v16 =	vld [tilespmem:s26+$0x130];
	_ =	sdelay $0x4  }
0x6f: {  	v16 =	vand.u32 $0xF, v16  }
0x70: {  	v17 =	vperm.xlane v0, v16  }
0x71: {  	v29 =	vperm.xlane v1, v16  }
0x72: {  	[tilespmem:s25+$0xFFFFFC30] =	vst v17;
	v17 =	vperm.xlane v2, v16  }
0x73: {  	v30 =	vperm.xlane v3, v16;
	[tilespmem:s25+$0xFFFFFCB0] =	vst v29  }
0x74: {  	[tilespmem:s25+$0xFFFFFD30] =	vst v17;
	v17 =	vperm.xlane v4, v16  }
0x75: {  	v31 =	vperm.xlane v5, v16;
	[tilespmem:s25+$0xFFFFFDB0] =	vst v30  }
0x76: {  	[tilespmem:s25+$0xFFFFFE30] =	vst v17;
	v17 =	vperm.xlane v6, v16  }
0x77: {  	v32 =	vperm.xlane v7, v16;
	[tilespmem:s25+$0xFFFFFEB0] =	vst v31  }
0x78: {  	[tilespmem:s25+$0xFFFFFF30] =	vst v17;
	v17 =	vperm.xlane v8, v16  }
0x79: {  	v33 =	vperm.xlane v9, v16;
	[tilespmem:s25+$0xFFFFFFB0] =	vst v32  }
0x7a: {  	[tilespmem:s25+$0x30] =	vst v17;
	v17 =	vperm.xlane v10, v16  }
0x7b: {  	v34 =	vperm.xlane v11, v16;
	[tilespmem:s25+$0xB0] =	vst v33  }
0x7c: {  	[tilespmem:s25+$0x130] =	vst v17;
	v17 =	vperm.xlane v12, v16  }
0x7d: {  	v35 =	vperm.xlane v13, v16;
	[tilespmem:s25+$0x1B0] =	vst v34  }
0x7e: {  	[tilespmem:s25+$0x230] =	vst v17;
	v17 =	vperm.xlane v14, v16  }
0x7f: {  	[tilespmem:s25+$0x2B0] =	vst v35;
	v16 =	vperm.xlane v15, v16  }
0x80: {  	[tilespmem:s25+$0x330] =	vst v17  }
0x81: {  	[tilespmem:s25+$0x3B0] =	vst v16  }
0x82: {  	v16 =	vld [tilespmem:s26+$0x140];
	_ =	sdelay $0x4  }
0x83: {  	v16 =	vand.u32 $0xF, v16  }
0x84: {  	v17 =	vperm.xlane v0, v16  }
0x85: {  	v36 =	vperm.xlane v1, v16  }
0x86: {  	[tilespmem:s25+$0xFFFFFC40] =	vst v17;
	v17 =	vperm.xlane v2, v16  }
0x87: {  	v37 =	vperm.xlane v3, v16;
	[tilespmem:s25+$0xFFFFFCC0] =	vst v36  }
0x88: {  	[tilespmem:s25+$0xFFFFFD40] =	vst v17;
	v17 =	vperm.xlane v4, v16  }
0x89: {  	v38 =	vperm.xlane v5, v16;
	[tilespmem:s25+$0xFFFFFDC0] =	vst v37  }
0x8a: {  	[tilespmem:s25+$0xFFFFFE40] =	vst v17;
	v17 =	vperm.xlane v6, v16  }
0x8b: {  	v39 =	vperm.xlane v7, v16;
	[tilespmem:s25+$0xFFFFFEC0] =	vst v38  }
0x8c: {  	[tilespmem:s25+$0xFFFFFF40] =	vst v17;
	v17 =	vperm.xlane v8, v16  }
0x8d: {  	v40 =	vperm.xlane v9, v16;
	[tilespmem:s25+$0xFFFFFFC0] =	vst v39  }
0x8e: {  	[tilespmem:s25+$0x40] =	vst v17;
	v17 =	vperm.xlane v10, v16  }
0x8f: {  	v41 =	vperm.xlane v11, v16;
	[tilespmem:s25+$0xC0] =	vst v40  }
0x90: {  	[tilespmem:s25+$0x140] =	vst v17;
	v17 =	vperm.xlane v12, v16  }
0x91: {  	v42 =	vperm.xlane v13, v16;
	[tilespmem:s25+$0x1C0] =	vst v41  }
0x92: {  	[tilespmem:s25+$0x240] =	vst v17;
	v17 =	vperm.xlane v14, v16  }
0x93: {  	[tilespmem:s25+$0x2C0] =	vst v42;
	v16 =	vperm.xlane v15, v16  }
0x94: {  	[tilespmem:s25+$0x340] =	vst v17  }
0x95: {  	[tilespmem:s25+$0x3C0] =	vst v16  }
0x96: {  	v16 =	vld [tilespmem:s26+$0x150];
	_ =	sdelay $0x4  }
0x97: {  	v16 =	vand.u32 $0xF, v16  }
0x98: {  	v17 =	vperm.xlane v0, v16  }
0x99: {  	v43 =	vperm.xlane v1, v16  }
0x9a: {  	[tilespmem:s25+$0xFFFFFC50] =	vst v17;
	v17 =	vperm.xlane v2, v16  }
0x9b: {  	v44 =	vperm.xlane v3, v16;
	[tilespmem:s25+$0xFFFFFCD0] =	vst v43  }
0x9c: {  	[tilespmem:s25+$0xFFFFFD50] =	vst v17;
	v17 =	vperm.xlane v4, v16  }
0x9d: {  	v45 =	vperm.xlane v5, v16;
	[tilespmem:s25+$0xFFFFFDD0] =	vst v44  }
0x9e: {  	[tilespmem:s25+$0xFFFFFE50] =	vst v17;
	v17 =	vperm.xlane v6, v16  }
0x9f: {  	v46 =	vperm.xlane v7, v16;
	[tilespmem:s25+$0xFFFFFED0] =	vst v45  }
0xa0: {  	[tilespmem:s25+$0xFFFFFF50] =	vst v17;
	v17 =	vperm.xlane v8, v16  }
0xa1: {  	v47 =	vperm.xlane v9, v16;
	[tilespmem:s25+$0xFFFFFFD0] =	vst v46  }
0xa2: {  	[tilespmem:s25+$0x50] =	vst v17;
	v17 =	vperm.xlane v10, v16  }
0xa3: {  	v48 =	vperm.xlane v11, v16;
	[tilespmem:s25+$0xD0] =	vst v47  }
0xa4: {  	[tilespmem:s25+$0x150] =	vst v17;
	v17 =	vperm.xlane v12, v16  }
0xa5: {  	v49 =	vperm.xlane v13, v16;
	[tilespmem:s25+$0x1D0] =	vst v48  }
0xa6: {  	[tilespmem:s25+$0x250] =	vst v17;
	v17 =	vperm.xlane v14, v16  }
0xa7: {  	[tilespmem:s25+$0x2D0] =	vst v49;
	v16 =	vperm.xlane v15, v16  }
0xa8: {  	[tilespmem:s25+$0x350] =	vst v17  }
0xa9: {  	[tilespmem:s25+$0x3D0] =	vst v16  }
0xaa: {  	v16 =	vld [tilespmem:s26+$0x160];
	_ =	sdelay $0x4  }
0xab: {  	v16 =	vand.u32 $0xF, v16  }
0xac: {  	v17 =	vperm.xlane v0, v16  }
0xad: {  	v50 =	vperm.xlane v1, v16  }
0xae: {  	[tilespmem:s25+$0xFFFFFC60] =	vst v17;
	v17 =	vperm.xlane v2, v16  }
0xaf: {  	v51 =	vperm.xlane v3, v16;
	[tilespmem:s25+$0xFFFFFCE0] =	vst v50  }
0xb0: {  	[tilespmem:s25+$0xFFFFFD60] =	vst v17;
	v17 =	vperm.xlane v4, v16  }
0xb1: {  	v52 =	vperm.xlane v5, v16;
	[tilespmem:s25+$0xFFFFFDE0] =	vst v51  }
0xb2: {  	[tilespmem:s25+$0xFFFFFE60] =	vst v17;
	v17 =	vperm.xlane v6, v16  }
0xb3: {  	v53 =	vperm.xlane v7, v16;
	[tilespmem:s25+$0xFFFFFEE0] =	vst v52  }
0xb4: {  	[tilespmem:s25+$0xFFFFFF60] =	vst v17;
	v17 =	vperm.xlane v8, v16  }
0xb5: {  	v54 =	vperm.xlane v9, v16;
	[tilespmem:s25+$0xFFFFFFE0] =	vst v53  }
0xb6: {  	[tilespmem:s25+$0x60] =	vst v17;
	v17 =	vperm.xlane v10, v16  }
0xb7: {  	v55 =	vperm.xlane v11, v16;
	[tilespmem:s25+$0xE0] =	vst v54  }
0xb8: {  	[tilespmem:s25+$0x160] =	vst v17;
	v17 =	vperm.xlane v12, v16  }
0xb9: {  	v56 =	vperm.xlane v13, v16;
	[tilespmem:s25+$0x1E0] =	vst v55  }
0xba: {  	[tilespmem:s25+$0x260] =	vst v17;
	v17 =	vperm.xlane v14, v16  }
0xbb: {  	[tilespmem:s25+$0x2E0] =	vst v56;
	v16 =	vperm.xlane v15, v16  }
0xbc: {  	[tilespmem:s25+$0x360] =	vst v17  }
0xbd: {  	[tilespmem:s25+$0x3E0] =	vst v16  }
0xbe: {  	v16 =	vld [tilespmem:s26+$0x170];
	_ =	sdelay $0x4  }
0xbf: {  	v16 =	vand.u32 $0xF, v16  }
0xc0: {  	v17 =	vperm.xlane v0, v16  }
0xc1: {  	v57 =	vperm.xlane v1, v16  }
0xc2: {  	[tilespmem:s25+$0xFFFFFC70] =	vst v17;
	v17 =	vperm.xlane v2, v16  }
0xc3: {  	v58 =	vperm.xlane v3, v16;
	[tilespmem:s25+$0xFFFFFCF0] =	vst v57  }
0xc4: {  	[tilespmem:s25+$0xFFFFFD70] =	vst v17;
	v17 =	vperm.xlane v4, v16  }
0xc5: {  	v59 =	vperm.xlane v5, v16;
	[tilespmem:s25+$0xFFFFFDF0] =	vst v58  }
0xc6: {  	[tilespmem:s25+$0xFFFFFE70] =	vst v17;
	v17 =	vperm.xlane v6, v16  }
0xc7: {  	v60 =	vperm.xlane v7, v16;
	[tilespmem:s25+$0xFFFFFEF0] =	vst v59  }
0xc8: {  	[tilespmem:s25+$0xFFFFFF70] =	vst v17;
	v17 =	vperm.xlane v8, v16  }
0xc9: {  	v61 =	vperm.xlane v9, v16;
	[tilespmem:s25+$0xFFFFFFF0] =	vst v60  }
0xca: {  	[tilespmem:s25+$0x70] =	vst v17;
	v17 =	vperm.xlane v10, v16  }
0xcb: {  	v62 =	vperm.xlane v11, v16;
	[tilespmem:s25+$0xF0] =	vst v61  }
0xcc: {  	p1 =	sne.s32 s24, $0x1E00;
	[tilespmem:s25+$0x170] =	vst v17;
	v17 =	vperm.xlane v12, v16  }
.Ltmp2:
0xcd: {  	v63 =	vperm.xlane v13, v16;
	[tilespmem:s25+$0x1F0] =	vst v62;
	(pc) =	sbr.rel @p1 .LBB2_3-.Ltmp2, $4  }
0xce: {  	[tilespmem:s25+$0x270] =	vst v17;
	v17 =	vperm.xlane v14, v16  }
0xcf: {  	[tilespmem:s25+$0x2F0] =	vst v63;
	v16 =	vperm.xlane v15, v16  }
0xd0: {  	[tilespmem:s25+$0x370] =	vst v17  }
0xd1: {  	s24 =	sadd.s32 $0x200, s24;
	[tilespmem:s25+$0x3F0] =	vst v16;
	s25 =	sadd.s32 $0x800, s25  }
0xd2: {  	s22 =	sshll.u32 s22, $0xF;
	s24 =	sadd.s32 s3, s23  }
0xd3: {  	p1 =	seq.s32 s20, $0x1F;
	s24 =	sadd.s32 s22, s24  }
0xd4: {  	[hbm4b:s24+s4] =	stream.linear.scatter [tilespmem:s14], [sflag:$0x3], $0x8000, $0x38;
	[tilespmem:$0x11100] =	vst v63  }
0xd5: {  	s24 =	sadd.s32 @!p1 $0x2, s21  }
0xd6: {  	s25 =	sshrl.u32 @!p1 s24, $0x3;
	s24 =	sshll.u32 @!p1 s24, $0x8  }
0xd7: {  	s25 =	sadd.s32 @!p1 s5, s25;
	s24 =	sand.u32 @!p1 $0x600, s24  }
0xd8: {  	s25 =	sshll.u32 @!p1 s25, $0xB;
	s24 =	sadd.s32 @!p1 s1, s24  }
0xd9: {  	s26 =	simm.s32 @!p1 $0x100;
	s24 =	sadd.s32 @!p1 s25, s24;
	s25 =	simm.s32 @!p1 $0x0  }
0xda: {  	[tilespmem:s26], [sflag:$0x1] =	stream.linear.gather @!p1 [hbm4b:s24+s25], $0x800, $0x38;
	[tilespmem:$0x11100] =	vst v63  }
0xdb: {  	_ =	swait.ge [sflag:s15], $0x800  }
0xdc: {  	[sflag:s15] =	ssyncset.done $0x0  }
0xdd: {  	s24 =	simm.s32 @!p0 $0x4;
	[sflag:s15] =	ssyncadd.s32 $0xFFFFF800  }
0xde: {  	_ =	swait.ge @!p0 [sflag:s24], $0x8000  }
0xdf: {  	s23 =	sor.u32 $0x1000, s23;
	[sflag:s24] =	ssyncset.done @!p0 $0x0  }
0xe0: {  	s25 =	simm.s32 $0x970;
	[sflag:s24] =	ssyncadd.s32 @!p0 $0xFFFF8000;
	s24 =	simm.s32 $0x0  }
.LBB2_5:
0xe1: {  	v16 =	vld [tilespmem:s25+$0xFFFFFF90];
	_ =	sdelay $0x4  }
0xe2: {  	v16 =	vand.u32 $0xF, v16  }
0xe3: {  	v17 =	vperm.xlane v0, v16  }
0xe4: {  	s26 =	sshra.s32 s24, $0x2;
	v18 =	vperm.xlane v1, v16  }
0xe5: {  	[tilespmem:s26+$0x9100] =	vst v17;
	v17 =	vperm.xlane v2, v16  }
0xe6: {  	v52 =	vperm.xlane v3, v16;
	[tilespmem:s26+$0x9180] =	vst v18  }
0xe7: {  	[tilespmem:s26+$0x9200] =	vst v17;
	v17 =	vperm.xlane v4, v16  }
0xe8: {  	v53 =	vperm.xlane v5, v16;
	[tilespmem:s26+$0x9280] =	vst v52  }
0xe9: {  	[tilespmem:s26+$0x9300] =	vst v17;
	v17 =	vperm.xlane v6, v16  }
0xea: {  	v54 =	vperm.xlane v7, v16;
	[tilespmem:s26+$0x9380] =	vst v53  }
0xeb: {  	[tilespmem:s26+$0x9400] =	vst v17;
	v17 =	vperm.xlane v8, v16  }
0xec: {  	v55 =	vperm.xlane v9, v16;
	[tilespmem:s26+$0x9480] =	vst v54  }
0xed: {  	[tilespmem:s26+$0x9500] =	vst v17;
	v17 =	vperm.xlane v10, v16  }
0xee: {  	v56 =	vperm.xlane v11, v16;
	[tilespmem:s26+$0x9580] =	vst v55  }
0xef: {  	[tilespmem:s26+$0x9600] =	vst v17;
	v17 =	vperm.xlane v12, v16  }
0xf0: {  	v57 =	vperm.xlane v13, v16;
	[tilespmem:s26+$0x9680] =	vst v56  }
0xf1: {  	[tilespmem:s26+$0x9700] =	vst v17;
	v17 =	vperm.xlane v14, v16  }
0xf2: {  	[tilespmem:s26+$0x9780] =	vst v57;
	v16 =	vperm.xlane v15, v16  }
0xf3: {  	[tilespmem:s26+$0x9800] =	vst v17  }
0xf4: {  	[tilespmem:s26+$0x9880] =	vst v16  }
0xf5: {  	v16 =	vld [tilespmem:s25+$0xFFFFFFA0];
	_ =	sdelay $0x4  }
0xf6: {  	v16 =	vand.u32 $0xF, v16  }
0xf7: {  	v17 =	vperm.xlane v0, v16  }
0xf8: {  	v58 =	vperm.xlane v1, v16  }
0xf9: {  	[tilespmem:s26+$0x9110] =	vst v17;
	v17 =	vperm.xlane v2, v16  }
0xfa: {  	v59 =	vperm.xlane v3, v16;
	[tilespmem:s26+$0x9190] =	vst v58  }
0xfb: {  	[tilespmem:s26+$0x9210] =	vst v17;
	v17 =	vperm.xlane v4, v16  }
0xfc: {  	v60 =	vperm.xlane v5, v16;
	[tilespmem:s26+$0x9290] =	vst v59  }
0xfd: {  	[tilespmem:s26+$0x9310] =	vst v17;
	v17 =	vperm.xlane v6, v16  }
0xfe: {  	v61 =	vperm.xlane v7, v16;
	[tilespmem:s26+$0x9390] =	vst v60  }
0xff: {  	[tilespmem:s26+$0x9410] =	vst v17;
	v17 =	vperm.xlane v8, v16  }
0x100: {  	v62 =	vperm.xlane v9, v16;
	[tilespmem:s26+$0x9490] =	vst v61  }
0x101: {  	[tilespmem:s26+$0x9510] =	vst v17;
	v17 =	vperm.xlane v10, v16  }
0x102: {  	v63 =	vperm.xlane v11, v16;
	[tilespmem:s26+$0x9590] =	vst v62  }
0x103: {  	[tilespmem:s26+$0x9610] =	vst v17;
	v17 =	vperm.xlane v12, v16  }
0x104: {  	v21 =	vperm.xlane v13, v16;
	[tilespmem:s26+$0x9690] =	vst v63  }
0x105: {  	[tilespmem:s26+$0x9710] =	vst v17;
	v17 =	vperm.xlane v14, v16  }
0x106: {  	[tilespmem:s26+$0x9790] =	vst v21;
	v16 =	vperm.xlane v15, v16  }
0x107: {  	[tilespmem:s26+$0x9810] =	vst v17  }
0x108: {  	[tilespmem:s26+$0x9890] =	vst v16  }
0x109: {  	v16 =	vld [tilespmem:s25+$0xFFFFFFB0];
	_ =	sdelay $0x4  }
0x10a: {  	v16 =	vand.u32 $0xF, v16  }
0x10b: {  	v17 =	vperm.xlane v0, v16  }
0x10c: {  	v22 =	vperm.xlane v1, v16  }
0x10d: {  	[tilespmem:s26+$0x9120] =	vst v17;
	v17 =	vperm.xlane v2, v16  }
0x10e: {  	v23 =	vperm.xlane v3, v16;
	[tilespmem:s26+$0x91A0] =	vst v22  }
0x10f: {  	[tilespmem:s26+$0x9220] =	vst v17;
	v17 =	vperm.xlane v4, v16  }
0x110: {  	v24 =	vperm.xlane v5, v16;
	[tilespmem:s26+$0x92A0] =	vst v23  }
0x111: {  	[tilespmem:s26+$0x9320] =	vst v17;
	v17 =	vperm.xlane v6, v16  }
0x112: {  	v25 =	vperm.xlane v7, v16;
	[tilespmem:s26+$0x93A0] =	vst v24  }
0x113: {  	[tilespmem:s26+$0x9420] =	vst v17;
	v17 =	vperm.xlane v8, v16  }
0x114: {  	v26 =	vperm.xlane v9, v16;
	[tilespmem:s26+$0x94A0] =	vst v25  }
0x115: {  	[tilespmem:s26+$0x9520] =	vst v17;
	v17 =	vperm.xlane v10, v16  }
0x116: {  	v27 =	vperm.xlane v11, v16;
	[tilespmem:s26+$0x95A0] =	vst v26  }
0x117: {  	[tilespmem:s26+$0x9620] =	vst v17;
	v17 =	vperm.xlane v12, v16  }
0x118: {  	v28 =	vperm.xlane v13, v16;
	[tilespmem:s26+$0x96A0] =	vst v27  }
0x119: {  	[tilespmem:s26+$0x9720] =	vst v17;
	v17 =	vperm.xlane v14, v16  }
0x11a: {  	[tilespmem:s26+$0x97A0] =	vst v28;
	v16 =	vperm.xlane v15, v16  }
0x11b: {  	[tilespmem:s26+$0x9820] =	vst v17  }
0x11c: {  	[tilespmem:s26+$0x98A0] =	vst v16  }
0x11d: {  	v16 =	vld [tilespmem:s25+$0xFFFFFFC0];
	_ =	sdelay $0x4  }
0x11e: {  	v16 =	vand.u32 $0xF, v16  }
0x11f: {  	v17 =	vperm.xlane v0, v16  }
0x120: {  	v29 =	vperm.xlane v1, v16  }
0x121: {  	[tilespmem:s26+$0x9130] =	vst v17;
	v17 =	vperm.xlane v2, v16  }
0x122: {  	v30 =	vperm.xlane v3, v16;
	[tilespmem:s26+$0x91B0] =	vst v29  }
0x123: {  	[tilespmem:s26+$0x9230] =	vst v17;
	v17 =	vperm.xlane v4, v16  }
0x124: {  	v31 =	vperm.xlane v5, v16;
	[tilespmem:s26+$0x92B0] =	vst v30  }
0x125: {  	[tilespmem:s26+$0x9330] =	vst v17;
	v17 =	vperm.xlane v6, v16  }
0x126: {  	v32 =	vperm.xlane v7, v16;
	[tilespmem:s26+$0x93B0] =	vst v31  }
0x127: {  	[tilespmem:s26+$0x9430] =	vst v17;
	v17 =	vperm.xlane v8, v16  }
0x128: {  	v33 =	vperm.xlane v9, v16;
	[tilespmem:s26+$0x94B0] =	vst v32  }
0x129: {  	[tilespmem:s26+$0x9530] =	vst v17;
	v17 =	vperm.xlane v10, v16  }
0x12a: {  	v34 =	vperm.xlane v11, v16;
	[tilespmem:s26+$0x95B0] =	vst v33  }
0x12b: {  	[tilespmem:s26+$0x9630] =	vst v17;
	v17 =	vperm.xlane v12, v16  }
0x12c: {  	v35 =	vperm.xlane v13, v16;
	[tilespmem:s26+$0x96B0] =	vst v34  }
0x12d: {  	[tilespmem:s26+$0x9730] =	vst v17;
	v17 =	vperm.xlane v14, v16  }
0x12e: {  	[tilespmem:s26+$0x97B0] =	vst v35;
	v16 =	vperm.xlane v15, v16  }
0x12f: {  	[tilespmem:s26+$0x9830] =	vst v17  }
0x130: {  	[tilespmem:s26+$0x98B0] =	vst v16  }
0x131: {  	v16 =	vld [tilespmem:s25+$0xFFFFFFD0];
	_ =	sdelay $0x4  }
0x132: {  	v16 =	vand.u32 $0xF, v16  }
0x133: {  	v17 =	vperm.xlane v0, v16  }
0x134: {  	v36 =	vperm.xlane v1, v16  }
0x135: {  	[tilespmem:s26+$0x9140] =	vst v17;
	v17 =	vperm.xlane v2, v16  }
0x136: {  	v37 =	vperm.xlane v3, v16;
	[tilespmem:s26+$0x91C0] =	vst v36  }
0x137: {  	[tilespmem:s26+$0x9240] =	vst v17;
	v17 =	vperm.xlane v4, v16  }
0x138: {  	v38 =	vperm.xlane v5, v16;
	[tilespmem:s26+$0x92C0] =	vst v37  }
0x139: {  	[tilespmem:s26+$0x9340] =	vst v17;
	v17 =	vperm.xlane v6, v16  }
0x13a: {  	v39 =	vperm.xlane v7, v16;
	[tilespmem:s26+$0x93C0] =	vst v38  }
0x13b: {  	[tilespmem:s26+$0x9440] =	vst v17;
	v17 =	vperm.xlane v8, v16  }
0x13c: {  	v40 =	vperm.xlane v9, v16;
	[tilespmem:s26+$0x94C0] =	vst v39  }
0x13d: {  	[tilespmem:s26+$0x9540] =	vst v17;
	v17 =	vperm.xlane v10, v16  }
0x13e: {  	v41 =	vperm.xlane v11, v16;
	[tilespmem:s26+$0x95C0] =	vst v40  }
0x13f: {  	[tilespmem:s26+$0x9640] =	vst v17;
	v17 =	vperm.xlane v12, v16  }
0x140: {  	v42 =	vperm.xlane v13, v16;
	[tilespmem:s26+$0x96C0] =	vst v41  }
0x141: {  	[tilespmem:s26+$0x9740] =	vst v17;
	v17 =	vperm.xlane v14, v16  }
0x142: {  	[tilespmem:s26+$0x97C0] =	vst v42;
	v16 =	vperm.xlane v15, v16  }
0x143: {  	[tilespmem:s26+$0x9840] =	vst v17  }
0x144: {  	[tilespmem:s26+$0x98C0] =	vst v16  }
0x145: {  	v16 =	vld [tilespmem:s25+$0xFFFFFFE0];
	_ =	sdelay $0x4  }
0x146: {  	v16 =	vand.u32 $0xF, v16  }
0x147: {  	v17 =	vperm.xlane v0, v16  }
0x148: {  	v43 =	vperm.xlane v1, v16  }
0x149: {  	[tilespmem:s26+$0x9150] =	vst v17;
	v17 =	vperm.xlane v2, v16  }
0x14a: {  	v44 =	vperm.xlane v3, v16;
	[tilespmem:s26+$0x91D0] =	vst v43  }
0x14b: {  	[tilespmem:s26+$0x9250] =	vst v17;
	v17 =	vperm.xlane v4, v16  }
0x14c: {  	v45 =	vperm.xlane v5, v16;
	[tilespmem:s26+$0x92D0] =	vst v44  }
0x14d: {  	[tilespmem:s26+$0x9350] =	vst v17;
	v17 =	vperm.xlane v6, v16  }
0x14e: {  	v46 =	vperm.xlane v7, v16;
	[tilespmem:s26+$0x93D0] =	vst v45  }
0x14f: {  	[tilespmem:s26+$0x9450] =	vst v17;
	v17 =	vperm.xlane v8, v16  }
0x150: {  	v47 =	vperm.xlane v9, v16;
	[tilespmem:s26+$0x94D0] =	vst v46  }
0x151: {  	[tilespmem:s26+$0x9550] =	vst v17;
	v17 =	vperm.xlane v10, v16  }
0x152: {  	v48 =	vperm.xlane v11, v16;
	[tilespmem:s26+$0x95D0] =	vst v47  }
0x153: {  	[tilespmem:s26+$0x9650] =	vst v17;
	v17 =	vperm.xlane v12, v16  }
0x154: {  	v49 =	vperm.xlane v13, v16;
	[tilespmem:s26+$0x96D0] =	vst v48  }
0x155: {  	[tilespmem:s26+$0x9750] =	vst v17;
	v17 =	vperm.xlane v14, v16  }
0x156: {  	[tilespmem:s26+$0x97D0] =	vst v49;
	v16 =	vperm.xlane v15, v16  }
0x157: {  	[tilespmem:s26+$0x9850] =	vst v17  }
0x158: {  	[tilespmem:s26+$0x98D0] =	vst v16  }
0x159: {  	v16 =	vld [tilespmem:s25+$0xFFFFFFF0];
	_ =	sdelay $0x4  }
0x15a: {  	v16 =	vand.u32 $0xF, v16  }
0x15b: {  	v17 =	vperm.xlane v0, v16  }
0x15c: {  	v50 =	vperm.xlane v1, v16  }
0x15d: {  	[tilespmem:s26+$0x9160] =	vst v17;
	v17 =	vperm.xlane v2, v16  }
0x15e: {  	v51 =	vperm.xlane v3, v16;
	[tilespmem:s26+$0x91E0] =	vst v50  }
0x15f: {  	[tilespmem:s26+$0x9260] =	vst v17;
	v17 =	vperm.xlane v4, v16  }
0x160: {  	v52 =	vperm.xlane v5, v16;
	[tilespmem:s26+$0x92E0] =	vst v51  }
0x161: {  	[tilespmem:s26+$0x9360] =	vst v17;
	v17 =	vperm.xlane v6, v16  }
0x162: {  	v53 =	vperm.xlane v7, v16;
	[tilespmem:s26+$0x93E0] =	vst v52  }
0x163: {  	[tilespmem:s26+$0x9460] =	vst v17;
	v17 =	vperm.xlane v8, v16  }
0x164: {  	v54 =	vperm.xlane v9, v16;
	[tilespmem:s26+$0x94E0] =	vst v53  }
0x165: {  	[tilespmem:s26+$0x9560] =	vst v17;
	v17 =	vperm.xlane v10, v16  }
0x166: {  	v55 =	vperm.xlane v11, v16;
	[tilespmem:s26+$0x95E0] =	vst v54  }
0x167: {  	[tilespmem:s26+$0x9660] =	vst v17;
	v17 =	vperm.xlane v12, v16  }
0x168: {  	v56 =	vperm.xlane v13, v16;
	[tilespmem:s26+$0x96E0] =	vst v55  }
0x169: {  	[tilespmem:s26+$0x9760] =	vst v17;
	v17 =	vperm.xlane v14, v16  }
0x16a: {  	[tilespmem:s26+$0x97E0] =	vst v56;
	v16 =	vperm.xlane v15, v16  }
0x16b: {  	[tilespmem:s26+$0x9860] =	vst v17  }
0x16c: {  	[tilespmem:s26+$0x98E0] =	vst v16  }
0x16d: {  	v16 =	vld [tilespmem:s25+$0x0];
	_ =	sdelay $0x4  }
0x16e: {  	v16 =	vand.u32 $0xF, v16  }
0x16f: {  	v17 =	vperm.xlane v0, v16  }
0x170: {  	v57 =	vperm.xlane v1, v16  }
0x171: {  	[tilespmem:s26+$0x9170] =	vst v17;
	v17 =	vperm.xlane v2, v16  }
0x172: {  	v58 =	vperm.xlane v3, v16;
	[tilespmem:s26+$0x91F0] =	vst v57  }
0x173: {  	[tilespmem:s26+$0x9270] =	vst v17;
	v17 =	vperm.xlane v4, v16  }
0x174: {  	v59 =	vperm.xlane v5, v16;
	[tilespmem:s26+$0x92F0] =	vst v58  }
0x175: {  	[tilespmem:s26+$0x9370] =	vst v17;
	v17 =	vperm.xlane v6, v16  }
0x176: {  	v60 =	vperm.xlane v7, v16;
	[tilespmem:s26+$0x93F0] =	vst v59  }
0x177: {  	[tilespmem:s26+$0x9470] =	vst v17;
	v17 =	vperm.xlane v8, v16  }
0x178: {  	v61 =	vperm.xlane v9, v16;
	[tilespmem:s26+$0x94F0] =	vst v60  }
0x179: {  	[tilespmem:s26+$0x9570] =	vst v17;
	v17 =	vperm.xlane v10, v16  }
0x17a: {  	v62 =	vperm.xlane v11, v16;
	[tilespmem:s26+$0x95F0] =	vst v61  }
0x17b: {  	p0 =	sne.s32 s24, $0x1E000;
	[tilespmem:s26+$0x9670] =	vst v17;
	v17 =	vperm.xlane v12, v16  }
.Ltmp3:
0x17c: {  	v63 =	vperm.xlane v13, v16;
	[tilespmem:s26+$0x96F0] =	vst v62;
	(pc) =	sbr.rel @p0 .LBB2_5-.Ltmp3, $4  }
0x17d: {  	[tilespmem:s26+$0x9770] =	vst v17;
	v17 =	vperm.xlane v14, v16  }
0x17e: {  	[tilespmem:s26+$0x97F0] =	vst v63;
	v16 =	vperm.xlane v15, v16  }
0x17f: {  	[tilespmem:s26+$0x9870] =	vst v17  }
0x180: {  	s24 =	sadd.s32 $0x2000, s24;
	s25 =	sadd.s32 $0x80, s25;
	[tilespmem:s26+$0x98F0] =	vst v16  }
.Ltmp4:
0x181: {  	(pc) =	sbr.rel @p1 .LBB2_8-.Ltmp4, $4  }
0x182: {  	_ = 	snop  }
0x183: {  	s23 =	sadd.s32 s3, s23  }
0x184: {  	s22 =	sadd.s32 s22, s23  }
0x185: {  	[hbm4b:s22+s4] =	stream.linear.scatter [tilespmem:s16], [sflag:$0x4], $0x8000, $0x38;
	[tilespmem:$0x11100] =	vst v63  }
0x186: {  	s21 =	sadd.s32 $0x3, s21  }
.Ltmp5:
0x187: {  	s22 =	sshrl.u32 s21, $0x3;
	s21 =	sshll.u32 s21, $0x8;
	(pc) =	sbr.rel .LBB2_2-.Ltmp5, $4  }
0x188: {  	s22 =	sadd.s32 s5, s22;
	s21 =	sand.u32 $0x700, s21  }
0x189: {  	s22 =	sshll.u32 s22, $0xB;
	s21 =	sadd.s32 s1, s21  }
0x18a: {  	s20 =	sadd.s32 $0x1, s20;
	s21 =	sadd.s32 s22, s21  }
0x18b: {  	[tilespmem:s12], [sflag:$0x2] =	stream.linear.gather [hbm4b:s21+s4], $0x800, $0x38;
	[tilespmem:$0x11100] =	vst v63  }
.LBB2_9:
0x18c: {  	_ =	sfence.sel $0x180000  }
0x18d: {  	[bflag:$0x0] =	sbarrier.arrive $0xFFFF  }
0x18e: {  	p0 =	sne.s32 s2, $0x0;
	_ =	strace $0x90000047  }
0x18f: {  	s0 =	sadd.s32 @!p0 $0x100000, s0;
	[bflag:$0x2] =	sbarrier.arrive $0xFFFF  }
0x190: {  	[sflag:s0] =	ssyncadd.tile.s32 @!p0 $0x1;
	_ =	shalt  }
.Lfunc_end2:
_tile_overlayer_lowered:
.L_overlay_start_2:
0x191: {  	(tag) =	ssettag $0x2  }
0x192: {  	s0 =	rddreg [dreg:$0x0];
	s2 =	stileid.u32  }
0x193: {  	s1 =	rddreg [dreg:$0x1];
	p0 =	sne.s32 s2, $0x0  }
0x194: {  	s3 =	rddreg [dreg:$0x2];
	[bflag:$0x3] =	sbarrier.arrive $0xFFFF;
	s2 =	simm.s32 @!p0 $0x1C05  }
0x195: {  	[timem:s3], [sflag:s2] =	dma.local @!p0 [hbm:s0], s1  }
0x196: {  	s0 =	simm.s32 @!p0 $0x5  }
0x197: {  	_ =	swait.ge @!p0 [sflag:s0], s1  }
0x198: {  	s1 =	ssub.s32 @!p0 $0x0, s1;
	[sflag:s0] =	ssyncset.done @!p0 $0x0  }
0x199: {  	[sflag:s0] =	ssyncadd.s32 @!p0 s1  }
0x19a: {  	[bflag:$0x3] =	sbarrier.arrive $0xFFFF  }
0x19b: {  	_ =	shalt  }

</sc_bundles>
